<compile_context>
chip_gen: v7x
topology: tpu7x:2x2x1
jax: 0.10.2.dev20260603
libtpu: 0.0.44.dev20260713+nightly
codegen_flags: <defaults>
</compile_context>

<pallas_src>
import functools

import jax
import jax.numpy as jnp
import numpy as np
from jax import lax
from jax.experimental import pallas as pl
from jax.experimental.pallas import tpu as pltpu
from jax.experimental.pallas import tpu_sc as plsc

_BLOSUM62 = np.array([
    [4, 0, -2, -1, -2, 0, -2, -1, -1, -1, -1, -2, -1, -1, -1, 1, 0, 0, -3, -2],
    [0, 9, -3, -4, -2, -3, -3, -1, -3, -1, -1, -3, -3, -3, -3, -1, -1, -1, -2, -2],
    [-2, -3, 6, 2, -3, -1, -1, -3, -1, -4, -3, 1, -1, 0, -2, 0, -1, -3, -4, -3],
    [-1, -4, 2, 5, -3, -2, 0, -3, 1, -3, -2, 0, -1, 2, 0, 0, -1, -2, -3, -2],
    [-2, -2, -3, -3, 6, -3, -1, 0, -3, 0, 0, -3, -4, -3, -3, -2, -2, -1, 1, 3],
    [0, -3, -1, -2, -3, 6, -2, -4, -2, -4, -3, 0, -2, -2, -2, 0, -2, -3, -2, -3],
    [-2, -3, -1, 0, -1, -2, 8, -3, -1, -3, -2, 1, -2, 0, 0, -1, -2, -3, -2, 2],
    [-1, -1, -3, -3, 0, -4, -3, 4, -3, 2, 1, -3, -3, -3, -3, -2, -1, 3, -3, -1],
    [-1, -3, -1, 1, -3, -2, -1, -3, 5, -2, -1, 0, -1, 1, 2, 0, -1, -2, -3, -2],
    [-1, -1, -4, -3, 0, -4, -3, 2, -2, 4, 2, -3, -3, -2, -2, -2, -1, 1, -2, -1],
    [-1, -1, -3, -2, 0, -3, -2, 1, -1, 2, 5, -2, -2, 0, -1, -1, -1, 1, -1, -1],
    [-2, -3, 1, 0, -3, 0, 1, -3, 0, -3, -2, 6, -2, 0, 0, 1, 0, -3, -4, -2],
    [-1, -3, -1, -1, -4, -2, -2, -3, -1, -3, -2, -2, 7, -1, -2, -1, -1, -2, -4, -3],
    [-1, -3, 0, 2, -3, -2, 0, -3, 1, -2, 0, 0, -1, 5, 1, 0, -1, -2, -2, -1],
    [-1, -3, -2, 0, -3, -2, 0, -3, 2, -2, -1, 0, -2, 1, 5, -1, -1, -3, -3, -2],
    [1, -1, 0, 0, -2, 0, -1, -2, 0, -2, -1, 1, -1, 0, -1, 4, 1, -2, -3, -2],
    [0, -1, -1, -1, -2, -2, -2, -1, -1, -1, -1, 0, -1, -1, -1, 1, 5, 0, -2, -2],
    [0, -1, -3, -2, -1, -3, -3, 3, -2, 1, 1, -3, -2, -2, -3, -2, 0, 4, -3, -1],
    [-3, -2, -4, -3, 1, -2, -2, -3, -3, -2, -1, -4, -4, -2, -3, -3, -2, -3, 11, 2],
    [-2, -2, -3, -2, 3, -3, 2, -1, -2, -1, -1, -2, -3, -1, -2, -2, -2, -1, 2, 7],
], dtype=np.float32)
_mean = _BLOSUM62.mean(axis=1, keepdims=True)
_std = _BLOSUM62.std(axis=1, keepdims=True) + 1e-08
_BLOSUM_PAD = np.zeros((32, 20), dtype=np.float32)
_BLOSUM_PAD[:20] = (_BLOSUM62 - _mean) / _std

_TABLE_ROWS = 32

_NC = 2
_NS = 16
_NW = _NC * _NS

_CHUNK = 320
_L = 16


def _fuse_table_body(bl_ref, w_ref, b_ref, out_ref):
    out_ref[...] = (
        jnp.dot(bl_ref[...], w_ref[...], preferred_element_type=jnp.float32)
        + b_ref[...]
    )


def _fused_table(W, b):
    d = W.shape[1]
    return pl.pallas_call(
        _fuse_table_body,
        out_shape=jax.ShapeDtypeStruct((_TABLE_ROWS, d), jnp.float32),
    )(jnp.asarray(_BLOSUM_PAD), W, b.reshape(1, d))


@functools.partial(jax.jit, static_argnames=("n", "d"))
def _sc_expand(table_flat, ids_flat, n, d):
    chunk = _CHUNK
    per_w = n // _NW
    n_chunks = per_w // chunk
    tbl_words = _TABLE_ROWS * d
    cd = chunk * d
    mesh = plsc.VectorSubcoreMesh(core_axis_name="c", subcore_axis_name="s")

    @functools.partial(
        pl.kernel,
        mesh=mesh,
        compiler_params=pltpu.CompilerParams(needs_layout_passes=False),
        out_type=jax.ShapeDtypeStruct((n * d,), jnp.float32),
        scratch_types=[
            pltpu.VMEM((tbl_words,), jnp.float32),
            pltpu.VMEM((2 * chunk,), jnp.int32),
            pltpu.VMEM((2 * cd,), jnp.float32),
            pltpu.SemaphoreType.DMA,
            pltpu.SemaphoreType.DMA,
            pltpu.SemaphoreType.DMA,
            pltpu.SemaphoreType.DMA,
        ],
    )
    def k(table_hbm, ids_hbm, out_hbm, tbl_v, ids_v, obuf_v, si0, si1, so0, so1):
        wid = lax.axis_index("s") * _NC + lax.axis_index("c")
        tok0 = wid * per_w
        pltpu.sync_copy(table_hbm, tbl_v)
        pltpu.async_copy(ids_hbm.at[pl.ds(tok0, chunk)],
                         ids_v.at[pl.ds(0, chunk)], si0)
        pltpu.async_copy(ids_hbm.at[pl.ds(tok0 + chunk, chunk)],
                         ids_v.at[pl.ds(chunk, chunk)], si1)

        lane = lax.iota(jnp.int32, _L)
        wout0 = lane * d

        def step(c, carry):
            p = lax.rem(c, 2)
            ioff = p * chunk
            ooff = p * cd

            @pl.when(p == 0)
            def _():
                pltpu.make_async_copy(ids_hbm.at[pl.ds(tok0, chunk)],
                                      ids_v.at[pl.ds(0, chunk)], si0).wait()

            @pl.when(p == 1)
            def _():
                pltpu.make_async_copy(ids_hbm.at[pl.ds(tok0, chunk)],
                                      ids_v.at[pl.ds(0, chunk)], si1).wait()

            @pl.when(jnp.logical_and(c >= 2, p == 0))
            def _():
                pltpu.make_async_copy(obuf_v.at[pl.ds(0, cd)],
                                      out_hbm.at[pl.ds(0, cd)], so0).wait()

            @pl.when(jnp.logical_and(c >= 2, p == 1))
            def _():
                pltpu.make_async_copy(obuf_v.at[pl.ds(0, cd)],
                                      out_hbm.at[pl.ds(0, cd)], so1).wait()

            @plsc.parallel_loop(0, chunk // _L, unroll=2)
            def _(blk):
                ids16 = ids_v[pl.ds(ioff + blk * _L, _L)]
                obase0 = ooff + blk * (_L * d)
                for l in range(_L):
                    rbase = ids16[l] * d
                    obase = obase0 + l * d
                    for jj in range(0, d, _L):
                        obuf_v[pl.ds(obase + jj, _L)] = (
                            tbl_v[pl.ds(rbase + jj, _L)])

            dst = out_hbm.at[pl.ds((tok0 + c * chunk) * d, cd)]

            @pl.when(p == 0)
            def _():
                pltpu.async_copy(obuf_v.at[pl.ds(0, cd)], dst, so0)

            @pl.when(p == 1)
            def _():
                pltpu.async_copy(obuf_v.at[pl.ds(cd, cd)], dst, so1)

            @pl.when(jnp.logical_and(c + 2 < n_chunks, p == 0))
            def _():
                pltpu.async_copy(
                    ids_hbm.at[pl.ds(tok0 + (c + 2) * chunk, chunk)],
                    ids_v.at[pl.ds(0, chunk)], si0)

            @pl.when(jnp.logical_and(c + 2 < n_chunks, p == 1))
            def _():
                pltpu.async_copy(
                    ids_hbm.at[pl.ds(tok0 + (c + 2) * chunk, chunk)],
                    ids_v.at[pl.ds(chunk, chunk)], si1)

            return carry

        lax.fori_loop(0, n_chunks, step, 0)

        pltpu.make_async_copy(obuf_v.at[pl.ds(0, cd)],
                              out_hbm.at[pl.ds(0, cd)], so0).wait()
        pltpu.make_async_copy(obuf_v.at[pl.ds(0, cd)],
                              out_hbm.at[pl.ds(0, cd)], so1).wait()

    return k(table_flat, ids_flat)


def kernel(token_ids, W, b):
    bsz, seq = token_ids.shape
    d = W.shape[1]
    n = bsz * seq
    table = _fused_table(W, b)
    out = _sc_expand(table.reshape(_TABLE_ROWS * d), token_ids.reshape(n), n, d)
    return out.reshape(bsz, seq, d)

# --- scband reference (transcript-rebuilt; emitter-appended) ---
"""Pipeline reference for scband-blosum62-embedding-30614526886403 (READ-ONLY COPY).

The authoritative reference and input builder live on the scoring server;
editing this copy changes nothing except your own understanding.
"""

import jax, jax.numpy as jnp
import numpy as np

BLOSUM62_MATRIX = np.array([[4, 0, -2, -1, -2, 0, -2, -1, -1, -1, -1, -2, -1, -1, -1, 1, 0, 0, -3, -2], [0, 9, -3, -4, -2, -3, -3, -1, -3, -1, -1, -3, -3, -3, -3, -1, -1, -1, -2, -2], [-2, -3, 6, 2, -3, -1, -1, -3, -1, -4, -3, 1, -1, 0, -2, 0, -1, -3, -4, -3], [-1, -4, 2, 5, -3, -2, 0, -3, 1, -3, -2, 0, -1, 2, 0, 0, -1, -2, -3, -2], [-2, -2, -3, -3, 6, -3, -1, 0, -3, 0, 0, -3, -4, -3, -3, -2, -2, -1, 1, 3], [0, -3, -1, -2, -3, 6, -2, -4, -2, -4, -3, 0, -2, -2, -2, 0, -2, -3, -2, -3], [-2, -3, -1, 0, -1, -2, 8, -3, -1, -3, -2, 1, -2, 0, 0, -1, -2, -3, -2, 2], [-1, -1, -3, -3, 0, -4, -3, 4, -3, 2, 1, -3, -3, -3, -3, -2, -1, 3, -3, -1], [-1, -3, -1, 1, -3, -2, -1, -3, 5, -2, -1, 0, -1, 1, 2, 0, -1, -2, -3, -2], [-1, -1, -4, -3, 0, -4, -3, 2, -2, 4, 2, -3, -3, -2, -2, -2, -1, 1, -2, -1], [-1, -1, -3, -2, 0, -3, -2, 1, -1, 2, 5, -2, -2, 0, -1, -1, -1, 1, -1, -1], [-2, -3, 1, 0, -3, 0, 1, -3, 0, -3, -2, 6, -2, 0, 0, 1, 0, -3, -4, -2], [-1, -3, -1, -1, -4, -2, -2, -3, -1, -3, -2, -2, 7, -1, -2, -1, -1, -2, -4, -3], [-1, -3, 0, 2, -3, -2, 0, -3, 1, -2, 0, 0, -1, 5, 1, 0, -1, -2, -2, -1], [-1, -3, -2, 0, -3, -2, 0, -3, 2, -2, -1, 0, -2, 1, 5, -1, -1, -3, -3, -2], [1, -1, 0, 0, -2, 0, -1, -2, 0, -2, -1, 1, -1, 0, -1, 4, 1, -2, -3, -2], [0, -1, -1, -1, -2, -2, -2, -1, -1, -1, -1, 0, -1, -1, -1, 1, 5, 0, -2, -2], [0, -1, -3, -2, -1, -3, -3, 3, -2, 1, 1, -3, -2, -2, -3, -2, 0, 4, -3, -1], [-3, -2, -4, -3, 1, -2, -2, -3, -3, -2, -1, -4, -4, -2, -3, -3, -2, -3, 11, 2], [-2, -2, -3, -2, 3, -3, 2, -1, -2, -1, -1, -2, -3, -1, -2, -2, -2, -1, 2, 7]], dtype=np.float32)
_mean = BLOSUM62_MATRIX.mean(axis=1, keepdims=True)
_std = BLOSUM62_MATRIX.std(axis=1, keepdims=True) + 1e-08
BLOSUM62_EMBED = jnp.asarray(np.vstack([(BLOSUM62_MATRIX - _mean) / _std, np.zeros((3, 20), dtype=np.float32)]))

D_MODEL = 128
BATCH = 16384
SEQ = 200


def setup_inputs(seed: int = 0) -> dict:
    key = jax.random.key(seed)
    k1, k2 = jax.random.split(key)
    token_ids = jax.random.randint(k1, (BATCH, SEQ), 0, 23, dtype=jnp.int32)
    # Dense(d_model) params: kernel [20, d_model] (glorot-ish), bias [d_model]
    W = jax.random.normal(k2, (20, D_MODEL), dtype=jnp.float32) * (1.0 / np.sqrt(20.0))
    b = jnp.zeros((D_MODEL,), dtype=jnp.float32)
    return {"token_ids": token_ids, "W": W, "b": b}


def reference(token_ids, W, b):
    # Fixed (non-trainable) BLOSUM62 gather, then trainable linear projection.
    blosum_emb = jnp.take(BLOSUM62_EMBED, token_ids, axis=0)  # [B, S, 20]
    return jnp.dot(blosum_emb, W) + b  # [B, S, d_model]

if __name__ == "__main__":
    import jax
    _d = setup_inputs()
    print(jax.jit(kernel)(*tuple(_d.values())))

</pallas_src>

<mosaic_0001>
#map = affine_map<(d0, d1) -> (0)>
module attributes {stable_mosaic.version = 14 : i64} {
  func.func @k(%arg0: i32, %arg1: i32, %arg2: memref<4096xf32, #tpu.memory_space<hbm>>, %arg3: memref<3276800xi32, #tpu.memory_space<hbm>>, %arg4: memref<419430400xf32, #tpu.memory_space<hbm>>, %arg5: memref<4096xf32, #tpu.memory_space<vmem>>, %arg6: memref<640xi32, #tpu.memory_space<vmem>>, %arg7: memref<81920xf32, #tpu.memory_space<vmem>>, %arg8: memref<!tpu.dma_semaphore, #tpu.memory_space<semaphore_mem>>, %arg9: memref<!tpu.dma_semaphore, #tpu.memory_space<semaphore_mem>>, %arg10: memref<!tpu.dma_semaphore, #tpu.memory_space<semaphore_mem>>, %arg11: memref<!tpu.dma_semaphore, #tpu.memory_space<semaphore_mem>>) attributes {dimension_semantics = [#tpu.dimension_semantics<core_parallel>, #tpu.dimension_semantics<subcore_parallel>], iteration_bounds = array<i64: 2, 16>, scalar_prefetch = 0 : i64, scratch_operands = 7 : i64, tpu.core_type = #tpu.core_type<sc_vector_subcore>, window_params = [{transform_indices = #map}, {transform_indices = #map}, {transform_indices = #map}]} {
    %mul3A = arith.constant 2 : i32
    %mul3A_0 = arith.muli %arg1, %mul3A : i32
    %add3A = arith.addi %mul3A_0, %arg0 : i32
    %mul3A_1 = arith.constant 102400 : i32
    %mul3A_2 = arith.muli %add3A, %mul3A_1 : i32
    "tpu.region"() ({
      %run_scoped3A = tpu.sem_alloc : memref<!tpu.dma_semaphore, #tpu.memory_space<semaphore_mem>>
      tpu.enqueue_dma source(%arg2 : memref<4096xf32, #tpu.memory_space<hbm>>) target(%arg5 : memref<4096xf32, #tpu.memory_space<vmem>>) target_semaphore(%run_scoped3A : memref<!tpu.dma_semaphore, #tpu.memory_space<semaphore_mem>>)
      tpu.wait_dma2 semaphore(%run_scoped3A : memref<!tpu.dma_semaphore, #tpu.memory_space<semaphore_mem>>) src(%arg2 : memref<4096xf32, #tpu.memory_space<hbm>>) dst(%arg5 : memref<4096xf32, #tpu.memory_space<vmem>>)
      tpu.yield
    }) : () -> ()
    %dma_start3A = arith.constant 0 : i32
    %dma_start3A_3 = tpu.memref_slice %arg6[%dma_start3A] : memref<640xi32, #tpu.memory_space<vmem>> -> memref<320xi32, #tpu.memory_space<vmem>>
    %dma_start3A_4 = tpu.memref_slice %arg3[%mul3A_2] : memref<3276800xi32, #tpu.memory_space<hbm>> -> memref<320xi32, #tpu.memory_space<hbm>>
    %dma_start3A_5 = arith.constant 0 : i32
    %dma_start3A_6 = tpu.memref_slice %arg6[%dma_start3A_5] : memref<640xi32, #tpu.memory_space<vmem>> -> memref<320xi32, #tpu.memory_space<vmem>>
    %dma_start3A_7 = tpu.memref_slice %arg3[%mul3A_2] : memref<3276800xi32, #tpu.memory_space<hbm>> -> memref<320xi32, #tpu.memory_space<hbm>>
    tpu.enqueue_dma source(%dma_start3A_7 : memref<320xi32, #tpu.memory_space<hbm>>) target(%dma_start3A_6 : memref<320xi32, #tpu.memory_space<vmem>>) target_semaphore(%arg8 : memref<!tpu.dma_semaphore, #tpu.memory_space<semaphore_mem>>)
    %add3A_8 = arith.constant 320 : i32
    %add3A_9 = arith.addi %mul3A_2, %add3A_8 : i32
    %dma_start3A_10 = arith.constant 320 : i32
    %dma_start3A_11 = tpu.memref_slice %arg6[%dma_start3A_10] : memref<640xi32, #tpu.memory_space<vmem>> -> memref<320xi32, #tpu.memory_space<vmem>>
    %dma_start3A_12 = tpu.memref_slice %arg3[%add3A_9] : memref<3276800xi32, #tpu.memory_space<hbm>> -> memref<320xi32, #tpu.memory_space<hbm>>
    %dma_start3A_13 = arith.constant 320 : i32
    %dma_start3A_14 = tpu.memref_slice %arg6[%dma_start3A_13] : memref<640xi32, #tpu.memory_space<vmem>> -> memref<320xi32, #tpu.memory_space<vmem>>
    %dma_start3A_15 = tpu.memref_slice %arg3[%add3A_9] : memref<3276800xi32, #tpu.memory_space<hbm>> -> memref<320xi32, #tpu.memory_space<hbm>>
    tpu.enqueue_dma source(%dma_start3A_15 : memref<320xi32, #tpu.memory_space<hbm>>) target(%dma_start3A_14 : memref<320xi32, #tpu.memory_space<vmem>>) target_semaphore(%arg9 : memref<!tpu.dma_semaphore, #tpu.memory_space<semaphore_mem>>)
    %iota3A = tpu.iota {dimensions = array<i32: 0>} : vector<16xi32>
    %mul3A_16 = arith.constant 128 : i32
    %mul3A_17 = vector.broadcast %mul3A_16 : i32 to vector<16xi32>
    %mul3A_18 = arith.muli %iota3A, %mul3A_17 : vector<16xi32>
    %scan3A = arith.constant 0 : i32
    %scan3A_19 = arith.constant 0 : i32
    %scan3A_20 = arith.constant 320 : i32
    %scan3A_21 = arith.addi %scan3A_19, %scan3A_20 : i32
    %scan3A_22 = arith.constant 1 : i32
    scf.for %scan3A_39 = %scan3A_19 to %scan3A_21 step %scan3A_22  : i32 {
      %rem3A = arith.constant 2 : i32
      %rem3A_40 = arith.remsi %scan3A_39, %rem3A : i32
      %mul3A_41 = arith.constant 320 : i32
      %mul3A_42 = arith.muli %rem3A_40, %mul3A_41 : i32
      %mul3A_43 = arith.constant 40960 : i32
      %mul3A_44 = arith.muli %rem3A_40, %mul3A_43 : i32
      %eq3A = arith.constant 0 : i32
      %eq3A_45 = arith.cmpi eq, %rem3A_40, %eq3A : i32
      %convert_element_type3A = arith.extui %eq3A_45 : i1 to i32
      %cond3A = arith.constant 0 : i32
      %cond3A_46 = arith.cmpi ne, %convert_element_type3A, %cond3A : i32
      scf.if %cond3A_46 {
        %dma_wait3A_102 = arith.constant 0 : i32
        %dma_wait3A_103 = tpu.memref_slice %arg6[%dma_wait3A_102] : memref<640xi32, #tpu.memory_space<vmem>> -> memref<320xi32, #tpu.memory_space<vmem>>
        %dma_wait3A_104 = tpu.memref_slice %arg3[%mul3A_2] : memref<3276800xi32, #tpu.memory_space<hbm>> -> memref<320xi32, #tpu.memory_space<hbm>>
        %dma_wait3A_105 = arith.constant 0 : i32
        %dma_wait3A_106 = tpu.memref_slice %arg6[%dma_wait3A_105] : memref<640xi32, #tpu.memory_space<vmem>> -> memref<320xi32, #tpu.memory_space<vmem>>
        %dma_wait3A_107 = tpu.memref_slice %arg3[%mul3A_2] : memref<3276800xi32, #tpu.memory_space<hbm>> -> memref<320xi32, #tpu.memory_space<hbm>>
        tpu.wait_dma2 semaphore(%arg8 : memref<!tpu.dma_semaphore, #tpu.memory_space<semaphore_mem>>) src(%dma_wait3A_107 : memref<320xi32, #tpu.memory_space<hbm>>) dst(%dma_wait3A_106 : memref<320xi32, #tpu.memory_space<vmem>>)
      } else {
      }
      %eq3A_47 = arith.constant 1 : i32
      %eq3A_48 = arith.cmpi eq, %rem3A_40, %eq3A_47 : i32
      %convert_element_type3A_49 = arith.extui %eq3A_48 : i1 to i32
      %cond3A_50 = arith.constant 0 : i32
      %cond3A_51 = arith.cmpi ne, %convert_element_type3A_49, %cond3A_50 : i32
      scf.if %cond3A_51 {
        %dma_wait3A_102 = arith.constant 0 : i32
        %dma_wait3A_103 = tpu.memref_slice %arg6[%dma_wait3A_102] : memref<640xi32, #tpu.memory_space<vmem>> -> memref<320xi32, #tpu.memory_space<vmem>>
        %dma_wait3A_104 = tpu.memref_slice %arg3[%mul3A_2] : memref<3276800xi32, #tpu.memory_space<hbm>> -> memref<320xi32, #tpu.memory_space<hbm>>
        %dma_wait3A_105 = arith.constant 0 : i32
        %dma_wait3A_106 = tpu.memref_slice %arg6[%dma_wait3A_105] : memref<640xi32, #tpu.memory_space<vmem>> -> memref<320xi32, #tpu.memory_space<vmem>>
        %dma_wait3A_107 = tpu.memref_slice %arg3[%mul3A_2] : memref<3276800xi32, #tpu.memory_space<hbm>> -> memref<320xi32, #tpu.memory_space<hbm>>
        tpu.wait_dma2 semaphore(%arg9 : memref<!tpu.dma_semaphore, #tpu.memory_space<semaphore_mem>>) src(%dma_wait3A_107 : memref<320xi32, #tpu.memory_space<hbm>>) dst(%dma_wait3A_106 : memref<320xi32, #tpu.memory_space<vmem>>)
      } else {
      }
      %ge3A = arith.constant 2 : i32
      %ge3A_52 = arith.cmpi sge, %scan3A_39, %ge3A : i32
      %eq3A_53 = arith.constant 0 : i32
      %eq3A_54 = arith.cmpi eq, %rem3A_40, %eq3A_53 : i32
      %and3A = arith.andi %ge3A_52, %eq3A_54 : i1
      %convert_element_type3A_55 = arith.extui %and3A : i1 to i32
      %cond3A_56 = arith.constant 0 : i32
      %cond3A_57 = arith.cmpi ne, %convert_element_type3A_55, %cond3A_56 : i32
      scf.if %cond3A_57 {
        %dma_wait3A_102 = arith.constant 0 : i32
        %dma_wait3A_103 = tpu.memref_slice %arg7[%dma_wait3A_102] : memref<81920xf32, #tpu.memory_space<vmem>> -> memref<40960xf32, #tpu.memory_space<vmem>>
        %dma_wait3A_104 = arith.constant 0 : i32
        %dma_wait3A_105 = tpu.memref_slice %arg4[%dma_wait3A_104] : memref<419430400xf32, #tpu.memory_space<hbm>> -> memref<40960xf32, #tpu.memory_space<hbm>>
        %dma_wait3A_106 = arith.constant 0 : i32
        %dma_wait3A_107 = tpu.memref_slice %arg4[%dma_wait3A_106] : memref<419430400xf32, #tpu.memory_space<hbm>> -> memref<40960xf32, #tpu.memory_space<hbm>>
        %dma_wait3A_108 = arith.constant 0 : i32
        %dma_wait3A_109 = tpu.memref_slice %arg7[%dma_wait3A_108] : memref<81920xf32, #tpu.memory_space<vmem>> -> memref<40960xf32, #tpu.memory_space<vmem>>
        tpu.wait_dma2 semaphore(%arg10 : memref<!tpu.dma_semaphore, #tpu.memory_space<semaphore_mem>>) src(%dma_wait3A_109 : memref<40960xf32, #tpu.memory_space<vmem>>) dst(%dma_wait3A_107 : memref<40960xf32, #tpu.memory_space<hbm>>)
      } else {
      }
      %ge3A_58 = arith.constant 2 : i32
      %ge3A_59 = arith.cmpi sge, %scan3A_39, %ge3A_58 : i32
      %eq3A_60 = arith.constant 1 : i32
      %eq3A_61 = arith.cmpi eq, %rem3A_40, %eq3A_60 : i32
      %and3A_62 = arith.andi %ge3A_59, %eq3A_61 : i1
      %convert_element_type3A_63 = arith.extui %and3A_62 : i1 to i32
      %cond3A_64 = arith.constant 0 : i32
      %cond3A_65 = arith.cmpi ne, %convert_element_type3A_63, %cond3A_64 : i32
      scf.if %cond3A_65 {
        %dma_wait3A_102 = arith.constant 0 : i32
        %dma_wait3A_103 = tpu.memref_slice %arg7[%dma_wait3A_102] : memref<81920xf32, #tpu.memory_space<vmem>> -> memref<40960xf32, #tpu.memory_space<vmem>>
        %dma_wait3A_104 = arith.constant 0 : i32
        %dma_wait3A_105 = tpu.memref_slice %arg4[%dma_wait3A_104] : memref<419430400xf32, #tpu.memory_space<hbm>> -> memref<40960xf32, #tpu.memory_space<hbm>>
        %dma_wait3A_106 = arith.constant 0 : i32
        %dma_wait3A_107 = tpu.memref_slice %arg4[%dma_wait3A_106] : memref<419430400xf32, #tpu.memory_space<hbm>> -> memref<40960xf32, #tpu.memory_space<hbm>>
        %dma_wait3A_108 = arith.constant 0 : i32
        %dma_wait3A_109 = tpu.memref_slice %arg7[%dma_wait3A_108] : memref<81920xf32, #tpu.memory_space<vmem>> -> memref<40960xf32, #tpu.memory_space<vmem>>
        tpu.wait_dma2 semaphore(%arg11 : memref<!tpu.dma_semaphore, #tpu.memory_space<semaphore_mem>>) src(%dma_wait3A_109 : memref<40960xf32, #tpu.memory_space<vmem>>) dst(%dma_wait3A_107 : memref<40960xf32, #tpu.memory_space<hbm>>)
      } else {
      }
      %parallel_loop3A = arith.constant 0 : i32
      %parallel_loop3A_66 = arith.constant 20 : i32
      %parallel_loop3A_67 = arith.constant 1 : i32
      scf.for %parallel_loop3A_102 = %parallel_loop3A to %parallel_loop3A_66 step %parallel_loop3A_67  : i32 {
        %parallel_loop3A_103 = arith.constant 16 : i32
        %parallel_loop3A_104 = arith.muli %parallel_loop3A_102, %parallel_loop3A_103 : i32
        %parallel_loop3A_105 = arith.addi %mul3A_42, %parallel_loop3A_104 : i32
        %parallel_loop3A_106 = arith.index_cast %parallel_loop3A_105 : i32 to index
        %parallel_loop3A_107 = tpu.vector_load %arg6[%parallel_loop3A_106] {strides = array<i32>} : memref<640xi32, #tpu.memory_space<vmem>>, vector<16xi32>,
        %parallel_loop3A_108 = arith.constant 2048 : i32
        %parallel_loop3A_109 = arith.muli %parallel_loop3A_102, %parallel_loop3A_108 : i32
        %parallel_loop3A_110 = arith.addi %mul3A_44, %parallel_loop3A_109 : i32
        %parallel_loop3A_111 = vector.extract_strided_slice %parallel_loop3A_107 {offsets = [0], sizes = [1], strides = [1]} : vector<16xi32> to vector<1xi32>
        %parallel_loop3A_112 = vector.extract %parallel_loop3A_111[0] : i32 from vector<1xi32>
        %parallel_loop3A_113 = arith.constant 128 : i32
        %parallel_loop3A_114 = arith.muli %parallel_loop3A_112, %parallel_loop3A_113 : i32
        %parallel_loop3A_115 = arith.constant 0 : i32
        %parallel_loop3A_116 = arith.addi %parallel_loop3A_110, %parallel_loop3A_115 : i32
        %parallel_loop3A_117 = arith.constant 0 : i32
        %parallel_loop3A_118 = arith.addi %parallel_loop3A_114, %parallel_loop3A_117 : i32
        %parallel_loop3A_119 = arith.index_cast %parallel_loop3A_118 : i32 to index
        %parallel_loop3A_120 = tpu.vector_load %arg5[%parallel_loop3A_119] {strides = array<i32>} : memref<4096xf32, #tpu.memory_space<vmem>>, vector<16xf32>,
        %parallel_loop3A_121 = arith.constant 0 : i32
        %parallel_loop3A_122 = arith.addi %parallel_loop3A_116, %parallel_loop3A_121 : i32
        %parallel_loop3A_123 = arith.index_cast %parallel_loop3A_122 : i32 to index
        %parallel_loop3A_124 = tpu.vector_load %arg7[%parallel_loop3A_123] {strides = array<i32>} : memref<81920xf32, #tpu.memory_space<vmem>>, vector<16xf32>,
        tpu.vector_store %arg7[%parallel_loop3A_123], %parallel_loop3A_120 {strides = array<i32>} : memref<81920xf32, #tpu.memory_space<vmem>>, vector<16xf32>,
        %parallel_loop3A_125 = arith.constant 16 : i32
        %parallel_loop3A_126 = arith.addi %parallel_loop3A_114, %parallel_loop3A_125 : i32
        %parallel_loop3A_127 = arith.index_cast %parallel_loop3A_126 : i32 to index
        %parallel_loop3A_128 = tpu.vector_load %arg5[%parallel_loop3A_127] {strides = array<i32>} : memref<4096xf32, #tpu.memory_space<vmem>>, vector<16xf32>,
        %parallel_loop3A_129 = arith.constant 16 : i32
        %parallel_loop3A_130 = arith.addi %parallel_loop3A_116, %parallel_loop3A_129 : i32
        %parallel_loop3A_131 = arith.index_cast %parallel_loop3A_130 : i32 to index
        %parallel_loop3A_132 = tpu.vector_load %arg7[%parallel_loop3A_131] {strides = array<i32>} : memref<81920xf32, #tpu.memory_space<vmem>>, vector<16xf32>,
        tpu.vector_store %arg7[%parallel_loop3A_131], %parallel_loop3A_128 {strides = array<i32>} : memref<81920xf32, #tpu.memory_space<vmem>>, vector<16xf32>,
        %parallel_loop3A_133 = arith.constant 32 : i32
        %parallel_loop3A_134 = arith.addi %parallel_loop3A_114, %parallel_loop3A_133 : i32
        %parallel_loop3A_135 = arith.index_cast %parallel_loop3A_134 : i32 to index
        %parallel_loop3A_136 = tpu.vector_load %arg5[%parallel_loop3A_135] {strides = array<i32>} : memref<4096xf32, #tpu.memory_space<vmem>>, vector<16xf32>,
        %parallel_loop3A_137 = arith.constant 32 : i32
        %parallel_loop3A_138 = arith.addi %parallel_loop3A_116, %parallel_loop3A_137 : i32
        %parallel_loop3A_139 = arith.index_cast %parallel_loop3A_138 : i32 to index
        %parallel_loop3A_140 = tpu.vector_load %arg7[%parallel_loop3A_139] {strides = array<i32>} : memref<81920xf32, #tpu.memory_space<vmem>>, vector<16xf32>,
        tpu.vector_store %arg7[%parallel_loop3A_139], %parallel_loop3A_136 {strides = array<i32>} : memref<81920xf32, #tpu.memory_space<vmem>>, vector<16xf32>,
        %parallel_loop3A_141 = arith.constant 48 : i32
        %parallel_loop3A_142 = arith.addi %parallel_loop3A_114, %parallel_loop3A_141 : i32
        %parallel_loop3A_143 = arith.index_cast %parallel_loop3A_142 : i32 to index
        %parallel_loop3A_144 = tpu.vector_load %arg5[%parallel_loop3A_143] {strides = array<i32>} : memref<4096xf32, #tpu.memory_space<vmem>>, vector<16xf32>,
        %parallel_loop3A_145 = arith.constant 48 : i32
        %parallel_loop3A_146 = arith.addi %parallel_loop3A_116, %parallel_loop3A_145 : i32
        %parallel_loop3A_147 = arith.index_cast %parallel_loop3A_146 : i32 to index
        %parallel_loop3A_148 = tpu.vector_load %arg7[%parallel_loop3A_147] {strides = array<i32>} : memref<81920xf32, #tpu.memory_space<vmem>>, vector<16xf32>,
        tpu.vector_store %arg7[%parallel_loop3A_147], %parallel_loop3A_144 {strides = array<i32>} : memref<81920xf32, #tpu.memory_space<vmem>>, vector<16xf32>,
        %parallel_loop3A_149 = arith.constant 64 : i32
        %parallel_loop3A_150 = arith.addi %parallel_loop3A_114, %parallel_loop3A_149 : i32
        %parallel_loop3A_151 = arith.index_cast %parallel_loop3A_150 : i32 to index
        %parallel_loop3A_152 = tpu.vector_load %arg5[%parallel_loop3A_151] {strides = array<i32>} : memref<4096xf32, #tpu.memory_space<vmem>>, vector<16xf32>,
        %parallel_loop3A_153 = arith.constant 64 : i32
        %parallel_loop3A_154 = arith.addi %parallel_loop3A_116, %parallel_loop3A_153 : i32
        %parallel_loop3A_155 = arith.index_cast %parallel_loop3A_154 : i32 to index
        %parallel_loop3A_156 = tpu.vector_load %arg7[%parallel_loop3A_155] {strides = array<i32>} : memref<81920xf32, #tpu.memory_space<vmem>>, vector<16xf32>,
        tpu.vector_store %arg7[%parallel_loop3A_155], %parallel_loop3A_152 {strides = array<i32>} : memref<81920xf32, #tpu.memory_space<vmem>>, vector<16xf32>,
        %parallel_loop3A_157 = arith.constant 80 : i32
        %parallel_loop3A_158 = arith.addi %parallel_loop3A_114, %parallel_loop3A_157 : i32
        %parallel_loop3A_159 = arith.index_cast %parallel_loop3A_158 : i32 to index
        %parallel_loop3A_160 = tpu.vector_load %arg5[%parallel_loop3A_159] {strides = array<i32>} : memref<4096xf32, #tpu.memory_space<vmem>>, vector<16xf32>,
        %parallel_loop3A_161 = arith.constant 80 : i32
        %parallel_loop3A_162 = arith.addi %parallel_loop3A_116, %parallel_loop3A_161 : i32
        %parallel_loop3A_163 = arith.index_cast %parallel_loop3A_162 : i32 to index
        %parallel_loop3A_164 = tpu.vector_load %arg7[%parallel_loop3A_163] {strides = array<i32>} : memref<81920xf32, #tpu.memory_space<vmem>>, vector<16xf32>,
        tpu.vector_store %arg7[%parallel_loop3A_163], %parallel_loop3A_160 {strides = array<i32>} : memref<81920xf32, #tpu.memory_space<vmem>>, vector<16xf32>,
        %parallel_loop3A_165 = arith.constant 96 : i32
        %parallel_loop3A_166 = arith.addi %parallel_loop3A_114, %parallel_loop3A_165 : i32
        %parallel_loop3A_167 = arith.index_cast %parallel_loop3A_166 : i32 to index
        %parallel_loop3A_168 = tpu.vector_load %arg5[%parallel_loop3A_167] {strides = array<i32>} : memref<4096xf32, #tpu.memory_space<vmem>>, vector<16xf32>,
        %parallel_loop3A_169 = arith.constant 96 : i32
        %parallel_loop3A_170 = arith.addi %parallel_loop3A_116, %parallel_loop3A_169 : i32
        %parallel_loop3A_171 = arith.index_cast %parallel_loop3A_170 : i32 to index
        %parallel_loop3A_172 = tpu.vector_load %arg7[%parallel_loop3A_171] {strides = array<i32>} : memref<81920xf32, #tpu.memory_space<vmem>>, vector<16xf32>,
        tpu.vector_store %arg7[%parallel_loop3A_171], %parallel_loop3A_168 {strides = array<i32>} : memref<81920xf32, #tpu.memory_space<vmem>>, vector<16xf32>,
        %parallel_loop3A_173 = arith.constant 112 : i32
        %parallel_loop3A_174 = arith.addi %parallel_loop3A_114, %parallel_loop3A_173 : i32
        %parallel_loop3A_175 = arith.index_cast %parallel_loop3A_174 : i32 to index
        %parallel_loop3A_176 = tpu.vector_load %arg5[%parallel_loop3A_175] {strides = array<i32>} : memref<4096xf32, #tpu.memory_space<vmem>>, vector<16xf32>,
        %parallel_loop3A_177 = arith.constant 112 : i32
        %parallel_loop3A_178 = arith.addi %parallel_loop3A_116, %parallel_loop3A_177 : i32
        %parallel_loop3A_179 = arith.index_cast %parallel_loop3A_178 : i32 to index
        %parallel_loop3A_180 = tpu.vector_load %arg7[%parallel_loop3A_179] {strides = array<i32>} : memref<81920xf32, #tpu.memory_space<vmem>>, vector<16xf32>,
        tpu.vector_store %arg7[%parallel_loop3A_179], %parallel_loop3A_176 {strides = array<i32>} : memref<81920xf32, #tpu.memory_space<vmem>>, vector<16xf32>,
        %parallel_loop3A_181 = vector.extract_strided_slice %parallel_loop3A_107 {offsets = [1], sizes = [1], strides = [1]} : vector<16xi32> to vector<1xi32>
        %parallel_loop3A_182 = vector.extract %parallel_loop3A_181[0] : i32 from vector<1xi32>
        %parallel_loop3A_183 = arith.constant 128 : i32
        %parallel_loop3A_184 = arith.muli %parallel_loop3A_182, %parallel_loop3A_183 : i32
        %parallel_loop3A_185 = arith.constant 128 : i32
        %parallel_loop3A_186 = arith.addi %parallel_loop3A_110, %parallel_loop3A_185 : i32
        %parallel_loop3A_187 = arith.constant 0 : i32
        %parallel_loop3A_188 = arith.addi %parallel_loop3A_184, %parallel_loop3A_187 : i32
        %parallel_loop3A_189 = arith.index_cast %parallel_loop3A_188 : i32 to index
        %parallel_loop3A_190 = tpu.vector_load %arg5[%parallel_loop3A_189] {strides = array<i32>} : memref<4096xf32, #tpu.memory_space<vmem>>, vector<16xf32>,
        %parallel_loop3A_191 = arith.constant 0 : i32
        %parallel_loop3A_192 = arith.addi %parallel_loop3A_186, %parallel_loop3A_191 : i32
        %parallel_loop3A_193 = arith.index_cast %parallel_loop3A_192 : i32 to index
        %parallel_loop3A_194 = tpu.vector_load %arg7[%parallel_loop3A_193] {strides = array<i32>} : memref<81920xf32, #tpu.memory_space<vmem>>, vector<16xf32>,
        tpu.vector_store %arg7[%parallel_loop3A_193], %parallel_loop3A_190 {strides = array<i32>} : memref<81920xf32, #tpu.memory_space<vmem>>, vector<16xf32>,
        %parallel_loop3A_195 = arith.constant 16 : i32
        %parallel_loop3A_196 = arith.addi %parallel_loop3A_184, %parallel_loop3A_195 : i32
        %parallel_loop3A_197 = arith.index_cast %parallel_loop3A_196 : i32 to index
        %parallel_loop3A_198 = tpu.vector_load %arg5[%parallel_loop3A_197] {strides = array<i32>} : memref<4096xf32, #tpu.memory_space<vmem>>, vector<16xf32>,
        %parallel_loop3A_199 = arith.constant 16 : i32
        %parallel_loop3A_200 = arith.addi %parallel_loop3A_186, %parallel_loop3A_199 : i32
        %parallel_loop3A_201 = arith.index_cast %parallel_loop3A_200 : i32 to index
        %parallel_loop3A_202 = tpu.vector_load %arg7[%parallel_loop3A_201] {strides = array<i32>} : memref<81920xf32, #tpu.memory_space<vmem>>, vector<16xf32>,
        tpu.vector_store %arg7[%parallel_loop3A_201], %parallel_loop3A_198 {strides = array<i32>} : memref<81920xf32, #tpu.memory_space<vmem>>, vector<16xf32>,
        %parallel_loop3A_203 = arith.constant 32 : i32
        %parallel_loop3A_204 = arith.addi %parallel_loop3A_184, %parallel_loop3A_203 : i32
        %parallel_loop3A_205 = arith.index_cast %parallel_loop3A_204 : i32 to index
        %parallel_loop3A_206 = tpu.vector_load %arg5[%parallel_loop3A_205] {strides = array<i32>} : memref<4096xf32, #tpu.memory_space<vmem>>, vector<16xf32>,
        %parallel_loop3A_207 = arith.constant 32 : i32
        %parallel_loop3A_208 = arith.addi %parallel_loop3A_186, %parallel_loop3A_207 : i32
        %parallel_loop3A_209 = arith.index_cast %parallel_loop3A_208 : i32 to index
        %parallel_loop3A_210 = tpu.vector_load %arg7[%parallel_loop3A_209] {strides = array<i32>} : memref<81920xf32, #tpu.memory_space<vmem>>, vector<16xf32>,
        tpu.vector_store %arg7[%parallel_loop3A_209], %parallel_loop3A_206 {strides = array<i32>} : memref<81920xf32, #tpu.memory_space<vmem>>, vector<16xf32>,
        %parallel_loop3A_211 = arith.constant 48 : i32
        %parallel_loop3A_212 = arith.addi %parallel_loop3A_184, %parallel_loop3A_211 : i32
        %parallel_loop3A_213 = arith.index_cast %parallel_loop3A_212 : i32 to index
        %parallel_loop3A_214 = tpu.vector_load %arg5[%parallel_loop3A_213] {strides = array<i32>} : memref<4096xf32, #tpu.memory_space<vmem>>, vector<16xf32>,
        %parallel_loop3A_215 = arith.constant 48 : i32
        %parallel_loop3A_216 = arith.addi %parallel_loop3A_186, %parallel_loop3A_215 : i32
        %parallel_loop3A_217 = arith.index_cast %parallel_loop3A_216 : i32 to index
        %parallel_loop3A_218 = tpu.vector_load %arg7[%parallel_loop3A_217] {strides = array<i32>} : memref<81920xf32, #tpu.memory_space<vmem>>, vector<16xf32>,
        tpu.vector_store %arg7[%parallel_loop3A_217], %parallel_loop3A_214 {strides = array<i32>} : memref<81920xf32, #tpu.memory_space<vmem>>, vector<16xf32>,
        %parallel_loop3A_219 = arith.constant 64 : i32
        %parallel_loop3A_220 = arith.addi %parallel_loop3A_184, %parallel_loop3A_219 : i32
        %parallel_loop3A_221 = arith.index_cast %parallel_loop3A_220 : i32 to index
        %parallel_loop3A_222 = tpu.vector_load %arg5[%parallel_loop3A_221] {strides = array<i32>} : memref<4096xf32, #tpu.memory_space<vmem>>, vector<16xf32>,
        %parallel_loop3A_223 = arith.constant 64 : i32
        %parallel_loop3A_224 = arith.addi %parallel_loop3A_186, %parallel_loop3A_223 : i32
        %parallel_loop3A_225 = arith.index_cast %parallel_loop3A_224 : i32 to index
        %parallel_loop3A_226 = tpu.vector_load %arg7[%parallel_loop3A_225] {strides = array<i32>} : memref<81920xf32, #tpu.memory_space<vmem>>, vector<16xf32>,
        tpu.vector_store %arg7[%parallel_loop3A_225], %parallel_loop3A_222 {strides = array<i32>} : memref<81920xf32, #tpu.memory_space<vmem>>, vector<16xf32>,
        %parallel_loop3A_227 = arith.constant 80 : i32
        %parallel_loop3A_228 = arith.addi %parallel_loop3A_184, %parallel_loop3A_227 : i32
        %parallel_loop3A_229 = arith.index_cast %parallel_loop3A_228 : i32 to index
        %parallel_loop3A_230 = tpu.vector_load %arg5[%parallel_loop3A_229] {strides = array<i32>} : memref<4096xf32, #tpu.memory_space<vmem>>, vector<16xf32>,
        %parallel_loop3A_231 = arith.constant 80 : i32
        %parallel_loop3A_232 = arith.addi %parallel_loop3A_186, %parallel_loop3A_231 : i32
        %parallel_loop3A_233 = arith.index_cast %parallel_loop3A_232 : i32 to index
        %parallel_loop3A_234 = tpu.vector_load %arg7[%parallel_loop3A_233] {strides = array<i32>} : memref<81920xf32, #tpu.memory_space<vmem>>, vector<16xf32>,
        tpu.vector_store %arg7[%parallel_loop3A_233], %parallel_loop3A_230 {strides = array<i32>} : memref<81920xf32, #tpu.memory_space<vmem>>, vector<16xf32>,
        %parallel_loop3A_235 = arith.constant 96 : i32
        %parallel_loop3A_236 = arith.addi %parallel_loop3A_184, %parallel_loop3A_235 : i32
        %parallel_loop3A_237 = arith.index_cast %parallel_loop3A_236 : i32 to index
        %parallel_loop3A_238 = tpu.vector_load %arg5[%parallel_loop3A_237] {strides = array<i32>} : memref<4096xf32, #tpu.memory_space<vmem>>, vector<16xf32>,
        %parallel_loop3A_239 = arith.constant 96 : i32
        %parallel_loop3A_240 = arith.addi %parallel_loop3A_186, %parallel_loop3A_239 : i32
        %parallel_loop3A_241 = arith.index_cast %parallel_loop3A_240 : i32 to index
        %parallel_loop3A_242 = tpu.vector_load %arg7[%parallel_loop3A_241] {strides = array<i32>} : memref<81920xf32, #tpu.memory_space<vmem>>, vector<16xf32>,
        tpu.vector_store %arg7[%parallel_loop3A_241], %parallel_loop3A_238 {strides = array<i32>} : memref<81920xf32, #tpu.memory_space<vmem>>, vector<16xf32>,
        %parallel_loop3A_243 = arith.constant 112 : i32
        %parallel_loop3A_244 = arith.addi %parallel_loop3A_184, %parallel_loop3A_243 : i32
        %parallel_loop3A_245 = arith.index_cast %parallel_loop3A_244 : i32 to index
        %parallel_loop3A_246 = tpu.vector_load %arg5[%parallel_loop3A_245] {strides = array<i32>} : memref<4096xf32, #tpu.memory_space<vmem>>, vector<16xf32>,
        %parallel_loop3A_247 = arith.constant 112 : i32
        %parallel_loop3A_248 = arith.addi %parallel_loop3A_186, %parallel_loop3A_247 : i32
        %parallel_loop3A_249 = arith.index_cast %parallel_loop3A_248 : i32 to index
        %parallel_loop3A_250 = tpu.vector_load %arg7[%parallel_loop3A_249] {strides = array<i32>} : memref<81920xf32, #tpu.memory_space<vmem>>, vector<16xf32>,
        tpu.vector_store %arg7[%parallel_loop3A_249], %parallel_loop3A_246 {strides = array<i32>} : memref<81920xf32, #tpu.memory_space<vmem>>, vector<16xf32>,
        %parallel_loop3A_251 = vector.extract_strided_slice %parallel_loop3A_107 {offsets = [2], sizes = [1], strides = [1]} : vector<16xi32> to vector<1xi32>
        %parallel_loop3A_252 = vector.extract %parallel_loop3A_251[0] : i32 from vector<1xi32>
        %parallel_loop3A_253 = arith.constant 128 : i32
        %parallel_loop3A_254 = arith.muli %parallel_loop3A_252, %parallel_loop3A_253 : i32
        %parallel_loop3A_255 = arith.constant 256 : i32
        %parallel_loop3A_256 = arith.addi %parallel_loop3A_110, %parallel_loop3A_255 : i32
        %parallel_loop3A_257 = arith.constant 0 : i32
        %parallel_loop3A_258 = arith.addi %parallel_loop3A_254, %parallel_loop3A_257 : i32
        %parallel_loop3A_259 = arith.index_cast %parallel_loop3A_258 : i32 to index
        %parallel_loop3A_260 = tpu.vector_load %arg5[%parallel_loop3A_259] {strides = array<i32>} : memref<4096xf32, #tpu.memory_space<vmem>>, vector<16xf32>,
        %parallel_loop3A_261 = arith.constant 0 : i32
        %parallel_loop3A_262 = arith.addi %parallel_loop3A_256, %parallel_loop3A_261 : i32
        %parallel_loop3A_263 = arith.index_cast %parallel_loop3A_262 : i32 to index
        %parallel_loop3A_264 = tpu.vector_load %arg7[%parallel_loop3A_263] {strides = array<i32>} : memref<81920xf32, #tpu.memory_space<vmem>>, vector<16xf32>,
        tpu.vector_store %arg7[%parallel_loop3A_263], %parallel_loop3A_260 {strides = array<i32>} : memref<81920xf32, #tpu.memory_space<vmem>>, vector<16xf32>,
        %parallel_loop3A_265 = arith.constant 16 : i32
        %parallel_loop3A_266 = arith.addi %parallel_loop3A_254, %parallel_loop3A_265 : i32
        %parallel_loop3A_267 = arith.index_cast %parallel_loop3A_266 : i32 to index
        %parallel_loop3A_268 = tpu.vector_load %arg5[%parallel_loop3A_267] {strides = array<i32>} : memref<4096xf32, #tpu.memory_space<vmem>>, vector<16xf32>,
        %parallel_loop3A_269 = arith.constant 16 : i32
        %parallel_loop3A_270 = arith.addi %parallel_loop3A_256, %parallel_loop3A_269 : i32
        %parallel_loop3A_271 = arith.index_cast %parallel_loop3A_270 : i32 to index
        %parallel_loop3A_272 = tpu.vector_load %arg7[%parallel_loop3A_271] {strides = array<i32>} : memref<81920xf32, #tpu.memory_space<vmem>>, vector<16xf32>,
        tpu.vector_store %arg7[%parallel_loop3A_271], %parallel_loop3A_268 {strides = array<i32>} : memref<81920xf32, #tpu.memory_space<vmem>>, vector<16xf32>,
        %parallel_loop3A_273 = arith.constant 32 : i32
        %parallel_loop3A_274 = arith.addi %parallel_loop3A_254, %parallel_loop3A_273 : i32
        %parallel_loop3A_275 = arith.index_cast %parallel_loop3A_274 : i32 to index
        %parallel_loop3A_276 = tpu.vector_load %arg5[%parallel_loop3A_275] {strides = array<i32>} : memref<4096xf32, #tpu.memory_space<vmem>>, vector<16xf32>,
        %parallel_loop3A_277 = arith.constant 32 : i32
        %parallel_loop3A_278 = arith.addi %parallel_loop3A_256, %parallel_loop3A_277 : i32
        %parallel_loop3A_279 = arith.index_cast %parallel_loop3A_278 : i32 to index
        %parallel_loop3A_280 = tpu.vector_load %arg7[%parallel_loop3A_279] {strides = array<i32>} : memref<81920xf32, #tpu.memory_space<vmem>>, vector<16xf32>,
        tpu.vector_store %arg7[%parallel_loop3A_279], %parallel_loop3A_276 {strides = array<i32>} : memref<81920xf32, #tpu.memory_space<vmem>>, vector<16xf32>,
        %parallel_loop3A_281 = arith.constant 48 : i32
        %parallel_loop3A_282 = arith.addi %parallel_loop3A_254, %parallel_loop3A_281 : i32
        %parallel_loop3A_283 = arith.index_cast %parallel_loop3A_282 : i32 to index
        %parallel_loop3A_284 = tpu.vector_load %arg5[%parallel_loop3A_283] {strides = array<i32>} : memref<4096xf32, #tpu.memory_space<vmem>>, vector<16xf32>,
        %parallel_loop3A_285 = arith.constant 48 : i32
        %parallel_loop3A_286 = arith.addi %parallel_loop3A_256, %parallel_loop3A_285 : i32
        %parallel_loop3A_287 = arith.index_cast %parallel_loop3A_286 : i32 to index
        %parallel_loop3A_288 = tpu.vector_load %arg7[%parallel_loop3A_287] {strides = array<i32>} : memref<81920xf32, #tpu.memory_space<vmem>>, vector<16xf32>,
        tpu.vector_store %arg7[%parallel_loop3A_287], %parallel_loop3A_284 {strides = array<i32>} : memref<81920xf32, #tpu.memory_space<vmem>>, vector<16xf32>,
        %parallel_loop3A_289 = arith.constant 64 : i32
        %parallel_loop3A_290 = arith.addi %parallel_loop3A_254, %parallel_loop3A_289 : i32
        %parallel_loop3A_291 = arith.index_cast %parallel_loop3A_290 : i32 to index
        %parallel_loop3A_292 = tpu.vector_load %arg5[%parallel_loop3A_291] {strides = array<i32>} : memref<4096xf32, #tpu.memory_space<vmem>>, vector<16xf32>,
        %parallel_loop3A_293 = arith.constant 64 : i32
        %parallel_loop3A_294 = arith.addi %parallel_loop3A_256, %parallel_loop3A_293 : i32
        %parallel_loop3A_295 = arith.index_cast %parallel_loop3A_294 : i32 to index
        %parallel_loop3A_296 = tpu.vector_load %arg7[%parallel_loop3A_295] {strides = array<i32>} : memref<81920xf32, #tpu.memory_space<vmem>>, vector<16xf32>,
        tpu.vector_store %arg7[%parallel_loop3A_295], %parallel_loop3A_292 {strides = array<i32>} : memref<81920xf32, #tpu.memory_space<vmem>>, vector<16xf32>,
        %parallel_loop3A_297 = arith.constant 80 : i32
        %parallel_loop3A_298 = arith.addi %parallel_loop3A_254, %parallel_loop3A_297 : i32
        %parallel_loop3A_299 = arith.index_cast %parallel_loop3A_298 : i32 to index
        %parallel_loop3A_300 = tpu.vector_load %arg5[%parallel_loop3A_299] {strides = array<i32>} : memref<4096xf32, #tpu.memory_space<vmem>>, vector<16xf32>,
        %parallel_loop3A_301 = arith.constant 80 : i32
        %parallel_loop3A_302 = arith.addi %parallel_loop3A_256, %parallel_loop3A_301 : i32
        %parallel_loop3A_303 = arith.index_cast %parallel_loop3A_302 : i32 to index
        %parallel_loop3A_304 = tpu.vector_load %arg7[%parallel_loop3A_303] {strides = array<i32>} : memref<81920xf32, #tpu.memory_space<vmem>>, vector<16xf32>,
        tpu.vector_store %arg7[%parallel_loop3A_303], %parallel_loop3A_300 {strides = array<i32>} : memref<81920xf32, #tpu.memory_space<vmem>>, vector<16xf32>,
        %parallel_loop3A_305 = arith.constant 96 : i32
        %parallel_loop3A_306 = arith.addi %parallel_loop3A_254, %parallel_loop3A_305 : i32
        %parallel_loop3A_307 = arith.index_cast %parallel_loop3A_306 : i32 to index
        %parallel_loop3A_308 = tpu.vector_load %arg5[%parallel_loop3A_307] {strides = array<i32>} : memref<4096xf32, #tpu.memory_space<vmem>>, vector<16xf32>,
        %parallel_loop3A_309 = arith.constant 96 : i32
        %parallel_loop3A_310 = arith.addi %parallel_loop3A_256, %parallel_loop3A_309 : i32
        %parallel_loop3A_311 = arith.index_cast %parallel_loop3A_310 : i32 to index
        %parallel_loop3A_312 = tpu.vector_load %arg7[%parallel_loop3A_311] {strides = array<i32>} : memref<81920xf32, #tpu.memory_space<vmem>>, vector<16xf32>,
        tpu.vector_store %arg7[%parallel_loop3A_311], %parallel_loop3A_308 {strides = array<i32>} : memref<81920xf32, #tpu.memory_space<vmem>>, vector<16xf32>,
        %parallel_loop3A_313 = arith.constant 112 : i32
        %parallel_loop3A_314 = arith.addi %parallel_loop3A_254, %parallel_loop3A_313 : i32
        %parallel_loop3A_315 = arith.index_cast %parallel_loop3A_314 : i32 to index
        %parallel_loop3A_316 = tpu.vector_load %arg5[%parallel_loop3A_315] {strides = array<i32>} : memref<4096xf32, #tpu.memory_space<vmem>>, vector<16xf32>,
        %parallel_loop3A_317 = arith.constant 112 : i32
        %parallel_loop3A_318 = arith.addi %parallel_loop3A_256, %parallel_loop3A_317 : i32
        %parallel_loop3A_319 = arith.index_cast %parallel_loop3A_318 : i32 to index
        %parallel_loop3A_320 = tpu.vector_load %arg7[%parallel_loop3A_319] {strides = array<i32>} : memref<81920xf32, #tpu.memory_space<vmem>>, vector<16xf32>,
        tpu.vector_store %arg7[%parallel_loop3A_319], %parallel_loop3A_316 {strides = array<i32>} : memref<81920xf32, #tpu.memory_space<vmem>>, vector<16xf32>,
        %parallel_loop3A_321 = vector.extract_strided_slice %parallel_loop3A_107 {offsets = [3], sizes = [1], strides = [1]} : vector<16xi32> to vector<1xi32>
        %parallel_loop3A_322 = vector.extract %parallel_loop3A_321[0] : i32 from vector<1xi32>
        %parallel_loop3A_323 = arith.constant 128 : i32
        %parallel_loop3A_324 = arith.muli %parallel_loop3A_322, %parallel_loop3A_323 : i32
        %parallel_loop3A_325 = arith.constant 384 : i32
        %parallel_loop3A_326 = arith.addi %parallel_loop3A_110, %parallel_loop3A_325 : i32
        %parallel_loop3A_327 = arith.constant 0 : i32
        %parallel_loop3A_328 = arith.addi %parallel_loop3A_324, %parallel_loop3A_327 : i32
        %parallel_loop3A_329 = arith.index_cast %parallel_loop3A_328 : i32 to index
        %parallel_loop3A_330 = tpu.vector_load %arg5[%parallel_loop3A_329] {strides = array<i32>} : memref<4096xf32, #tpu.memory_space<vmem>>, vector<16xf32>,
        %parallel_loop3A_331 = arith.constant 0 : i32
        %parallel_loop3A_332 = arith.addi %parallel_loop3A_326, %parallel_loop3A_331 : i32
        %parallel_loop3A_333 = arith.index_cast %parallel_loop3A_332 : i32 to index
        %parallel_loop3A_334 = tpu.vector_load %arg7[%parallel_loop3A_333] {strides = array<i32>} : memref<81920xf32, #tpu.memory_space<vmem>>, vector<16xf32>,
        tpu.vector_store %arg7[%parallel_loop3A_333], %parallel_loop3A_330 {strides = array<i32>} : memref<81920xf32, #tpu.memory_space<vmem>>, vector<16xf32>,
        %parallel_loop3A_335 = arith.constant 16 : i32
        %parallel_loop3A_336 = arith.addi %parallel_loop3A_324, %parallel_loop3A_335 : i32
        %parallel_loop3A_337 = arith.index_cast %parallel_loop3A_336 : i32 to index
        %parallel_loop3A_338 = tpu.vector_load %arg5[%parallel_loop3A_337] {strides = array<i32>} : memref<4096xf32, #tpu.memory_space<vmem>>, vector<16xf32>,
        %parallel_loop3A_339 = arith.constant 16 : i32
        %parallel_loop3A_340 = arith.addi %parallel_loop3A_326, %parallel_loop3A_339 : i32
        %parallel_loop3A_341 = arith.index_cast %parallel_loop3A_340 : i32 to index
        %parallel_loop3A_342 = tpu.vector_load %arg7[%parallel_loop3A_341] {strides = array<i32>} : memref<81920xf32, #tpu.memory_space<vmem>>, vector<16xf32>,
        tpu.vector_store %arg7[%parallel_loop3A_341], %parallel_loop3A_338 {strides = array<i32>} : memref<81920xf32, #tpu.memory_space<vmem>>, vector<16xf32>,
        %parallel_loop3A_343 = arith.constant 32 : i32
        %parallel_loop3A_344 = arith.addi %parallel_loop3A_324, %parallel_loop3A_343 : i32
        %parallel_loop3A_345 = arith.index_cast %parallel_loop3A_344 : i32 to index
        %parallel_loop3A_346 = tpu.vector_load %arg5[%parallel_loop3A_345] {strides = array<i32>} : memref<4096xf32, #tpu.memory_space<vmem>>, vector<16xf32>,
        %parallel_loop3A_347 = arith.constant 32 : i32
        %parallel_loop3A_348 = arith.addi %parallel_loop3A_326, %parallel_loop3A_347 : i32
        %parallel_loop3A_349 = arith.index_cast %parallel_loop3A_348 : i32 to index
        %parallel_loop3A_350 = tpu.vector_load %arg7[%parallel_loop3A_349] {strides = array<i32>} : memref<81920xf32, #tpu.memory_space<vmem>>, vector<16xf32>,
        tpu.vector_store %arg7[%parallel_loop3A_349], %parallel_loop3A_346 {strides = array<i32>} : memref<81920xf32, #tpu.memory_space<vmem>>, vector<16xf32>,
        %parallel_loop3A_351 = arith.constant 48 : i32
        %parallel_loop3A_352 = arith.addi %parallel_loop3A_324, %parallel_loop3A_351 : i32
        %parallel_loop3A_353 = arith.index_cast %parallel_loop3A_352 : i32 to index
        %parallel_loop3A_354 = tpu.vector_load %arg5[%parallel_loop3A_353] {strides = array<i32>} : memref<4096xf32, #tpu.memory_space<vmem>>, vector<16xf32>,
        %parallel_loop3A_355 = arith.constant 48 : i32
        %parallel_loop3A_356 = arith.addi %parallel_loop3A_326, %parallel_loop3A_355 : i32
        %parallel_loop3A_357 = arith.index_cast %parallel_loop3A_356 : i32 to index
        %parallel_loop3A_358 = tpu.vector_load %arg7[%parallel_loop3A_357] {strides = array<i32>} : memref<81920xf32, #tpu.memory_space<vmem>>, vector<16xf32>,
        tpu.vector_store %arg7[%parallel_loop3A_357], %parallel_loop3A_354 {strides = array<i32>} : memref<81920xf32, #tpu.memory_space<vmem>>, vector<16xf32>,
        %parallel_loop3A_359 = arith.constant 64 : i32
        %parallel_loop3A_360 = arith.addi %parallel_loop3A_324, %parallel_loop3A_359 : i32
        %parallel_loop3A_361 = arith.index_cast %parallel_loop3A_360 : i32 to index
        %parallel_loop3A_362 = tpu.vector_load %arg5[%parallel_loop3A_361] {strides = array<i32>} : memref<4096xf32, #tpu.memory_space<vmem>>, vector<16xf32>,
        %parallel_loop3A_363 = arith.constant 64 : i32
        %parallel_loop3A_364 = arith.addi %parallel_loop3A_326, %parallel_loop3A_363 : i32
        %parallel_loop3A_365 = arith.index_cast %parallel_loop3A_364 : i32 to index
        %parallel_loop3A_366 = tpu.vector_load %arg7[%parallel_loop3A_365] {strides = array<i32>} : memref<81920xf32, #tpu.memory_space<vmem>>, vector<16xf32>,
        tpu.vector_store %arg7[%parallel_loop3A_365], %parallel_loop3A_362 {strides = array<i32>} : memref<81920xf32, #tpu.memory_space<vmem>>, vector<16xf32>,
        %parallel_loop3A_367 = arith.constant 80 : i32
        %parallel_loop3A_368 = arith.addi %parallel_loop3A_324, %parallel_loop3A_367 : i32
        %parallel_loop3A_369 = arith.index_cast %parallel_loop3A_368 : i32 to index
        %parallel_loop3A_370 = tpu.vector_load %arg5[%parallel_loop3A_369] {strides = array<i32>} : memref<4096xf32, #tpu.memory_space<vmem>>, vector<16xf32>,
        %parallel_loop3A_371 = arith.constant 80 : i32
        %parallel_loop3A_372 = arith.addi %parallel_loop3A_326, %parallel_loop3A_371 : i32
        %parallel_loop3A_373 = arith.index_cast %parallel_loop3A_372 : i32 to index
        %parallel_loop3A_374 = tpu.vector_load %arg7[%parallel_loop3A_373] {strides = array<i32>} : memref<81920xf32, #tpu.memory_space<vmem>>, vector<16xf32>,
        tpu.vector_store %arg7[%parallel_loop3A_373], %parallel_loop3A_370 {strides = array<i32>} : memref<81920xf32, #tpu.memory_space<vmem>>, vector<16xf32>,
        %parallel_loop3A_375 = arith.constant 96 : i32
        %parallel_loop3A_376 = arith.addi %parallel_loop3A_324, %parallel_loop3A_375 : i32
        %parallel_loop3A_377 = arith.index_cast %parallel_loop3A_376 : i32 to index
        %parallel_loop3A_378 = tpu.vector_load %arg5[%parallel_loop3A_377] {strides = array<i32>} : memref<4096xf32, #tpu.memory_space<vmem>>, vector<16xf32>,
        %parallel_loop3A_379 = arith.constant 96 : i32
        %parallel_loop3A_380 = arith.addi %parallel_loop3A_326, %parallel_loop3A_379 : i32
        %parallel_loop3A_381 = arith.index_cast %parallel_loop3A_380 : i32 to index
        %parallel_loop3A_382 = tpu.vector_load %arg7[%parallel_loop3A_381] {strides = array<i32>} : memref<81920xf32, #tpu.memory_space<vmem>>, vector<16xf32>,
        tpu.vector_store %arg7[%parallel_loop3A_381], %parallel_loop3A_378 {strides = array<i32>} : memref<81920xf32, #tpu.memory_space<vmem>>, vector<16xf32>,
        %parallel_loop3A_383 = arith.constant 112 : i32
        %parallel_loop3A_384 = arith.addi %parallel_loop3A_324, %parallel_loop3A_383 : i32
        %parallel_loop3A_385 = arith.index_cast %parallel_loop3A_384 : i32 to index
        %parallel_loop3A_386 = tpu.vector_load %arg5[%parallel_loop3A_385] {strides = array<i32>} : memref<4096xf32, #tpu.memory_space<vmem>>, vector<16xf32>,
        %parallel_loop3A_387 = arith.constant 112 : i32
        %parallel_loop3A_388 = arith.addi %parallel_loop3A_326, %parallel_loop3A_387 : i32
        %parallel_loop3A_389 = arith.index_cast %parallel_loop3A_388 : i32 to index
        %parallel_loop3A_390 = tpu.vector_load %arg7[%parallel_loop3A_389] {strides = array<i32>} : memref<81920xf32, #tpu.memory_space<vmem>>, vector<16xf32>,
        tpu.vector_store %arg7[%parallel_loop3A_389], %parallel_loop3A_386 {strides = array<i32>} : memref<81920xf32, #tpu.memory_space<vmem>>, vector<16xf32>,
        %parallel_loop3A_391 = vector.extract_strided_slice %parallel_loop3A_107 {offsets = [4], sizes = [1], strides = [1]} : vector<16xi32> to vector<1xi32>
        %parallel_loop3A_392 = vector.extract %parallel_loop3A_391[0] : i32 from vector<1xi32>
        %parallel_loop3A_393 = arith.constant 128 : i32
        %parallel_loop3A_394 = arith.muli %parallel_loop3A_392, %parallel_loop3A_393 : i32
        %parallel_loop3A_395 = arith.constant 512 : i32
        %parallel_loop3A_396 = arith.addi %parallel_loop3A_110, %parallel_loop3A_395 : i32
        %parallel_loop3A_397 = arith.constant 0 : i32
        %parallel_loop3A_398 = arith.addi %parallel_loop3A_394, %parallel_loop3A_397 : i32
        %parallel_loop3A_399 = arith.index_cast %parallel_loop3A_398 : i32 to index
        %parallel_loop3A_400 = tpu.vector_load %arg5[%parallel_loop3A_399] {strides = array<i32>} : memref<4096xf32, #tpu.memory_space<vmem>>, vector<16xf32>,
        %parallel_loop3A_401 = arith.constant 0 : i32
        %parallel_loop3A_402 = arith.addi %parallel_loop3A_396, %parallel_loop3A_401 : i32
        %parallel_loop3A_403 = arith.index_cast %parallel_loop3A_402 : i32 to index
        %parallel_loop3A_404 = tpu.vector_load %arg7[%parallel_loop3A_403] {strides = array<i32>} : memref<81920xf32, #tpu.memory_space<vmem>>, vector<16xf32>,
        tpu.vector_store %arg7[%parallel_loop3A_403], %parallel_loop3A_400 {strides = array<i32>} : memref<81920xf32, #tpu.memory_space<vmem>>, vector<16xf32>,
        %parallel_loop3A_405 = arith.constant 16 : i32
        %parallel_loop3A_406 = arith.addi %parallel_loop3A_394, %parallel_loop3A_405 : i32
        %parallel_loop3A_407 = arith.index_cast %parallel_loop3A_406 : i32 to index
        %parallel_loop3A_408 = tpu.vector_load %arg5[%parallel_loop3A_407] {strides = array<i32>} : memref<4096xf32, #tpu.memory_space<vmem>>, vector<16xf32>,
        %parallel_loop3A_409 = arith.constant 16 : i32
        %parallel_loop3A_410 = arith.addi %parallel_loop3A_396, %parallel_loop3A_409 : i32
        %parallel_loop3A_411 = arith.index_cast %parallel_loop3A_410 : i32 to index
        %parallel_loop3A_412 = tpu.vector_load %arg7[%parallel_loop3A_411] {strides = array<i32>} : memref<81920xf32, #tpu.memory_space<vmem>>, vector<16xf32>,
        tpu.vector_store %arg7[%parallel_loop3A_411], %parallel_loop3A_408 {strides = array<i32>} : memref<81920xf32, #tpu.memory_space<vmem>>, vector<16xf32>,
        %parallel_loop3A_413 = arith.constant 32 : i32
        %parallel_loop3A_414 = arith.addi %parallel_loop3A_394, %parallel_loop3A_413 : i32
        %parallel_loop3A_415 = arith.index_cast %parallel_loop3A_414 : i32 to index
        %parallel_loop3A_416 = tpu.vector_load %arg5[%parallel_loop3A_415] {strides = array<i32>} : memref<4096xf32, #tpu.memory_space<vmem>>, vector<16xf32>,
        %parallel_loop3A_417 = arith.constant 32 : i32
        %parallel_loop3A_418 = arith.addi %parallel_loop3A_396, %parallel_loop3A_417 : i32
        %parallel_loop3A_419 = arith.index_cast %parallel_loop3A_418 : i32 to index
        %parallel_loop3A_420 = tpu.vector_load %arg7[%parallel_loop3A_419] {strides = array<i32>} : memref<81920xf32, #tpu.memory_space<vmem>>, vector<16xf32>,
        tpu.vector_store %arg7[%parallel_loop3A_419], %parallel_loop3A_416 {strides = array<i32>} : memref<81920xf32, #tpu.memory_space<vmem>>, vector<16xf32>,
        %parallel_loop3A_421 = arith.constant 48 : i32
        %parallel_loop3A_422 = arith.addi %parallel_loop3A_394, %parallel_loop3A_421 : i32
        %parallel_loop3A_423 = arith.index_cast %parallel_loop3A_422 : i32 to index
        %parallel_loop3A_424 = tpu.vector_load %arg5[%parallel_loop3A_423] {strides = array<i32>} : memref<4096xf32, #tpu.memory_space<vmem>>, vector<16xf32>,
        %parallel_loop3A_425 = arith.constant 48 : i32
        %parallel_loop3A_426 = arith.addi %parallel_loop3A_396, %parallel_loop3A_425 : i32
        %parallel_loop3A_427 = arith.index_cast %parallel_loop3A_426 : i32 to index
        %parallel_loop3A_428 = tpu.vector_load %arg7[%parallel_loop3A_427] {strides = array<i32>} : memref<81920xf32, #tpu.memory_space<vmem>>, vector<16xf32>,
        tpu.vector_store %arg7[%parallel_loop3A_427], %parallel_loop3A_424 {strides = array<i32>} : memref<81920xf32, #tpu.memory_space<vmem>>, vector<16xf32>,
        %parallel_loop3A_429 = arith.constant 64 : i32
        %parallel_loop3A_430 = arith.addi %parallel_loop3A_394, %parallel_loop3A_429 : i32
        %parallel_loop3A_431 = arith.index_cast %parallel_loop3A_430 : i32 to index
        %parallel_loop3A_432 = tpu.vector_load %arg5[%parallel_loop3A_431] {strides = array<i32>} : memref<4096xf32, #tpu.memory_space<vmem>>, vector<16xf32>,
        %parallel_loop3A_433 = arith.constant 64 : i32
        %parallel_loop3A_434 = arith.addi %parallel_loop3A_396, %parallel_loop3A_433 : i32
        %parallel_loop3A_435 = arith.index_cast %parallel_loop3A_434 : i32 to index
        %parallel_loop3A_436 = tpu.vector_load %arg7[%parallel_loop3A_435] {strides = array<i32>} : memref<81920xf32, #tpu.memory_space<vmem>>, vector<16xf32>,
        tpu.vector_store %arg7[%parallel_loop3A_435], %parallel_loop3A_432 {strides = array<i32>} : memref<81920xf32, #tpu.memory_space<vmem>>, vector<16xf32>,
        %parallel_loop3A_437 = arith.constant 80 : i32
        %parallel_loop3A_438 = arith.addi %parallel_loop3A_394, %parallel_loop3A_437 : i32
        %parallel_loop3A_439 = arith.index_cast %parallel_loop3A_438 : i32 to index
        %parallel_loop3A_440 = tpu.vector_load %arg5[%parallel_loop3A_439] {strides = array<i32>} : memref<4096xf32, #tpu.memory_space<vmem>>, vector<16xf32>,
        %parallel_loop3A_441 = arith.constant 80 : i32
        %parallel_loop3A_442 = arith.addi %parallel_loop3A_396, %parallel_loop3A_441 : i32
        %parallel_loop3A_443 = arith.index_cast %parallel_loop3A_442 : i32 to index
        %parallel_loop3A_444 = tpu.vector_load %arg7[%parallel_loop3A_443] {strides = array<i32>} : memref<81920xf32, #tpu.memory_space<vmem>>, vector<16xf32>,
        tpu.vector_store %arg7[%parallel_loop3A_443], %parallel_loop3A_440 {strides = array<i32>} : memref<81920xf32, #tpu.memory_space<vmem>>, vector<16xf32>,
        %parallel_loop3A_445 = arith.constant 96 : i32
        %parallel_loop3A_446 = arith.addi %parallel_loop3A_394, %parallel_loop3A_445 : i32
        %parallel_loop3A_447 = arith.index_cast %parallel_loop3A_446 : i32 to index
        %parallel_loop3A_448 = tpu.vector_load %arg5[%parallel_loop3A_447] {strides = array<i32>} : memref<4096xf32, #tpu.memory_space<vmem>>, vector<16xf32>,
        %parallel_loop3A_449 = arith.constant 96 : i32
        %parallel_loop3A_450 = arith.addi %parallel_loop3A_396, %parallel_loop3A_449 : i32
        %parallel_loop3A_451 = arith.index_cast %parallel_loop3A_450 : i32 to index
        %parallel_loop3A_452 = tpu.vector_load %arg7[%parallel_loop3A_451] {strides = array<i32>} : memref<81920xf32, #tpu.memory_space<vmem>>, vector<16xf32>,
        tpu.vector_store %arg7[%parallel_loop3A_451], %parallel_loop3A_448 {strides = array<i32>} : memref<81920xf32, #tpu.memory_space<vmem>>, vector<16xf32>,
        %parallel_loop3A_453 = arith.constant 112 : i32
        %parallel_loop3A_454 = arith.addi %parallel_loop3A_394, %parallel_loop3A_453 : i32
        %parallel_loop3A_455 = arith.index_cast %parallel_loop3A_454 : i32 to index
        %parallel_loop3A_456 = tpu.vector_load %arg5[%parallel_loop3A_455] {strides = array<i32>} : memref<4096xf32, #tpu.memory_space<vmem>>, vector<16xf32>,
        %parallel_loop3A_457 = arith.constant 112 : i32
        %parallel_loop3A_458 = arith.addi %parallel_loop3A_396, %parallel_loop3A_457 : i32
        %parallel_loop3A_459 = arith.index_cast %parallel_loop3A_458 : i32 to index
        %parallel_loop3A_460 = tpu.vector_load %arg7[%parallel_loop3A_459] {strides = array<i32>} : memref<81920xf32, #tpu.memory_space<vmem>>, vector<16xf32>,
        tpu.vector_store %arg7[%parallel_loop3A_459], %parallel_loop3A_456 {strides = array<i32>} : memref<81920xf32, #tpu.memory_space<vmem>>, vector<16xf32>,
        %parallel_loop3A_461 = vector.extract_strided_slice %parallel_loop3A_107 {offsets = [5], sizes = [1], strides = [1]} : vector<16xi32> to vector<1xi32>
        %parallel_loop3A_462 = vector.extract %parallel_loop3A_461[0] : i32 from vector<1xi32>
        %parallel_loop3A_463 = arith.constant 128 : i32
        %parallel_loop3A_464 = arith.muli %parallel_loop3A_462, %parallel_loop3A_463 : i32
        %parallel_loop3A_465 = arith.constant 640 : i32
        %parallel_loop3A_466 = arith.addi %parallel_loop3A_110, %parallel_loop3A_465 : i32
        %parallel_loop3A_467 = arith.constant 0 : i32
        %parallel_loop3A_468 = arith.addi %parallel_loop3A_464, %parallel_loop3A_467 : i32
        %parallel_loop3A_469 = arith.index_cast %parallel_loop3A_468 : i32 to index
        %parallel_loop3A_470 = tpu.vector_load %arg5[%parallel_loop3A_469] {strides = array<i32>} : memref<4096xf32, #tpu.memory_space<vmem>>, vector<16xf32>,
        %parallel_loop3A_471 = arith.constant 0 : i32
        %parallel_loop3A_472 = arith.addi %parallel_loop3A_466, %parallel_loop3A_471 : i32
        %parallel_loop3A_473 = arith.index_cast %parallel_loop3A_472 : i32 to index
        %parallel_loop3A_474 = tpu.vector_load %arg7[%parallel_loop3A_473] {strides = array<i32>} : memref<81920xf32, #tpu.memory_space<vmem>>, vector<16xf32>,
        tpu.vector_store %arg7[%parallel_loop3A_473], %parallel_loop3A_470 {strides = array<i32>} : memref<81920xf32, #tpu.memory_space<vmem>>, vector<16xf32>,
        %parallel_loop3A_475 = arith.constant 16 : i32
        %parallel_loop3A_476 = arith.addi %parallel_loop3A_464, %parallel_loop3A_475 : i32
        %parallel_loop3A_477 = arith.index_cast %parallel_loop3A_476 : i32 to index
        %parallel_loop3A_478 = tpu.vector_load %arg5[%parallel_loop3A_477] {strides = array<i32>} : memref<4096xf32, #tpu.memory_space<vmem>>, vector<16xf32>,
        %parallel_loop3A_479 = arith.constant 16 : i32
        %parallel_loop3A_480 = arith.addi %parallel_loop3A_466, %parallel_loop3A_479 : i32
        %parallel_loop3A_481 = arith.index_cast %parallel_loop3A_480 : i32 to index
        %parallel_loop3A_482 = tpu.vector_load %arg7[%parallel_loop3A_481] {strides = array<i32>} : memref<81920xf32, #tpu.memory_space<vmem>>, vector<16xf32>,
        tpu.vector_store %arg7[%parallel_loop3A_481], %parallel_loop3A_478 {strides = array<i32>} : memref<81920xf32, #tpu.memory_space<vmem>>, vector<16xf32>,
        %parallel_loop3A_483 = arith.constant 32 : i32
        %parallel_loop3A_484 = arith.addi %parallel_loop3A_464, %parallel_loop3A_483 : i32
        %parallel_loop3A_485 = arith.index_cast %parallel_loop3A_484 : i32 to index
        %parallel_loop3A_486 = tpu.vector_load %arg5[%parallel_loop3A_485] {strides = array<i32>} : memref<4096xf32, #tpu.memory_space<vmem>>, vector<16xf32>,
        %parallel_loop3A_487 = arith.constant 32 : i32
        %parallel_loop3A_488 = arith.addi %parallel_loop3A_466, %parallel_loop3A_487 : i32
        %parallel_loop3A_489 = arith.index_cast %parallel_loop3A_488 : i32 to index
        %parallel_loop3A_490 = tpu.vector_load %arg7[%parallel_loop3A_489] {strides = array<i32>} : memref<81920xf32, #tpu.memory_space<vmem>>, vector<16xf32>,
        tpu.vector_store %arg7[%parallel_loop3A_489], %parallel_loop3A_486 {strides = array<i32>} : memref<81920xf32, #tpu.memory_space<vmem>>, vector<16xf32>,
        %parallel_loop3A_491 = arith.constant 48 : i32
        %parallel_loop3A_492 = arith.addi %parallel_loop3A_464, %parallel_loop3A_491 : i32
        %parallel_loop3A_493 = arith.index_cast %parallel_loop3A_492 : i32 to index
        %parallel_loop3A_494 = tpu.vector_load %arg5[%parallel_loop3A_493] {strides = array<i32>} : memref<4096xf32, #tpu.memory_space<vmem>>, vector<16xf32>,
        %parallel_loop3A_495 = arith.constant 48 : i32
        %parallel_loop3A_496 = arith.addi %parallel_loop3A_466, %parallel_loop3A_495 : i32
        %parallel_loop3A_497 = arith.index_cast %parallel_loop3A_496 : i32 to index
        %parallel_loop3A_498 = tpu.vector_load %arg7[%parallel_loop3A_497] {strides = array<i32>} : memref<81920xf32, #tpu.memory_space<vmem>>, vector<16xf32>,
        tpu.vector_store %arg7[%parallel_loop3A_497], %parallel_loop3A_494 {strides = array<i32>} : memref<81920xf32, #tpu.memory_space<vmem>>, vector<16xf32>,
        %parallel_loop3A_499 = arith.constant 64 : i32
        %parallel_loop3A_500 = arith.addi %parallel_loop3A_464, %parallel_loop3A_499 : i32
        %parallel_loop3A_501 = arith.index_cast %parallel_loop3A_500 : i32 to index
        %parallel_loop3A_502 = tpu.vector_load %arg5[%parallel_loop3A_501] {strides = array<i32>} : memref<4096xf32, #tpu.memory_space<vmem>>, vector<16xf32>,
        %parallel_loop3A_503 = arith.constant 64 : i32
        %parallel_loop3A_504 = arith.addi %parallel_loop3A_466, %parallel_loop3A_503 : i32
        %parallel_loop3A_505 = arith.index_cast %parallel_loop3A_504 : i32 to index
        %parallel_loop3A_506 = tpu.vector_load %arg7[%parallel_loop3A_505] {strides = array<i32>} : memref<81920xf32, #tpu.memory_space<vmem>>, vector<16xf32>,
        tpu.vector_store %arg7[%parallel_loop3A_505], %parallel_loop3A_502 {strides = array<i32>} : memref<81920xf32, #tpu.memory_space<vmem>>, vector<16xf32>,
        %parallel_loop3A_507 = arith.constant 80 : i32
        %parallel_loop3A_508 = arith.addi %parallel_loop3A_464, %parallel_loop3A_507 : i32
        %parallel_loop3A_509 = arith.index_cast %parallel_loop3A_508 : i32 to index
        %parallel_loop3A_510 = tpu.vector_load %arg5[%parallel_loop3A_509] {strides = array<i32>} : memref<4096xf32, #tpu.memory_space<vmem>>, vector<16xf32>,
        %parallel_loop3A_511 = arith.constant 80 : i32
        %parallel_loop3A_512 = arith.addi %parallel_loop3A_466, %parallel_loop3A_511 : i32
        %parallel_loop3A_513 = arith.index_cast %parallel_loop3A_512 : i32 to index
        %parallel_loop3A_514 = tpu.vector_load %arg7[%parallel_loop3A_513] {strides = array<i32>} : memref<81920xf32, #tpu.memory_space<vmem>>, vector<16xf32>,
        tpu.vector_store %arg7[%parallel_loop3A_513], %parallel_loop3A_510 {strides = array<i32>} : memref<81920xf32, #tpu.memory_space<vmem>>, vector<16xf32>,
        %parallel_loop3A_515 = arith.constant 96 : i32
        %parallel_loop3A_516 = arith.addi %parallel_loop3A_464, %parallel_loop3A_515 : i32
        %parallel_loop3A_517 = arith.index_cast %parallel_loop3A_516 : i32 to index
        %parallel_loop3A_518 = tpu.vector_load %arg5[%parallel_loop3A_517] {strides = array<i32>} : memref<4096xf32, #tpu.memory_space<vmem>>, vector<16xf32>,
        %parallel_loop3A_519 = arith.constant 96 : i32
        %parallel_loop3A_520 = arith.addi %parallel_loop3A_466, %parallel_loop3A_519 : i32
        %parallel_loop3A_521 = arith.index_cast %parallel_loop3A_520 : i32 to index
        %parallel_loop3A_522 = tpu.vector_load %arg7[%parallel_loop3A_521] {strides = array<i32>} : memref<81920xf32, #tpu.memory_space<vmem>>, vector<16xf32>,
        tpu.vector_store %arg7[%parallel_loop3A_521], %parallel_loop3A_518 {strides = array<i32>} : memref<81920xf32, #tpu.memory_space<vmem>>, vector<16xf32>,
        %parallel_loop3A_523 = arith.constant 112 : i32
        %parallel_loop3A_524 = arith.addi %parallel_loop3A_464, %parallel_loop3A_523 : i32
        %parallel_loop3A_525 = arith.index_cast %parallel_loop3A_524 : i32 to index
        %parallel_loop3A_526 = tpu.vector_load %arg5[%parallel_loop3A_525] {strides = array<i32>} : memref<4096xf32, #tpu.memory_space<vmem>>, vector<16xf32>,
        %parallel_loop3A_527 = arith.constant 112 : i32
        %parallel_loop3A_528 = arith.addi %parallel_loop3A_466, %parallel_loop3A_527 : i32
        %parallel_loop3A_529 = arith.index_cast %parallel_loop3A_528 : i32 to index
        %parallel_loop3A_530 = tpu.vector_load %arg7[%parallel_loop3A_529] {strides = array<i32>} : memref<81920xf32, #tpu.memory_space<vmem>>, vector<16xf32>,
        tpu.vector_store %arg7[%parallel_loop3A_529], %parallel_loop3A_526 {strides = array<i32>} : memref<81920xf32, #tpu.memory_space<vmem>>, vector<16xf32>,
        %parallel_loop3A_531 = vector.extract_strided_slice %parallel_loop3A_107 {offsets = [6], sizes = [1], strides = [1]} : vector<16xi32> to vector<1xi32>
        %parallel_loop3A_532 = vector.extract %parallel_loop3A_531[0] : i32 from vector<1xi32>
        %parallel_loop3A_533 = arith.constant 128 : i32
        %parallel_loop3A_534 = arith.muli %parallel_loop3A_532, %parallel_loop3A_533 : i32
        %parallel_loop3A_535 = arith.constant 768 : i32
        %parallel_loop3A_536 = arith.addi %parallel_loop3A_110, %parallel_loop3A_535 : i32
        %parallel_loop3A_537 = arith.constant 0 : i32
        %parallel_loop3A_538 = arith.addi %parallel_loop3A_534, %parallel_loop3A_537 : i32
        %parallel_loop3A_539 = arith.index_cast %parallel_loop3A_538 : i32 to index
        %parallel_loop3A_540 = tpu.vector_load %arg5[%parallel_loop3A_539] {strides = array<i32>} : memref<4096xf32, #tpu.memory_space<vmem>>, vector<16xf32>,
        %parallel_loop3A_541 = arith.constant 0 : i32
        %parallel_loop3A_542 = arith.addi %parallel_loop3A_536, %parallel_loop3A_541 : i32
        %parallel_loop3A_543 = arith.index_cast %parallel_loop3A_542 : i32 to index
        %parallel_loop3A_544 = tpu.vector_load %arg7[%parallel_loop3A_543] {strides = array<i32>} : memref<81920xf32, #tpu.memory_space<vmem>>, vector<16xf32>,
        tpu.vector_store %arg7[%parallel_loop3A_543], %parallel_loop3A_540 {strides = array<i32>} : memref<81920xf32, #tpu.memory_space<vmem>>, vector<16xf32>,
        %parallel_loop3A_545 = arith.constant 16 : i32
        %parallel_loop3A_546 = arith.addi %parallel_loop3A_534, %parallel_loop3A_545 : i32
        %parallel_loop3A_547 = arith.index_cast %parallel_loop3A_546 : i32 to index
        %parallel_loop3A_548 = tpu.vector_load %arg5[%parallel_loop3A_547] {strides = array<i32>} : memref<4096xf32, #tpu.memory_space<vmem>>, vector<16xf32>,
        %parallel_loop3A_549 = arith.constant 16 : i32
        %parallel_loop3A_550 = arith.addi %parallel_loop3A_536, %parallel_loop3A_549 : i32
        %parallel_loop3A_551 = arith.index_cast %parallel_loop3A_550 : i32 to index
        %parallel_loop3A_552 = tpu.vector_load %arg7[%parallel_loop3A_551] {strides = array<i32>} : memref<81920xf32, #tpu.memory_space<vmem>>, vector<16xf32>,
        tpu.vector_store %arg7[%parallel_loop3A_551], %parallel_loop3A_548 {strides = array<i32>} : memref<81920xf32, #tpu.memory_space<vmem>>, vector<16xf32>,
        %parallel_loop3A_553 = arith.constant 32 : i32
        %parallel_loop3A_554 = arith.addi %parallel_loop3A_534, %parallel_loop3A_553 : i32
        %parallel_loop3A_555 = arith.index_cast %parallel_loop3A_554 : i32 to index
        %parallel_loop3A_556 = tpu.vector_load %arg5[%parallel_loop3A_555] {strides = array<i32>} : memref<4096xf32, #tpu.memory_space<vmem>>, vector<16xf32>,
        %parallel_loop3A_557 = arith.constant 32 : i32
        %parallel_loop3A_558 = arith.addi %parallel_loop3A_536, %parallel_loop3A_557 : i32
        %parallel_loop3A_559 = arith.index_cast %parallel_loop3A_558 : i32 to index
        %parallel_loop3A_560 = tpu.vector_load %arg7[%parallel_loop3A_559] {strides = array<i32>} : memref<81920xf32, #tpu.memory_space<vmem>>, vector<16xf32>,
        tpu.vector_store %arg7[%parallel_loop3A_559], %parallel_loop3A_556 {strides = array<i32>} : memref<81920xf32, #tpu.memory_space<vmem>>, vector<16xf32>,
        %parallel_loop3A_561 = arith.constant 48 : i32
        %parallel_loop3A_562 = arith.addi %parallel_loop3A_534, %parallel_loop3A_561 : i32
        %parallel_loop3A_563 = arith.index_cast %parallel_loop3A_562 : i32 to index
        %parallel_loop3A_564 = tpu.vector_load %arg5[%parallel_loop3A_563] {strides = array<i32>} : memref<4096xf32, #tpu.memory_space<vmem>>, vector<16xf32>,
        %parallel_loop3A_565 = arith.constant 48 : i32
        %parallel_loop3A_566 = arith.addi %parallel_loop3A_536, %parallel_loop3A_565 : i32
        %parallel_loop3A_567 = arith.index_cast %parallel_loop3A_566 : i32 to index
        %parallel_loop3A_568 = tpu.vector_load %arg7[%parallel_loop3A_567] {strides = array<i32>} : memref<81920xf32, #tpu.memory_space<vmem>>, vector<16xf32>,
        tpu.vector_store %arg7[%parallel_loop3A_567], %parallel_loop3A_564 {strides = array<i32>} : memref<81920xf32, #tpu.memory_space<vmem>>, vector<16xf32>,
        %parallel_loop3A_569 = arith.constant 64 : i32
        %parallel_loop3A_570 = arith.addi %parallel_loop3A_534, %parallel_loop3A_569 : i32
        %parallel_loop3A_571 = arith.index_cast %parallel_loop3A_570 : i32 to index
        %parallel_loop3A_572 = tpu.vector_load %arg5[%parallel_loop3A_571] {strides = array<i32>} : memref<4096xf32, #tpu.memory_space<vmem>>, vector<16xf32>,
        %parallel_loop3A_573 = arith.constant 64 : i32
        %parallel_loop3A_574 = arith.addi %parallel_loop3A_536, %parallel_loop3A_573 : i32
        %parallel_loop3A_575 = arith.index_cast %parallel_loop3A_574 : i32 to index
        %parallel_loop3A_576 = tpu.vector_load %arg7[%parallel_loop3A_575] {strides = array<i32>} : memref<81920xf32, #tpu.memory_space<vmem>>, vector<16xf32>,
        tpu.vector_store %arg7[%parallel_loop3A_575], %parallel_loop3A_572 {strides = array<i32>} : memref<81920xf32, #tpu.memory_space<vmem>>, vector<16xf32>,
        %parallel_loop3A_577 = arith.constant 80 : i32
        %parallel_loop3A_578 = arith.addi %parallel_loop3A_534, %parallel_loop3A_577 : i32
        %parallel_loop3A_579 = arith.index_cast %parallel_loop3A_578 : i32 to index
        %parallel_loop3A_580 = tpu.vector_load %arg5[%parallel_loop3A_579] {strides = array<i32>} : memref<4096xf32, #tpu.memory_space<vmem>>, vector<16xf32>,
        %parallel_loop3A_581 = arith.constant 80 : i32
        %parallel_loop3A_582 = arith.addi %parallel_loop3A_536, %parallel_loop3A_581 : i32
        %parallel_loop3A_583 = arith.index_cast %parallel_loop3A_582 : i32 to index
        %parallel_loop3A_584 = tpu.vector_load %arg7[%parallel_loop3A_583] {strides = array<i32>} : memref<81920xf32, #tpu.memory_space<vmem>>, vector<16xf32>,
        tpu.vector_store %arg7[%parallel_loop3A_583], %parallel_loop3A_580 {strides = array<i32>} : memref<81920xf32, #tpu.memory_space<vmem>>, vector<16xf32>,
        %parallel_loop3A_585 = arith.constant 96 : i32
        %parallel_loop3A_586 = arith.addi %parallel_loop3A_534, %parallel_loop3A_585 : i32
        %parallel_loop3A_587 = arith.index_cast %parallel_loop3A_586 : i32 to index
        %parallel_loop3A_588 = tpu.vector_load %arg5[%parallel_loop3A_587] {strides = array<i32>} : memref<4096xf32, #tpu.memory_space<vmem>>, vector<16xf32>,
        %parallel_loop3A_589 = arith.constant 96 : i32
        %parallel_loop3A_590 = arith.addi %parallel_loop3A_536, %parallel_loop3A_589 : i32
        %parallel_loop3A_591 = arith.index_cast %parallel_loop3A_590 : i32 to index
        %parallel_loop3A_592 = tpu.vector_load %arg7[%parallel_loop3A_591] {strides = array<i32>} : memref<81920xf32, #tpu.memory_space<vmem>>, vector<16xf32>,
        tpu.vector_store %arg7[%parallel_loop3A_591], %parallel_loop3A_588 {strides = array<i32>} : memref<81920xf32, #tpu.memory_space<vmem>>, vector<16xf32>,
        %parallel_loop3A_593 = arith.constant 112 : i32
        %parallel_loop3A_594 = arith.addi %parallel_loop3A_534, %parallel_loop3A_593 : i32
        %parallel_loop3A_595 = arith.index_cast %parallel_loop3A_594 : i32 to index
        %parallel_loop3A_596 = tpu.vector_load %arg5[%parallel_loop3A_595] {strides = array<i32>} : memref<4096xf32, #tpu.memory_space<vmem>>, vector<16xf32>,
        %parallel_loop3A_597 = arith.constant 112 : i32
        %parallel_loop3A_598 = arith.addi %parallel_loop3A_536, %parallel_loop3A_597 : i32
        %parallel_loop3A_599 = arith.index_cast %parallel_loop3A_598 : i32 to index
        %parallel_loop3A_600 = tpu.vector_load %arg7[%parallel_loop3A_599] {strides = array<i32>} : memref<81920xf32, #tpu.memory_space<vmem>>, vector<16xf32>,
        tpu.vector_store %arg7[%parallel_loop3A_599], %parallel_loop3A_596 {strides = array<i32>} : memref<81920xf32, #tpu.memory_space<vmem>>, vector<16xf32>,
        %parallel_loop3A_601 = vector.extract_strided_slice %parallel_loop3A_107 {offsets = [7], sizes = [1], strides = [1]} : vector<16xi32> to vector<1xi32>
        %parallel_loop3A_602 = vector.extract %parallel_loop3A_601[0] : i32 from vector<1xi32>
        %parallel_loop3A_603 = arith.constant 128 : i32
        %parallel_loop3A_604 = arith.muli %parallel_loop3A_602, %parallel_loop3A_603 : i32
        %parallel_loop3A_605 = arith.constant 896 : i32
        %parallel_loop3A_606 = arith.addi %parallel_loop3A_110, %parallel_loop3A_605 : i32
        %parallel_loop3A_607 = arith.constant 0 : i32
        %parallel_loop3A_608 = arith.addi %parallel_loop3A_604, %parallel_loop3A_607 : i32
        %parallel_loop3A_609 = arith.index_cast %parallel_loop3A_608 : i32 to index
        %parallel_loop3A_610 = tpu.vector_load %arg5[%parallel_loop3A_609] {strides = array<i32>} : memref<4096xf32, #tpu.memory_space<vmem>>, vector<16xf32>,
        %parallel_loop3A_611 = arith.constant 0 : i32
        %parallel_loop3A_612 = arith.addi %parallel_loop3A_606, %parallel_loop3A_611 : i32
        %parallel_loop3A_613 = arith.index_cast %parallel_loop3A_612 : i32 to index
        %parallel_loop3A_614 = tpu.vector_load %arg7[%parallel_loop3A_613] {strides = array<i32>} : memref<81920xf32, #tpu.memory_space<vmem>>, vector<16xf32>,
        tpu.vector_store %arg7[%parallel_loop3A_613], %parallel_loop3A_610 {strides = array<i32>} : memref<81920xf32, #tpu.memory_space<vmem>>, vector<16xf32>,
        %parallel_loop3A_615 = arith.constant 16 : i32
        %parallel_loop3A_616 = arith.addi %parallel_loop3A_604, %parallel_loop3A_615 : i32
        %parallel_loop3A_617 = arith.index_cast %parallel_loop3A_616 : i32 to index
        %parallel_loop3A_618 = tpu.vector_load %arg5[%parallel_loop3A_617] {strides = array<i32>} : memref<4096xf32, #tpu.memory_space<vmem>>, vector<16xf32>,
        %parallel_loop3A_619 = arith.constant 16 : i32
        %parallel_loop3A_620 = arith.addi %parallel_loop3A_606, %parallel_loop3A_619 : i32
        %parallel_loop3A_621 = arith.index_cast %parallel_loop3A_620 : i32 to index
        %parallel_loop3A_622 = tpu.vector_load %arg7[%parallel_loop3A_621] {strides = array<i32>} : memref<81920xf32, #tpu.memory_space<vmem>>, vector<16xf32>,
        tpu.vector_store %arg7[%parallel_loop3A_621], %parallel_loop3A_618 {strides = array<i32>} : memref<81920xf32, #tpu.memory_space<vmem>>, vector<16xf32>,
        %parallel_loop3A_623 = arith.constant 32 : i32
        %parallel_loop3A_624 = arith.addi %parallel_loop3A_604, %parallel_loop3A_623 : i32
        %parallel_loop3A_625 = arith.index_cast %parallel_loop3A_624 : i32 to index
        %parallel_loop3A_626 = tpu.vector_load %arg5[%parallel_loop3A_625] {strides = array<i32>} : memref<4096xf32, #tpu.memory_space<vmem>>, vector<16xf32>,
        %parallel_loop3A_627 = arith.constant 32 : i32
        %parallel_loop3A_628 = arith.addi %parallel_loop3A_606, %parallel_loop3A_627 : i32
        %parallel_loop3A_629 = arith.index_cast %parallel_loop3A_628 : i32 to index
        %parallel_loop3A_630 = tpu.vector_load %arg7[%parallel_loop3A_629] {strides = array<i32>} : memref<81920xf32, #tpu.memory_space<vmem>>, vector<16xf32>,
        tpu.vector_store %arg7[%parallel_loop3A_629], %parallel_loop3A_626 {strides = array<i32>} : memref<81920xf32, #tpu.memory_space<vmem>>, vector<16xf32>,
        %parallel_loop3A_631 = arith.constant 48 : i32
        %parallel_loop3A_632 = arith.addi %parallel_loop3A_604, %parallel_loop3A_631 : i32
        %parallel_loop3A_633 = arith.index_cast %parallel_loop3A_632 : i32 to index
        %parallel_loop3A_634 = tpu.vector_load %arg5[%parallel_loop3A_633] {strides = array<i32>} : memref<4096xf32, #tpu.memory_space<vmem>>, vector<16xf32>,
        %parallel_loop3A_635 = arith.constant 48 : i32
        %parallel_loop3A_636 = arith.addi %parallel_loop3A_606, %parallel_loop3A_635 : i32
        %parallel_loop3A_637 = arith.index_cast %parallel_loop3A_636 : i32 to index
        %parallel_loop3A_638 = tpu.vector_load %arg7[%parallel_loop3A_637] {strides = array<i32>} : memref<81920xf32, #tpu.memory_space<vmem>>, vector<16xf32>,
        tpu.vector_store %arg7[%parallel_loop3A_637], %parallel_loop3A_634 {strides = array<i32>} : memref<81920xf32, #tpu.memory_space<vmem>>, vector<16xf32>,
        %parallel_loop3A_639 = arith.constant 64 : i32
        %parallel_loop3A_640 = arith.addi %parallel_loop3A_604, %parallel_loop3A_639 : i32
        %parallel_loop3A_641 = arith.index_cast %parallel_loop3A_640 : i32 to index
        %parallel_loop3A_642 = tpu.vector_load %arg5[%parallel_loop3A_641] {strides = array<i32>} : memref<4096xf32, #tpu.memory_space<vmem>>, vector<16xf32>,
        %parallel_loop3A_643 = arith.constant 64 : i32
        %parallel_loop3A_644 = arith.addi %parallel_loop3A_606, %parallel_loop3A_643 : i32
        %parallel_loop3A_645 = arith.index_cast %parallel_loop3A_644 : i32 to index
        %parallel_loop3A_646 = tpu.vector_load %arg7[%parallel_loop3A_645] {strides = array<i32>} : memref<81920xf32, #tpu.memory_space<vmem>>, vector<16xf32>,
        tpu.vector_store %arg7[%parallel_loop3A_645], %parallel_loop3A_642 {strides = array<i32>} : memref<81920xf32, #tpu.memory_space<vmem>>, vector<16xf32>,
        %parallel_loop3A_647 = arith.constant 80 : i32
        %parallel_loop3A_648 = arith.addi %parallel_loop3A_604, %parallel_loop3A_647 : i32
        %parallel_loop3A_649 = arith.index_cast %parallel_loop3A_648 : i32 to index
        %parallel_loop3A_650 = tpu.vector_load %arg5[%parallel_loop3A_649] {strides = array<i32>} : memref<4096xf32, #tpu.memory_space<vmem>>, vector<16xf32>,
        %parallel_loop3A_651 = arith.constant 80 : i32
        %parallel_loop3A_652 = arith.addi %parallel_loop3A_606, %parallel_loop3A_651 : i32
        %parallel_loop3A_653 = arith.index_cast %parallel_loop3A_652 : i32 to index
        %parallel_loop3A_654 = tpu.vector_load %arg7[%parallel_loop3A_653] {strides = array<i32>} : memref<81920xf32, #tpu.memory_space<vmem>>, vector<16xf32>,
        tpu.vector_store %arg7[%parallel_loop3A_653], %parallel_loop3A_650 {strides = array<i32>} : memref<81920xf32, #tpu.memory_space<vmem>>, vector<16xf32>,
        %parallel_loop3A_655 = arith.constant 96 : i32
        %parallel_loop3A_656 = arith.addi %parallel_loop3A_604, %parallel_loop3A_655 : i32
        %parallel_loop3A_657 = arith.index_cast %parallel_loop3A_656 : i32 to index
        %parallel_loop3A_658 = tpu.vector_load %arg5[%parallel_loop3A_657] {strides = array<i32>} : memref<4096xf32, #tpu.memory_space<vmem>>, vector<16xf32>,
        %parallel_loop3A_659 = arith.constant 96 : i32
        %parallel_loop3A_660 = arith.addi %parallel_loop3A_606, %parallel_loop3A_659 : i32
        %parallel_loop3A_661 = arith.index_cast %parallel_loop3A_660 : i32 to index
        %parallel_loop3A_662 = tpu.vector_load %arg7[%parallel_loop3A_661] {strides = array<i32>} : memref<81920xf32, #tpu.memory_space<vmem>>, vector<16xf32>,
        tpu.vector_store %arg7[%parallel_loop3A_661], %parallel_loop3A_658 {strides = array<i32>} : memref<81920xf32, #tpu.memory_space<vmem>>, vector<16xf32>,
        %parallel_loop3A_663 = arith.constant 112 : i32
        %parallel_loop3A_664 = arith.addi %parallel_loop3A_604, %parallel_loop3A_663 : i32
        %parallel_loop3A_665 = arith.index_cast %parallel_loop3A_664 : i32 to index
        %parallel_loop3A_666 = tpu.vector_load %arg5[%parallel_loop3A_665] {strides = array<i32>} : memref<4096xf32, #tpu.memory_space<vmem>>, vector<16xf32>,
        %parallel_loop3A_667 = arith.constant 112 : i32
        %parallel_loop3A_668 = arith.addi %parallel_loop3A_606, %parallel_loop3A_667 : i32
        %parallel_loop3A_669 = arith.index_cast %parallel_loop3A_668 : i32 to index
        %parallel_loop3A_670 = tpu.vector_load %arg7[%parallel_loop3A_669] {strides = array<i32>} : memref<81920xf32, #tpu.memory_space<vmem>>, vector<16xf32>,
        tpu.vector_store %arg7[%parallel_loop3A_669], %parallel_loop3A_666 {strides = array<i32>} : memref<81920xf32, #tpu.memory_space<vmem>>, vector<16xf32>,
        %parallel_loop3A_671 = vector.extract_strided_slice %parallel_loop3A_107 {offsets = [8], sizes = [1], strides = [1]} : vector<16xi32> to vector<1xi32>
        %parallel_loop3A_672 = vector.extract %parallel_loop3A_671[0] : i32 from vector<1xi32>
        %parallel_loop3A_673 = arith.constant 128 : i32
        %parallel_loop3A_674 = arith.muli %parallel_loop3A_672, %parallel_loop3A_673 : i32
        %parallel_loop3A_675 = arith.constant 1024 : i32
        %parallel_loop3A_676 = arith.addi %parallel_loop3A_110, %parallel_loop3A_675 : i32
        %parallel_loop3A_677 = arith.constant 0 : i32
        %parallel_loop3A_678 = arith.addi %parallel_loop3A_674, %parallel_loop3A_677 : i32
        %parallel_loop3A_679 = arith.index_cast %parallel_loop3A_678 : i32 to index
        %parallel_loop3A_680 = tpu.vector_load %arg5[%parallel_loop3A_679] {strides = array<i32>} : memref<4096xf32, #tpu.memory_space<vmem>>, vector<16xf32>,
        %parallel_loop3A_681 = arith.constant 0 : i32
        %parallel_loop3A_682 = arith.addi %parallel_loop3A_676, %parallel_loop3A_681 : i32
        %parallel_loop3A_683 = arith.index_cast %parallel_loop3A_682 : i32 to index
        %parallel_loop3A_684 = tpu.vector_load %arg7[%parallel_loop3A_683] {strides = array<i32>} : memref<81920xf32, #tpu.memory_space<vmem>>, vector<16xf32>,
        tpu.vector_store %arg7[%parallel_loop3A_683], %parallel_loop3A_680 {strides = array<i32>} : memref<81920xf32, #tpu.memory_space<vmem>>, vector<16xf32>,
        %parallel_loop3A_685 = arith.constant 16 : i32
        %parallel_loop3A_686 = arith.addi %parallel_loop3A_674, %parallel_loop3A_685 : i32
        %parallel_loop3A_687 = arith.index_cast %parallel_loop3A_686 : i32 to index
        %parallel_loop3A_688 = tpu.vector_load %arg5[%parallel_loop3A_687] {strides = array<i32>} : memref<4096xf32, #tpu.memory_space<vmem>>, vector<16xf32>,
        %parallel_loop3A_689 = arith.constant 16 : i32
        %parallel_loop3A_690 = arith.addi %parallel_loop3A_676, %parallel_loop3A_689 : i32
        %parallel_loop3A_691 = arith.index_cast %parallel_loop3A_690 : i32 to index
        %parallel_loop3A_692 = tpu.vector_load %arg7[%parallel_loop3A_691] {strides = array<i32>} : memref<81920xf32, #tpu.memory_space<vmem>>, vector<16xf32>,
        tpu.vector_store %arg7[%parallel_loop3A_691], %parallel_loop3A_688 {strides = array<i32>} : memref<81920xf32, #tpu.memory_space<vmem>>, vector<16xf32>,
        %parallel_loop3A_693 = arith.constant 32 : i32
        %parallel_loop3A_694 = arith.addi %parallel_loop3A_674, %parallel_loop3A_693 : i32
        %parallel_loop3A_695 = arith.index_cast %parallel_loop3A_694 : i32 to index
        %parallel_loop3A_696 = tpu.vector_load %arg5[%parallel_loop3A_695] {strides = array<i32>} : memref<4096xf32, #tpu.memory_space<vmem>>, vector<16xf32>,
        %parallel_loop3A_697 = arith.constant 32 : i32
        %parallel_loop3A_698 = arith.addi %parallel_loop3A_676, %parallel_loop3A_697 : i32
        %parallel_loop3A_699 = arith.index_cast %parallel_loop3A_698 : i32 to index
        %parallel_loop3A_700 = tpu.vector_load %arg7[%parallel_loop3A_699] {strides = array<i32>} : memref<81920xf32, #tpu.memory_space<vmem>>, vector<16xf32>,
        tpu.vector_store %arg7[%parallel_loop3A_699], %parallel_loop3A_696 {strides = array<i32>} : memref<81920xf32, #tpu.memory_space<vmem>>, vector<16xf32>,
        %parallel_loop3A_701 = arith.constant 48 : i32
        %parallel_loop3A_702 = arith.addi %parallel_loop3A_674, %parallel_loop3A_701 : i32
        %parallel_loop3A_703 = arith.index_cast %parallel_loop3A_702 : i32 to index
        %parallel_loop3A_704 = tpu.vector_load %arg5[%parallel_loop3A_703] {strides = array<i32>} : memref<4096xf32, #tpu.memory_space<vmem>>, vector<16xf32>,
        %parallel_loop3A_705 = arith.constant 48 : i32
        %parallel_loop3A_706 = arith.addi %parallel_loop3A_676, %parallel_loop3A_705 : i32
        %parallel_loop3A_707 = arith.index_cast %parallel_loop3A_706 : i32 to index
        %parallel_loop3A_708 = tpu.vector_load %arg7[%parallel_loop3A_707] {strides = array<i32>} : memref<81920xf32, #tpu.memory_space<vmem>>, vector<16xf32>,
        tpu.vector_store %arg7[%parallel_loop3A_707], %parallel_loop3A_704 {strides = array<i32>} : memref<81920xf32, #tpu.memory_space<vmem>>, vector<16xf32>,
        %parallel_loop3A_709 = arith.constant 64 : i32
        %parallel_loop3A_710 = arith.addi %parallel_loop3A_674, %parallel_loop3A_709 : i32
        %parallel_loop3A_711 = arith.index_cast %parallel_loop3A_710 : i32 to index
        %parallel_loop3A_712 = tpu.vector_load %arg5[%parallel_loop3A_711] {strides = array<i32>} : memref<4096xf32, #tpu.memory_space<vmem>>, vector<16xf32>,
        %parallel_loop3A_713 = arith.constant 64 : i32
        %parallel_loop3A_714 = arith.addi %parallel_loop3A_676, %parallel_loop3A_713 : i32
        %parallel_loop3A_715 = arith.index_cast %parallel_loop3A_714 : i32 to index
        %parallel_loop3A_716 = tpu.vector_load %arg7[%parallel_loop3A_715] {strides = array<i32>} : memref<81920xf32, #tpu.memory_space<vmem>>, vector<16xf32>,
        tpu.vector_store %arg7[%parallel_loop3A_715], %parallel_loop3A_712 {strides = array<i32>} : memref<81920xf32, #tpu.memory_space<vmem>>, vector<16xf32>,
        %parallel_loop3A_717 = arith.constant 80 : i32
        %parallel_loop3A_718 = arith.addi %parallel_loop3A_674, %parallel_loop3A_717 : i32
        %parallel_loop3A_719 = arith.index_cast %parallel_loop3A_718 : i32 to index
        %parallel_loop3A_720 = tpu.vector_load %arg5[%parallel_loop3A_719] {strides = array<i32>} : memref<4096xf32, #tpu.memory_space<vmem>>, vector<16xf32>,
        %parallel_loop3A_721 = arith.constant 80 : i32
        %parallel_loop3A_722 = arith.addi %parallel_loop3A_676, %parallel_loop3A_721 : i32
        %parallel_loop3A_723 = arith.index_cast %parallel_loop3A_722 : i32 to index
        %parallel_loop3A_724 = tpu.vector_load %arg7[%parallel_loop3A_723] {strides = array<i32>} : memref<81920xf32, #tpu.memory_space<vmem>>, vector<16xf32>,
        tpu.vector_store %arg7[%parallel_loop3A_723], %parallel_loop3A_720 {strides = array<i32>} : memref<81920xf32, #tpu.memory_space<vmem>>, vector<16xf32>,
        %parallel_loop3A_725 = arith.constant 96 : i32
        %parallel_loop3A_726 = arith.addi %parallel_loop3A_674, %parallel_loop3A_725 : i32
        %parallel_loop3A_727 = arith.index_cast %parallel_loop3A_726 : i32 to index
        %parallel_loop3A_728 = tpu.vector_load %arg5[%parallel_loop3A_727] {strides = array<i32>} : memref<4096xf32, #tpu.memory_space<vmem>>, vector<16xf32>,
        %parallel_loop3A_729 = arith.constant 96 : i32
        %parallel_loop3A_730 = arith.addi %parallel_loop3A_676, %parallel_loop3A_729 : i32
        %parallel_loop3A_731 = arith.index_cast %parallel_loop3A_730 : i32 to index
        %parallel_loop3A_732 = tpu.vector_load %arg7[%parallel_loop3A_731] {strides = array<i32>} : memref<81920xf32, #tpu.memory_space<vmem>>, vector<16xf32>,
        tpu.vector_store %arg7[%parallel_loop3A_731], %parallel_loop3A_728 {strides = array<i32>} : memref<81920xf32, #tpu.memory_space<vmem>>, vector<16xf32>,
        %parallel_loop3A_733 = arith.constant 112 : i32
        %parallel_loop3A_734 = arith.addi %parallel_loop3A_674, %parallel_loop3A_733 : i32
        %parallel_loop3A_735 = arith.index_cast %parallel_loop3A_734 : i32 to index
        %parallel_loop3A_736 = tpu.vector_load %arg5[%parallel_loop3A_735] {strides = array<i32>} : memref<4096xf32, #tpu.memory_space<vmem>>, vector<16xf32>,
        %parallel_loop3A_737 = arith.constant 112 : i32
        %parallel_loop3A_738 = arith.addi %parallel_loop3A_676, %parallel_loop3A_737 : i32
        %parallel_loop3A_739 = arith.index_cast %parallel_loop3A_738 : i32 to index
        %parallel_loop3A_740 = tpu.vector_load %arg7[%parallel_loop3A_739] {strides = array<i32>} : memref<81920xf32, #tpu.memory_space<vmem>>, vector<16xf32>,
        tpu.vector_store %arg7[%parallel_loop3A_739], %parallel_loop3A_736 {strides = array<i32>} : memref<81920xf32, #tpu.memory_space<vmem>>, vector<16xf32>,
        %parallel_loop3A_741 = vector.extract_strided_slice %parallel_loop3A_107 {offsets = [9], sizes = [1], strides = [1]} : vector<16xi32> to vector<1xi32>
        %parallel_loop3A_742 = vector.extract %parallel_loop3A_741[0] : i32 from vector<1xi32>
        %parallel_loop3A_743 = arith.constant 128 : i32
        %parallel_loop3A_744 = arith.muli %parallel_loop3A_742, %parallel_loop3A_743 : i32
        %parallel_loop3A_745 = arith.constant 1152 : i32
        %parallel_loop3A_746 = arith.addi %parallel_loop3A_110, %parallel_loop3A_745 : i32
        %parallel_loop3A_747 = arith.constant 0 : i32
        %parallel_loop3A_748 = arith.addi %parallel_loop3A_744, %parallel_loop3A_747 : i32
        %parallel_loop3A_749 = arith.index_cast %parallel_loop3A_748 : i32 to index
        %parallel_loop3A_750 = tpu.vector_load %arg5[%parallel_loop3A_749] {strides = array<i32>} : memref<4096xf32, #tpu.memory_space<vmem>>, vector<16xf32>,
        %parallel_loop3A_751 = arith.constant 0 : i32
        %parallel_loop3A_752 = arith.addi %parallel_loop3A_746, %parallel_loop3A_751 : i32
        %parallel_loop3A_753 = arith.index_cast %parallel_loop3A_752 : i32 to index
        %parallel_loop3A_754 = tpu.vector_load %arg7[%parallel_loop3A_753] {strides = array<i32>} : memref<81920xf32, #tpu.memory_space<vmem>>, vector<16xf32>,
        tpu.vector_store %arg7[%parallel_loop3A_753], %parallel_loop3A_750 {strides = array<i32>} : memref<81920xf32, #tpu.memory_space<vmem>>, vector<16xf32>,
        %parallel_loop3A_755 = arith.constant 16 : i32
        %parallel_loop3A_756 = arith.addi %parallel_loop3A_744, %parallel_loop3A_755 : i32
        %parallel_loop3A_757 = arith.index_cast %parallel_loop3A_756 : i32 to index
        %parallel_loop3A_758 = tpu.vector_load %arg5[%parallel_loop3A_757] {strides = array<i32>} : memref<4096xf32, #tpu.memory_space<vmem>>, vector<16xf32>,
        %parallel_loop3A_759 = arith.constant 16 : i32
        %parallel_loop3A_760 = arith.addi %parallel_loop3A_746, %parallel_loop3A_759 : i32
        %parallel_loop3A_761 = arith.index_cast %parallel_loop3A_760 : i32 to index
        %parallel_loop3A_762 = tpu.vector_load %arg7[%parallel_loop3A_761] {strides = array<i32>} : memref<81920xf32, #tpu.memory_space<vmem>>, vector<16xf32>,
        tpu.vector_store %arg7[%parallel_loop3A_761], %parallel_loop3A_758 {strides = array<i32>} : memref<81920xf32, #tpu.memory_space<vmem>>, vector<16xf32>,
        %parallel_loop3A_763 = arith.constant 32 : i32
        %parallel_loop3A_764 = arith.addi %parallel_loop3A_744, %parallel_loop3A_763 : i32
        %parallel_loop3A_765 = arith.index_cast %parallel_loop3A_764 : i32 to index
        %parallel_loop3A_766 = tpu.vector_load %arg5[%parallel_loop3A_765] {strides = array<i32>} : memref<4096xf32, #tpu.memory_space<vmem>>, vector<16xf32>,
        %parallel_loop3A_767 = arith.constant 32 : i32
        %parallel_loop3A_768 = arith.addi %parallel_loop3A_746, %parallel_loop3A_767 : i32
        %parallel_loop3A_769 = arith.index_cast %parallel_loop3A_768 : i32 to index
        %parallel_loop3A_770 = tpu.vector_load %arg7[%parallel_loop3A_769] {strides = array<i32>} : memref<81920xf32, #tpu.memory_space<vmem>>, vector<16xf32>,
        tpu.vector_store %arg7[%parallel_loop3A_769], %parallel_loop3A_766 {strides = array<i32>} : memref<81920xf32, #tpu.memory_space<vmem>>, vector<16xf32>,
        %parallel_loop3A_771 = arith.constant 48 : i32
        %parallel_loop3A_772 = arith.addi %parallel_loop3A_744, %parallel_loop3A_771 : i32
        %parallel_loop3A_773 = arith.index_cast %parallel_loop3A_772 : i32 to index
        %parallel_loop3A_774 = tpu.vector_load %arg5[%parallel_loop3A_773] {strides = array<i32>} : memref<4096xf32, #tpu.memory_space<vmem>>, vector<16xf32>,
        %parallel_loop3A_775 = arith.constant 48 : i32
        %parallel_loop3A_776 = arith.addi %parallel_loop3A_746, %parallel_loop3A_775 : i32
        %parallel_loop3A_777 = arith.index_cast %parallel_loop3A_776 : i32 to index
        %parallel_loop3A_778 = tpu.vector_load %arg7[%parallel_loop3A_777] {strides = array<i32>} : memref<81920xf32, #tpu.memory_space<vmem>>, vector<16xf32>,
        tpu.vector_store %arg7[%parallel_loop3A_777], %parallel_loop3A_774 {strides = array<i32>} : memref<81920xf32, #tpu.memory_space<vmem>>, vector<16xf32>,
        %parallel_loop3A_779 = arith.constant 64 : i32
        %parallel_loop3A_780 = arith.addi %parallel_loop3A_744, %parallel_loop3A_779 : i32
        %parallel_loop3A_781 = arith.index_cast %parallel_loop3A_780 : i32 to index
        %parallel_loop3A_782 = tpu.vector_load %arg5[%parallel_loop3A_781] {strides = array<i32>} : memref<4096xf32, #tpu.memory_space<vmem>>, vector<16xf32>,
        %parallel_loop3A_783 = arith.constant 64 : i32
        %parallel_loop3A_784 = arith.addi %parallel_loop3A_746, %parallel_loop3A_783 : i32
        %parallel_loop3A_785 = arith.index_cast %parallel_loop3A_784 : i32 to index
        %parallel_loop3A_786 = tpu.vector_load %arg7[%parallel_loop3A_785] {strides = array<i32>} : memref<81920xf32, #tpu.memory_space<vmem>>, vector<16xf32>,
        tpu.vector_store %arg7[%parallel_loop3A_785], %parallel_loop3A_782 {strides = array<i32>} : memref<81920xf32, #tpu.memory_space<vmem>>, vector<16xf32>,
        %parallel_loop3A_787 = arith.constant 80 : i32
        %parallel_loop3A_788 = arith.addi %parallel_loop3A_744, %parallel_loop3A_787 : i32
        %parallel_loop3A_789 = arith.index_cast %parallel_loop3A_788 : i32 to index
        %parallel_loop3A_790 = tpu.vector_load %arg5[%parallel_loop3A_789] {strides = array<i32>} : memref<4096xf32, #tpu.memory_space<vmem>>, vector<16xf32>,
        %parallel_loop3A_791 = arith.constant 80 : i32
        %parallel_loop3A_792 = arith.addi %parallel_loop3A_746, %parallel_loop3A_791 : i32
        %parallel_loop3A_793 = arith.index_cast %parallel_loop3A_792 : i32 to index
        %parallel_loop3A_794 = tpu.vector_load %arg7[%parallel_loop3A_793] {strides = array<i32>} : memref<81920xf32, #tpu.memory_space<vmem>>, vector<16xf32>,
        tpu.vector_store %arg7[%parallel_loop3A_793], %parallel_loop3A_790 {strides = array<i32>} : memref<81920xf32, #tpu.memory_space<vmem>>, vector<16xf32>,
        %parallel_loop3A_795 = arith.constant 96 : i32
        %parallel_loop3A_796 = arith.addi %parallel_loop3A_744, %parallel_loop3A_795 : i32
        %parallel_loop3A_797 = arith.index_cast %parallel_loop3A_796 : i32 to index
        %parallel_loop3A_798 = tpu.vector_load %arg5[%parallel_loop3A_797] {strides = array<i32>} : memref<4096xf32, #tpu.memory_space<vmem>>, vector<16xf32>,
        %parallel_loop3A_799 = arith.constant 96 : i32
        %parallel_loop3A_800 = arith.addi %parallel_loop3A_746, %parallel_loop3A_799 : i32
        %parallel_loop3A_801 = arith.index_cast %parallel_loop3A_800 : i32 to index
        %parallel_loop3A_802 = tpu.vector_load %arg7[%parallel_loop3A_801] {strides = array<i32>} : memref<81920xf32, #tpu.memory_space<vmem>>, vector<16xf32>,
        tpu.vector_store %arg7[%parallel_loop3A_801], %parallel_loop3A_798 {strides = array<i32>} : memref<81920xf32, #tpu.memory_space<vmem>>, vector<16xf32>,
        %parallel_loop3A_803 = arith.constant 112 : i32
        %parallel_loop3A_804 = arith.addi %parallel_loop3A_744, %parallel_loop3A_803 : i32
        %parallel_loop3A_805 = arith.index_cast %parallel_loop3A_804 : i32 to index
        %parallel_loop3A_806 = tpu.vector_load %arg5[%parallel_loop3A_805] {strides = array<i32>} : memref<4096xf32, #tpu.memory_space<vmem>>, vector<16xf32>,
        %parallel_loop3A_807 = arith.constant 112 : i32
        %parallel_loop3A_808 = arith.addi %parallel_loop3A_746, %parallel_loop3A_807 : i32
        %parallel_loop3A_809 = arith.index_cast %parallel_loop3A_808 : i32 to index
        %parallel_loop3A_810 = tpu.vector_load %arg7[%parallel_loop3A_809] {strides = array<i32>} : memref<81920xf32, #tpu.memory_space<vmem>>, vector<16xf32>,
        tpu.vector_store %arg7[%parallel_loop3A_809], %parallel_loop3A_806 {strides = array<i32>} : memref<81920xf32, #tpu.memory_space<vmem>>, vector<16xf32>,
        %parallel_loop3A_811 = vector.extract_strided_slice %parallel_loop3A_107 {offsets = [10], sizes = [1], strides = [1]} : vector<16xi32> to vector<1xi32>
        %parallel_loop3A_812 = vector.extract %parallel_loop3A_811[0] : i32 from vector<1xi32>
        %parallel_loop3A_813 = arith.constant 128 : i32
        %parallel_loop3A_814 = arith.muli %parallel_loop3A_812, %parallel_loop3A_813 : i32
        %parallel_loop3A_815 = arith.constant 1280 : i32
        %parallel_loop3A_816 = arith.addi %parallel_loop3A_110, %parallel_loop3A_815 : i32
        %parallel_loop3A_817 = arith.constant 0 : i32
        %parallel_loop3A_818 = arith.addi %parallel_loop3A_814, %parallel_loop3A_817 : i32
        %parallel_loop3A_819 = arith.index_cast %parallel_loop3A_818 : i32 to index
        %parallel_loop3A_820 = tpu.vector_load %arg5[%parallel_loop3A_819] {strides = array<i32>} : memref<4096xf32, #tpu.memory_space<vmem>>, vector<16xf32>,
        %parallel_loop3A_821 = arith.constant 0 : i32
        %parallel_loop3A_822 = arith.addi %parallel_loop3A_816, %parallel_loop3A_821 : i32
        %parallel_loop3A_823 = arith.index_cast %parallel_loop3A_822 : i32 to index
        %parallel_loop3A_824 = tpu.vector_load %arg7[%parallel_loop3A_823] {strides = array<i32>} : memref<81920xf32, #tpu.memory_space<vmem>>, vector<16xf32>,
        tpu.vector_store %arg7[%parallel_loop3A_823], %parallel_loop3A_820 {strides = array<i32>} : memref<81920xf32, #tpu.memory_space<vmem>>, vector<16xf32>,
        %parallel_loop3A_825 = arith.constant 16 : i32
        %parallel_loop3A_826 = arith.addi %parallel_loop3A_814, %parallel_loop3A_825 : i32
        %parallel_loop3A_827 = arith.index_cast %parallel_loop3A_826 : i32 to index
        %parallel_loop3A_828 = tpu.vector_load %arg5[%parallel_loop3A_827] {strides = array<i32>} : memref<4096xf32, #tpu.memory_space<vmem>>, vector<16xf32>,
        %parallel_loop3A_829 = arith.constant 16 : i32
        %parallel_loop3A_830 = arith.addi %parallel_loop3A_816, %parallel_loop3A_829 : i32
        %parallel_loop3A_831 = arith.index_cast %parallel_loop3A_830 : i32 to index
        %parallel_loop3A_832 = tpu.vector_load %arg7[%parallel_loop3A_831] {strides = array<i32>} : memref<81920xf32, #tpu.memory_space<vmem>>, vector<16xf32>,
        tpu.vector_store %arg7[%parallel_loop3A_831], %parallel_loop3A_828 {strides = array<i32>} : memref<81920xf32, #tpu.memory_space<vmem>>, vector<16xf32>,
        %parallel_loop3A_833 = arith.constant 32 : i32
        %parallel_loop3A_834 = arith.addi %parallel_loop3A_814, %parallel_loop3A_833 : i32
        %parallel_loop3A_835 = arith.index_cast %parallel_loop3A_834 : i32 to index
        %parallel_loop3A_836 = tpu.vector_load %arg5[%parallel_loop3A_835] {strides = array<i32>} : memref<4096xf32, #tpu.memory_space<vmem>>, vector<16xf32>,
        %parallel_loop3A_837 = arith.constant 32 : i32
        %parallel_loop3A_838 = arith.addi %parallel_loop3A_816, %parallel_loop3A_837 : i32
        %parallel_loop3A_839 = arith.index_cast %parallel_loop3A_838 : i32 to index
        %parallel_loop3A_840 = tpu.vector_load %arg7[%parallel_loop3A_839] {strides = array<i32>} : memref<81920xf32, #tpu.memory_space<vmem>>, vector<16xf32>,
        tpu.vector_store %arg7[%parallel_loop3A_839], %parallel_loop3A_836 {strides = array<i32>} : memref<81920xf32, #tpu.memory_space<vmem>>, vector<16xf32>,
        %parallel_loop3A_841 = arith.constant 48 : i32
        %parallel_loop3A_842 = arith.addi %parallel_loop3A_814, %parallel_loop3A_841 : i32
        %parallel_loop3A_843 = arith.index_cast %parallel_loop3A_842 : i32 to index
        %parallel_loop3A_844 = tpu.vector_load %arg5[%parallel_loop3A_843] {strides = array<i32>} : memref<4096xf32, #tpu.memory_space<vmem>>, vector<16xf32>,
        %parallel_loop3A_845 = arith.constant 48 : i32
        %parallel_loop3A_846 = arith.addi %parallel_loop3A_816, %parallel_loop3A_845 : i32
        %parallel_loop3A_847 = arith.index_cast %parallel_loop3A_846 : i32 to index
        %parallel_loop3A_848 = tpu.vector_load %arg7[%parallel_loop3A_847] {strides = array<i32>} : memref<81920xf32, #tpu.memory_space<vmem>>, vector<16xf32>,
        tpu.vector_store %arg7[%parallel_loop3A_847], %parallel_loop3A_844 {strides = array<i32>} : memref<81920xf32, #tpu.memory_space<vmem>>, vector<16xf32>,
        %parallel_loop3A_849 = arith.constant 64 : i32
        %parallel_loop3A_850 = arith.addi %parallel_loop3A_814, %parallel_loop3A_849 : i32
        %parallel_loop3A_851 = arith.index_cast %parallel_loop3A_850 : i32 to index
        %parallel_loop3A_852 = tpu.vector_load %arg5[%parallel_loop3A_851] {strides = array<i32>} : memref<4096xf32, #tpu.memory_space<vmem>>, vector<16xf32>,
        %parallel_loop3A_853 = arith.constant 64 : i32
        %parallel_loop3A_854 = arith.addi %parallel_loop3A_816, %parallel_loop3A_853 : i32
        %parallel_loop3A_855 = arith.index_cast %parallel_loop3A_854 : i32 to index
        %parallel_loop3A_856 = tpu.vector_load %arg7[%parallel_loop3A_855] {strides = array<i32>} : memref<81920xf32, #tpu.memory_space<vmem>>, vector<16xf32>,
        tpu.vector_store %arg7[%parallel_loop3A_855], %parallel_loop3A_852 {strides = array<i32>} : memref<81920xf32, #tpu.memory_space<vmem>>, vector<16xf32>,
        %parallel_loop3A_857 = arith.constant 80 : i32
        %parallel_loop3A_858 = arith.addi %parallel_loop3A_814, %parallel_loop3A_857 : i32
        %parallel_loop3A_859 = arith.index_cast %parallel_loop3A_858 : i32 to index
        %parallel_loop3A_860 = tpu.vector_load %arg5[%parallel_loop3A_859] {strides = array<i32>} : memref<4096xf32, #tpu.memory_space<vmem>>, vector<16xf32>,
        %parallel_loop3A_861 = arith.constant 80 : i32
        %parallel_loop3A_862 = arith.addi %parallel_loop3A_816, %parallel_loop3A_861 : i32
        %parallel_loop3A_863 = arith.index_cast %parallel_loop3A_862 : i32 to index
        %parallel_loop3A_864 = tpu.vector_load %arg7[%parallel_loop3A_863] {strides = array<i32>} : memref<81920xf32, #tpu.memory_space<vmem>>, vector<16xf32>,
        tpu.vector_store %arg7[%parallel_loop3A_863], %parallel_loop3A_860 {strides = array<i32>} : memref<81920xf32, #tpu.memory_space<vmem>>, vector<16xf32>,
        %parallel_loop3A_865 = arith.constant 96 : i32
        %parallel_loop3A_866 = arith.addi %parallel_loop3A_814, %parallel_loop3A_865 : i32
        %parallel_loop3A_867 = arith.index_cast %parallel_loop3A_866 : i32 to index
        %parallel_loop3A_868 = tpu.vector_load %arg5[%parallel_loop3A_867] {strides = array<i32>} : memref<4096xf32, #tpu.memory_space<vmem>>, vector<16xf32>,
        %parallel_loop3A_869 = arith.constant 96 : i32
        %parallel_loop3A_870 = arith.addi %parallel_loop3A_816, %parallel_loop3A_869 : i32
        %parallel_loop3A_871 = arith.index_cast %parallel_loop3A_870 : i32 to index
        %parallel_loop3A_872 = tpu.vector_load %arg7[%parallel_loop3A_871] {strides = array<i32>} : memref<81920xf32, #tpu.memory_space<vmem>>, vector<16xf32>,
        tpu.vector_store %arg7[%parallel_loop3A_871], %parallel_loop3A_868 {strides = array<i32>} : memref<81920xf32, #tpu.memory_space<vmem>>, vector<16xf32>,
        %parallel_loop3A_873 = arith.constant 112 : i32
        %parallel_loop3A_874 = arith.addi %parallel_loop3A_814, %parallel_loop3A_873 : i32
        %parallel_loop3A_875 = arith.index_cast %parallel_loop3A_874 : i32 to index
        %parallel_loop3A_876 = tpu.vector_load %arg5[%parallel_loop3A_875] {strides = array<i32>} : memref<4096xf32, #tpu.memory_space<vmem>>, vector<16xf32>,
        %parallel_loop3A_877 = arith.constant 112 : i32
        %parallel_loop3A_878 = arith.addi %parallel_loop3A_816, %parallel_loop3A_877 : i32
        %parallel_loop3A_879 = arith.index_cast %parallel_loop3A_878 : i32 to index
        %parallel_loop3A_880 = tpu.vector_load %arg7[%parallel_loop3A_879] {strides = array<i32>} : memref<81920xf32, #tpu.memory_space<vmem>>, vector<16xf32>,
        tpu.vector_store %arg7[%parallel_loop3A_879], %parallel_loop3A_876 {strides = array<i32>} : memref<81920xf32, #tpu.memory_space<vmem>>, vector<16xf32>,
        %parallel_loop3A_881 = vector.extract_strided_slice %parallel_loop3A_107 {offsets = [11], sizes = [1], strides = [1]} : vector<16xi32> to vector<1xi32>
        %parallel_loop3A_882 = vector.extract %parallel_loop3A_881[0] : i32 from vector<1xi32>
        %parallel_loop3A_883 = arith.constant 128 : i32
        %parallel_loop3A_884 = arith.muli %parallel_loop3A_882, %parallel_loop3A_883 : i32
        %parallel_loop3A_885 = arith.constant 1408 : i32
        %parallel_loop3A_886 = arith.addi %parallel_loop3A_110, %parallel_loop3A_885 : i32
        %parallel_loop3A_887 = arith.constant 0 : i32
        %parallel_loop3A_888 = arith.addi %parallel_loop3A_884, %parallel_loop3A_887 : i32
        %parallel_loop3A_889 = arith.index_cast %parallel_loop3A_888 : i32 to index
        %parallel_loop3A_890 = tpu.vector_load %arg5[%parallel_loop3A_889] {strides = array<i32>} : memref<4096xf32, #tpu.memory_space<vmem>>, vector<16xf32>,
        %parallel_loop3A_891 = arith.constant 0 : i32
        %parallel_loop3A_892 = arith.addi %parallel_loop3A_886, %parallel_loop3A_891 : i32
        %parallel_loop3A_893 = arith.index_cast %parallel_loop3A_892 : i32 to index
        %parallel_loop3A_894 = tpu.vector_load %arg7[%parallel_loop3A_893] {strides = array<i32>} : memref<81920xf32, #tpu.memory_space<vmem>>, vector<16xf32>,
        tpu.vector_store %arg7[%parallel_loop3A_893], %parallel_loop3A_890 {strides = array<i32>} : memref<81920xf32, #tpu.memory_space<vmem>>, vector<16xf32>,
        %parallel_loop3A_895 = arith.constant 16 : i32
        %parallel_loop3A_896 = arith.addi %parallel_loop3A_884, %parallel_loop3A_895 : i32
        %parallel_loop3A_897 = arith.index_cast %parallel_loop3A_896 : i32 to index
        %parallel_loop3A_898 = tpu.vector_load %arg5[%parallel_loop3A_897] {strides = array<i32>} : memref<4096xf32, #tpu.memory_space<vmem>>, vector<16xf32>,
        %parallel_loop3A_899 = arith.constant 16 : i32
        %parallel_loop3A_900 = arith.addi %parallel_loop3A_886, %parallel_loop3A_899 : i32
        %parallel_loop3A_901 = arith.index_cast %parallel_loop3A_900 : i32 to index
        %parallel_loop3A_902 = tpu.vector_load %arg7[%parallel_loop3A_901] {strides = array<i32>} : memref<81920xf32, #tpu.memory_space<vmem>>, vector<16xf32>,
        tpu.vector_store %arg7[%parallel_loop3A_901], %parallel_loop3A_898 {strides = array<i32>} : memref<81920xf32, #tpu.memory_space<vmem>>, vector<16xf32>,
        %parallel_loop3A_903 = arith.constant 32 : i32
        %parallel_loop3A_904 = arith.addi %parallel_loop3A_884, %parallel_loop3A_903 : i32
        %parallel_loop3A_905 = arith.index_cast %parallel_loop3A_904 : i32 to index
        %parallel_loop3A_906 = tpu.vector_load %arg5[%parallel_loop3A_905] {strides = array<i32>} : memref<4096xf32, #tpu.memory_space<vmem>>, vector<16xf32>,
        %parallel_loop3A_907 = arith.constant 32 : i32
        %parallel_loop3A_908 = arith.addi %parallel_loop3A_886, %parallel_loop3A_907 : i32
        %parallel_loop3A_909 = arith.index_cast %parallel_loop3A_908 : i32 to index
        %parallel_loop3A_910 = tpu.vector_load %arg7[%parallel_loop3A_909] {strides = array<i32>} : memref<81920xf32, #tpu.memory_space<vmem>>, vector<16xf32>,
        tpu.vector_store %arg7[%parallel_loop3A_909], %parallel_loop3A_906 {strides = array<i32>} : memref<81920xf32, #tpu.memory_space<vmem>>, vector<16xf32>,
        %parallel_loop3A_911 = arith.constant 48 : i32
        %parallel_loop3A_912 = arith.addi %parallel_loop3A_884, %parallel_loop3A_911 : i32
        %parallel_loop3A_913 = arith.index_cast %parallel_loop3A_912 : i32 to index
        %parallel_loop3A_914 = tpu.vector_load %arg5[%parallel_loop3A_913] {strides = array<i32>} : memref<4096xf32, #tpu.memory_space<vmem>>, vector<16xf32>,
        %parallel_loop3A_915 = arith.constant 48 : i32
        %parallel_loop3A_916 = arith.addi %parallel_loop3A_886, %parallel_loop3A_915 : i32
        %parallel_loop3A_917 = arith.index_cast %parallel_loop3A_916 : i32 to index
        %parallel_loop3A_918 = tpu.vector_load %arg7[%parallel_loop3A_917] {strides = array<i32>} : memref<81920xf32, #tpu.memory_space<vmem>>, vector<16xf32>,
        tpu.vector_store %arg7[%parallel_loop3A_917], %parallel_loop3A_914 {strides = array<i32>} : memref<81920xf32, #tpu.memory_space<vmem>>, vector<16xf32>,
        %parallel_loop3A_919 = arith.constant 64 : i32
        %parallel_loop3A_920 = arith.addi %parallel_loop3A_884, %parallel_loop3A_919 : i32
        %parallel_loop3A_921 = arith.index_cast %parallel_loop3A_920 : i32 to index
        %parallel_loop3A_922 = tpu.vector_load %arg5[%parallel_loop3A_921] {strides = array<i32>} : memref<4096xf32, #tpu.memory_space<vmem>>, vector<16xf32>,
        %parallel_loop3A_923 = arith.constant 64 : i32
        %parallel_loop3A_924 = arith.addi %parallel_loop3A_886, %parallel_loop3A_923 : i32
        %parallel_loop3A_925 = arith.index_cast %parallel_loop3A_924 : i32 to index
        %parallel_loop3A_926 = tpu.vector_load %arg7[%parallel_loop3A_925] {strides = array<i32>} : memref<81920xf32, #tpu.memory_space<vmem>>, vector<16xf32>,
        tpu.vector_store %arg7[%parallel_loop3A_925], %parallel_loop3A_922 {strides = array<i32>} : memref<81920xf32, #tpu.memory_space<vmem>>, vector<16xf32>,
        %parallel_loop3A_927 = arith.constant 80 : i32
        %parallel_loop3A_928 = arith.addi %parallel_loop3A_884, %parallel_loop3A_927 : i32
        %parallel_loop3A_929 = arith.index_cast %parallel_loop3A_928 : i32 to index
        %parallel_loop3A_930 = tpu.vector_load %arg5[%parallel_loop3A_929] {strides = array<i32>} : memref<4096xf32, #tpu.memory_space<vmem>>, vector<16xf32>,
        %parallel_loop3A_931 = arith.constant 80 : i32
        %parallel_loop3A_932 = arith.addi %parallel_loop3A_886, %parallel_loop3A_931 : i32
        %parallel_loop3A_933 = arith.index_cast %parallel_loop3A_932 : i32 to index
        %parallel_loop3A_934 = tpu.vector_load %arg7[%parallel_loop3A_933] {strides = array<i32>} : memref<81920xf32, #tpu.memory_space<vmem>>, vector<16xf32>,
        tpu.vector_store %arg7[%parallel_loop3A_933], %parallel_loop3A_930 {strides = array<i32>} : memref<81920xf32, #tpu.memory_space<vmem>>, vector<16xf32>,
        %parallel_loop3A_935 = arith.constant 96 : i32
        %parallel_loop3A_936 = arith.addi %parallel_loop3A_884, %parallel_loop3A_935 : i32
        %parallel_loop3A_937 = arith.index_cast %parallel_loop3A_936 : i32 to index
        %parallel_loop3A_938 = tpu.vector_load %arg5[%parallel_loop3A_937] {strides = array<i32>} : memref<4096xf32, #tpu.memory_space<vmem>>, vector<16xf32>,
        %parallel_loop3A_939 = arith.constant 96 : i32
        %parallel_loop3A_940 = arith.addi %parallel_loop3A_886, %parallel_loop3A_939 : i32
        %parallel_loop3A_941 = arith.index_cast %parallel_loop3A_940 : i32 to index
        %parallel_loop3A_942 = tpu.vector_load %arg7[%parallel_loop3A_941] {strides = array<i32>} : memref<81920xf32, #tpu.memory_space<vmem>>, vector<16xf32>,
        tpu.vector_store %arg7[%parallel_loop3A_941], %parallel_loop3A_938 {strides = array<i32>} : memref<81920xf32, #tpu.memory_space<vmem>>, vector<16xf32>,
        %parallel_loop3A_943 = arith.constant 112 : i32
        %parallel_loop3A_944 = arith.addi %parallel_loop3A_884, %parallel_loop3A_943 : i32
        %parallel_loop3A_945 = arith.index_cast %parallel_loop3A_944 : i32 to index
        %parallel_loop3A_946 = tpu.vector_load %arg5[%parallel_loop3A_945] {strides = array<i32>} : memref<4096xf32, #tpu.memory_space<vmem>>, vector<16xf32>,
        %parallel_loop3A_947 = arith.constant 112 : i32
        %parallel_loop3A_948 = arith.addi %parallel_loop3A_886, %parallel_loop3A_947 : i32
        %parallel_loop3A_949 = arith.index_cast %parallel_loop3A_948 : i32 to index
        %parallel_loop3A_950 = tpu.vector_load %arg7[%parallel_loop3A_949] {strides = array<i32>} : memref<81920xf32, #tpu.memory_space<vmem>>, vector<16xf32>,
        tpu.vector_store %arg7[%parallel_loop3A_949], %parallel_loop3A_946 {strides = array<i32>} : memref<81920xf32, #tpu.memory_space<vmem>>, vector<16xf32>,
        %parallel_loop3A_951 = vector.extract_strided_slice %parallel_loop3A_107 {offsets = [12], sizes = [1], strides = [1]} : vector<16xi32> to vector<1xi32>
        %parallel_loop3A_952 = vector.extract %parallel_loop3A_951[0] : i32 from vector<1xi32>
        %parallel_loop3A_953 = arith.constant 128 : i32
        %parallel_loop3A_954 = arith.muli %parallel_loop3A_952, %parallel_loop3A_953 : i32
        %parallel_loop3A_955 = arith.constant 1536 : i32
        %parallel_loop3A_956 = arith.addi %parallel_loop3A_110, %parallel_loop3A_955 : i32
        %parallel_loop3A_957 = arith.constant 0 : i32
        %parallel_loop3A_958 = arith.addi %parallel_loop3A_954, %parallel_loop3A_957 : i32
        %parallel_loop3A_959 = arith.index_cast %parallel_loop3A_958 : i32 to index
        %parallel_loop3A_960 = tpu.vector_load %arg5[%parallel_loop3A_959] {strides = array<i32>} : memref<4096xf32, #tpu.memory_space<vmem>>, vector<16xf32>,
        %parallel_loop3A_961 = arith.constant 0 : i32
        %parallel_loop3A_962 = arith.addi %parallel_loop3A_956, %parallel_loop3A_961 : i32
        %parallel_loop3A_963 = arith.index_cast %parallel_loop3A_962 : i32 to index
        %parallel_loop3A_964 = tpu.vector_load %arg7[%parallel_loop3A_963] {strides = array<i32>} : memref<81920xf32, #tpu.memory_space<vmem>>, vector<16xf32>,
        tpu.vector_store %arg7[%parallel_loop3A_963], %parallel_loop3A_960 {strides = array<i32>} : memref<81920xf32, #tpu.memory_space<vmem>>, vector<16xf32>,
        %parallel_loop3A_965 = arith.constant 16 : i32
        %parallel_loop3A_966 = arith.addi %parallel_loop3A_954, %parallel_loop3A_965 : i32
        %parallel_loop3A_967 = arith.index_cast %parallel_loop3A_966 : i32 to index
        %parallel_loop3A_968 = tpu.vector_load %arg5[%parallel_loop3A_967] {strides = array<i32>} : memref<4096xf32, #tpu.memory_space<vmem>>, vector<16xf32>,
        %parallel_loop3A_969 = arith.constant 16 : i32
        %parallel_loop3A_970 = arith.addi %parallel_loop3A_956, %parallel_loop3A_969 : i32
        %parallel_loop3A_971 = arith.index_cast %parallel_loop3A_970 : i32 to index
        %parallel_loop3A_972 = tpu.vector_load %arg7[%parallel_loop3A_971] {strides = array<i32>} : memref<81920xf32, #tpu.memory_space<vmem>>, vector<16xf32>,
        tpu.vector_store %arg7[%parallel_loop3A_971], %parallel_loop3A_968 {strides = array<i32>} : memref<81920xf32, #tpu.memory_space<vmem>>, vector<16xf32>,
        %parallel_loop3A_973 = arith.constant 32 : i32
        %parallel_loop3A_974 = arith.addi %parallel_loop3A_954, %parallel_loop3A_973 : i32
        %parallel_loop3A_975 = arith.index_cast %parallel_loop3A_974 : i32 to index
        %parallel_loop3A_976 = tpu.vector_load %arg5[%parallel_loop3A_975] {strides = array<i32>} : memref<4096xf32, #tpu.memory_space<vmem>>, vector<16xf32>,
        %parallel_loop3A_977 = arith.constant 32 : i32
        %parallel_loop3A_978 = arith.addi %parallel_loop3A_956, %parallel_loop3A_977 : i32
        %parallel_loop3A_979 = arith.index_cast %parallel_loop3A_978 : i32 to index
        %parallel_loop3A_980 = tpu.vector_load %arg7[%parallel_loop3A_979] {strides = array<i32>} : memref<81920xf32, #tpu.memory_space<vmem>>, vector<16xf32>,
        tpu.vector_store %arg7[%parallel_loop3A_979], %parallel_loop3A_976 {strides = array<i32>} : memref<81920xf32, #tpu.memory_space<vmem>>, vector<16xf32>,
        %parallel_loop3A_981 = arith.constant 48 : i32
        %parallel_loop3A_982 = arith.addi %parallel_loop3A_954, %parallel_loop3A_981 : i32
        %parallel_loop3A_983 = arith.index_cast %parallel_loop3A_982 : i32 to index
        %parallel_loop3A_984 = tpu.vector_load %arg5[%parallel_loop3A_983] {strides = array<i32>} : memref<4096xf32, #tpu.memory_space<vmem>>, vector<16xf32>,
        %parallel_loop3A_985 = arith.constant 48 : i32
        %parallel_loop3A_986 = arith.addi %parallel_loop3A_956, %parallel_loop3A_985 : i32
        %parallel_loop3A_987 = arith.index_cast %parallel_loop3A_986 : i32 to index
        %parallel_loop3A_988 = tpu.vector_load %arg7[%parallel_loop3A_987] {strides = array<i32>} : memref<81920xf32, #tpu.memory_space<vmem>>, vector<16xf32>,
        tpu.vector_store %arg7[%parallel_loop3A_987], %parallel_loop3A_984 {strides = array<i32>} : memref<81920xf32, #tpu.memory_space<vmem>>, vector<16xf32>,
        %parallel_loop3A_989 = arith.constant 64 : i32
        %parallel_loop3A_990 = arith.addi %parallel_loop3A_954, %parallel_loop3A_989 : i32
        %parallel_loop3A_991 = arith.index_cast %parallel_loop3A_990 : i32 to index
        %parallel_loop3A_992 = tpu.vector_load %arg5[%parallel_loop3A_991] {strides = array<i32>} : memref<4096xf32, #tpu.memory_space<vmem>>, vector<16xf32>,
        %parallel_loop3A_993 = arith.constant 64 : i32
        %parallel_loop3A_994 = arith.addi %parallel_loop3A_956, %parallel_loop3A_993 : i32
        %parallel_loop3A_995 = arith.index_cast %parallel_loop3A_994 : i32 to index
        %parallel_loop3A_996 = tpu.vector_load %arg7[%parallel_loop3A_995] {strides = array<i32>} : memref<81920xf32, #tpu.memory_space<vmem>>, vector<16xf32>,
        tpu.vector_store %arg7[%parallel_loop3A_995], %parallel_loop3A_992 {strides = array<i32>} : memref<81920xf32, #tpu.memory_space<vmem>>, vector<16xf32>,
        %parallel_loop3A_997 = arith.constant 80 : i32
        %parallel_loop3A_998 = arith.addi %parallel_loop3A_954, %parallel_loop3A_997 : i32
        %parallel_loop3A_999 = arith.index_cast %parallel_loop3A_998 : i32 to index
        %parallel_loop3A_1000 = tpu.vector_load %arg5[%parallel_loop3A_999] {strides = array<i32>} : memref<4096xf32, #tpu.memory_space<vmem>>, vector<16xf32>,
        %parallel_loop3A_1001 = arith.constant 80 : i32
        %parallel_loop3A_1002 = arith.addi %parallel_loop3A_956, %parallel_loop3A_1001 : i32
        %parallel_loop3A_1003 = arith.index_cast %parallel_loop3A_1002 : i32 to index
        %parallel_loop3A_1004 = tpu.vector_load %arg7[%parallel_loop3A_1003] {strides = array<i32>} : memref<81920xf32, #tpu.memory_space<vmem>>, vector<16xf32>,
        tpu.vector_store %arg7[%parallel_loop3A_1003], %parallel_loop3A_1000 {strides = array<i32>} : memref<81920xf32, #tpu.memory_space<vmem>>, vector<16xf32>,
        %parallel_loop3A_1005 = arith.constant 96 : i32
        %parallel_loop3A_1006 = arith.addi %parallel_loop3A_954, %parallel_loop3A_1005 : i32
        %parallel_loop3A_1007 = arith.index_cast %parallel_loop3A_1006 : i32 to index
        %parallel_loop3A_1008 = tpu.vector_load %arg5[%parallel_loop3A_1007] {strides = array<i32>} : memref<4096xf32, #tpu.memory_space<vmem>>, vector<16xf32>,
        %parallel_loop3A_1009 = arith.constant 96 : i32
        %parallel_loop3A_1010 = arith.addi %parallel_loop3A_956, %parallel_loop3A_1009 : i32
        %parallel_loop3A_1011 = arith.index_cast %parallel_loop3A_1010 : i32 to index
        %parallel_loop3A_1012 = tpu.vector_load %arg7[%parallel_loop3A_1011] {strides = array<i32>} : memref<81920xf32, #tpu.memory_space<vmem>>, vector<16xf32>,
        tpu.vector_store %arg7[%parallel_loop3A_1011], %parallel_loop3A_1008 {strides = array<i32>} : memref<81920xf32, #tpu.memory_space<vmem>>, vector<16xf32>,
        %parallel_loop3A_1013 = arith.constant 112 : i32
        %parallel_loop3A_1014 = arith.addi %parallel_loop3A_954, %parallel_loop3A_1013 : i32
        %parallel_loop3A_1015 = arith.index_cast %parallel_loop3A_1014 : i32 to index
        %parallel_loop3A_1016 = tpu.vector_load %arg5[%parallel_loop3A_1015] {strides = array<i32>} : memref<4096xf32, #tpu.memory_space<vmem>>, vector<16xf32>,
        %parallel_loop3A_1017 = arith.constant 112 : i32
        %parallel_loop3A_1018 = arith.addi %parallel_loop3A_956, %parallel_loop3A_1017 : i32
        %parallel_loop3A_1019 = arith.index_cast %parallel_loop3A_1018 : i32 to index
        %parallel_loop3A_1020 = tpu.vector_load %arg7[%parallel_loop3A_1019] {strides = array<i32>} : memref<81920xf32, #tpu.memory_space<vmem>>, vector<16xf32>,
        tpu.vector_store %arg7[%parallel_loop3A_1019], %parallel_loop3A_1016 {strides = array<i32>} : memref<81920xf32, #tpu.memory_space<vmem>>, vector<16xf32>,
        %parallel_loop3A_1021 = vector.extract_strided_slice %parallel_loop3A_107 {offsets = [13], sizes = [1], strides = [1]} : vector<16xi32> to vector<1xi32>
        %parallel_loop3A_1022 = vector.extract %parallel_loop3A_1021[0] : i32 from vector<1xi32>
        %parallel_loop3A_1023 = arith.constant 128 : i32
        %parallel_loop3A_1024 = arith.muli %parallel_loop3A_1022, %parallel_loop3A_1023 : i32
        %parallel_loop3A_1025 = arith.constant 1664 : i32
        %parallel_loop3A_1026 = arith.addi %parallel_loop3A_110, %parallel_loop3A_1025 : i32
        %parallel_loop3A_1027 = arith.constant 0 : i32
        %parallel_loop3A_1028 = arith.addi %parallel_loop3A_1024, %parallel_loop3A_1027 : i32
        %parallel_loop3A_1029 = arith.index_cast %parallel_loop3A_1028 : i32 to index
        %parallel_loop3A_1030 = tpu.vector_load %arg5[%parallel_loop3A_1029] {strides = array<i32>} : memref<4096xf32, #tpu.memory_space<vmem>>, vector<16xf32>,
        %parallel_loop3A_1031 = arith.constant 0 : i32
        %parallel_loop3A_1032 = arith.addi %parallel_loop3A_1026, %parallel_loop3A_1031 : i32
        %parallel_loop3A_1033 = arith.index_cast %parallel_loop3A_1032 : i32 to index
        %parallel_loop3A_1034 = tpu.vector_load %arg7[%parallel_loop3A_1033] {strides = array<i32>} : memref<81920xf32, #tpu.memory_space<vmem>>, vector<16xf32>,
        tpu.vector_store %arg7[%parallel_loop3A_1033], %parallel_loop3A_1030 {strides = array<i32>} : memref<81920xf32, #tpu.memory_space<vmem>>, vector<16xf32>,
        %parallel_loop3A_1035 = arith.constant 16 : i32
        %parallel_loop3A_1036 = arith.addi %parallel_loop3A_1024, %parallel_loop3A_1035 : i32
        %parallel_loop3A_1037 = arith.index_cast %parallel_loop3A_1036 : i32 to index
        %parallel_loop3A_1038 = tpu.vector_load %arg5[%parallel_loop3A_1037] {strides = array<i32>} : memref<4096xf32, #tpu.memory_space<vmem>>, vector<16xf32>,
        %parallel_loop3A_1039 = arith.constant 16 : i32
        %parallel_loop3A_1040 = arith.addi %parallel_loop3A_1026, %parallel_loop3A_1039 : i32
        %parallel_loop3A_1041 = arith.index_cast %parallel_loop3A_1040 : i32 to index
        %parallel_loop3A_1042 = tpu.vector_load %arg7[%parallel_loop3A_1041] {strides = array<i32>} : memref<81920xf32, #tpu.memory_space<vmem>>, vector<16xf32>,
        tpu.vector_store %arg7[%parallel_loop3A_1041], %parallel_loop3A_1038 {strides = array<i32>} : memref<81920xf32, #tpu.memory_space<vmem>>, vector<16xf32>,
        %parallel_loop3A_1043 = arith.constant 32 : i32
        %parallel_loop3A_1044 = arith.addi %parallel_loop3A_1024, %parallel_loop3A_1043 : i32
        %parallel_loop3A_1045 = arith.index_cast %parallel_loop3A_1044 : i32 to index
        %parallel_loop3A_1046 = tpu.vector_load %arg5[%parallel_loop3A_1045] {strides = array<i32>} : memref<4096xf32, #tpu.memory_space<vmem>>, vector<16xf32>,
        %parallel_loop3A_1047 = arith.constant 32 : i32
        %parallel_loop3A_1048 = arith.addi %parallel_loop3A_1026, %parallel_loop3A_1047 : i32
        %parallel_loop3A_1049 = arith.index_cast %parallel_loop3A_1048 : i32 to index
        %parallel_loop3A_1050 = tpu.vector_load %arg7[%parallel_loop3A_1049] {strides = array<i32>} : memref<81920xf32, #tpu.memory_space<vmem>>, vector<16xf32>,
        tpu.vector_store %arg7[%parallel_loop3A_1049], %parallel_loop3A_1046 {strides = array<i32>} : memref<81920xf32, #tpu.memory_space<vmem>>, vector<16xf32>,
        %parallel_loop3A_1051 = arith.constant 48 : i32
        %parallel_loop3A_1052 = arith.addi %parallel_loop3A_1024, %parallel_loop3A_1051 : i32
        %parallel_loop3A_1053 = arith.index_cast %parallel_loop3A_1052 : i32 to index
        %parallel_loop3A_1054 = tpu.vector_load %arg5[%parallel_loop3A_1053] {strides = array<i32>} : memref<4096xf32, #tpu.memory_space<vmem>>, vector<16xf32>,
        %parallel_loop3A_1055 = arith.constant 48 : i32
        %parallel_loop3A_1056 = arith.addi %parallel_loop3A_1026, %parallel_loop3A_1055 : i32
        %parallel_loop3A_1057 = arith.index_cast %parallel_loop3A_1056 : i32 to index
        %parallel_loop3A_1058 = tpu.vector_load %arg7[%parallel_loop3A_1057] {strides = array<i32>} : memref<81920xf32, #tpu.memory_space<vmem>>, vector<16xf32>,
        tpu.vector_store %arg7[%parallel_loop3A_1057], %parallel_loop3A_1054 {strides = array<i32>} : memref<81920xf32, #tpu.memory_space<vmem>>, vector<16xf32>,
        %parallel_loop3A_1059 = arith.constant 64 : i32
        %parallel_loop3A_1060 = arith.addi %parallel_loop3A_1024, %parallel_loop3A_1059 : i32
        %parallel_loop3A_1061 = arith.index_cast %parallel_loop3A_1060 : i32 to index
        %parallel_loop3A_1062 = tpu.vector_load %arg5[%parallel_loop3A_1061] {strides = array<i32>} : memref<4096xf32, #tpu.memory_space<vmem>>, vector<16xf32>,
        %parallel_loop3A_1063 = arith.constant 64 : i32
        %parallel_loop3A_1064 = arith.addi %parallel_loop3A_1026, %parallel_loop3A_1063 : i32
        %parallel_loop3A_1065 = arith.index_cast %parallel_loop3A_1064 : i32 to index
        %parallel_loop3A_1066 = tpu.vector_load %arg7[%parallel_loop3A_1065] {strides = array<i32>} : memref<81920xf32, #tpu.memory_space<vmem>>, vector<16xf32>,
        tpu.vector_store %arg7[%parallel_loop3A_1065], %parallel_loop3A_1062 {strides = array<i32>} : memref<81920xf32, #tpu.memory_space<vmem>>, vector<16xf32>,
        %parallel_loop3A_1067 = arith.constant 80 : i32
        %parallel_loop3A_1068 = arith.addi %parallel_loop3A_1024, %parallel_loop3A_1067 : i32
        %parallel_loop3A_1069 = arith.index_cast %parallel_loop3A_1068 : i32 to index
        %parallel_loop3A_1070 = tpu.vector_load %arg5[%parallel_loop3A_1069] {strides = array<i32>} : memref<4096xf32, #tpu.memory_space<vmem>>, vector<16xf32>,
        %parallel_loop3A_1071 = arith.constant 80 : i32
        %parallel_loop3A_1072 = arith.addi %parallel_loop3A_1026, %parallel_loop3A_1071 : i32
        %parallel_loop3A_1073 = arith.index_cast %parallel_loop3A_1072 : i32 to index
        %parallel_loop3A_1074 = tpu.vector_load %arg7[%parallel_loop3A_1073] {strides = array<i32>} : memref<81920xf32, #tpu.memory_space<vmem>>, vector<16xf32>,
        tpu.vector_store %arg7[%parallel_loop3A_1073], %parallel_loop3A_1070 {strides = array<i32>} : memref<81920xf32, #tpu.memory_space<vmem>>, vector<16xf32>,
        %parallel_loop3A_1075 = arith.constant 96 : i32
        %parallel_loop3A_1076 = arith.addi %parallel_loop3A_1024, %parallel_loop3A_1075 : i32
        %parallel_loop3A_1077 = arith.index_cast %parallel_loop3A_1076 : i32 to index
        %parallel_loop3A_1078 = tpu.vector_load %arg5[%parallel_loop3A_1077] {strides = array<i32>} : memref<4096xf32, #tpu.memory_space<vmem>>, vector<16xf32>,
        %parallel_loop3A_1079 = arith.constant 96 : i32
        %parallel_loop3A_1080 = arith.addi %parallel_loop3A_1026, %parallel_loop3A_1079 : i32
        %parallel_loop3A_1081 = arith.index_cast %parallel_loop3A_1080 : i32 to index
        %parallel_loop3A_1082 = tpu.vector_load %arg7[%parallel_loop3A_1081] {strides = array<i32>} : memref<81920xf32, #tpu.memory_space<vmem>>, vector<16xf32>,
        tpu.vector_store %arg7[%parallel_loop3A_1081], %parallel_loop3A_1078 {strides = array<i32>} : memref<81920xf32, #tpu.memory_space<vmem>>, vector<16xf32>,
        %parallel_loop3A_1083 = arith.constant 112 : i32
        %parallel_loop3A_1084 = arith.addi %parallel_loop3A_1024, %parallel_loop3A_1083 : i32
        %parallel_loop3A_1085 = arith.index_cast %parallel_loop3A_1084 : i32 to index
        %parallel_loop3A_1086 = tpu.vector_load %arg5[%parallel_loop3A_1085] {strides = array<i32>} : memref<4096xf32, #tpu.memory_space<vmem>>, vector<16xf32>,
        %parallel_loop3A_1087 = arith.constant 112 : i32
        %parallel_loop3A_1088 = arith.addi %parallel_loop3A_1026, %parallel_loop3A_1087 : i32
        %parallel_loop3A_1089 = arith.index_cast %parallel_loop3A_1088 : i32 to index
        %parallel_loop3A_1090 = tpu.vector_load %arg7[%parallel_loop3A_1089] {strides = array<i32>} : memref<81920xf32, #tpu.memory_space<vmem>>, vector<16xf32>,
        tpu.vector_store %arg7[%parallel_loop3A_1089], %parallel_loop3A_1086 {strides = array<i32>} : memref<81920xf32, #tpu.memory_space<vmem>>, vector<16xf32>,
        %parallel_loop3A_1091 = vector.extract_strided_slice %parallel_loop3A_107 {offsets = [14], sizes = [1], strides = [1]} : vector<16xi32> to vector<1xi32>
        %parallel_loop3A_1092 = vector.extract %parallel_loop3A_1091[0] : i32 from vector<1xi32>
        %parallel_loop3A_1093 = arith.constant 128 : i32
        %parallel_loop3A_1094 = arith.muli %parallel_loop3A_1092, %parallel_loop3A_1093 : i32
        %parallel_loop3A_1095 = arith.constant 1792 : i32
        %parallel_loop3A_1096 = arith.addi %parallel_loop3A_110, %parallel_loop3A_1095 : i32
        %parallel_loop3A_1097 = arith.constant 0 : i32
        %parallel_loop3A_1098 = arith.addi %parallel_loop3A_1094, %parallel_loop3A_1097 : i32
        %parallel_loop3A_1099 = arith.index_cast %parallel_loop3A_1098 : i32 to index
        %parallel_loop3A_1100 = tpu.vector_load %arg5[%parallel_loop3A_1099] {strides = array<i32>} : memref<4096xf32, #tpu.memory_space<vmem>>, vector<16xf32>,
        %parallel_loop3A_1101 = arith.constant 0 : i32
        %parallel_loop3A_1102 = arith.addi %parallel_loop3A_1096, %parallel_loop3A_1101 : i32
        %parallel_loop3A_1103 = arith.index_cast %parallel_loop3A_1102 : i32 to index
        %parallel_loop3A_1104 = tpu.vector_load %arg7[%parallel_loop3A_1103] {strides = array<i32>} : memref<81920xf32, #tpu.memory_space<vmem>>, vector<16xf32>,
        tpu.vector_store %arg7[%parallel_loop3A_1103], %parallel_loop3A_1100 {strides = array<i32>} : memref<81920xf32, #tpu.memory_space<vmem>>, vector<16xf32>,
        %parallel_loop3A_1105 = arith.constant 16 : i32
        %parallel_loop3A_1106 = arith.addi %parallel_loop3A_1094, %parallel_loop3A_1105 : i32
        %parallel_loop3A_1107 = arith.index_cast %parallel_loop3A_1106 : i32 to index
        %parallel_loop3A_1108 = tpu.vector_load %arg5[%parallel_loop3A_1107] {strides = array<i32>} : memref<4096xf32, #tpu.memory_space<vmem>>, vector<16xf32>,
        %parallel_loop3A_1109 = arith.constant 16 : i32
        %parallel_loop3A_1110 = arith.addi %parallel_loop3A_1096, %parallel_loop3A_1109 : i32
        %parallel_loop3A_1111 = arith.index_cast %parallel_loop3A_1110 : i32 to index
        %parallel_loop3A_1112 = tpu.vector_load %arg7[%parallel_loop3A_1111] {strides = array<i32>} : memref<81920xf32, #tpu.memory_space<vmem>>, vector<16xf32>,
        tpu.vector_store %arg7[%parallel_loop3A_1111], %parallel_loop3A_1108 {strides = array<i32>} : memref<81920xf32, #tpu.memory_space<vmem>>, vector<16xf32>,
        %parallel_loop3A_1113 = arith.constant 32 : i32
        %parallel_loop3A_1114 = arith.addi %parallel_loop3A_1094, %parallel_loop3A_1113 : i32
        %parallel_loop3A_1115 = arith.index_cast %parallel_loop3A_1114 : i32 to index
        %parallel_loop3A_1116 = tpu.vector_load %arg5[%parallel_loop3A_1115] {strides = array<i32>} : memref<4096xf32, #tpu.memory_space<vmem>>, vector<16xf32>,
        %parallel_loop3A_1117 = arith.constant 32 : i32
        %parallel_loop3A_1118 = arith.addi %parallel_loop3A_1096, %parallel_loop3A_1117 : i32
        %parallel_loop3A_1119 = arith.index_cast %parallel_loop3A_1118 : i32 to index
        %parallel_loop3A_1120 = tpu.vector_load %arg7[%parallel_loop3A_1119] {strides = array<i32>} : memref<81920xf32, #tpu.memory_space<vmem>>, vector<16xf32>,
        tpu.vector_store %arg7[%parallel_loop3A_1119], %parallel_loop3A_1116 {strides = array<i32>} : memref<81920xf32, #tpu.memory_space<vmem>>, vector<16xf32>,
        %parallel_loop3A_1121 = arith.constant 48 : i32
        %parallel_loop3A_1122 = arith.addi %parallel_loop3A_1094, %parallel_loop3A_1121 : i32
        %parallel_loop3A_1123 = arith.index_cast %parallel_loop3A_1122 : i32 to index
        %parallel_loop3A_1124 = tpu.vector_load %arg5[%parallel_loop3A_1123] {strides = array<i32>} : memref<4096xf32, #tpu.memory_space<vmem>>, vector<16xf32>,
        %parallel_loop3A_1125 = arith.constant 48 : i32
        %parallel_loop3A_1126 = arith.addi %parallel_loop3A_1096, %parallel_loop3A_1125 : i32
        %parallel_loop3A_1127 = arith.index_cast %parallel_loop3A_1126 : i32 to index
        %parallel_loop3A_1128 = tpu.vector_load %arg7[%parallel_loop3A_1127] {strides = array<i32>} : memref<81920xf32, #tpu.memory_space<vmem>>, vector<16xf32>,
        tpu.vector_store %arg7[%parallel_loop3A_1127], %parallel_loop3A_1124 {strides = array<i32>} : memref<81920xf32, #tpu.memory_space<vmem>>, vector<16xf32>,
        %parallel_loop3A_1129 = arith.constant 64 : i32
        %parallel_loop3A_1130 = arith.addi %parallel_loop3A_1094, %parallel_loop3A_1129 : i32
        %parallel_loop3A_1131 = arith.index_cast %parallel_loop3A_1130 : i32 to index
        %parallel_loop3A_1132 = tpu.vector_load %arg5[%parallel_loop3A_1131] {strides = array<i32>} : memref<4096xf32, #tpu.memory_space<vmem>>, vector<16xf32>,
        %parallel_loop3A_1133 = arith.constant 64 : i32
        %parallel_loop3A_1134 = arith.addi %parallel_loop3A_1096, %parallel_loop3A_1133 : i32
        %parallel_loop3A_1135 = arith.index_cast %parallel_loop3A_1134 : i32 to index
        %parallel_loop3A_1136 = tpu.vector_load %arg7[%parallel_loop3A_1135] {strides = array<i32>} : memref<81920xf32, #tpu.memory_space<vmem>>, vector<16xf32>,
        tpu.vector_store %arg7[%parallel_loop3A_1135], %parallel_loop3A_1132 {strides = array<i32>} : memref<81920xf32, #tpu.memory_space<vmem>>, vector<16xf32>,
        %parallel_loop3A_1137 = arith.constant 80 : i32
        %parallel_loop3A_1138 = arith.addi %parallel_loop3A_1094, %parallel_loop3A_1137 : i32
        %parallel_loop3A_1139 = arith.index_cast %parallel_loop3A_1138 : i32 to index
        %parallel_loop3A_1140 = tpu.vector_load %arg5[%parallel_loop3A_1139] {strides = array<i32>} : memref<4096xf32, #tpu.memory_space<vmem>>, vector<16xf32>,
        %parallel_loop3A_1141 = arith.constant 80 : i32
        %parallel_loop3A_1142 = arith.addi %parallel_loop3A_1096, %parallel_loop3A_1141 : i32
        %parallel_loop3A_1143 = arith.index_cast %parallel_loop3A_1142 : i32 to index
        %parallel_loop3A_1144 = tpu.vector_load %arg7[%parallel_loop3A_1143] {strides = array<i32>} : memref<81920xf32, #tpu.memory_space<vmem>>, vector<16xf32>,
        tpu.vector_store %arg7[%parallel_loop3A_1143], %parallel_loop3A_1140 {strides = array<i32>} : memref<81920xf32, #tpu.memory_space<vmem>>, vector<16xf32>,
        %parallel_loop3A_1145 = arith.constant 96 : i32
        %parallel_loop3A_1146 = arith.addi %parallel_loop3A_1094, %parallel_loop3A_1145 : i32
        %parallel_loop3A_1147 = arith.index_cast %parallel_loop3A_1146 : i32 to index
        %parallel_loop3A_1148 = tpu.vector_load %arg5[%parallel_loop3A_1147] {strides = array<i32>} : memref<4096xf32, #tpu.memory_space<vmem>>, vector<16xf32>,
        %parallel_loop3A_1149 = arith.constant 96 : i32
        %parallel_loop3A_1150 = arith.addi %parallel_loop3A_1096, %parallel_loop3A_1149 : i32
        %parallel_loop3A_1151 = arith.index_cast %parallel_loop3A_1150 : i32 to index
        %parallel_loop3A_1152 = tpu.vector_load %arg7[%parallel_loop3A_1151] {strides = array<i32>} : memref<81920xf32, #tpu.memory_space<vmem>>, vector<16xf32>,
        tpu.vector_store %arg7[%parallel_loop3A_1151], %parallel_loop3A_1148 {strides = array<i32>} : memref<81920xf32, #tpu.memory_space<vmem>>, vector<16xf32>,
        %parallel_loop3A_1153 = arith.constant 112 : i32
        %parallel_loop3A_1154 = arith.addi %parallel_loop3A_1094, %parallel_loop3A_1153 : i32
        %parallel_loop3A_1155 = arith.index_cast %parallel_loop3A_1154 : i32 to index
        %parallel_loop3A_1156 = tpu.vector_load %arg5[%parallel_loop3A_1155] {strides = array<i32>} : memref<4096xf32, #tpu.memory_space<vmem>>, vector<16xf32>,
        %parallel_loop3A_1157 = arith.constant 112 : i32
        %parallel_loop3A_1158 = arith.addi %parallel_loop3A_1096, %parallel_loop3A_1157 : i32
        %parallel_loop3A_1159 = arith.index_cast %parallel_loop3A_1158 : i32 to index
        %parallel_loop3A_1160 = tpu.vector_load %arg7[%parallel_loop3A_1159] {strides = array<i32>} : memref<81920xf32, #tpu.memory_space<vmem>>, vector<16xf32>,
        tpu.vector_store %arg7[%parallel_loop3A_1159], %parallel_loop3A_1156 {strides = array<i32>} : memref<81920xf32, #tpu.memory_space<vmem>>, vector<16xf32>,
        %parallel_loop3A_1161 = vector.extract_strided_slice %parallel_loop3A_107 {offsets = [15], sizes = [1], strides = [1]} : vector<16xi32> to vector<1xi32>
        %parallel_loop3A_1162 = vector.extract %parallel_loop3A_1161[0] : i32 from vector<1xi32>
        %parallel_loop3A_1163 = arith.constant 128 : i32
        %parallel_loop3A_1164 = arith.muli %parallel_loop3A_1162, %parallel_loop3A_1163 : i32
        %parallel_loop3A_1165 = arith.constant 1920 : i32
        %parallel_loop3A_1166 = arith.addi %parallel_loop3A_110, %parallel_loop3A_1165 : i32
        %parallel_loop3A_1167 = arith.constant 0 : i32
        %parallel_loop3A_1168 = arith.addi %parallel_loop3A_1164, %parallel_loop3A_1167 : i32
        %parallel_loop3A_1169 = arith.index_cast %parallel_loop3A_1168 : i32 to index
        %parallel_loop3A_1170 = tpu.vector_load %arg5[%parallel_loop3A_1169] {strides = array<i32>} : memref<4096xf32, #tpu.memory_space<vmem>>, vector<16xf32>,
        %parallel_loop3A_1171 = arith.constant 0 : i32
        %parallel_loop3A_1172 = arith.addi %parallel_loop3A_1166, %parallel_loop3A_1171 : i32
        %parallel_loop3A_1173 = arith.index_cast %parallel_loop3A_1172 : i32 to index
        %parallel_loop3A_1174 = tpu.vector_load %arg7[%parallel_loop3A_1173] {strides = array<i32>} : memref<81920xf32, #tpu.memory_space<vmem>>, vector<16xf32>,
        tpu.vector_store %arg7[%parallel_loop3A_1173], %parallel_loop3A_1170 {strides = array<i32>} : memref<81920xf32, #tpu.memory_space<vmem>>, vector<16xf32>,
        %parallel_loop3A_1175 = arith.constant 16 : i32
        %parallel_loop3A_1176 = arith.addi %parallel_loop3A_1164, %parallel_loop3A_1175 : i32
        %parallel_loop3A_1177 = arith.index_cast %parallel_loop3A_1176 : i32 to index
        %parallel_loop3A_1178 = tpu.vector_load %arg5[%parallel_loop3A_1177] {strides = array<i32>} : memref<4096xf32, #tpu.memory_space<vmem>>, vector<16xf32>,
        %parallel_loop3A_1179 = arith.constant 16 : i32
        %parallel_loop3A_1180 = arith.addi %parallel_loop3A_1166, %parallel_loop3A_1179 : i32
        %parallel_loop3A_1181 = arith.index_cast %parallel_loop3A_1180 : i32 to index
        %parallel_loop3A_1182 = tpu.vector_load %arg7[%parallel_loop3A_1181] {strides = array<i32>} : memref<81920xf32, #tpu.memory_space<vmem>>, vector<16xf32>,
        tpu.vector_store %arg7[%parallel_loop3A_1181], %parallel_loop3A_1178 {strides = array<i32>} : memref<81920xf32, #tpu.memory_space<vmem>>, vector<16xf32>,
        %parallel_loop3A_1183 = arith.constant 32 : i32
        %parallel_loop3A_1184 = arith.addi %parallel_loop3A_1164, %parallel_loop3A_1183 : i32
        %parallel_loop3A_1185 = arith.index_cast %parallel_loop3A_1184 : i32 to index
        %parallel_loop3A_1186 = tpu.vector_load %arg5[%parallel_loop3A_1185] {strides = array<i32>} : memref<4096xf32, #tpu.memory_space<vmem>>, vector<16xf32>,
        %parallel_loop3A_1187 = arith.constant 32 : i32
        %parallel_loop3A_1188 = arith.addi %parallel_loop3A_1166, %parallel_loop3A_1187 : i32
        %parallel_loop3A_1189 = arith.index_cast %parallel_loop3A_1188 : i32 to index
        %parallel_loop3A_1190 = tpu.vector_load %arg7[%parallel_loop3A_1189] {strides = array<i32>} : memref<81920xf32, #tpu.memory_space<vmem>>, vector<16xf32>,
        tpu.vector_store %arg7[%parallel_loop3A_1189], %parallel_loop3A_1186 {strides = array<i32>} : memref<81920xf32, #tpu.memory_space<vmem>>, vector<16xf32>,
        %parallel_loop3A_1191 = arith.constant 48 : i32
        %parallel_loop3A_1192 = arith.addi %parallel_loop3A_1164, %parallel_loop3A_1191 : i32
        %parallel_loop3A_1193 = arith.index_cast %parallel_loop3A_1192 : i32 to index
        %parallel_loop3A_1194 = tpu.vector_load %arg5[%parallel_loop3A_1193] {strides = array<i32>} : memref<4096xf32, #tpu.memory_space<vmem>>, vector<16xf32>,
        %parallel_loop3A_1195 = arith.constant 48 : i32
        %parallel_loop3A_1196 = arith.addi %parallel_loop3A_1166, %parallel_loop3A_1195 : i32
        %parallel_loop3A_1197 = arith.index_cast %parallel_loop3A_1196 : i32 to index
        %parallel_loop3A_1198 = tpu.vector_load %arg7[%parallel_loop3A_1197] {strides = array<i32>} : memref<81920xf32, #tpu.memory_space<vmem>>, vector<16xf32>,
        tpu.vector_store %arg7[%parallel_loop3A_1197], %parallel_loop3A_1194 {strides = array<i32>} : memref<81920xf32, #tpu.memory_space<vmem>>, vector<16xf32>,
        %parallel_loop3A_1199 = arith.constant 64 : i32
        %parallel_loop3A_1200 = arith.addi %parallel_loop3A_1164, %parallel_loop3A_1199 : i32
        %parallel_loop3A_1201 = arith.index_cast %parallel_loop3A_1200 : i32 to index
        %parallel_loop3A_1202 = tpu.vector_load %arg5[%parallel_loop3A_1201] {strides = array<i32>} : memref<4096xf32, #tpu.memory_space<vmem>>, vector<16xf32>,
        %parallel_loop3A_1203 = arith.constant 64 : i32
        %parallel_loop3A_1204 = arith.addi %parallel_loop3A_1166, %parallel_loop3A_1203 : i32
        %parallel_loop3A_1205 = arith.index_cast %parallel_loop3A_1204 : i32 to index
        %parallel_loop3A_1206 = tpu.vector_load %arg7[%parallel_loop3A_1205] {strides = array<i32>} : memref<81920xf32, #tpu.memory_space<vmem>>, vector<16xf32>,
        tpu.vector_store %arg7[%parallel_loop3A_1205], %parallel_loop3A_1202 {strides = array<i32>} : memref<81920xf32, #tpu.memory_space<vmem>>, vector<16xf32>,
        %parallel_loop3A_1207 = arith.constant 80 : i32
        %parallel_loop3A_1208 = arith.addi %parallel_loop3A_1164, %parallel_loop3A_1207 : i32
        %parallel_loop3A_1209 = arith.index_cast %parallel_loop3A_1208 : i32 to index
        %parallel_loop3A_1210 = tpu.vector_load %arg5[%parallel_loop3A_1209] {strides = array<i32>} : memref<4096xf32, #tpu.memory_space<vmem>>, vector<16xf32>,
        %parallel_loop3A_1211 = arith.constant 80 : i32
        %parallel_loop3A_1212 = arith.addi %parallel_loop3A_1166, %parallel_loop3A_1211 : i32
        %parallel_loop3A_1213 = arith.index_cast %parallel_loop3A_1212 : i32 to index
        %parallel_loop3A_1214 = tpu.vector_load %arg7[%parallel_loop3A_1213] {strides = array<i32>} : memref<81920xf32, #tpu.memory_space<vmem>>, vector<16xf32>,
        tpu.vector_store %arg7[%parallel_loop3A_1213], %parallel_loop3A_1210 {strides = array<i32>} : memref<81920xf32, #tpu.memory_space<vmem>>, vector<16xf32>,
        %parallel_loop3A_1215 = arith.constant 96 : i32
        %parallel_loop3A_1216 = arith.addi %parallel_loop3A_1164, %parallel_loop3A_1215 : i32
        %parallel_loop3A_1217 = arith.index_cast %parallel_loop3A_1216 : i32 to index
        %parallel_loop3A_1218 = tpu.vector_load %arg5[%parallel_loop3A_1217] {strides = array<i32>} : memref<4096xf32, #tpu.memory_space<vmem>>, vector<16xf32>,
        %parallel_loop3A_1219 = arith.constant 96 : i32
        %parallel_loop3A_1220 = arith.addi %parallel_loop3A_1166, %parallel_loop3A_1219 : i32
        %parallel_loop3A_1221 = arith.index_cast %parallel_loop3A_1220 : i32 to index
        %parallel_loop3A_1222 = tpu.vector_load %arg7[%parallel_loop3A_1221] {strides = array<i32>} : memref<81920xf32, #tpu.memory_space<vmem>>, vector<16xf32>,
        tpu.vector_store %arg7[%parallel_loop3A_1221], %parallel_loop3A_1218 {strides = array<i32>} : memref<81920xf32, #tpu.memory_space<vmem>>, vector<16xf32>,
        %parallel_loop3A_1223 = arith.constant 112 : i32
        %parallel_loop3A_1224 = arith.addi %parallel_loop3A_1164, %parallel_loop3A_1223 : i32
        %parallel_loop3A_1225 = arith.index_cast %parallel_loop3A_1224 : i32 to index
        %parallel_loop3A_1226 = tpu.vector_load %arg5[%parallel_loop3A_1225] {strides = array<i32>} : memref<4096xf32, #tpu.memory_space<vmem>>, vector<16xf32>,
        %parallel_loop3A_1227 = arith.constant 112 : i32
        %parallel_loop3A_1228 = arith.addi %parallel_loop3A_1166, %parallel_loop3A_1227 : i32
        %parallel_loop3A_1229 = arith.index_cast %parallel_loop3A_1228 : i32 to index
        %parallel_loop3A_1230 = tpu.vector_load %arg7[%parallel_loop3A_1229] {strides = array<i32>} : memref<81920xf32, #tpu.memory_space<vmem>>, vector<16xf32>,
        tpu.vector_store %arg7[%parallel_loop3A_1229], %parallel_loop3A_1226 {strides = array<i32>} : memref<81920xf32, #tpu.memory_space<vmem>>, vector<16xf32>,
      } {sc.loop_unroll_factor = 2 : i64, sc.parallel_access}
      %mul3A_68 = arith.constant 320 : i32
      %mul3A_69 = arith.muli %scan3A_39, %mul3A_68 : i32
      %add3A_70 = arith.addi %mul3A_2, %mul3A_69 : i32
      %mul3A_71 = arith.constant 128 : i32
      %mul3A_72 = arith.muli %add3A_70, %mul3A_71 : i32
      %eq3A_73 = arith.constant 0 : i32
      %eq3A_74 = arith.cmpi eq, %rem3A_40, %eq3A_73 : i32
      %convert_element_type3A_75 = arith.extui %eq3A_74 : i1 to i32
      %cond3A_76 = arith.constant 0 : i32
      %cond3A_77 = arith.cmpi ne, %convert_element_type3A_75, %cond3A_76 : i32
      scf.if %cond3A_77 {
        %dma_start3A_102 = arith.constant 0 : i32
        %dma_start3A_103 = tpu.memref_slice %arg7[%dma_start3A_102] : memref<81920xf32, #tpu.memory_space<vmem>> -> memref<40960xf32, #tpu.memory_space<vmem>>
        %dma_start3A_104 = tpu.memref_slice %arg4[%mul3A_72] : memref<419430400xf32, #tpu.memory_space<hbm>> -> memref<40960xf32, #tpu.memory_space<hbm>>
        %dma_start3A_105 = tpu.memref_slice %arg4[%mul3A_72] : memref<419430400xf32, #tpu.memory_space<hbm>> -> memref<40960xf32, #tpu.memory_space<hbm>>
        %dma_start3A_106 = arith.constant 0 : i32
        %dma_start3A_107 = tpu.memref_slice %arg7[%dma_start3A_106] : memref<81920xf32, #tpu.memory_space<vmem>> -> memref<40960xf32, #tpu.memory_space<vmem>>
        tpu.enqueue_dma source(%dma_start3A_107 : memref<40960xf32, #tpu.memory_space<vmem>>) target(%dma_start3A_105 : memref<40960xf32, #tpu.memory_space<hbm>>) target_semaphore(%arg10 : memref<!tpu.dma_semaphore, #tpu.memory_space<semaphore_mem>>)
      } else {
      }
      %eq3A_78 = arith.constant 1 : i32
      %eq3A_79 = arith.cmpi eq, %rem3A_40, %eq3A_78 : i32
      %convert_element_type3A_80 = arith.extui %eq3A_79 : i1 to i32
      %cond3A_81 = arith.constant 0 : i32
      %cond3A_82 = arith.cmpi ne, %convert_element_type3A_80, %cond3A_81 : i32
      scf.if %cond3A_82 {
        %dma_start3A_102 = arith.constant 40960 : i32
        %dma_start3A_103 = tpu.memref_slice %arg7[%dma_start3A_102] : memref<81920xf32, #tpu.memory_space<vmem>> -> memref<40960xf32, #tpu.memory_space<vmem>>
        %dma_start3A_104 = tpu.memref_slice %arg4[%mul3A_72] : memref<419430400xf32, #tpu.memory_space<hbm>> -> memref<40960xf32, #tpu.memory_space<hbm>>
        %dma_start3A_105 = tpu.memref_slice %arg4[%mul3A_72] : memref<419430400xf32, #tpu.memory_space<hbm>> -> memref<40960xf32, #tpu.memory_space<hbm>>
        %dma_start3A_106 = arith.constant 40960 : i32
        %dma_start3A_107 = tpu.memref_slice %arg7[%dma_start3A_106] : memref<81920xf32, #tpu.memory_space<vmem>> -> memref<40960xf32, #tpu.memory_space<vmem>>
        tpu.enqueue_dma source(%dma_start3A_107 : memref<40960xf32, #tpu.memory_space<vmem>>) target(%dma_start3A_105 : memref<40960xf32, #tpu.memory_space<hbm>>) target_semaphore(%arg11 : memref<!tpu.dma_semaphore, #tpu.memory_space<semaphore_mem>>)
      } else {
      }
      %add3A_83 = arith.constant 2 : i32
      %add3A_84 = arith.addi %scan3A_39, %add3A_83 : i32
      %lt3A = arith.constant 320 : i32
      %lt3A_85 = arith.cmpi slt, %add3A_84, %lt3A : i32
      %eq3A_86 = arith.constant 0 : i32
      %eq3A_87 = arith.cmpi eq, %rem3A_40, %eq3A_86 : i32
      %and3A_88 = arith.andi %lt3A_85, %eq3A_87 : i1
      %convert_element_type3A_89 = arith.extui %and3A_88 : i1 to i32
      %cond3A_90 = arith.constant 0 : i32
      %cond3A_91 = arith.cmpi ne, %convert_element_type3A_89, %cond3A_90 : i32
      scf.if %cond3A_91 {
        %add3A_102 = arith.constant 2 : i32
        %add3A_103 = arith.addi %scan3A_39, %add3A_102 : i32
        %mul3A_104 = arith.constant 320 : i32
        %mul3A_105 = arith.muli %add3A_103, %mul3A_104 : i32
        %add3A_106 = arith.addi %mul3A_2, %mul3A_105 : i32
        %dma_start3A_107 = arith.constant 0 : i32
        %dma_start3A_108 = tpu.memref_slice %arg6[%dma_start3A_107] : memref<640xi32, #tpu.memory_space<vmem>> -> memref<320xi32, #tpu.memory_space<vmem>>
        %dma_start3A_109 = tpu.memref_slice %arg3[%add3A_106] : memref<3276800xi32, #tpu.memory_space<hbm>> -> memref<320xi32, #tpu.memory_space<hbm>>
        %dma_start3A_110 = arith.constant 0 : i32
        %dma_start3A_111 = tpu.memref_slice %arg6[%dma_start3A_110] : memref<640xi32, #tpu.memory_space<vmem>> -> memref<320xi32, #tpu.memory_space<vmem>>
        %dma_start3A_112 = tpu.memref_slice %arg3[%add3A_106] : memref<3276800xi32, #tpu.memory_space<hbm>> -> memref<320xi32, #tpu.memory_space<hbm>>
        tpu.enqueue_dma source(%dma_start3A_112 : memref<320xi32, #tpu.memory_space<hbm>>) target(%dma_start3A_111 : memref<320xi32, #tpu.memory_space<vmem>>) target_semaphore(%arg8 : memref<!tpu.dma_semaphore, #tpu.memory_space<semaphore_mem>>)
      } else {
      }
      %add3A_92 = arith.constant 2 : i32
      %add3A_93 = arith.addi %scan3A_39, %add3A_92 : i32
      %lt3A_94 = arith.constant 320 : i32
      %lt3A_95 = arith.cmpi slt, %add3A_93, %lt3A_94 : i32
      %eq3A_96 = arith.constant 1 : i32
      %eq3A_97 = arith.cmpi eq, %rem3A_40, %eq3A_96 : i32
      %and3A_98 = arith.andi %lt3A_95, %eq3A_97 : i1
      %convert_element_type3A_99 = arith.extui %and3A_98 : i1 to i32
      %cond3A_100 = arith.constant 0 : i32
      %cond3A_101 = arith.cmpi ne, %convert_element_type3A_99, %cond3A_100 : i32
      scf.if %cond3A_101 {
        %add3A_102 = arith.constant 2 : i32
        %add3A_103 = arith.addi %scan3A_39, %add3A_102 : i32
        %mul3A_104 = arith.constant 320 : i32
        %mul3A_105 = arith.muli %add3A_103, %mul3A_104 : i32
        %add3A_106 = arith.addi %mul3A_2, %mul3A_105 : i32
        %dma_start3A_107 = arith.constant 320 : i32
        %dma_start3A_108 = tpu.memref_slice %arg6[%dma_start3A_107] : memref<640xi32, #tpu.memory_space<vmem>> -> memref<320xi32, #tpu.memory_space<vmem>>
        %dma_start3A_109 = tpu.memref_slice %arg3[%add3A_106] : memref<3276800xi32, #tpu.memory_space<hbm>> -> memref<320xi32, #tpu.memory_space<hbm>>
        %dma_start3A_110 = arith.constant 320 : i32
        %dma_start3A_111 = tpu.memref_slice %arg6[%dma_start3A_110] : memref<640xi32, #tpu.memory_space<vmem>> -> memref<320xi32, #tpu.memory_space<vmem>>
        %dma_start3A_112 = tpu.memref_slice %arg3[%add3A_106] : memref<3276800xi32, #tpu.memory_space<hbm>> -> memref<320xi32, #tpu.memory_space<hbm>>
        tpu.enqueue_dma source(%dma_start3A_112 : memref<320xi32, #tpu.memory_space<hbm>>) target(%dma_start3A_111 : memref<320xi32, #tpu.memory_space<vmem>>) target_semaphore(%arg9 : memref<!tpu.dma_semaphore, #tpu.memory_space<semaphore_mem>>)
      } else {
      }
    }
    %scan3A_23 = arith.constant 320 : i32
    %dma_wait3A = arith.constant 0 : i32
    %dma_wait3A_24 = tpu.memref_slice %arg7[%dma_wait3A] : memref<81920xf32, #tpu.memory_space<vmem>> -> memref<40960xf32, #tpu.memory_space<vmem>>
    %dma_wait3A_25 = arith.constant 0 : i32
    %dma_wait3A_26 = tpu.memref_slice %arg4[%dma_wait3A_25] : memref<419430400xf32, #tpu.memory_space<hbm>> -> memref<40960xf32, #tpu.memory_space<hbm>>
    %dma_wait3A_27 = arith.constant 0 : i32
    %dma_wait3A_28 = tpu.memref_slice %arg4[%dma_wait3A_27] : memref<419430400xf32, #tpu.memory_space<hbm>> -> memref<40960xf32, #tpu.memory_space<hbm>>
    %dma_wait3A_29 = arith.constant 0 : i32
    %dma_wait3A_30 = tpu.memref_slice %arg7[%dma_wait3A_29] : memref<81920xf32, #tpu.memory_space<vmem>> -> memref<40960xf32, #tpu.memory_space<vmem>>
    tpu.wait_dma2 semaphore(%arg10 : memref<!tpu.dma_semaphore, #tpu.memory_space<semaphore_mem>>) src(%dma_wait3A_30 : memref<40960xf32, #tpu.memory_space<vmem>>) dst(%dma_wait3A_28 : memref<40960xf32, #tpu.memory_space<hbm>>)
    %dma_wait3A_31 = arith.constant 0 : i32
    %dma_wait3A_32 = tpu.memref_slice %arg7[%dma_wait3A_31] : memref<81920xf32, #tpu.memory_space<vmem>> -> memref<40960xf32, #tpu.memory_space<vmem>>
    %dma_wait3A_33 = arith.constant 0 : i32
    %dma_wait3A_34 = tpu.memref_slice %arg4[%dma_wait3A_33] : memref<419430400xf32, #tpu.memory_space<hbm>> -> memref<40960xf32, #tpu.memory_space<hbm>>
    %dma_wait3A_35 = arith.constant 0 : i32
    %dma_wait3A_36 = tpu.memref_slice %arg4[%dma_wait3A_35] : memref<419430400xf32, #tpu.memory_space<hbm>> -> memref<40960xf32, #tpu.memory_space<hbm>>
    %dma_wait3A_37 = arith.constant 0 : i32
    %dma_wait3A_38 = tpu.memref_slice %arg7[%dma_wait3A_37] : memref<81920xf32, #tpu.memory_space<vmem>> -> memref<40960xf32, #tpu.memory_space<vmem>>
    tpu.wait_dma2 semaphore(%arg11 : memref<!tpu.dma_semaphore, #tpu.memory_space<semaphore_mem>>) src(%dma_wait3A_38 : memref<40960xf32, #tpu.memory_space<vmem>>) dst(%dma_wait3A_36 : memref<40960xf32, #tpu.memory_space<hbm>>)
    return
  }
}

</mosaic_0001>

<sc_bundles>
// kernel: _sc_expand.3.cloned.1.call-start
scs
__scs_entry_jumppad:
0x0: {  	(pc) =	sbr.rel $0x88, $3  }
0x1: {  	(tag) =	ssettag $0x0;
	lr =	simm.s32 $0x1  }
0x2: {  	[smem:$0x3F9F] =	sst lr;
	_ =	strace $0xD0000000  }
0x3: {  	_ = 	snop  }
0x4: {  	_ = 	snop  }
0x5: {  	_ = 	snop  }
0x6: {  	_ = 	snop  }
0x7: {  	_ = 	snop  }
__scs_overlays_trampoline_lowered:
0x8: {  	[smem:$0x3FAE] =	sst s0  }
0x9: {  	[smem:$0x3FAF] =	sst s1  }
0xa: {  	[smem:$0x3FB0] =	sst s2  }
0xb: {  	[smem:$0x3FB1] =	sst s3  }
0xc: {  	[smem:$0x3FB2] =	sst s4  }
0xd: {  	[smem:$0x3FB3] =	sst s5  }
0xe: {  	[smem:$0x3FB4] =	sst s6  }
0xf: {  	[smem:$0x3FB5] =	sst s7  }
0x10: {  	[smem:$0x3FB6] =	sst s8  }
0x11: {  	[smem:$0x3FB7] =	sst s9;
	s0 =	simm.s32 @!p0 $0x0  }
0x12: {  	s1 =	sld [smem:$0x3F9D];
	s0 =	simm.s32 @p0 $0x1  }
0x13: {  	[smem:$0x3FB8] =	sst s0;
	s0 =	simm.s32 @!p1 $0x0  }
0x14: {  	s2 =	sld [smem:$0x3F9C];
	s0 =	simm.s32 @p1 $0x1  }
0x15: {  	[smem:$0x3FB9] =	sst s0;
	s0 =	simm.s32 @!p2 $0x0  }
0x16: {  	s3 =	sld [smem:$0x3FDB];
	s0 =	simm.s32 @p2 $0x1  }
0x17: {  	s4 =	simm.s32 $0x1BF5;
	[smem:$0x3FBB] =	sst s0  }
0x18: {  	s0 =	sld [smem:$0x3F9E];
	_ =	swait.ge [sflag:s4], $0x0  }
0x19: {  	s7 =	sld [smem:$0x3F9F]  }
0x1a: {  	s8 =	sadd.s32 $0xFFFFE003, lr  }
0x1b: {  	s9 =	sadd.s32 $0xFFFFFEF7, lr;
	s5 =	simm.s32 $0xFFFFFFFF;
	p2 =	slt.u32 s8, $0xFFFFF086  }
0x1c: {  	p1 =	slt.u32 s9, $0xF7A;
	s5 =	simm.s32 @!p2 $0x0  }
0x1d: {  	s5 =	simm.s32 @p1 $0x1;
	p0 =	seq.s32 s7, s2  }
0x1e: {  	s7 =	smul.u32 @!p0 $0xF7A, s2;
	p2 =	seq.s32 @!p0 s5, $0x0  }
0x1f: {  	s9 =	smul.u32 $0xF7A, s1;
	s8 =	simm.s32 @!p0 $0x1BF5;
	p2 =	por !p2, p0  }
0x20: {  	[sflag:s8] =	ssyncset.s32 @!p0 $0xFFFFF086;
	s6 =	sadd.s32 @!p0 s3, s7;
	s7 =	simm.s32 @!p0 $0x108  }
0x21: {  	s3 =	sadd.s32 s3, s9;
	s6 =	sadd.s32 @!p0 $0x88, s6;
	s7 =	simm.s32 @p2 $0x1082  }
0x22: {  	[simem:s7], [sflag:s8] =	dma.local @!p0 [hbm:s6], $0xF7A  }
0x23: {  	s9 =	sor.u32 $0xD0000000, s2;
	s6 =	simm.s32 $0x108;
	_ =	swait.ge @!p0 [sflag:s8], $0x0  }
0x24: {  	s3 =	sadd.s32 $0x88, s3;
	s6 =	simm.s32 @!p1 $0x1082;
	[sflag:s4] =	ssyncset.s32 $0xFFFFF086  }
0x25: {  	[simem:s6], [sflag:s4] =	dma.local [hbm:s3], $0xF7A  }
0x26: {  	[smem:$0x3F9F] =	sst s1;
	(tag) =	ssettag s2;
	_ =	strace s9  }
0x27: {  	s1 =	sld [smem:$0x3FAF]  }
0x28: {  	s2 =	sld [smem:$0x3FB0]  }
0x29: {  	s4 =	sld [smem:$0x3FB2]  }
0x2a: {  	p0 =	seq.s32 s5, $0x0;
	s5 =	sld [smem:$0x3FB3]  }
0x2b: {  	s6 =	sld [smem:$0x3FB4]  }
0x2c: {  	s7 =	sld [smem:$0x3FB5]  }
0x2d: {  	s3 =	simm.s32 $0x108;
	s8 =	sld [smem:$0x3FB6]  }
0x2e: {  	s3 =	simm.s32 @!p0 $0x1082;
	s9 =	sld [smem:$0x3FB7]  }
0x2f: {  	lr =	sadd.s32 s0, s3;
	s0 =	sld [smem:$0x3FAE]  }
0x30: {  	s3 =	sld [smem:$0x3FB1]  }
0x31: {  	[smem:$0x3FBA] =	sst s10  }
0x32: {  	s10 =	sld [smem:$0x3FB8];
	_ =	sdelay $0x3  }
0x33: {  	p0 =	seq.s32 s10, $0x1;
	s10 =	sld [smem:$0x3FBA];
	_ =	sdelay $0x3  }
0x34: {  	[smem:$0x3FBA] =	sst s10  }
0x35: {  	s10 =	sld [smem:$0x3FB9];
	_ =	sdelay $0x3  }
0x36: {  	p1 =	seq.s32 s10, $0x1;
	s10 =	sld [smem:$0x3FBA];
	_ =	sdelay $0x3  }
0x37: {  	[smem:$0x3FBA] =	sst s10  }
0x38: {  	s10 =	sld [smem:$0x3FBB]  }
0x39: {  	_ = 	snop;
	(pc) =	sbr.ind lr, $3  }
0x3a: {  	_ = 	snop  }
0x3b: {  	_ = 	snop  }
0x3c: {  	p2 =	seq.s32 s10, $0x1;
	s10 =	sld [smem:$0x3FBA]  }
0x3d: {  	_ =	shalt  }
0x3e: {  	_ =	shalt  }
0x3f: {  	_ =	shalt  }
0x40: {  	_ =	shalt  }
0x41: {  	_ =	shalt  }
0x42: {  	_ =	shalt  }
0x43: {  	_ =	shalt  }
0x44: {  	_ =	shalt  }
0x45: {  	_ =	shalt  }
0x46: {  	_ =	shalt  }
0x47: {  	_ =	shalt  }
0x48: {  	_ =	shalt  }
0x49: {  	_ =	shalt  }
0x4a: {  	_ =	shalt  }
0x4b: {  	_ =	shalt  }
0x4c: {  	_ =	shalt  }
0x4d: {  	_ =	shalt  }
0x4e: {  	_ =	shalt  }
0x4f: {  	_ =	shalt  }
0x50: {  	_ =	shalt  }
0x51: {  	_ =	shalt  }
0x52: {  	_ =	shalt  }
0x53: {  	_ =	shalt  }
0x54: {  	_ =	shalt  }
0x55: {  	_ =	shalt  }
0x56: {  	_ =	shalt  }
0x57: {  	_ =	shalt  }
0x58: {  	_ =	shalt  }
0x59: {  	_ =	shalt  }
0x5a: {  	_ =	shalt  }
0x5b: {  	_ =	shalt  }
0x5c: {  	_ =	shalt  }
0x5d: {  	_ =	shalt  }
0x5e: {  	_ =	shalt  }
0x5f: {  	_ =	shalt  }
0x60: {  	_ =	shalt  }
0x61: {  	_ =	shalt  }
0x62: {  	_ =	shalt  }
0x63: {  	_ =	shalt  }
0x64: {  	_ =	shalt  }
0x65: {  	_ =	shalt  }
0x66: {  	_ =	shalt  }
0x67: {  	_ =	shalt  }
0x68: {  	_ =	shalt  }
0x69: {  	_ =	shalt  }
0x6a: {  	_ =	shalt  }
0x6b: {  	_ =	shalt  }
0x6c: {  	_ =	shalt  }
0x6d: {  	_ =	shalt  }
0x6e: {  	_ =	shalt  }
0x6f: {  	_ =	shalt  }
0x70: {  	_ =	shalt  }
0x71: {  	_ =	shalt  }
0x72: {  	_ =	shalt  }
0x73: {  	_ =	shalt  }
0x74: {  	_ =	shalt  }
0x75: {  	_ =	shalt  }
0x76: {  	_ =	shalt  }
0x77: {  	_ =	shalt  }
0x78: {  	_ =	shalt  }
0x79: {  	_ =	shalt  }
0x7a: {  	_ =	shalt  }
0x7b: {  	_ =	shalt  }
0x7c: {  	_ =	shalt  }
0x7d: {  	_ =	shalt  }
0x7e: {  	_ =	shalt  }
0x7f: {  	_ =	shalt  }
0x80: {  	_ =	shalt  }
0x81: {  	_ =	shalt  }
0x82: {  	_ =	shalt  }
0x83: {  	_ =	shalt  }
0x84: {  	_ =	shalt  }
0x85: {  	_ =	shalt  }
0x86: {  	_ =	shalt  }
0x87: {  	_ =	shalt  }
.Lfunc_end0:
.L_simem_size_0:
called_computation_lowered:
.L_overlay_start_0:
0x88: {  	s2 =	sld [smem:$0x3FD9]  }
0x89: {  	s3 =	sld [smem:$0x3FFE];
	_ =	sdelay $0x1  }
0x8a: {  	s1 =	srdreg.scid  }
0x8b: {  	s0 =	sand.u32 $0x1, s1  }
0x8c: {  	s18 =	sshll.u32 s0, $0xA;
	s2 =	sadd.s32 s3, s2  }
0x8d: {  	s2 =	sadd.s32 s2, s18  }
0x8e: {  	[smem:$0x3FC6] =	sst s2  }
0x8f: {  	_ = 	snop  }
0x90: {  	s2 =	sld [smem:$0x3FC9]  }
0x91: {  	s19 =	sld [smem:$0x3FC8]  }
0x92: {  	s4 =	sld [smem:$0x3FD0];
	(tm) =	ssettm $0x1  }
0x93: {  	s5 =	sld [smem:$0x3FFB];
	_ =	sdelay $0x3  }
0x94: {  	_ =	strace s5  }
0x95: {  	s5 =	sld [smem:$0x3FFC];
	_ =	sdelay $0x3  }
0x96: {  	_ =	strace s5  }
0x97: {  	s5 =	sld [smem:$0x3FFD];
	_ =	sdelay $0x3  }
0x98: {  	_ =	strace s5  }
0x99: {  	_ =	strace $0x8FFFFFFF  }
0x9a: {  	s20 =	sld [smem:$0x3FDB];
	_ =	sdelay $0x1  }
0x9b: {  	s6 =	simm.s32 $_scs_section_size  }
0x9c: {  	s7 =	simm.s32 $_size__tile_overlayer_lowered;
	s8 =	simm.s32 $_tile_overlayer_lowered  }
0x9d: {  	s23 =	simm.s32 $0x1BFF;
	s22 =	sshll.u32 s8, $0x1;
	s5 =	sadd.s32 s6, s20  }
0x9e: {  	s9 =	simm.s32 $0x0;
	s21 =	sshll.u32 s7, $0x1;
	s7 =	sadd.s32 s22, s5  }
0x9f: {  	[timem:s9], [sflag:s23] =	dma.local [hbm:s7], s21  }
0xa0: {  	_ =	swait.ge [sflag:s23], s21  }
0xa1: {  	s6 =	ssub.s32 $0x0, s21;
	[sflag:s23] =	ssyncset.done $0x0  }
0xa2: {  	[sflag:s23] =	ssyncadd.s32 s6;
	_ =	sdelay $0x1  }
0xa3: {  	s24 =	simm.s32 $0x1B8B  }
0xa4: {  	_ =	swait.ge [sflag:s24], $0x1  }
0xa5: {  	[sflag:s24] =	ssyncset.done $0x0  }
0xa6: {  	s25 =	simm.s32 $0x1B8E;
	[sflag:s24] =	ssyncadd.s32 $0xFFFFFFFF  }
0xa7: {  	s26 =	simm.s32 $execute0_lowered;
	[smem:$0x3FD2] =	sst s25  }
0xa8: {  	s6 =	sshll.u32 s26, $0x1;
	_ =	strace $0x80000046;
	[dreg:$0x1] =	wrdreg $0xFFFFFFFF  }
0xa9: {  	s28 =	simm.s32 $_size_execute0_lowered;
	s5 =	sadd.s32 s5, s6;
	[dreg:$0x0] =	wrdreg $0x0  }
0xaa: {  	s6 =	sshll.u32 s28, $0x1;
	[dreg:$0x2] =	wrdreg s5  }
0xab: {  	[dreg:$0x3] =	wrdreg s6  }
0xac: {  	[dreg:$0x4] =	wrdreg $0xC0  }
0xad: {  	_ =	task [dreg:s9], $0x5FFFF  }
0xae: {  	[dreg:$0x1] =	wrdreg $0xFFFFFFFF  }
0xaf: {  	[dreg:$0x0] =	wrdreg $0x60  }
0xb0: {  	[dreg:$0x2] =	wrdreg s2  }
0xb1: {  	[dreg:$0x3] =	wrdreg s19  }
0xb2: {  	[dreg:$0x4] =	wrdreg s4  }
0xb3: {  	[dreg:$0x5] =	wrdreg $0x9  }
0xb4: {  	_ =	task.clear_ibuf [dreg:s9], $0x6FFFF;
	_ =	strace $0x90000046  }
0xb5: {  	s29 =	simm.s32 $0x9;
	_ =	strace $0x80000048  }
0xb6: {  	_ =	swait.ge [sflag:s29], $0x1  }
0xb7: {  	[sflag:s29] =	ssyncadd.s32 $0xFFFFFFFF  }
0xb8: {  	_ =	strace $0x90000048  }
0xb9: {  	_ =	sfence  }
0xba: {  	s30 =	sld [smem:$0x0];
	_ =	sdelay $0x2  }
0xbb: {  	s31 =	sshll.u32 s1, $0xD;
	s1 =	sshrl.u32 s1, $0x2  }
0xbc: {  	s3 =	sand.u32 $0x4000, s31;
	s1 =	sadd.s32 s1, s30  }
0xbd: {  	s0 =	sor.u32 s3, s0;
	s1 =	sshll.u32 s1, $0x11  }
0xbe: {  	s0 =	sor.u32 s1, s0  }
0xbf: {  	s0 =	sadd.s32 $0x8F2B, s0  }
0xc0: {  	[sflag:s0] =	ssyncadd.remote.s32 $0x1  }
0xc1: {  	_ =	sfence.sel $0xFFFF  }
0xc2: {  	[dreg:$0x0] =	wrdreg $0xFFFFFFFF;
	(pc) =	sbr.abs _section_cstart, $3  }
0xc3: {  	[dreg:$0x1] =	wrdreg $0xFFFFFFFF  }
0xc4: {  	_ =	task.clear_ibuf [dreg:s9], $0x2FFFF;
	_ =	strace $0x9FFFFFFF  }
0xc5: {  	(tm) =	ssettm $0x7FFFFFFF  }
tec
execute0_lowered:
.L_overlay_start_1:
0x0: {  	(tag) =	ssettag $0x1  }
0x1: {  	s0 =	srdreg.scid;
	s1 =	stileid.u32  }
0x2: {  	s0 =	sand.u32 $0x1, s0;
	s1 =	sshll.u32 s1, $0x1  }
0x3: {  	s3 =	rddreg [dreg:$0x1];
	s1 =	sor.u32 s0, s1;
	s0 =	ssub.s32 $0x2, s0  }
0x4: {  	s4 =	simm.s32 $0x0;
	s2 =	smul.u32 $0x19000, s1;
	s30 =	sshrl.u32 s0, $0x1  }
0x5: {  	[smem:$0x7FF] =	sst s4;
	s0 =	ssub.s32 s0, s30  }
0x6: {  	[dreg:$0x12] =	wrdreg s2;
	s2 =	sshrl.u32 s2, $0x3;
	s0 =	smax.u32 s0, $0x1  }
0x7: {  	s31 =	sadd.s32 s3, s2;
	_ =	strace $0x80000047;
	[dreg:$0x15] =	wrdreg s0  }
0x8: {  	[dreg:$0x13] =	wrdreg s31;
	s1 =	sadd.s32 $0x28, s31  }
0x9: {  	s2 =	simm.s32 $0x0;
	[dreg:$0x14] =	wrdreg s1  }
.LBB2_1:
0xa: {  	[dreg:$0x16] =	wrdreg s2  }
0xb: {  	s0 =	rddreg [dreg:$0x0];
	s1 =	simm.s32 $0x0;
	s26 =	simm.s32 $0x5  }
0xc: {  	[tilespmem:s1], [sflag:$0x5] =	stream.linear.gather [hbm4b:s0+s1], $0x1000, $0x38;
	[tilespmem:$0x15280] =	vst v63  }
0xd: {  	_ =	swait.ge [sflag:s26], $0x1000  }
0xe: {  	[sflag:s26] =	ssyncset.done $0x0  }
0xf: {  	s29 =	simm.s32 $0x1000;
	s28 =	rddreg [dreg:$0x13];
	[sflag:s26] =	ssyncadd.s32 $0xFFFFF000  }
0x10: {  	[tilespmem:s29], [sflag:$0x1] =	stream.linear.gather [hbm4b:s28+s1], $0x140, $0x38;
	[tilespmem:$0x15280] =	vst v63  }
0x11: {  	s31 =	simm.s32 $0x1140;
	s6 =	simm.s32 $0x0;
	s30 =	rddreg [dreg:$0x14]  }
0x12: {  	[tilespmem:s31], [sflag:$0x2] =	stream.linear.gather [hbm4b:s30+s1], $0x140, $0x38;
	[tilespmem:$0x15280] =	vst v63  }
.LBB2_2:
0x13: {  	s2 =	sand.u32 $0x1, s6  }
0x14: {  	p0 =	seq.s32 s2, $0x1  }
0x15: {  	s0 =	simm.s32 @!p0 $0x1  }
0x16: {  	_ =	swait.ge @!p0 [sflag:s0], $0x140  }
0x17: {  	p2 =	slt.u32 s6, $0x2;
	p1 =	seq.s32 s2, $0x0;
	[sflag:s0] =	ssyncset.done @!p0 $0x0  }
0x18: {  	[dreg:$0x17] =	wrdreg s6;
	[sflag:s0] =	ssyncadd.s32 @!p0 $0xFFFFFEC0;
	s0 =	simm.s32 @!p1 $0x2  }
0x19: {  	p3 =	sne.s32 @!p2 s2, $0x0;
	s1 =	smul.u32 $0x500, s2;
	_ =	swait.ge @!p1 [sflag:s0], $0x140  }
0x1a: {  	p3 =	por p3, p2;
	[sflag:s0] =	ssyncset.done @!p1 $0x0  }
0x1b: {  	s1 =	sshrl.u32 s1, $0x2;
	[sflag:s0] =	ssyncadd.s32 @!p1 $0xFFFFFEC0;
	s0 =	simm.s32 @!p3 $0x3  }
0x1c: {  	s1 =	sor.u32 $0x1000, s1;
	p1 =	por !p0, !p0;
	_ =	swait.ge @!p3 [sflag:s0], $0xA000  }
0x1d: {  	v1 =	vmov s1;
	p2 =	por p2, p1;
	[sflag:s0] =	ssyncset.done @!p3 $0x0  }
0x1e: {  	[sflag:s0] =	ssyncadd.s32 @!p3 $0xFFFF6000;
	s0 =	simm.s32 @!p2 $0x4  }
0x1f: {  	_ =	swait.ge @!p2 [sflag:s0], $0xA000  }
0x20: {  	s20 =	simm.s32 $0x0;
	[sflag:s0] =	ssyncset.done @!p2 $0x0  }
0x21: {  	s21 =	sand.u32 $0x3FFFFFF0, s20;
	[sflag:s0] =	ssyncadd.s32 @!p2 $0xFFFF6000  }
0x22: {  	v0 =	vld.idx.msk [tilespmem:v1+s21+$0x0 ss:$0x1], $0xffff;
	_ =	sdelay $0x4  }
0x23: {  	v0 =	vshll.u32 v0, $0x9  }
0x24: {  	v2 =	vshra.s32 v0, $0x2  }
0x25: {  	(v2sf) =	vpush v2, $0x0;
	_ =	sdelay $0xb  }
0x26: {  	s22 =	smul.u32 $0x28000, s2;
	_ =	sdelay $0x1  }
0x27: {  	s0 =	sshrl.u32 s22, $0x2  }
0x28: {  	[dreg:$0x18] =	wrdreg s2;
	s0 =	sor.u32 $0x1280, s0;
	s23 =	spop (v2sf)  }
0x29: {  	v0 =	vmov s0;
	v3 =	vld [tilespmem:s23+$0x0];
	_ =	sdelay $0x2  }
0x2a: {  	s24 =	simm.s32 $0x0  }
0x2b: {  	s24 =	sand.u32 $0x3FFFF800, s24  }
0x2c: {  	[tilespmem:v0+s24+$0x0 ss:$0x1] =	vst.idx.msk $0xffff, v3  }
0x2d: {  	v3 =	vld [tilespmem:s23+$0x10];
	_ =	sdelay $0x4  }
0x2e: {  	[tilespmem:v0+s24+$0x10 ss:$0x1] =	vst.idx.msk $0xffff, v3  }
0x2f: {  	v3 =	vld [tilespmem:s23+$0x20];
	_ =	sdelay $0x4  }
0x30: {  	[tilespmem:v0+s24+$0x20 ss:$0x1] =	vst.idx.msk $0xffff, v3  }
0x31: {  	v3 =	vld [tilespmem:s23+$0x30];
	_ =	sdelay $0x4  }
0x32: {  	[tilespmem:v0+s24+$0x30 ss:$0x1] =	vst.idx.msk $0xffff, v3  }
0x33: {  	v3 =	vld [tilespmem:s23+$0x40];
	_ =	sdelay $0x4  }
0x34: {  	(v2sf) =	vpush v2, $0x1;
	[tilespmem:v0+s24+$0x40 ss:$0x1] =	vst.idx.msk $0xffff, v3  }
0x35: {  	(v2sf) =	vpush v2, $0x2;
	v3 =	vld [tilespmem:s23+$0x50]  }
0x36: {  	(v2sf) =	vpush v2, $0x3  }
0x37: {  	(v2sf) =	vpush v2, $0x4  }
0x38: {  	(v2sf) =	vpush v2, $0x5  }
0x39: {  	s25 =	simm.s32 $0x0;
	(v2sf) =	vpush v2, $0x6  }
0x3a: {  	s10 =	sor.u32 $0x1, s25;
	(v2sf) =	vpush v2, $0x7;
	[tilespmem:v0+s24+$0x50 ss:$0x1] =	vst.idx.msk $0xffff, v3  }
0x3b: {  	s0 =	sshll.u32 s10, $0x4;
	(v2sf) =	vpush v2, $0x8;
	v3 =	vld [tilespmem:s23+$0x60]  }
0x3c: {  	s0 =	sand.u32 $0x3FFFFFF0, s0;
	(v2sf) =	vpush v2, $0x9  }
0x3d: {  	v4 =	vld.idx.msk [tilespmem:v1+s0+$0x0 ss:$0x1], $0xffff;
	(v2sf) =	vpush v2, $0xA  }
0x3e: {  	(v2sf) =	vpush v2, $0xB  }
0x3f: {  	(v2sf) =	vpush v2, $0xC  }
0x40: {  	(v2sf) =	vpush v2, $0xD;
	[tilespmem:v0+s24+$0x60 ss:$0x1] =	vst.idx.msk $0xffff, v3  }
0x41: {  	(v2sf) =	vpush v2, $0xE;
	v5 =	vld [tilespmem:s23+$0x70]  }
0x42: {  	v3 =	vshll.u32 v4, $0x9  }
0x43: {  	(v2sf) =	vpush v2, $0xF;
	s11 =	spop (v2sf);
	v3 =	vshra.s32 v3, $0x2  }
0x44: {  	s8 =	spop (v2sf);
	(v2sf) =	vpush v3, $0x0  }
0x45: {  	s5 =	spop (v2sf)  }
0x46: {  	s4 =	spop (v2sf);
	[tilespmem:v0+s24+$0x70 ss:$0x1] =	vst.idx.msk $0xffff, v5  }
0x47: {  	s3 =	spop (v2sf);
	v2 =	vld [tilespmem:s11+$0x0]  }
0x48: {  	s9 =	spop (v2sf)  }
0x49: {  	s7 =	spop (v2sf)  }
0x4a: {  	s6 =	spop (v2sf)  }
0x4b: {  	s2 =	spop (v2sf)  }
0x4c: {  	s1 =	spop (v2sf);
	[tilespmem:v0+s24+$0x80 ss:$0x1] =	vst.idx.msk $0xffff, v2  }
0x4d: {  	s0 =	spop (v2sf);
	v2 =	vld [tilespmem:s11+$0x10]  }
0x4e: {  	s12 =	spop (v2sf)  }
0x4f: {  	s15 =	spop (v2sf)  }
0x50: {  	s13 =	spop (v2sf)  }
0x51: {  	[dreg:$0x1a] =	wrdreg s13  }
0x52: {  	s26 =	spop (v2sf);
	[tilespmem:v0+s24+$0x90 ss:$0x1] =	vst.idx.msk $0xffff, v2  }
0x53: {  	s29 =	spop (v2sf);
	[dreg:$0x19] =	wrdreg s26  }
0x54: {  	v4 =	vld [tilespmem:s29+$0x0];
	_ =	sdelay $0x2  }
0x55: {  	s10 =	sshll.u32 s10, $0xB;
	v2 =	vld [tilespmem:s11+$0x20]  }
0x56: {  	s26 =	sand.u32 $0x3FFFF800, s10  }
0x57: {  	[tilespmem:v0+s26+$0x0 ss:$0x1] =	vst.idx.msk $0xffff, v4  }
0x58: {  	v4 =	vld [tilespmem:s29+$0x10];
	_ =	sdelay $0x1  }
0x59: {  	[tilespmem:v0+s24+$0xA0 ss:$0x1] =	vst.idx.msk $0xffff, v2  }
0x5a: {  	v2 =	vld [tilespmem:s11+$0x30];
	_ =	sdelay $0x1  }
0x5b: {  	[tilespmem:v0+s26+$0x10 ss:$0x1] =	vst.idx.msk $0xffff, v4  }
0x5c: {  	v4 =	vld [tilespmem:s29+$0x20];
	_ =	sdelay $0x1  }
0x5d: {  	[tilespmem:v0+s24+$0xB0 ss:$0x1] =	vst.idx.msk $0xffff, v2  }
0x5e: {  	v2 =	vld [tilespmem:s11+$0x40];
	_ =	sdelay $0x1  }
0x5f: {  	[tilespmem:v0+s26+$0x20 ss:$0x1] =	vst.idx.msk $0xffff, v4  }
0x60: {  	v4 =	vld [tilespmem:s29+$0x30];
	_ =	sdelay $0x1  }
0x61: {  	[tilespmem:v0+s24+$0xC0 ss:$0x1] =	vst.idx.msk $0xffff, v2  }
0x62: {  	v2 =	vld [tilespmem:s11+$0x50];
	_ =	sdelay $0x1  }
0x63: {  	[tilespmem:v0+s26+$0x30 ss:$0x1] =	vst.idx.msk $0xffff, v4  }
0x64: {  	v4 =	vld [tilespmem:s29+$0x40];
	_ =	sdelay $0x1  }
0x65: {  	[tilespmem:v0+s24+$0xD0 ss:$0x1] =	vst.idx.msk $0xffff, v2  }
0x66: {  	v2 =	vld [tilespmem:s11+$0x60];
	_ =	sdelay $0x1  }
0x67: {  	[tilespmem:v0+s26+$0x40 ss:$0x1] =	vst.idx.msk $0xffff, v4  }
0x68: {  	v4 =	vld [tilespmem:s29+$0x50];
	_ =	sdelay $0x1  }
0x69: {  	(v2sf) =	vpush v3, $0x1;
	[tilespmem:v0+s24+$0xE0 ss:$0x1] =	vst.idx.msk $0xffff, v2  }
0x6a: {  	v2 =	vld [tilespmem:s11+$0x70];
	_ =	sdelay $0x1  }
0x6b: {  	[tilespmem:v0+s26+$0x50 ss:$0x1] =	vst.idx.msk $0xffff, v4  }
0x6c: {  	v4 =	vld [tilespmem:s29+$0x60];
	_ =	sdelay $0x1  }
0x6d: {  	[tilespmem:v0+s24+$0xF0 ss:$0x1] =	vst.idx.msk $0xffff, v2  }
0x6e: {  	v2 =	vld [tilespmem:s8+$0x0];
	_ =	sdelay $0x1  }
0x6f: {  	[tilespmem:v0+s26+$0x60 ss:$0x1] =	vst.idx.msk $0xffff, v4  }
0x70: {  	v4 =	vld [tilespmem:s29+$0x70];
	_ =	sdelay $0x1  }
0x71: {  	[tilespmem:v0+s24+$0x100 ss:$0x1] =	vst.idx.msk $0xffff, v2  }
0x72: {  	v2 =	vld [tilespmem:s8+$0x10];
	_ =	sdelay $0x1  }
0x73: {  	s14 =	spop (v2sf);
	[tilespmem:v0+s26+$0x70 ss:$0x1] =	vst.idx.msk $0xffff, v4  }
0x74: {  	v4 =	vld [tilespmem:s14+$0x0];
	_ =	sdelay $0x1  }
0x75: {  	[tilespmem:v0+s24+$0x110 ss:$0x1] =	vst.idx.msk $0xffff, v2  }
0x76: {  	v2 =	vld [tilespmem:s8+$0x20];
	_ =	sdelay $0x1  }
0x77: {  	[tilespmem:v0+s26+$0x80 ss:$0x1] =	vst.idx.msk $0xffff, v4  }
0x78: {  	v4 =	vld [tilespmem:s14+$0x10];
	_ =	sdelay $0x1  }
0x79: {  	[tilespmem:v0+s24+$0x120 ss:$0x1] =	vst.idx.msk $0xffff, v2  }
0x7a: {  	v2 =	vld [tilespmem:s8+$0x30];
	_ =	sdelay $0x1  }
0x7b: {  	[tilespmem:v0+s26+$0x90 ss:$0x1] =	vst.idx.msk $0xffff, v4  }
0x7c: {  	v4 =	vld [tilespmem:s14+$0x20];
	_ =	sdelay $0x1  }
0x7d: {  	[tilespmem:v0+s24+$0x130 ss:$0x1] =	vst.idx.msk $0xffff, v2  }
0x7e: {  	v2 =	vld [tilespmem:s8+$0x40];
	_ =	sdelay $0x1  }
0x7f: {  	[tilespmem:v0+s26+$0xA0 ss:$0x1] =	vst.idx.msk $0xffff, v4  }
0x80: {  	v4 =	vld [tilespmem:s14+$0x30];
	_ =	sdelay $0x1  }
0x81: {  	[tilespmem:v0+s24+$0x140 ss:$0x1] =	vst.idx.msk $0xffff, v2  }
0x82: {  	v2 =	vld [tilespmem:s8+$0x50];
	_ =	sdelay $0x1  }
0x83: {  	[tilespmem:v0+s26+$0xB0 ss:$0x1] =	vst.idx.msk $0xffff, v4  }
0x84: {  	v4 =	vld [tilespmem:s14+$0x40];
	_ =	sdelay $0x1  }
0x85: {  	[tilespmem:v0+s24+$0x150 ss:$0x1] =	vst.idx.msk $0xffff, v2  }
0x86: {  	v2 =	vld [tilespmem:s8+$0x60];
	_ =	sdelay $0x1  }
0x87: {  	[tilespmem:v0+s26+$0xC0 ss:$0x1] =	vst.idx.msk $0xffff, v4  }
0x88: {  	v4 =	vld [tilespmem:s14+$0x50];
	_ =	sdelay $0x1  }
0x89: {  	(v2sf) =	vpush v3, $0x2;
	[tilespmem:v0+s24+$0x160 ss:$0x1] =	vst.idx.msk $0xffff, v2  }
0x8a: {  	v2 =	vld [tilespmem:s8+$0x70];
	_ =	sdelay $0x1  }
0x8b: {  	[tilespmem:v0+s26+$0xD0 ss:$0x1] =	vst.idx.msk $0xffff, v4  }
0x8c: {  	v4 =	vld [tilespmem:s14+$0x60];
	_ =	sdelay $0x1  }
0x8d: {  	[tilespmem:v0+s24+$0x170 ss:$0x1] =	vst.idx.msk $0xffff, v2  }
0x8e: {  	v2 =	vld [tilespmem:s5+$0x0];
	_ =	sdelay $0x1  }
0x8f: {  	[tilespmem:v0+s26+$0xE0 ss:$0x1] =	vst.idx.msk $0xffff, v4  }
0x90: {  	v4 =	vld [tilespmem:s14+$0x70];
	_ =	sdelay $0x1  }
0x91: {  	[tilespmem:v0+s24+$0x180 ss:$0x1] =	vst.idx.msk $0xffff, v2  }
0x92: {  	v2 =	vld [tilespmem:s5+$0x10];
	_ =	sdelay $0x1  }
0x93: {  	s16 =	spop (v2sf);
	[tilespmem:v0+s26+$0xF0 ss:$0x1] =	vst.idx.msk $0xffff, v4  }
0x94: {  	v4 =	vld [tilespmem:s16+$0x0];
	_ =	sdelay $0x1  }
0x95: {  	[tilespmem:v0+s24+$0x190 ss:$0x1] =	vst.idx.msk $0xffff, v2  }
0x96: {  	v2 =	vld [tilespmem:s5+$0x20];
	_ =	sdelay $0x1  }
0x97: {  	[tilespmem:v0+s26+$0x100 ss:$0x1] =	vst.idx.msk $0xffff, v4  }
0x98: {  	v4 =	vld [tilespmem:s16+$0x10];
	_ =	sdelay $0x1  }
0x99: {  	[tilespmem:v0+s24+$0x1A0 ss:$0x1] =	vst.idx.msk $0xffff, v2  }
0x9a: {  	v2 =	vld [tilespmem:s5+$0x30];
	_ =	sdelay $0x1  }
0x9b: {  	[tilespmem:v0+s26+$0x110 ss:$0x1] =	vst.idx.msk $0xffff, v4  }
0x9c: {  	v4 =	vld [tilespmem:s16+$0x20];
	_ =	sdelay $0x1  }
0x9d: {  	[tilespmem:v0+s24+$0x1B0 ss:$0x1] =	vst.idx.msk $0xffff, v2  }
0x9e: {  	v2 =	vld [tilespmem:s5+$0x40];
	_ =	sdelay $0x1  }
0x9f: {  	[tilespmem:v0+s26+$0x120 ss:$0x1] =	vst.idx.msk $0xffff, v4  }
0xa0: {  	v4 =	vld [tilespmem:s16+$0x30];
	_ =	sdelay $0x1  }
0xa1: {  	[tilespmem:v0+s24+$0x1C0 ss:$0x1] =	vst.idx.msk $0xffff, v2  }
0xa2: {  	v2 =	vld [tilespmem:s5+$0x50];
	_ =	sdelay $0x1  }
0xa3: {  	[tilespmem:v0+s26+$0x130 ss:$0x1] =	vst.idx.msk $0xffff, v4  }
0xa4: {  	v4 =	vld [tilespmem:s16+$0x40];
	_ =	sdelay $0x1  }
0xa5: {  	[tilespmem:v0+s24+$0x1D0 ss:$0x1] =	vst.idx.msk $0xffff, v2  }
0xa6: {  	v2 =	vld [tilespmem:s5+$0x60];
	_ =	sdelay $0x1  }
0xa7: {  	[tilespmem:v0+s26+$0x140 ss:$0x1] =	vst.idx.msk $0xffff, v4  }
0xa8: {  	v4 =	vld [tilespmem:s16+$0x50];
	_ =	sdelay $0x1  }
0xa9: {  	(v2sf) =	vpush v3, $0x3;
	[tilespmem:v0+s24+$0x1E0 ss:$0x1] =	vst.idx.msk $0xffff, v2  }
0xaa: {  	v2 =	vld [tilespmem:s5+$0x70];
	_ =	sdelay $0x1  }
0xab: {  	[tilespmem:v0+s26+$0x150 ss:$0x1] =	vst.idx.msk $0xffff, v4  }
0xac: {  	v4 =	vld [tilespmem:s16+$0x60];
	_ =	sdelay $0x1  }
0xad: {  	[tilespmem:v0+s24+$0x1F0 ss:$0x1] =	vst.idx.msk $0xffff, v2  }
0xae: {  	v2 =	vld [tilespmem:s4+$0x0];
	_ =	sdelay $0x1  }
0xaf: {  	[tilespmem:v0+s26+$0x160 ss:$0x1] =	vst.idx.msk $0xffff, v4  }
0xb0: {  	v4 =	vld [tilespmem:s16+$0x70];
	_ =	sdelay $0x1  }
0xb1: {  	[tilespmem:v0+s24+$0x200 ss:$0x1] =	vst.idx.msk $0xffff, v2  }
0xb2: {  	v2 =	vld [tilespmem:s4+$0x10];
	_ =	sdelay $0x1  }
0xb3: {  	s17 =	spop (v2sf);
	[tilespmem:v0+s26+$0x170 ss:$0x1] =	vst.idx.msk $0xffff, v4  }
0xb4: {  	v4 =	vld [tilespmem:s17+$0x0];
	_ =	sdelay $0x1  }
0xb5: {  	[tilespmem:v0+s24+$0x210 ss:$0x1] =	vst.idx.msk $0xffff, v2  }
0xb6: {  	v2 =	vld [tilespmem:s4+$0x20];
	_ =	sdelay $0x1  }
0xb7: {  	[tilespmem:v0+s26+$0x180 ss:$0x1] =	vst.idx.msk $0xffff, v4  }
0xb8: {  	v4 =	vld [tilespmem:s17+$0x10];
	_ =	sdelay $0x1  }
0xb9: {  	[tilespmem:v0+s24+$0x220 ss:$0x1] =	vst.idx.msk $0xffff, v2  }
0xba: {  	v2 =	vld [tilespmem:s4+$0x30];
	_ =	sdelay $0x1  }
0xbb: {  	[tilespmem:v0+s26+$0x190 ss:$0x1] =	vst.idx.msk $0xffff, v4  }
0xbc: {  	v4 =	vld [tilespmem:s17+$0x20];
	_ =	sdelay $0x1  }
0xbd: {  	[tilespmem:v0+s24+$0x230 ss:$0x1] =	vst.idx.msk $0xffff, v2  }
0xbe: {  	v2 =	vld [tilespmem:s4+$0x40];
	_ =	sdelay $0x1  }
0xbf: {  	[tilespmem:v0+s26+$0x1A0 ss:$0x1] =	vst.idx.msk $0xffff, v4  }
0xc0: {  	v4 =	vld [tilespmem:s17+$0x30];
	_ =	sdelay $0x1  }
0xc1: {  	[tilespmem:v0+s24+$0x240 ss:$0x1] =	vst.idx.msk $0xffff, v2  }
0xc2: {  	v2 =	vld [tilespmem:s4+$0x50];
	_ =	sdelay $0x1  }
0xc3: {  	[tilespmem:v0+s26+$0x1B0 ss:$0x1] =	vst.idx.msk $0xffff, v4  }
0xc4: {  	v4 =	vld [tilespmem:s17+$0x40];
	_ =	sdelay $0x1  }
0xc5: {  	[tilespmem:v0+s24+$0x250 ss:$0x1] =	vst.idx.msk $0xffff, v2  }
0xc6: {  	s18 =	simm.s32 $0x20;
	v2 =	vld [tilespmem:s4+$0x60]  }
0xc7: {  	s8 =	sand.u32 $0x3FFFFFF0, s18  }
0xc8: {  	v5 =	vld.idx.msk [tilespmem:v1+s8+$0x0 ss:$0x1], $0xffff;
	[tilespmem:v0+s26+$0x1C0 ss:$0x1] =	vst.idx.msk $0xffff, v4  }
0xc9: {  	v4 =	vld [tilespmem:s17+$0x50];
	_ =	sdelay $0x1  }
0xca: {  	(v2sf) =	vpush v3, $0x4;
	[tilespmem:v0+s24+$0x260 ss:$0x1] =	vst.idx.msk $0xffff, v2  }
0xcb: {  	v2 =	vld [tilespmem:s4+$0x70];
	_ =	sdelay $0x1  }
0xcc: {  	v5 =	vshll.u32 v5, $0x9;
	[tilespmem:v0+s26+$0x1D0 ss:$0x1] =	vst.idx.msk $0xffff, v4  }
0xcd: {  	v5 =	vshra.s32 v5, $0x2;
	v4 =	vld [tilespmem:s17+$0x60]  }
0xce: {  	(v2sf) =	vpush v5, $0x0  }
0xcf: {  	[tilespmem:v0+s24+$0x270 ss:$0x1] =	vst.idx.msk $0xffff, v2  }
0xd0: {  	v2 =	vld [tilespmem:s3+$0x0];
	_ =	sdelay $0x1  }
0xd1: {  	[tilespmem:v0+s26+$0x1E0 ss:$0x1] =	vst.idx.msk $0xffff, v4  }
0xd2: {  	v4 =	vld [tilespmem:s17+$0x70];
	_ =	sdelay $0x1  }
0xd3: {  	[tilespmem:v0+s24+$0x280 ss:$0x1] =	vst.idx.msk $0xffff, v2  }
0xd4: {  	v2 =	vld [tilespmem:s3+$0x10];
	_ =	sdelay $0x1  }
0xd5: {  	s20 =	spop (v2sf);
	[tilespmem:v0+s26+$0x1F0 ss:$0x1] =	vst.idx.msk $0xffff, v4  }
0xd6: {  	v4 =	vld [tilespmem:s20+$0x0];
	_ =	sdelay $0x1  }
0xd7: {  	[tilespmem:v0+s24+$0x290 ss:$0x1] =	vst.idx.msk $0xffff, v2  }
0xd8: {  	v2 =	vld [tilespmem:s3+$0x20]  }
0xd9: {  	s17 =	spop (v2sf)  }
0xda: {  	v6 =	vld [tilespmem:s17+$0x0];
	[tilespmem:v0+s26+$0x200 ss:$0x1] =	vst.idx.msk $0xffff, v4  }
0xdb: {  	v4 =	vld [tilespmem:s20+$0x10];
	_ =	sdelay $0x1  }
0xdc: {  	s19 =	simm.s32 $0x1000;
	[tilespmem:v0+s24+$0x2A0 ss:$0x1] =	vst.idx.msk $0xffff, v2  }
0xdd: {  	s18 =	sand.u32 $0x3FFFF800, s19;
	v2 =	vld [tilespmem:s3+$0x30]  }
0xde: {  	[tilespmem:v0+s18+$0x0 ss:$0x1] =	vst.idx.msk $0xffff, v6  }
0xdf: {  	v6 =	vld [tilespmem:s17+$0x10];
	[tilespmem:v0+s26+$0x210 ss:$0x1] =	vst.idx.msk $0xffff, v4  }
0xe0: {  	v4 =	vld [tilespmem:s20+$0x20];
	_ =	sdelay $0x1  }
0xe1: {  	[tilespmem:v0+s24+$0x2B0 ss:$0x1] =	vst.idx.msk $0xffff, v2  }
0xe2: {  	v2 =	vld [tilespmem:s3+$0x40]  }
0xe3: {  	[tilespmem:v0+s18+$0x10 ss:$0x1] =	vst.idx.msk $0xffff, v6  }
0xe4: {  	(v2sf) =	vpush v5, $0x1;
	v6 =	vld [tilespmem:s17+$0x20];
	[tilespmem:v0+s26+$0x220 ss:$0x1] =	vst.idx.msk $0xffff, v4  }
0xe5: {  	(v2sf) =	vpush v5, $0x2;
	v4 =	vld [tilespmem:s20+$0x30]  }
0xe6: {  	(v2sf) =	vpush v5, $0x3  }
0xe7: {  	(v2sf) =	vpush v5, $0x4;
	[tilespmem:v0+s24+$0x2C0 ss:$0x1] =	vst.idx.msk $0xffff, v2  }
0xe8: {  	(v2sf) =	vpush v5, $0x5;
	v2 =	vld [tilespmem:s3+$0x50]  }
0xe9: {  	(v2sf) =	vpush v5, $0x6;
	[tilespmem:v0+s18+$0x20 ss:$0x1] =	vst.idx.msk $0xffff, v6  }
0xea: {  	(v2sf) =	vpush v5, $0x7;
	v6 =	vld [tilespmem:s17+$0x30];
	[tilespmem:v0+s26+$0x230 ss:$0x1] =	vst.idx.msk $0xffff, v4  }
0xeb: {  	(v2sf) =	vpush v5, $0x8;
	v4 =	vld [tilespmem:s20+$0x40]  }
0xec: {  	(v2sf) =	vpush v5, $0x9  }
0xed: {  	(v2sf) =	vpush v5, $0xA;
	[tilespmem:v0+s24+$0x2D0 ss:$0x1] =	vst.idx.msk $0xffff, v2  }
0xee: {  	(v2sf) =	vpush v5, $0xB;
	v2 =	vld [tilespmem:s3+$0x60]  }
0xef: {  	[tilespmem:v0+s18+$0x30 ss:$0x1] =	vst.idx.msk $0xffff, v6  }
0xf0: {  	(v2sf) =	vpush v5, $0xC;
	v6 =	vld [tilespmem:s17+$0x40];
	[tilespmem:v0+s26+$0x240 ss:$0x1] =	vst.idx.msk $0xffff, v4  }
0xf1: {  	(v2sf) =	vpush v5, $0xD;
	v4 =	vld [tilespmem:s20+$0x50]  }
0xf2: {  	(v2sf) =	vpush v5, $0xE  }
0xf3: {  	(v2sf) =	vpush v5, $0xF;
	s14 =	spop (v2sf);
	[tilespmem:v0+s24+$0x2E0 ss:$0x1] =	vst.idx.msk $0xffff, v2  }
0xf4: {  	s13 =	spop (v2sf);
	v2 =	vld [tilespmem:s3+$0x70]  }
0xf5: {  	(v2sf) =	vpush v3, $0x5;
	s10 =	spop (v2sf);
	[tilespmem:v0+s18+$0x40 ss:$0x1] =	vst.idx.msk $0xffff, v6  }
0xf6: {  	s8 =	spop (v2sf);
	v5 =	vld [tilespmem:s17+$0x50];
	[tilespmem:v0+s26+$0x250 ss:$0x1] =	vst.idx.msk $0xffff, v4  }
0xf7: {  	s19 =	spop (v2sf);
	v4 =	vld [tilespmem:s20+$0x60]  }
0xf8: {  	s3 =	spop (v2sf)  }
0xf9: {  	s5 =	spop (v2sf);
	[tilespmem:v0+s24+$0x2F0 ss:$0x1] =	vst.idx.msk $0xffff, v2  }
0xfa: {  	s16 =	spop (v2sf);
	v2 =	vld [tilespmem:s9+$0x0]  }
0xfb: {  	[tilespmem:v0+s18+$0x50 ss:$0x1] =	vst.idx.msk $0xffff, v5;
	s4 =	spop (v2sf)  }
0xfc: {  	s21 =	simm.s32 $0x2;
	s22 =	spop (v2sf);
	[tilespmem:v0+s26+$0x260 ss:$0x1] =	vst.idx.msk $0xffff, v4  }
0xfd: {  	s21 =	sor.u32 $0x1, s21;
	v5 =	vld [tilespmem:s17+$0x60];
	s25 =	spop (v2sf);
	[dreg:$0x1b] =	wrdreg s22  }
0xfe: {  	s22 =	sshll.u32 s21, $0x4;
	v4 =	vld [tilespmem:s20+$0x70];
	[dreg:$0x1c] =	wrdreg s25  }
0xff: {  	s29 =	spop (v2sf);
	s23 =	sand.u32 $0x3FFFFFF0, s22;
	[tilespmem:v0+s24+$0x300 ss:$0x1] =	vst.idx.msk $0xffff, v2  }
0x100: {  	s11 =	spop (v2sf);
	v6 =	vld.idx.msk [tilespmem:v1+s23+$0x0 ss:$0x1], $0xffff;
	[dreg:$0x5] =	wrdreg s29  }
0x101: {  	s31 =	spop (v2sf);
	v2 =	vld [tilespmem:s9+$0x10];
	[dreg:$0x4] =	wrdreg s11  }
0x102: {  	s20 =	spop (v2sf);
	[tilespmem:v0+s18+$0x60 ss:$0x1] =	vst.idx.msk $0xffff, v5  }
0x103: {  	v5 =	vld [tilespmem:s17+$0x70];
	[dreg:$0x9] =	wrdreg s20  }
0x104: {  	s22 =	spop (v2sf);
	[tilespmem:v0+s26+$0x270 ss:$0x1] =	vst.idx.msk $0xffff, v4  }
0x105: {  	v4 =	vld [tilespmem:s22+$0x0];
	_ =	sdelay $0x1  }
0x106: {  	[tilespmem:v0+s24+$0x310 ss:$0x1] =	vst.idx.msk $0xffff, v2;
	v2 =	vshll.u32 v6, $0x9  }
0x107: {  	v6 =	vld [tilespmem:s9+$0x20];
	v2 =	vshra.s32 v2, $0x2  }
0x108: {  	[tilespmem:v0+s18+$0x70 ss:$0x1] =	vst.idx.msk $0xffff, v5;
	(v2sf) =	vpush v2, $0x0  }
0x109: {  	v5 =	vld [tilespmem:s14+$0x0];
	[tilespmem:v0+s26+$0x280 ss:$0x1] =	vst.idx.msk $0xffff, v4  }
0x10a: {  	v4 =	vld [tilespmem:s22+$0x10];
	_ =	sdelay $0x1  }
0x10b: {  	[tilespmem:v0+s24+$0x320 ss:$0x1] =	vst.idx.msk $0xffff, v6  }
0x10c: {  	v6 =	vld [tilespmem:s9+$0x30]  }
0x10d: {  	[tilespmem:v0+s18+$0x80 ss:$0x1] =	vst.idx.msk $0xffff, v5  }
0x10e: {  	v5 =	vld [tilespmem:s14+$0x10];
	[tilespmem:v0+s26+$0x290 ss:$0x1] =	vst.idx.msk $0xffff, v4  }
0x10f: {  	v4 =	vld [tilespmem:s22+$0x20];
	_ =	sdelay $0x1  }
0x110: {  	[tilespmem:v0+s24+$0x330 ss:$0x1] =	vst.idx.msk $0xffff, v6  }
0x111: {  	v6 =	vld [tilespmem:s9+$0x40]  }
0x112: {  	[tilespmem:v0+s18+$0x90 ss:$0x1] =	vst.idx.msk $0xffff, v5  }
0x113: {  	v5 =	vld [tilespmem:s14+$0x20];
	[tilespmem:v0+s26+$0x2A0 ss:$0x1] =	vst.idx.msk $0xffff, v4  }
0x114: {  	v4 =	vld [tilespmem:s22+$0x30]  }
0x115: {  	s23 =	spop (v2sf)  }
0x116: {  	[tilespmem:v0+s24+$0x340 ss:$0x1] =	vst.idx.msk $0xffff, v6;
	v6 =	vld [tilespmem:s23+$0x0]  }
0x117: {  	v7 =	vld [tilespmem:s9+$0x50]  }
0x118: {  	[tilespmem:v0+s18+$0xA0 ss:$0x1] =	vst.idx.msk $0xffff, v5  }
0x119: {  	s25 =	sshll.u32 s21, $0xB;
	v5 =	vld [tilespmem:s14+$0x30];
	[tilespmem:v0+s26+$0x2B0 ss:$0x1] =	vst.idx.msk $0xffff, v4  }
0x11a: {  	s20 =	sand.u32 $0x3FFFF800, s25;
	v4 =	vld [tilespmem:s22+$0x40]  }
0x11b: {  	[tilespmem:v0+s20+$0x0 ss:$0x1] =	vst.idx.msk $0xffff, v6  }
0x11c: {  	[tilespmem:v0+s24+$0x350 ss:$0x1] =	vst.idx.msk $0xffff, v7;
	v6 =	vld [tilespmem:s23+$0x10]  }
0x11d: {  	v7 =	vld [tilespmem:s9+$0x60]  }
0x11e: {  	[tilespmem:v0+s18+$0xB0 ss:$0x1] =	vst.idx.msk $0xffff, v5  }
0x11f: {  	v5 =	vld [tilespmem:s14+$0x40];
	[tilespmem:v0+s26+$0x2C0 ss:$0x1] =	vst.idx.msk $0xffff, v4  }
0x120: {  	v4 =	vld [tilespmem:s22+$0x50]  }
0x121: {  	[tilespmem:v0+s20+$0x10 ss:$0x1] =	vst.idx.msk $0xffff, v6  }
0x122: {  	(v2sf) =	vpush v3, $0x6;
	[tilespmem:v0+s24+$0x360 ss:$0x1] =	vst.idx.msk $0xffff, v7;
	v6 =	vld [tilespmem:s23+$0x20]  }
0x123: {  	v7 =	vld [tilespmem:s9+$0x70]  }
0x124: {  	[tilespmem:v0+s18+$0xC0 ss:$0x1] =	vst.idx.msk $0xffff, v5  }
0x125: {  	v5 =	vld [tilespmem:s14+$0x50];
	[tilespmem:v0+s26+$0x2D0 ss:$0x1] =	vst.idx.msk $0xffff, v4  }
0x126: {  	v4 =	vld [tilespmem:s22+$0x60]  }
0x127: {  	[tilespmem:v0+s20+$0x20 ss:$0x1] =	vst.idx.msk $0xffff, v6  }
0x128: {  	[tilespmem:v0+s24+$0x370 ss:$0x1] =	vst.idx.msk $0xffff, v7;
	v6 =	vld [tilespmem:s23+$0x30]  }
0x129: {  	v7 =	vld [tilespmem:s7+$0x0]  }
0x12a: {  	[tilespmem:v0+s18+$0xD0 ss:$0x1] =	vst.idx.msk $0xffff, v5  }
0x12b: {  	v5 =	vld [tilespmem:s14+$0x60];
	[tilespmem:v0+s26+$0x2E0 ss:$0x1] =	vst.idx.msk $0xffff, v4  }
0x12c: {  	v4 =	vld [tilespmem:s22+$0x70]  }
0x12d: {  	[tilespmem:v0+s20+$0x30 ss:$0x1] =	vst.idx.msk $0xffff, v6  }
0x12e: {  	[tilespmem:v0+s24+$0x380 ss:$0x1] =	vst.idx.msk $0xffff, v7;
	v6 =	vld [tilespmem:s23+$0x40]  }
0x12f: {  	v7 =	vld [tilespmem:s7+$0x10]  }
0x130: {  	[tilespmem:v0+s18+$0xE0 ss:$0x1] =	vst.idx.msk $0xffff, v5  }
0x131: {  	s29 =	spop (v2sf);
	v5 =	vld [tilespmem:s14+$0x70];
	[tilespmem:v0+s26+$0x2F0 ss:$0x1] =	vst.idx.msk $0xffff, v4  }
0x132: {  	v4 =	vld [tilespmem:s29+$0x0]  }
0x133: {  	[tilespmem:v0+s20+$0x40 ss:$0x1] =	vst.idx.msk $0xffff, v6  }
0x134: {  	[tilespmem:v0+s24+$0x390 ss:$0x1] =	vst.idx.msk $0xffff, v7;
	v6 =	vld [tilespmem:s23+$0x50]  }
0x135: {  	v7 =	vld [tilespmem:s7+$0x20]  }
0x136: {  	(v2sf) =	vpush v2, $0x1;
	[tilespmem:v0+s18+$0xF0 ss:$0x1] =	vst.idx.msk $0xffff, v5  }
0x137: {  	v5 =	vld [tilespmem:s13+$0x0];
	[tilespmem:v0+s26+$0x300 ss:$0x1] =	vst.idx.msk $0xffff, v4  }
0x138: {  	v4 =	vld [tilespmem:s29+$0x10]  }
0x139: {  	[tilespmem:v0+s20+$0x50 ss:$0x1] =	vst.idx.msk $0xffff, v6  }
0x13a: {  	[tilespmem:v0+s24+$0x3A0 ss:$0x1] =	vst.idx.msk $0xffff, v7;
	v6 =	vld [tilespmem:s23+$0x60]  }
0x13b: {  	v7 =	vld [tilespmem:s7+$0x30]  }
0x13c: {  	[tilespmem:v0+s18+$0x100 ss:$0x1] =	vst.idx.msk $0xffff, v5  }
0x13d: {  	v5 =	vld [tilespmem:s13+$0x10];
	[tilespmem:v0+s26+$0x310 ss:$0x1] =	vst.idx.msk $0xffff, v4  }
0x13e: {  	v4 =	vld [tilespmem:s29+$0x20]  }
0x13f: {  	[tilespmem:v0+s20+$0x60 ss:$0x1] =	vst.idx.msk $0xffff, v6  }
0x140: {  	v6 =	vld [tilespmem:s23+$0x70];
	[tilespmem:v0+s24+$0x3B0 ss:$0x1] =	vst.idx.msk $0xffff, v7  }
0x141: {  	v7 =	vld [tilespmem:s7+$0x40]  }
0x142: {  	[tilespmem:v0+s18+$0x110 ss:$0x1] =	vst.idx.msk $0xffff, v5  }
0x143: {  	v5 =	vld [tilespmem:s13+$0x20];
	[tilespmem:v0+s26+$0x320 ss:$0x1] =	vst.idx.msk $0xffff, v4  }
0x144: {  	v4 =	vld [tilespmem:s29+$0x30]  }
0x145: {  	s11 =	spop (v2sf);
	[tilespmem:v0+s20+$0x70 ss:$0x1] =	vst.idx.msk $0xffff, v6  }
0x146: {  	[tilespmem:v0+s24+$0x3C0 ss:$0x1] =	vst.idx.msk $0xffff, v7;
	v6 =	vld [tilespmem:s11+$0x0]  }
0x147: {  	v7 =	vld [tilespmem:s7+$0x50]  }
0x148: {  	[tilespmem:v0+s18+$0x120 ss:$0x1] =	vst.idx.msk $0xffff, v5  }
0x149: {  	v5 =	vld [tilespmem:s13+$0x30];
	[tilespmem:v0+s26+$0x330 ss:$0x1] =	vst.idx.msk $0xffff, v4  }
0x14a: {  	v4 =	vld [tilespmem:s29+$0x40]  }
0x14b: {  	[tilespmem:v0+s20+$0x80 ss:$0x1] =	vst.idx.msk $0xffff, v6  }
0x14c: {  	[tilespmem:v0+s24+$0x3D0 ss:$0x1] =	vst.idx.msk $0xffff, v7;
	v6 =	vld [tilespmem:s11+$0x10]  }
0x14d: {  	v7 =	vld [tilespmem:s7+$0x60]  }
0x14e: {  	[tilespmem:v0+s18+$0x130 ss:$0x1] =	vst.idx.msk $0xffff, v5  }
0x14f: {  	v5 =	vld [tilespmem:s13+$0x40];
	[tilespmem:v0+s26+$0x340 ss:$0x1] =	vst.idx.msk $0xffff, v4  }
0x150: {  	v4 =	vld [tilespmem:s29+$0x50]  }
0x151: {  	[tilespmem:v0+s20+$0x90 ss:$0x1] =	vst.idx.msk $0xffff, v6  }
0x152: {  	(v2sf) =	vpush v3, $0x7;
	[tilespmem:v0+s24+$0x3E0 ss:$0x1] =	vst.idx.msk $0xffff, v7;
	v6 =	vld [tilespmem:s11+$0x20]  }
0x153: {  	v7 =	vld [tilespmem:s7+$0x70]  }
0x154: {  	[tilespmem:v0+s18+$0x140 ss:$0x1] =	vst.idx.msk $0xffff, v5  }
0x155: {  	v5 =	vld [tilespmem:s13+$0x50];
	[tilespmem:v0+s26+$0x350 ss:$0x1] =	vst.idx.msk $0xffff, v4  }
0x156: {  	v4 =	vld [tilespmem:s29+$0x60]  }
0x157: {  	[tilespmem:v0+s20+$0xA0 ss:$0x1] =	vst.idx.msk $0xffff, v6  }
0x158: {  	[tilespmem:v0+s24+$0x3F0 ss:$0x1] =	vst.idx.msk $0xffff, v7;
	v6 =	vld [tilespmem:s11+$0x30]  }
0x159: {  	v7 =	vld [tilespmem:s6+$0x0]  }
0x15a: {  	[tilespmem:v0+s18+$0x150 ss:$0x1] =	vst.idx.msk $0xffff, v5  }
0x15b: {  	v5 =	vld [tilespmem:s13+$0x60];
	[tilespmem:v0+s26+$0x360 ss:$0x1] =	vst.idx.msk $0xffff, v4  }
0x15c: {  	v4 =	vld [tilespmem:s29+$0x70]  }
0x15d: {  	[tilespmem:v0+s20+$0xB0 ss:$0x1] =	vst.idx.msk $0xffff, v6  }
0x15e: {  	[tilespmem:v0+s24+$0x400 ss:$0x1] =	vst.idx.msk $0xffff, v7;
	v6 =	vld [tilespmem:s11+$0x40]  }
0x15f: {  	v7 =	vld [tilespmem:s6+$0x10]  }
0x160: {  	[tilespmem:v0+s18+$0x160 ss:$0x1] =	vst.idx.msk $0xffff, v5  }
0x161: {  	v5 =	vld [tilespmem:s13+$0x70];
	s13 =	spop (v2sf);
	[tilespmem:v0+s26+$0x370 ss:$0x1] =	vst.idx.msk $0xffff, v4  }
0x162: {  	v4 =	vld [tilespmem:s13+$0x0]  }
0x163: {  	[tilespmem:v0+s20+$0xC0 ss:$0x1] =	vst.idx.msk $0xffff, v6  }
0x164: {  	[tilespmem:v0+s24+$0x410 ss:$0x1] =	vst.idx.msk $0xffff, v7;
	v6 =	vld [tilespmem:s11+$0x50]  }
0x165: {  	v7 =	vld [tilespmem:s6+$0x20]  }
0x166: {  	(v2sf) =	vpush v2, $0x2;
	[tilespmem:v0+s18+$0x170 ss:$0x1] =	vst.idx.msk $0xffff, v5  }
0x167: {  	v5 =	vld [tilespmem:s10+$0x0];
	[tilespmem:v0+s26+$0x380 ss:$0x1] =	vst.idx.msk $0xffff, v4  }
0x168: {  	v4 =	vld [tilespmem:s13+$0x10]  }
0x169: {  	[tilespmem:v0+s20+$0xD0 ss:$0x1] =	vst.idx.msk $0xffff, v6  }
0x16a: {  	[tilespmem:v0+s24+$0x420 ss:$0x1] =	vst.idx.msk $0xffff, v7;
	v6 =	vld [tilespmem:s11+$0x60]  }
0x16b: {  	v7 =	vld [tilespmem:s6+$0x30]  }
0x16c: {  	[tilespmem:v0+s18+$0x180 ss:$0x1] =	vst.idx.msk $0xffff, v5  }
0x16d: {  	v5 =	vld [tilespmem:s10+$0x10];
	[tilespmem:v0+s26+$0x390 ss:$0x1] =	vst.idx.msk $0xffff, v4  }
0x16e: {  	v4 =	vld [tilespmem:s13+$0x20]  }
0x16f: {  	[tilespmem:v0+s20+$0xE0 ss:$0x1] =	vst.idx.msk $0xffff, v6  }
0x170: {  	v6 =	vld [tilespmem:s11+$0x70];
	[tilespmem:v0+s24+$0x430 ss:$0x1] =	vst.idx.msk $0xffff, v7  }
0x171: {  	v7 =	vld [tilespmem:s6+$0x40]  }
0x172: {  	[tilespmem:v0+s18+$0x190 ss:$0x1] =	vst.idx.msk $0xffff, v5  }
0x173: {  	v5 =	vld [tilespmem:s10+$0x20];
	[tilespmem:v0+s26+$0x3A0 ss:$0x1] =	vst.idx.msk $0xffff, v4  }
0x174: {  	v4 =	vld [tilespmem:s13+$0x30]  }
0x175: {  	s14 =	spop (v2sf);
	[tilespmem:v0+s20+$0xF0 ss:$0x1] =	vst.idx.msk $0xffff, v6  }
0x176: {  	[tilespmem:v0+s24+$0x440 ss:$0x1] =	vst.idx.msk $0xffff, v7;
	v6 =	vld [tilespmem:s14+$0x0]  }
0x177: {  	v7 =	vld [tilespmem:s6+$0x50]  }
0x178: {  	[tilespmem:v0+s18+$0x1A0 ss:$0x1] =	vst.idx.msk $0xffff, v5  }
0x179: {  	v5 =	vld [tilespmem:s10+$0x30];
	[tilespmem:v0+s26+$0x3B0 ss:$0x1] =	vst.idx.msk $0xffff, v4  }
0x17a: {  	v4 =	vld [tilespmem:s13+$0x40]  }
0x17b: {  	[tilespmem:v0+s20+$0x100 ss:$0x1] =	vst.idx.msk $0xffff, v6  }
0x17c: {  	[tilespmem:v0+s24+$0x450 ss:$0x1] =	vst.idx.msk $0xffff, v7;
	v6 =	vld [tilespmem:s14+$0x10]  }
0x17d: {  	v7 =	vld [tilespmem:s6+$0x60]  }
0x17e: {  	[tilespmem:v0+s18+$0x1B0 ss:$0x1] =	vst.idx.msk $0xffff, v5  }
0x17f: {  	v5 =	vld [tilespmem:s10+$0x40];
	[tilespmem:v0+s26+$0x3C0 ss:$0x1] =	vst.idx.msk $0xffff, v4  }
0x180: {  	v4 =	vld [tilespmem:s13+$0x50]  }
0x181: {  	[tilespmem:v0+s20+$0x110 ss:$0x1] =	vst.idx.msk $0xffff, v6  }
0x182: {  	(v2sf) =	vpush v3, $0x8;
	[tilespmem:v0+s24+$0x460 ss:$0x1] =	vst.idx.msk $0xffff, v7;
	v6 =	vld [tilespmem:s14+$0x20]  }
0x183: {  	v7 =	vld [tilespmem:s6+$0x70]  }
0x184: {  	[tilespmem:v0+s18+$0x1C0 ss:$0x1] =	vst.idx.msk $0xffff, v5  }
0x185: {  	v5 =	vld [tilespmem:s10+$0x50];
	[tilespmem:v0+s26+$0x3D0 ss:$0x1] =	vst.idx.msk $0xffff, v4  }
0x186: {  	v4 =	vld [tilespmem:s13+$0x60]  }
0x187: {  	[tilespmem:v0+s20+$0x120 ss:$0x1] =	vst.idx.msk $0xffff, v6  }
0x188: {  	[tilespmem:v0+s24+$0x470 ss:$0x1] =	vst.idx.msk $0xffff, v7;
	v6 =	vld [tilespmem:s14+$0x30]  }
0x189: {  	v7 =	vld [tilespmem:s2+$0x0]  }
0x18a: {  	[tilespmem:v0+s18+$0x1D0 ss:$0x1] =	vst.idx.msk $0xffff, v5  }
0x18b: {  	v5 =	vld [tilespmem:s10+$0x60];
	[tilespmem:v0+s26+$0x3E0 ss:$0x1] =	vst.idx.msk $0xffff, v4  }
0x18c: {  	v4 =	vld [tilespmem:s13+$0x70]  }
0x18d: {  	[tilespmem:v0+s20+$0x130 ss:$0x1] =	vst.idx.msk $0xffff, v6  }
0x18e: {  	[tilespmem:v0+s24+$0x480 ss:$0x1] =	vst.idx.msk $0xffff, v7;
	v6 =	vld [tilespmem:s14+$0x40]  }
0x18f: {  	v7 =	vld [tilespmem:s2+$0x10]  }
0x190: {  	[tilespmem:v0+s18+$0x1E0 ss:$0x1] =	vst.idx.msk $0xffff, v5  }
0x191: {  	s17 =	spop (v2sf);
	v5 =	vld [tilespmem:s10+$0x70];
	[tilespmem:v0+s26+$0x3F0 ss:$0x1] =	vst.idx.msk $0xffff, v4  }
0x192: {  	v4 =	vld [tilespmem:s17+$0x0]  }
0x193: {  	[tilespmem:v0+s20+$0x140 ss:$0x1] =	vst.idx.msk $0xffff, v6  }
0x194: {  	[tilespmem:v0+s24+$0x490 ss:$0x1] =	vst.idx.msk $0xffff, v7;
	v6 =	vld [tilespmem:s14+$0x50]  }
0x195: {  	v7 =	vld [tilespmem:s2+$0x20]  }
0x196: {  	(v2sf) =	vpush v2, $0x3;
	[tilespmem:v0+s18+$0x1F0 ss:$0x1] =	vst.idx.msk $0xffff, v5  }
0x197: {  	v5 =	vld [tilespmem:s8+$0x0];
	[tilespmem:v0+s26+$0x400 ss:$0x1] =	vst.idx.msk $0xffff, v4  }
0x198: {  	v4 =	vld [tilespmem:s17+$0x10]  }
0x199: {  	[tilespmem:v0+s20+$0x150 ss:$0x1] =	vst.idx.msk $0xffff, v6  }
0x19a: {  	[tilespmem:v0+s24+$0x4A0 ss:$0x1] =	vst.idx.msk $0xffff, v7;
	v6 =	vld [tilespmem:s14+$0x60]  }
0x19b: {  	v7 =	vld [tilespmem:s2+$0x30]  }
0x19c: {  	[tilespmem:v0+s18+$0x200 ss:$0x1] =	vst.idx.msk $0xffff, v5  }
0x19d: {  	v5 =	vld [tilespmem:s8+$0x10];
	[tilespmem:v0+s26+$0x410 ss:$0x1] =	vst.idx.msk $0xffff, v4  }
0x19e: {  	v4 =	vld [tilespmem:s17+$0x20]  }
0x19f: {  	[tilespmem:v0+s20+$0x160 ss:$0x1] =	vst.idx.msk $0xffff, v6  }
0x1a0: {  	[tilespmem:v0+s24+$0x4B0 ss:$0x1] =	vst.idx.msk $0xffff, v7;
	v6 =	vld [tilespmem:s14+$0x70]  }
0x1a1: {  	v7 =	vld [tilespmem:s2+$0x40]  }
0x1a2: {  	[tilespmem:v0+s18+$0x210 ss:$0x1] =	vst.idx.msk $0xffff, v5  }
0x1a3: {  	v5 =	vld [tilespmem:s8+$0x20];
	[tilespmem:v0+s26+$0x420 ss:$0x1] =	vst.idx.msk $0xffff, v4  }
0x1a4: {  	v4 =	vld [tilespmem:s17+$0x30]  }
0x1a5: {  	s21 =	spop (v2sf);
	[tilespmem:v0+s20+$0x170 ss:$0x1] =	vst.idx.msk $0xffff, v6  }
0x1a6: {  	[tilespmem:v0+s24+$0x4C0 ss:$0x1] =	vst.idx.msk $0xffff, v7;
	v6 =	vld [tilespmem:s21+$0x0]  }
0x1a7: {  	v7 =	vld [tilespmem:s2+$0x50]  }
0x1a8: {  	[tilespmem:v0+s18+$0x220 ss:$0x1] =	vst.idx.msk $0xffff, v5  }
0x1a9: {  	v5 =	vld [tilespmem:s8+$0x30];
	[tilespmem:v0+s26+$0x430 ss:$0x1] =	vst.idx.msk $0xffff, v4  }
0x1aa: {  	v4 =	vld [tilespmem:s17+$0x40]  }
0x1ab: {  	[tilespmem:v0+s20+$0x180 ss:$0x1] =	vst.idx.msk $0xffff, v6  }
0x1ac: {  	[tilespmem:v0+s24+$0x4D0 ss:$0x1] =	vst.idx.msk $0xffff, v7;
	v6 =	vld [tilespmem:s21+$0x10]  }
0x1ad: {  	v7 =	vld [tilespmem:s2+$0x60]  }
0x1ae: {  	[tilespmem:v0+s18+$0x230 ss:$0x1] =	vst.idx.msk $0xffff, v5  }
0x1af: {  	v5 =	vld [tilespmem:s8+$0x40];
	[tilespmem:v0+s26+$0x440 ss:$0x1] =	vst.idx.msk $0xffff, v4  }
0x1b0: {  	v4 =	vld [tilespmem:s17+$0x50]  }
0x1b1: {  	[tilespmem:v0+s20+$0x190 ss:$0x1] =	vst.idx.msk $0xffff, v6  }
0x1b2: {  	(v2sf) =	vpush v3, $0x9;
	[tilespmem:v0+s24+$0x4E0 ss:$0x1] =	vst.idx.msk $0xffff, v7;
	v6 =	vld [tilespmem:s21+$0x20]  }
0x1b3: {  	v7 =	vld [tilespmem:s2+$0x70]  }
0x1b4: {  	[tilespmem:v0+s18+$0x240 ss:$0x1] =	vst.idx.msk $0xffff, v5  }
0x1b5: {  	v5 =	vld [tilespmem:s8+$0x50];
	[tilespmem:v0+s26+$0x450 ss:$0x1] =	vst.idx.msk $0xffff, v4  }
0x1b6: {  	v4 =	vld [tilespmem:s17+$0x60]  }
0x1b7: {  	[tilespmem:v0+s20+$0x1A0 ss:$0x1] =	vst.idx.msk $0xffff, v6  }
0x1b8: {  	[tilespmem:v0+s24+$0x4F0 ss:$0x1] =	vst.idx.msk $0xffff, v7;
	v6 =	vld [tilespmem:s21+$0x30]  }
0x1b9: {  	v7 =	vld [tilespmem:s1+$0x0]  }
0x1ba: {  	[tilespmem:v0+s18+$0x250 ss:$0x1] =	vst.idx.msk $0xffff, v5  }
0x1bb: {  	v5 =	vld [tilespmem:s8+$0x60];
	[tilespmem:v0+s26+$0x460 ss:$0x1] =	vst.idx.msk $0xffff, v4  }
0x1bc: {  	v4 =	vld [tilespmem:s17+$0x70]  }
0x1bd: {  	[tilespmem:v0+s20+$0x1B0 ss:$0x1] =	vst.idx.msk $0xffff, v6  }
0x1be: {  	s22 =	simm.s32 $0x40;
	[tilespmem:v0+s24+$0x500 ss:$0x1] =	vst.idx.msk $0xffff, v7;
	v6 =	vld [tilespmem:s21+$0x40]  }
0x1bf: {  	s2 =	sand.u32 $0x3FFFFFF0, s22;
	v7 =	vld [tilespmem:s1+$0x10]  }
0x1c0: {  	[tilespmem:v0+s18+$0x260 ss:$0x1] =	vst.idx.msk $0xffff, v5;
	v5 =	vld.idx.msk [tilespmem:v1+s2+$0x0 ss:$0x1], $0xffff  }
0x1c1: {  	s29 =	spop (v2sf);
	v8 =	vld [tilespmem:s8+$0x70];
	[tilespmem:v0+s26+$0x470 ss:$0x1] =	vst.idx.msk $0xffff, v4  }
0x1c2: {  	v4 =	vld [tilespmem:s29+$0x0]  }
0x1c3: {  	[tilespmem:v0+s20+$0x1C0 ss:$0x1] =	vst.idx.msk $0xffff, v6  }
0x1c4: {  	v6 =	vld [tilespmem:s21+$0x50]  }
0x1c5: {  	[tilespmem:v0+s24+$0x510 ss:$0x1] =	vst.idx.msk $0xffff, v7;
	v5 =	vshll.u32 v5, $0x9  }
0x1c6: {  	(v2sf) =	vpush v2, $0x4;
	v7 =	vld [tilespmem:s1+$0x20];
	[tilespmem:v0+s18+$0x270 ss:$0x1] =	vst.idx.msk $0xffff, v8;
	v5 =	vshra.s32 v5, $0x2  }
0x1c7: {  	v8 =	vld [tilespmem:s19+$0x0];
	(v2sf) =	vpush v5, $0x0;
	[tilespmem:v0+s26+$0x480 ss:$0x1] =	vst.idx.msk $0xffff, v4  }
0x1c8: {  	v4 =	vld [tilespmem:s29+$0x10]  }
0x1c9: {  	[tilespmem:v0+s20+$0x1D0 ss:$0x1] =	vst.idx.msk $0xffff, v6  }
0x1ca: {  	v6 =	vld [tilespmem:s21+$0x60]  }
0x1cb: {  	[tilespmem:v0+s24+$0x520 ss:$0x1] =	vst.idx.msk $0xffff, v7  }
0x1cc: {  	v7 =	vld [tilespmem:s1+$0x30];
	[tilespmem:v0+s18+$0x280 ss:$0x1] =	vst.idx.msk $0xffff, v8  }
0x1cd: {  	(v2sf) =	vpush v5, $0x1;
	v8 =	vld [tilespmem:s19+$0x10];
	[tilespmem:v0+s26+$0x490 ss:$0x1] =	vst.idx.msk $0xffff, v4  }
0x1ce: {  	(v2sf) =	vpush v5, $0x2;
	v4 =	vld [tilespmem:s29+$0x20]  }
0x1cf: {  	(v2sf) =	vpush v5, $0x3;
	[tilespmem:v0+s20+$0x1E0 ss:$0x1] =	vst.idx.msk $0xffff, v6  }
0x1d0: {  	(v2sf) =	vpush v5, $0x4;
	v6 =	vld [tilespmem:s21+$0x70]  }
0x1d1: {  	(v2sf) =	vpush v5, $0x5;
	[tilespmem:v0+s24+$0x530 ss:$0x1] =	vst.idx.msk $0xffff, v7  }
0x1d2: {  	(v2sf) =	vpush v5, $0x6;
	v7 =	vld [tilespmem:s1+$0x40];
	[tilespmem:v0+s18+$0x290 ss:$0x1] =	vst.idx.msk $0xffff, v8  }
0x1d3: {  	(v2sf) =	vpush v5, $0x7;
	v8 =	vld [tilespmem:s19+$0x20];
	[tilespmem:v0+s26+$0x4A0 ss:$0x1] =	vst.idx.msk $0xffff, v4  }
0x1d4: {  	(v2sf) =	vpush v5, $0x8;
	v4 =	vld [tilespmem:s29+$0x30]  }
0x1d5: {  	s22 =	spop (v2sf);
	(v2sf) =	vpush v5, $0x9;
	[tilespmem:v0+s20+$0x1F0 ss:$0x1] =	vst.idx.msk $0xffff, v6  }
0x1d6: {  	v6 =	vld [tilespmem:s22+$0x0];
	s21 =	spop (v2sf)  }
0x1d7: {  	[tilespmem:v0+s24+$0x540 ss:$0x1] =	vst.idx.msk $0xffff, v7;
	v9 =	vld [tilespmem:s21+$0x0]  }
0x1d8: {  	[tilespmem:v0+s18+$0x2A0 ss:$0x1] =	vst.idx.msk $0xffff, v8;
	v8 =	vld [tilespmem:s1+$0x50]  }
0x1d9: {  	v7 =	vld [tilespmem:s19+$0x30];
	[tilespmem:v0+s26+$0x4B0 ss:$0x1] =	vst.idx.msk $0xffff, v4  }
0x1da: {  	s23 =	simm.s32 $0x2000;
	v4 =	vld [tilespmem:s29+$0x40]  }
0x1db: {  	s28 =	sand.u32 $0x3FFFF800, s23;
	[tilespmem:v0+s20+$0x200 ss:$0x1] =	vst.idx.msk $0xffff, v6  }
0x1dc: {  	(v2sf) =	vpush v5, $0xA;
	v6 =	vld [tilespmem:s22+$0x10];
	[tilespmem:v0+s28+$0x0 ss:$0x1] =	vst.idx.msk $0xffff, v9  }
0x1dd: {  	v9 =	vld [tilespmem:s21+$0x10];
	[tilespmem:v0+s24+$0x550 ss:$0x1] =	vst.idx.msk $0xffff, v8  }
0x1de: {  	(v2sf) =	vpush v5, $0xB;
	[tilespmem:v0+s18+$0x2B0 ss:$0x1] =	vst.idx.msk $0xffff, v7;
	v8 =	vld [tilespmem:s1+$0x60]  }
0x1df: {  	(v2sf) =	vpush v5, $0xC;
	v7 =	vld [tilespmem:s19+$0x40];
	[tilespmem:v0+s26+$0x4C0 ss:$0x1] =	vst.idx.msk $0xffff, v4  }
0x1e0: {  	(v2sf) =	vpush v5, $0xD;
	v4 =	vld [tilespmem:s29+$0x50]  }
0x1e1: {  	(v2sf) =	vpush v5, $0xE;
	[tilespmem:v0+s20+$0x210 ss:$0x1] =	vst.idx.msk $0xffff, v6  }
0x1e2: {  	s8 =	spop (v2sf);
	(v2sf) =	vpush v5, $0xF;
	v5 =	vld [tilespmem:s22+$0x20];
	[tilespmem:v0+s28+$0x10 ss:$0x1] =	vst.idx.msk $0xffff, v9  }
0x1e3: {  	s2 =	spop (v2sf);
	v6 =	vld [tilespmem:s21+$0x20];
	[tilespmem:v0+s24+$0x560 ss:$0x1] =	vst.idx.msk $0xffff, v8  }
0x1e4: {  	s17 =	spop (v2sf);
	(v2sf) =	vpush v3, $0xA;
	[tilespmem:v0+s18+$0x2C0 ss:$0x1] =	vst.idx.msk $0xffff, v7;
	v8 =	vld [tilespmem:s1+$0x70]  }
0x1e5: {  	s6 =	spop (v2sf);
	v7 =	vld [tilespmem:s19+$0x50];
	[tilespmem:v0+s26+$0x4D0 ss:$0x1] =	vst.idx.msk $0xffff, v4  }
0x1e6: {  	s14 =	spop (v2sf);
	v4 =	vld [tilespmem:s29+$0x60]  }
0x1e7: {  	s23 =	spop (v2sf);
	[tilespmem:v0+s20+$0x220 ss:$0x1] =	vst.idx.msk $0xffff, v5  }
0x1e8: {  	s13 =	spop (v2sf);
	v5 =	vld [tilespmem:s22+$0x30];
	[tilespmem:v0+s28+$0x20 ss:$0x1] =	vst.idx.msk $0xffff, v6  }
0x1e9: {  	s10 =	spop (v2sf);
	[tilespmem:v0+s24+$0x570 ss:$0x1] =	vst.idx.msk $0xffff, v8  }
0x1ea: {  	s7 =	spop (v2sf);
	v6 =	vld [tilespmem:s21+$0x30];
	[tilespmem:v0+s18+$0x2D0 ss:$0x1] =	vst.idx.msk $0xffff, v7  }
0x1eb: {  	s25 =	spop (v2sf);
	v8 =	vld [tilespmem:s0+$0x0];
	[tilespmem:v0+s26+$0x4E0 ss:$0x1] =	vst.idx.msk $0xffff, v4  }
0x1ec: {  	v7 =	vld [tilespmem:s19+$0x60];
	[dreg:$0x8] =	wrdreg s25  }
0x1ed: {  	s9 =	spop (v2sf);
	[tilespmem:v0+s20+$0x230 ss:$0x1] =	vst.idx.msk $0xffff, v5  }
0x1ee: {  	s11 =	spop (v2sf);
	v4 =	vld [tilespmem:s29+$0x70];
	[dreg:$0x7] =	wrdreg s9  }
0x1ef: {  	v5 =	vld [tilespmem:s22+$0x40];
	[dreg:$0x6] =	wrdreg s11  }
0x1f0: {  	s9 =	spop (v2sf);
	[tilespmem:v0+s28+$0x30 ss:$0x1] =	vst.idx.msk $0xffff, v6  }
0x1f1: {  	s11 =	spop (v2sf);
	[tilespmem:v0+s18+$0x2E0 ss:$0x1] =	vst.idx.msk $0xffff, v7;
	v6 =	vld [tilespmem:s21+$0x40]  }
0x1f2: {  	[tilespmem:v0+s24+$0x580 ss:$0x1] =	vst.idx.msk $0xffff, v8;
	s30 =	spop (v2sf);
	v7 =	vld [tilespmem:s19+$0x70]  }
0x1f3: {  	v8 =	vld [tilespmem:s0+$0x10];
	s29 =	spop (v2sf);
	[tilespmem:v0+s26+$0x4F0 ss:$0x1] =	vst.idx.msk $0xffff, v4  }
0x1f4: {  	v4 =	vld [tilespmem:s29+$0x0];
	[tilespmem:v0+s20+$0x240 ss:$0x1] =	vst.idx.msk $0xffff, v5  }
0x1f5: {  	v5 =	vld [tilespmem:s22+$0x50]  }
0x1f6: {  	[tilespmem:v0+s28+$0x40 ss:$0x1] =	vst.idx.msk $0xffff, v6  }
0x1f7: {  	(v2sf) =	vpush v2, $0x5;
	[tilespmem:v0+s18+$0x2F0 ss:$0x1] =	vst.idx.msk $0xffff, v7;
	v6 =	vld [tilespmem:s21+$0x50]  }
0x1f8: {  	[tilespmem:v0+s24+$0x590 ss:$0x1] =	vst.idx.msk $0xffff, v8;
	v7 =	vld [tilespmem:s3+$0x0]  }
0x1f9: {  	v8 =	vld [tilespmem:s0+$0x20];
	[tilespmem:v0+s26+$0x500 ss:$0x1] =	vst.idx.msk $0xffff, v4  }
0x1fa: {  	v4 =	vld [tilespmem:s29+$0x10];
	[tilespmem:v0+s20+$0x250 ss:$0x1] =	vst.idx.msk $0xffff, v5  }
0x1fb: {  	v5 =	vld [tilespmem:s22+$0x60]  }
0x1fc: {  	[tilespmem:v0+s28+$0x50 ss:$0x1] =	vst.idx.msk $0xffff, v6  }
0x1fd: {  	[tilespmem:v0+s18+$0x300 ss:$0x1] =	vst.idx.msk $0xffff, v7;
	v6 =	vld [tilespmem:s21+$0x60]  }
0x1fe: {  	s19 =	simm.s32 $0x4;
	[tilespmem:v0+s24+$0x5A0 ss:$0x1] =	vst.idx.msk $0xffff, v8;
	v7 =	vld [tilespmem:s3+$0x10]  }
0x1ff: {  	s25 =	sor.u32 $0x1, s19;
	v8 =	vld [tilespmem:s0+$0x30];
	[tilespmem:v0+s26+$0x510 ss:$0x1] =	vst.idx.msk $0xffff, v4  }
0x200: {  	s1 =	sshll.u32 s25, $0x4;
	v4 =	vld [tilespmem:s29+$0x20];
	[tilespmem:v0+s20+$0x260 ss:$0x1] =	vst.idx.msk $0xffff, v5  }
0x201: {  	s1 =	sand.u32 $0x3FFFFFF0, s1;
	v5 =	vld [tilespmem:s22+$0x70]  }
0x202: {  	v9 =	vld.idx.msk [tilespmem:v1+s1+$0x0 ss:$0x1], $0xffff;
	s22 =	rddreg [dreg:$0x1c];
	[tilespmem:v0+s28+$0x60 ss:$0x1] =	vst.idx.msk $0xffff, v6  }
0x203: {  	v6 =	vld [tilespmem:s21+$0x70];
	s21 =	rddreg [dreg:$0x1b];
	[tilespmem:v0+s18+$0x310 ss:$0x1] =	vst.idx.msk $0xffff, v7  }
0x204: {  	[tilespmem:v0+s24+$0x5B0 ss:$0x1] =	vst.idx.msk $0xffff, v8;
	v7 =	vld [tilespmem:s3+$0x20]  }
0x205: {  	v8 =	vld [tilespmem:s0+$0x40];
	[tilespmem:v0+s26+$0x520 ss:$0x1] =	vst.idx.msk $0xffff, v4  }
0x206: {  	s19 =	spop (v2sf);
	[tilespmem:v0+s20+$0x270 ss:$0x1] =	vst.idx.msk $0xffff, v5;
	v5 =	vld [tilespmem:s29+$0x30]  }
0x207: {  	v10 =	vld [tilespmem:s19+$0x0]  }
0x208: {  	v4 =	vshll.u32 v9, $0x9;
	[tilespmem:v0+s28+$0x70 ss:$0x1] =	vst.idx.msk $0xffff, v6  }
0x209: {  	v4 =	vshra.s32 v4, $0x2;
	v6 =	vld [tilespmem:s8+$0x0];
	[tilespmem:v0+s18+$0x320 ss:$0x1] =	vst.idx.msk $0xffff, v7  }
0x20a: {  	(v2sf) =	vpush v4, $0x0;
	[tilespmem:v0+s24+$0x5C0 ss:$0x1] =	vst.idx.msk $0xffff, v8;
	v7 =	vld [tilespmem:s3+$0x30]  }
0x20b: {  	v8 =	vld [tilespmem:s0+$0x50];
	[tilespmem:v0+s26+$0x530 ss:$0x1] =	vst.idx.msk $0xffff, v5  }
0x20c: {  	[tilespmem:v0+s20+$0x280 ss:$0x1] =	vst.idx.msk $0xffff, v10;
	v5 =	vld [tilespmem:s29+$0x40]  }
0x20d: {  	v9 =	vld [tilespmem:s19+$0x10]  }
0x20e: {  	[tilespmem:v0+s28+$0x80 ss:$0x1] =	vst.idx.msk $0xffff, v6  }
0x20f: {  	v6 =	vld [tilespmem:s8+$0x10];
	[tilespmem:v0+s18+$0x330 ss:$0x1] =	vst.idx.msk $0xffff, v7  }
0x210: {  	[tilespmem:v0+s24+$0x5D0 ss:$0x1] =	vst.idx.msk $0xffff, v8;
	v7 =	vld [tilespmem:s3+$0x40]  }
0x211: {  	v8 =	vld [tilespmem:s0+$0x60];
	[tilespmem:v0+s26+$0x540 ss:$0x1] =	vst.idx.msk $0xffff, v5  }
0x212: {  	[tilespmem:v0+s20+$0x290 ss:$0x1] =	vst.idx.msk $0xffff, v9;
	v5 =	vld [tilespmem:s29+$0x50]  }
0x213: {  	v9 =	vld [tilespmem:s19+$0x20]  }
0x214: {  	(v2sf) =	vpush v3, $0xB;
	[tilespmem:v0+s28+$0x90 ss:$0x1] =	vst.idx.msk $0xffff, v6  }
0x215: {  	v6 =	vld [tilespmem:s8+$0x20];
	[tilespmem:v0+s18+$0x340 ss:$0x1] =	vst.idx.msk $0xffff, v7  }
0x216: {  	[tilespmem:v0+s24+$0x5E0 ss:$0x1] =	vst.idx.msk $0xffff, v8;
	v7 =	vld [tilespmem:s3+$0x50]  }
0x217: {  	v8 =	vld [tilespmem:s0+$0x70];
	[tilespmem:v0+s26+$0x550 ss:$0x1] =	vst.idx.msk $0xffff, v5  }
0x218: {  	[tilespmem:v0+s20+$0x2A0 ss:$0x1] =	vst.idx.msk $0xffff, v9;
	v5 =	vld [tilespmem:s29+$0x60]  }
0x219: {  	s1 =	spop (v2sf);
	v9 =	vld [tilespmem:s19+$0x30]  }
0x21a: {  	[tilespmem:v0+s28+$0xA0 ss:$0x1] =	vst.idx.msk $0xffff, v6;
	v6 =	vld [tilespmem:s1+$0x0]  }
0x21b: {  	v10 =	vld [tilespmem:s8+$0x30];
	[tilespmem:v0+s18+$0x350 ss:$0x1] =	vst.idx.msk $0xffff, v7  }
0x21c: {  	[tilespmem:v0+s24+$0x5F0 ss:$0x1] =	vst.idx.msk $0xffff, v8;
	v7 =	vld [tilespmem:s3+$0x60]  }
0x21d: {  	s25 =	sshll.u32 s25, $0xB;
	v8 =	vld [tilespmem:s12+$0x0];
	[tilespmem:v0+s26+$0x560 ss:$0x1] =	vst.idx.msk $0xffff, v5  }
0x21e: {  	s0 =	sand.u32 $0x3FFFF800, s25;
	v5 =	vld [tilespmem:s29+$0x70];
	[tilespmem:v0+s20+$0x2B0 ss:$0x1] =	vst.idx.msk $0xffff, v9  }
0x21f: {  	[tilespmem:v0+s0+$0x0 ss:$0x1] =	vst.idx.msk $0xffff, v6;
	v6 =	vld [tilespmem:s19+$0x40]  }
0x220: {  	[tilespmem:v0+s28+$0xB0 ss:$0x1] =	vst.idx.msk $0xffff, v10;
	v9 =	vld [tilespmem:s1+$0x10]  }
0x221: {  	v10 =	vld [tilespmem:s8+$0x40];
	[tilespmem:v0+s18+$0x360 ss:$0x1] =	vst.idx.msk $0xffff, v7  }
0x222: {  	[tilespmem:v0+s24+$0x600 ss:$0x1] =	vst.idx.msk $0xffff, v8;
	v7 =	vld [tilespmem:s3+$0x70]  }
0x223: {  	s25 =	spop (v2sf);
	v8 =	vld [tilespmem:s12+$0x10];
	[tilespmem:v0+s26+$0x570 ss:$0x1] =	vst.idx.msk $0xffff, v5  }
0x224: {  	[tilespmem:v0+s20+$0x2C0 ss:$0x1] =	vst.idx.msk $0xffff, v6;
	v5 =	vld [tilespmem:s25+$0x0]  }
0x225: {  	[tilespmem:v0+s0+$0x10 ss:$0x1] =	vst.idx.msk $0xffff, v9;
	v6 =	vld [tilespmem:s19+$0x50]  }
0x226: {  	[tilespmem:v0+s28+$0xC0 ss:$0x1] =	vst.idx.msk $0xffff, v10;
	v9 =	vld [tilespmem:s1+$0x20]  }
0x227: {  	(v2sf) =	vpush v2, $0x6;
	v10 =	vld [tilespmem:s8+$0x50];
	[tilespmem:v0+s18+$0x370 ss:$0x1] =	vst.idx.msk $0xffff, v7  }
0x228: {  	[tilespmem:v0+s24+$0x610 ss:$0x1] =	vst.idx.msk $0xffff, v8;
	v7 =	vld [tilespmem:s5+$0x0]  }
0x229: {  	v8 =	vld [tilespmem:s12+$0x20];
	[tilespmem:v0+s26+$0x580 ss:$0x1] =	vst.idx.msk $0xffff, v5  }
0x22a: {  	[tilespmem:v0+s20+$0x2D0 ss:$0x1] =	vst.idx.msk $0xffff, v6;
	v5 =	vld [tilespmem:s25+$0x10]  }
0x22b: {  	[tilespmem:v0+s0+$0x20 ss:$0x1] =	vst.idx.msk $0xffff, v9;
	v6 =	vld [tilespmem:s19+$0x60]  }
0x22c: {  	[tilespmem:v0+s28+$0xD0 ss:$0x1] =	vst.idx.msk $0xffff, v10;
	v9 =	vld [tilespmem:s1+$0x30]  }
0x22d: {  	v10 =	vld [tilespmem:s8+$0x60];
	[tilespmem:v0+s18+$0x380 ss:$0x1] =	vst.idx.msk $0xffff, v7  }
0x22e: {  	[tilespmem:v0+s24+$0x620 ss:$0x1] =	vst.idx.msk $0xffff, v8;
	v7 =	vld [tilespmem:s5+$0x10]  }
0x22f: {  	v8 =	vld [tilespmem:s12+$0x30];
	[tilespmem:v0+s26+$0x590 ss:$0x1] =	vst.idx.msk $0xffff, v5  }
0x230: {  	[tilespmem:v0+s20+$0x2E0 ss:$0x1] =	vst.idx.msk $0xffff, v6;
	v5 =	vld [tilespmem:s25+$0x20]  }
0x231: {  	v6 =	vld [tilespmem:s19+$0x70];
	[tilespmem:v0+s0+$0x30 ss:$0x1] =	vst.idx.msk $0xffff, v9  }
0x232: {  	[tilespmem:v0+s28+$0xE0 ss:$0x1] =	vst.idx.msk $0xffff, v10;
	v9 =	vld [tilespmem:s1+$0x40]  }
0x233: {  	v10 =	vld [tilespmem:s8+$0x70];
	[tilespmem:v0+s18+$0x390 ss:$0x1] =	vst.idx.msk $0xffff, v7  }
0x234: {  	[tilespmem:v0+s24+$0x630 ss:$0x1] =	vst.idx.msk $0xffff, v8;
	v7 =	vld [tilespmem:s5+$0x20]  }
0x235: {  	v8 =	vld [tilespmem:s12+$0x40];
	[tilespmem:v0+s26+$0x5A0 ss:$0x1] =	vst.idx.msk $0xffff, v5  }
0x236: {  	s29 =	spop (v2sf);
	[tilespmem:v0+s20+$0x2F0 ss:$0x1] =	vst.idx.msk $0xffff, v6;
	v5 =	vld [tilespmem:s25+$0x30]  }
0x237: {  	[tilespmem:v0+s0+$0x40 ss:$0x1] =	vst.idx.msk $0xffff, v9;
	v6 =	vld [tilespmem:s29+$0x0]  }
0x238: {  	[tilespmem:v0+s28+$0xF0 ss:$0x1] =	vst.idx.msk $0xffff, v10;
	v9 =	vld [tilespmem:s1+$0x50]  }
0x239: {  	v10 =	vld [tilespmem:s2+$0x0];
	[tilespmem:v0+s18+$0x3A0 ss:$0x1] =	vst.idx.msk $0xffff, v7  }
0x23a: {  	(v2sf) =	vpush v4, $0x1;
	[tilespmem:v0+s24+$0x640 ss:$0x1] =	vst.idx.msk $0xffff, v8;
	v7 =	vld [tilespmem:s5+$0x30]  }
0x23b: {  	v8 =	vld [tilespmem:s12+$0x50];
	[tilespmem:v0+s26+$0x5B0 ss:$0x1] =	vst.idx.msk $0xffff, v5  }
0x23c: {  	[tilespmem:v0+s20+$0x300 ss:$0x1] =	vst.idx.msk $0xffff, v6;
	v5 =	vld [tilespmem:s25+$0x40]  }
0x23d: {  	[tilespmem:v0+s0+$0x50 ss:$0x1] =	vst.idx.msk $0xffff, v9;
	v6 =	vld [tilespmem:s29+$0x10]  }
0x23e: {  	[tilespmem:v0+s28+$0x100 ss:$0x1] =	vst.idx.msk $0xffff, v10;
	v9 =	vld [tilespmem:s1+$0x60]  }
0x23f: {  	v10 =	vld [tilespmem:s2+$0x10];
	[tilespmem:v0+s18+$0x3B0 ss:$0x1] =	vst.idx.msk $0xffff, v7  }
0x240: {  	[tilespmem:v0+s24+$0x650 ss:$0x1] =	vst.idx.msk $0xffff, v8;
	v7 =	vld [tilespmem:s5+$0x40]  }
0x241: {  	v8 =	vld [tilespmem:s12+$0x60];
	[tilespmem:v0+s26+$0x5C0 ss:$0x1] =	vst.idx.msk $0xffff, v5  }
0x242: {  	[tilespmem:v0+s20+$0x310 ss:$0x1] =	vst.idx.msk $0xffff, v6;
	v5 =	vld [tilespmem:s25+$0x50]  }
0x243: {  	[tilespmem:v0+s0+$0x60 ss:$0x1] =	vst.idx.msk $0xffff, v9;
	v6 =	vld [tilespmem:s29+$0x20]  }
0x244: {  	(v2sf) =	vpush v3, $0xC;
	v9 =	vld [tilespmem:s1+$0x70];
	[tilespmem:v0+s28+$0x110 ss:$0x1] =	vst.idx.msk $0xffff, v10  }
0x245: {  	v10 =	vld [tilespmem:s2+$0x20];
	[tilespmem:v0+s18+$0x3C0 ss:$0x1] =	vst.idx.msk $0xffff, v7  }
0x246: {  	[tilespmem:v0+s24+$0x660 ss:$0x1] =	vst.idx.msk $0xffff, v8;
	v7 =	vld [tilespmem:s5+$0x50]  }
0x247: {  	v8 =	vld [tilespmem:s12+$0x70];
	[tilespmem:v0+s26+$0x5D0 ss:$0x1] =	vst.idx.msk $0xffff, v5  }
0x248: {  	[tilespmem:v0+s20+$0x320 ss:$0x1] =	vst.idx.msk $0xffff, v6;
	v5 =	vld [tilespmem:s25+$0x60]  }
0x249: {  	s1 =	spop (v2sf);
	[tilespmem:v0+s0+$0x70 ss:$0x1] =	vst.idx.msk $0xffff, v9;
	v6 =	vld [tilespmem:s29+$0x30]  }
0x24a: {  	[tilespmem:v0+s28+$0x120 ss:$0x1] =	vst.idx.msk $0xffff, v10;
	v9 =	vld [tilespmem:s1+$0x0]  }
0x24b: {  	v10 =	vld [tilespmem:s2+$0x30];
	[tilespmem:v0+s18+$0x3D0 ss:$0x1] =	vst.idx.msk $0xffff, v7  }
0x24c: {  	[tilespmem:v0+s24+$0x670 ss:$0x1] =	vst.idx.msk $0xffff, v8;
	v7 =	vld [tilespmem:s5+$0x60]  }
0x24d: {  	v8 =	vld [tilespmem:s15+$0x0];
	[tilespmem:v0+s26+$0x5E0 ss:$0x1] =	vst.idx.msk $0xffff, v5  }
0x24e: {  	v5 =	vld [tilespmem:s25+$0x70];
	[tilespmem:v0+s20+$0x330 ss:$0x1] =	vst.idx.msk $0xffff, v6  }
0x24f: {  	[tilespmem:v0+s0+$0x80 ss:$0x1] =	vst.idx.msk $0xffff, v9;
	v6 =	vld [tilespmem:s29+$0x40]  }
0x250: {  	[tilespmem:v0+s28+$0x130 ss:$0x1] =	vst.idx.msk $0xffff, v10;
	v9 =	vld [tilespmem:s1+$0x10]  }
0x251: {  	v10 =	vld [tilespmem:s2+$0x40];
	[tilespmem:v0+s18+$0x3E0 ss:$0x1] =	vst.idx.msk $0xffff, v7  }
0x252: {  	[tilespmem:v0+s24+$0x680 ss:$0x1] =	vst.idx.msk $0xffff, v8;
	v7 =	vld [tilespmem:s5+$0x70]  }
0x253: {  	v8 =	vld [tilespmem:s15+$0x10];
	s5 =	spop (v2sf);
	[tilespmem:v0+s26+$0x5F0 ss:$0x1] =	vst.idx.msk $0xffff, v5  }
0x254: {  	[tilespmem:v0+s20+$0x340 ss:$0x1] =	vst.idx.msk $0xffff, v6;
	v5 =	vld [tilespmem:s5+$0x0]  }
0x255: {  	[tilespmem:v0+s0+$0x90 ss:$0x1] =	vst.idx.msk $0xffff, v9;
	v6 =	vld [tilespmem:s29+$0x50]  }
0x256: {  	[tilespmem:v0+s28+$0x140 ss:$0x1] =	vst.idx.msk $0xffff, v10;
	v9 =	vld [tilespmem:s1+$0x20]  }
0x257: {  	(v2sf) =	vpush v2, $0x7;
	v10 =	vld [tilespmem:s2+$0x50];
	[tilespmem:v0+s18+$0x3F0 ss:$0x1] =	vst.idx.msk $0xffff, v7  }
0x258: {  	[tilespmem:v0+s24+$0x690 ss:$0x1] =	vst.idx.msk $0xffff, v8;
	v7 =	vld [tilespmem:s16+$0x0]  }
0x259: {  	v8 =	vld [tilespmem:s15+$0x20];
	[tilespmem:v0+s26+$0x600 ss:$0x1] =	vst.idx.msk $0xffff, v5  }
0x25a: {  	[tilespmem:v0+s20+$0x350 ss:$0x1] =	vst.idx.msk $0xffff, v6;
	v5 =	vld [tilespmem:s5+$0x10]  }
0x25b: {  	[tilespmem:v0+s0+$0xA0 ss:$0x1] =	vst.idx.msk $0xffff, v9;
	v6 =	vld [tilespmem:s29+$0x60]  }
0x25c: {  	[tilespmem:v0+s28+$0x150 ss:$0x1] =	vst.idx.msk $0xffff, v10;
	v9 =	vld [tilespmem:s1+$0x30]  }
0x25d: {  	v10 =	vld [tilespmem:s2+$0x60];
	[tilespmem:v0+s18+$0x400 ss:$0x1] =	vst.idx.msk $0xffff, v7  }
0x25e: {  	[tilespmem:v0+s24+$0x6A0 ss:$0x1] =	vst.idx.msk $0xffff, v8;
	v7 =	vld [tilespmem:s16+$0x10]  }
0x25f: {  	v8 =	vld [tilespmem:s15+$0x30];
	[tilespmem:v0+s26+$0x610 ss:$0x1] =	vst.idx.msk $0xffff, v5  }
0x260: {  	[tilespmem:v0+s20+$0x360 ss:$0x1] =	vst.idx.msk $0xffff, v6;
	v5 =	vld [tilespmem:s5+$0x20]  }
0x261: {  	v6 =	vld [tilespmem:s29+$0x70];
	[tilespmem:v0+s0+$0xB0 ss:$0x1] =	vst.idx.msk $0xffff, v9  }
0x262: {  	[tilespmem:v0+s28+$0x160 ss:$0x1] =	vst.idx.msk $0xffff, v10;
	v9 =	vld [tilespmem:s1+$0x40]  }
0x263: {  	v10 =	vld [tilespmem:s2+$0x70];
	[tilespmem:v0+s18+$0x410 ss:$0x1] =	vst.idx.msk $0xffff, v7  }
0x264: {  	[tilespmem:v0+s24+$0x6B0 ss:$0x1] =	vst.idx.msk $0xffff, v8;
	v7 =	vld [tilespmem:s16+$0x20]  }
0x265: {  	v8 =	vld [tilespmem:s15+$0x40];
	[tilespmem:v0+s26+$0x620 ss:$0x1] =	vst.idx.msk $0xffff, v5  }
0x266: {  	s8 =	spop (v2sf);
	[tilespmem:v0+s20+$0x370 ss:$0x1] =	vst.idx.msk $0xffff, v6;
	v5 =	vld [tilespmem:s5+$0x30]  }
0x267: {  	[tilespmem:v0+s0+$0xC0 ss:$0x1] =	vst.idx.msk $0xffff, v9;
	v6 =	vld [tilespmem:s8+$0x0]  }
0x268: {  	[tilespmem:v0+s28+$0x170 ss:$0x1] =	vst.idx.msk $0xffff, v10;
	v9 =	vld [tilespmem:s1+$0x50]  }
0x269: {  	v10 =	vld [tilespmem:s17+$0x0];
	[tilespmem:v0+s18+$0x420 ss:$0x1] =	vst.idx.msk $0xffff, v7  }
0x26a: {  	[tilespmem:v0+s24+$0x6C0 ss:$0x1] =	vst.idx.msk $0xffff, v8;
	v7 =	vld [tilespmem:s16+$0x30]  }
0x26b: {  	(v2sf) =	vpush v4, $0x2;
	v8 =	vld [tilespmem:s15+$0x50];
	[tilespmem:v0+s26+$0x630 ss:$0x1] =	vst.idx.msk $0xffff, v5  }
0x26c: {  	[tilespmem:v0+s20+$0x380 ss:$0x1] =	vst.idx.msk $0xffff, v6;
	v5 =	vld [tilespmem:s5+$0x40]  }
0x26d: {  	[tilespmem:v0+s0+$0xD0 ss:$0x1] =	vst.idx.msk $0xffff, v9;
	v6 =	vld [tilespmem:s8+$0x10]  }
0x26e: {  	[tilespmem:v0+s28+$0x180 ss:$0x1] =	vst.idx.msk $0xffff, v10;
	v9 =	vld [tilespmem:s1+$0x60]  }
0x26f: {  	v10 =	vld [tilespmem:s17+$0x10];
	[tilespmem:v0+s18+$0x430 ss:$0x1] =	vst.idx.msk $0xffff, v7  }
0x270: {  	[tilespmem:v0+s24+$0x6D0 ss:$0x1] =	vst.idx.msk $0xffff, v8;
	v7 =	vld [tilespmem:s16+$0x40]  }
0x271: {  	v8 =	vld [tilespmem:s15+$0x60];
	[tilespmem:v0+s26+$0x640 ss:$0x1] =	vst.idx.msk $0xffff, v5  }
0x272: {  	[tilespmem:v0+s20+$0x390 ss:$0x1] =	vst.idx.msk $0xffff, v6;
	v5 =	vld [tilespmem:s5+$0x50]  }
0x273: {  	[tilespmem:v0+s0+$0xE0 ss:$0x1] =	vst.idx.msk $0xffff, v9;
	v6 =	vld [tilespmem:s8+$0x20]  }
0x274: {  	v9 =	vld [tilespmem:s1+$0x70];
	[tilespmem:v0+s28+$0x190 ss:$0x1] =	vst.idx.msk $0xffff, v10  }
0x275: {  	(v2sf) =	vpush v3, $0xD;
	v10 =	vld [tilespmem:s17+$0x20];
	[tilespmem:v0+s18+$0x440 ss:$0x1] =	vst.idx.msk $0xffff, v7  }
0x276: {  	[tilespmem:v0+s24+$0x6E0 ss:$0x1] =	vst.idx.msk $0xffff, v8;
	v7 =	vld [tilespmem:s16+$0x50]  }
0x277: {  	v8 =	vld [tilespmem:s15+$0x70];
	[tilespmem:v0+s26+$0x650 ss:$0x1] =	vst.idx.msk $0xffff, v5  }
0x278: {  	[tilespmem:v0+s20+$0x3A0 ss:$0x1] =	vst.idx.msk $0xffff, v6  }
0x279: {  	v5 =	vld [tilespmem:s5+$0x60];
	[tilespmem:v0+s0+$0xF0 ss:$0x1] =	vst.idx.msk $0xffff, v9  }
0x27a: {  	s19 =	spop (v2sf);
	v6 =	vld [tilespmem:s8+$0x30];
	[tilespmem:v0+s28+$0x1A0 ss:$0x1] =	vst.idx.msk $0xffff, v10  }
0x27b: {  	v9 =	vld [tilespmem:s19+$0x0];
	[tilespmem:v0+s18+$0x450 ss:$0x1] =	vst.idx.msk $0xffff, v7  }
0x27c: {  	v10 =	vld [tilespmem:s17+$0x30];
	[tilespmem:v0+s24+$0x6F0 ss:$0x1] =	vst.idx.msk $0xffff, v8  }
0x27d: {  	v7 =	vld [tilespmem:s16+$0x60];
	s25 =	rddreg [dreg:$0x1a]  }
0x27e: {  	v8 =	vld [tilespmem:s25+$0x0];
	[tilespmem:v0+s26+$0x660 ss:$0x1] =	vst.idx.msk $0xffff, v5  }
0x27f: {  	v5 =	vld [tilespmem:s5+$0x70];
	[tilespmem:v0+s20+$0x3B0 ss:$0x1] =	vst.idx.msk $0xffff, v6  }
0x280: {  	[tilespmem:v0+s0+$0x100 ss:$0x1] =	vst.idx.msk $0xffff, v9;
	v6 =	vld [tilespmem:s8+$0x40]  }
0x281: {  	[tilespmem:v0+s28+$0x1B0 ss:$0x1] =	vst.idx.msk $0xffff, v10;
	v9 =	vld [tilespmem:s19+$0x10]  }
0x282: {  	v10 =	vld [tilespmem:s17+$0x40];
	[tilespmem:v0+s18+$0x460 ss:$0x1] =	vst.idx.msk $0xffff, v7  }
0x283: {  	v7 =	vld [tilespmem:s16+$0x70];
	[tilespmem:v0+s24+$0x700 ss:$0x1] =	vst.idx.msk $0xffff, v8  }
0x284: {  	s29 =	spop (v2sf);
	v8 =	vld [tilespmem:s25+$0x10];
	[tilespmem:v0+s26+$0x670 ss:$0x1] =	vst.idx.msk $0xffff, v5  }
0x285: {  	[tilespmem:v0+s20+$0x3C0 ss:$0x1] =	vst.idx.msk $0xffff, v6;
	v5 =	vld [tilespmem:s29+$0x0]  }
0x286: {  	[tilespmem:v0+s0+$0x110 ss:$0x1] =	vst.idx.msk $0xffff, v9;
	v6 =	vld [tilespmem:s8+$0x50]  }
0x287: {  	[tilespmem:v0+s28+$0x1C0 ss:$0x1] =	vst.idx.msk $0xffff, v10;
	v9 =	vld [tilespmem:s19+$0x20]  }
0x288: {  	(v2sf) =	vpush v2, $0x8;
	v10 =	vld [tilespmem:s17+$0x50];
	[tilespmem:v0+s18+$0x470 ss:$0x1] =	vst.idx.msk $0xffff, v7  }
0x289: {  	v7 =	vld [tilespmem:s4+$0x0];
	[tilespmem:v0+s24+$0x710 ss:$0x1] =	vst.idx.msk $0xffff, v8  }
0x28a: {  	v8 =	vld [tilespmem:s25+$0x20];
	[tilespmem:v0+s26+$0x680 ss:$0x1] =	vst.idx.msk $0xffff, v5  }
0x28b: {  	[tilespmem:v0+s20+$0x3D0 ss:$0x1] =	vst.idx.msk $0xffff, v6;
	v5 =	vld [tilespmem:s29+$0x10]  }
0x28c: {  	[tilespmem:v0+s0+$0x120 ss:$0x1] =	vst.idx.msk $0xffff, v9;
	v6 =	vld [tilespmem:s8+$0x60]  }
0x28d: {  	[tilespmem:v0+s28+$0x1D0 ss:$0x1] =	vst.idx.msk $0xffff, v10;
	v9 =	vld [tilespmem:s19+$0x30]  }
0x28e: {  	v10 =	vld [tilespmem:s17+$0x60];
	[tilespmem:v0+s18+$0x480 ss:$0x1] =	vst.idx.msk $0xffff, v7  }
0x28f: {  	v7 =	vld [tilespmem:s4+$0x10];
	[tilespmem:v0+s24+$0x720 ss:$0x1] =	vst.idx.msk $0xffff, v8  }
0x290: {  	v8 =	vld [tilespmem:s25+$0x30];
	[tilespmem:v0+s26+$0x690 ss:$0x1] =	vst.idx.msk $0xffff, v5  }
0x291: {  	[tilespmem:v0+s20+$0x3E0 ss:$0x1] =	vst.idx.msk $0xffff, v6;
	v5 =	vld [tilespmem:s29+$0x20]  }
0x292: {  	v6 =	vld [tilespmem:s8+$0x70];
	[tilespmem:v0+s0+$0x130 ss:$0x1] =	vst.idx.msk $0xffff, v9  }
0x293: {  	[tilespmem:v0+s28+$0x1E0 ss:$0x1] =	vst.idx.msk $0xffff, v10;
	v9 =	vld [tilespmem:s19+$0x40]  }
0x294: {  	v10 =	vld [tilespmem:s17+$0x70];
	s17 =	rddreg [dreg:$0x19];
	[tilespmem:v0+s18+$0x490 ss:$0x1] =	vst.idx.msk $0xffff, v7  }
0x295: {  	v7 =	vld [tilespmem:s4+$0x20];
	[tilespmem:v0+s24+$0x730 ss:$0x1] =	vst.idx.msk $0xffff, v8  }
0x296: {  	v8 =	vld [tilespmem:s25+$0x40];
	[tilespmem:v0+s26+$0x6A0 ss:$0x1] =	vst.idx.msk $0xffff, v5  }
0x297: {  	s1 =	spop (v2sf);
	[tilespmem:v0+s20+$0x3F0 ss:$0x1] =	vst.idx.msk $0xffff, v6;
	v5 =	vld [tilespmem:s29+$0x30]  }
0x298: {  	[tilespmem:v0+s0+$0x140 ss:$0x1] =	vst.idx.msk $0xffff, v9;
	v6 =	vld [tilespmem:s1+$0x0]  }
0x299: {  	[tilespmem:v0+s28+$0x1F0 ss:$0x1] =	vst.idx.msk $0xffff, v10;
	v9 =	vld [tilespmem:s19+$0x50]  }
0x29a: {  	v10 =	vld [tilespmem:s6+$0x0];
	[tilespmem:v0+s18+$0x4A0 ss:$0x1] =	vst.idx.msk $0xffff, v7  }
0x29b: {  	(v2sf) =	vpush v4, $0x3;
	v7 =	vld [tilespmem:s4+$0x30];
	[tilespmem:v0+s24+$0x740 ss:$0x1] =	vst.idx.msk $0xffff, v8  }
0x29c: {  	v8 =	vld [tilespmem:s25+$0x50];
	[tilespmem:v0+s26+$0x6B0 ss:$0x1] =	vst.idx.msk $0xffff, v5  }
0x29d: {  	[tilespmem:v0+s20+$0x400 ss:$0x1] =	vst.idx.msk $0xffff, v6;
	v5 =	vld [tilespmem:s29+$0x40]  }
0x29e: {  	[tilespmem:v0+s0+$0x150 ss:$0x1] =	vst.idx.msk $0xffff, v9;
	v6 =	vld [tilespmem:s1+$0x10]  }
0x29f: {  	[tilespmem:v0+s28+$0x200 ss:$0x1] =	vst.idx.msk $0xffff, v10;
	v9 =	vld [tilespmem:s19+$0x60]  }
0x2a0: {  	v10 =	vld [tilespmem:s6+$0x10];
	[tilespmem:v0+s18+$0x4B0 ss:$0x1] =	vst.idx.msk $0xffff, v7  }
0x2a1: {  	v7 =	vld [tilespmem:s4+$0x40];
	[tilespmem:v0+s24+$0x750 ss:$0x1] =	vst.idx.msk $0xffff, v8  }
0x2a2: {  	v8 =	vld [tilespmem:s25+$0x60];
	[tilespmem:v0+s26+$0x6C0 ss:$0x1] =	vst.idx.msk $0xffff, v5  }
0x2a3: {  	[tilespmem:v0+s20+$0x410 ss:$0x1] =	vst.idx.msk $0xffff, v6;
	v5 =	vld [tilespmem:s29+$0x50]  }
0x2a4: {  	[tilespmem:v0+s0+$0x160 ss:$0x1] =	vst.idx.msk $0xffff, v9;
	v6 =	vld [tilespmem:s1+$0x20]  }
0x2a5: {  	(v2sf) =	vpush v3, $0xE;
	v9 =	vld [tilespmem:s19+$0x70];
	[tilespmem:v0+s28+$0x210 ss:$0x1] =	vst.idx.msk $0xffff, v10  }
0x2a6: {  	v10 =	vld [tilespmem:s6+$0x20];
	[tilespmem:v0+s18+$0x4C0 ss:$0x1] =	vst.idx.msk $0xffff, v7  }
0x2a7: {  	v7 =	vld [tilespmem:s4+$0x50];
	[tilespmem:v0+s24+$0x760 ss:$0x1] =	vst.idx.msk $0xffff, v8  }
0x2a8: {  	v8 =	vld [tilespmem:s25+$0x70];
	[tilespmem:v0+s26+$0x6D0 ss:$0x1] =	vst.idx.msk $0xffff, v5  }
0x2a9: {  	[tilespmem:v0+s20+$0x420 ss:$0x1] =	vst.idx.msk $0xffff, v6;
	v5 =	vld [tilespmem:s29+$0x60]  }
0x2aa: {  	s2 =	spop (v2sf);
	[tilespmem:v0+s0+$0x170 ss:$0x1] =	vst.idx.msk $0xffff, v9;
	v6 =	vld [tilespmem:s1+$0x30]  }
0x2ab: {  	[tilespmem:v0+s28+$0x220 ss:$0x1] =	vst.idx.msk $0xffff, v10;
	v9 =	vld [tilespmem:s2+$0x0]  }
0x2ac: {  	v10 =	vld [tilespmem:s6+$0x30];
	[tilespmem:v0+s18+$0x4D0 ss:$0x1] =	vst.idx.msk $0xffff, v7  }
0x2ad: {  	v7 =	vld [tilespmem:s4+$0x60];
	[tilespmem:v0+s24+$0x770 ss:$0x1] =	vst.idx.msk $0xffff, v8  }
0x2ae: {  	v8 =	vld [tilespmem:s17+$0x0];
	[tilespmem:v0+s26+$0x6E0 ss:$0x1] =	vst.idx.msk $0xffff, v5  }
0x2af: {  	v5 =	vld [tilespmem:s29+$0x70];
	[tilespmem:v0+s20+$0x430 ss:$0x1] =	vst.idx.msk $0xffff, v6  }
0x2b0: {  	[tilespmem:v0+s0+$0x180 ss:$0x1] =	vst.idx.msk $0xffff, v9;
	v6 =	vld [tilespmem:s1+$0x40]  }
0x2b1: {  	[tilespmem:v0+s28+$0x230 ss:$0x1] =	vst.idx.msk $0xffff, v10;
	v9 =	vld [tilespmem:s2+$0x10]  }
0x2b2: {  	v10 =	vld [tilespmem:s6+$0x40];
	[tilespmem:v0+s18+$0x4E0 ss:$0x1] =	vst.idx.msk $0xffff, v7  }
0x2b3: {  	v7 =	vld [tilespmem:s4+$0x70];
	[tilespmem:v0+s24+$0x780 ss:$0x1] =	vst.idx.msk $0xffff, v8  }
0x2b4: {  	s4 =	spop (v2sf);
	v8 =	vld [tilespmem:s17+$0x10];
	[tilespmem:v0+s26+$0x6F0 ss:$0x1] =	vst.idx.msk $0xffff, v5  }
0x2b5: {  	[tilespmem:v0+s20+$0x440 ss:$0x1] =	vst.idx.msk $0xffff, v6;
	v5 =	vld [tilespmem:s4+$0x0]  }
0x2b6: {  	[tilespmem:v0+s0+$0x190 ss:$0x1] =	vst.idx.msk $0xffff, v9;
	v6 =	vld [tilespmem:s1+$0x50]  }
0x2b7: {  	[tilespmem:v0+s28+$0x240 ss:$0x1] =	vst.idx.msk $0xffff, v10;
	v9 =	vld [tilespmem:s2+$0x20]  }
0x2b8: {  	v10 =	vld [tilespmem:s6+$0x50];
	[tilespmem:v0+s18+$0x4F0 ss:$0x1] =	vst.idx.msk $0xffff, v7  }
0x2b9: {  	v11 =	vld [tilespmem:s21+$0x0];
	[tilespmem:v0+s24+$0x790 ss:$0x1] =	vst.idx.msk $0xffff, v8  }
0x2ba: {  	v12 =	vld [tilespmem:s17+$0x20];
	[tilespmem:v0+s26+$0x700 ss:$0x1] =	vst.idx.msk $0xffff, v5  }
0x2bb: {  	[tilespmem:v0+s20+$0x450 ss:$0x1] =	vst.idx.msk $0xffff, v6;
	v13 =	vld [tilespmem:s4+$0x10]  }
0x2bc: {  	[tilespmem:v0+s0+$0x1A0 ss:$0x1] =	vst.idx.msk $0xffff, v9;
	v9 =	vld [tilespmem:s1+$0x60]  }
0x2bd: {  	[tilespmem:v0+s28+$0x250 ss:$0x1] =	vst.idx.msk $0xffff, v10;
	v8 =	vld [tilespmem:s2+$0x30]  }
0x2be: {  	v7 =	vld [tilespmem:s6+$0x60];
	[tilespmem:v0+s18+$0x500 ss:$0x1] =	vst.idx.msk $0xffff, v11  }
0x2bf: {  	v6 =	vld [tilespmem:s21+$0x10];
	[tilespmem:v0+s24+$0x7A0 ss:$0x1] =	vst.idx.msk $0xffff, v12  }
0x2c0: {  	v5 =	vld [tilespmem:s17+$0x30];
	[tilespmem:v0+s26+$0x710 ss:$0x1] =	vst.idx.msk $0xffff, v13  }
0x2c1: {  	s3 =	simm.s32 $0x6;
	(v2sf) =	vpush v2, $0x9;
	[tilespmem:v0+s20+$0x460 ss:$0x1] =	vst.idx.msk $0xffff, v9;
	v9 =	vld [tilespmem:s4+$0x20]  }
.LBB2_3:
0x2c2: {  	_ =	sdelay $0x6  }
0x2c3: {  	[tilespmem:v0+s0+$0x1B0 ss:$0x1] =	vst.idx.msk $0xffff, v8  }
0x2c4: {  	s5 =	sshll.u32 s3, $0x4;
	v8 =	vld [tilespmem:s1+$0x70]  }
0x2c5: {  	s25 =	sand.u32 $0x3FFFFFF0, s5;
	[tilespmem:v0+s28+$0x260 ss:$0x1] =	vst.idx.msk $0xffff, v7;
	v7 =	vld [tilespmem:s2+$0x40]  }
0x2c6: {  	v10 =	vld.idx.msk [tilespmem:v1+s25+$0x0 ss:$0x1], $0xffff;
	[tilespmem:v0+s18+$0x510 ss:$0x1] =	vst.idx.msk $0xffff, v6  }
0x2c7: {  	v6 =	vld [tilespmem:s6+$0x70];
	[tilespmem:v0+s24+$0x7B0 ss:$0x1] =	vst.idx.msk $0xffff, v5  }
0x2c8: {  	[tilespmem:v0+s26+$0x720 ss:$0x1] =	vst.idx.msk $0xffff, v9  }
0x2c9: {  	v5 =	vld [tilespmem:s21+$0x20];
	[tilespmem:v0+s20+$0x470 ss:$0x1] =	vst.idx.msk $0xffff, v8  }
0x2ca: {  	v8 =	vld [tilespmem:s4+$0x30];
	[tilespmem:v0+s0+$0x1C0 ss:$0x1] =	vst.idx.msk $0xffff, v7;
	s8 =	spop (v2sf)  }
0x2cb: {  	v7 =	vld [tilespmem:s8+$0x0]  }
0x2cc: {  	[tilespmem:v0+s28+$0x270 ss:$0x1] =	vst.idx.msk $0xffff, v6;
	v9 =	vld [tilespmem:s2+$0x50]  }
0x2cd: {  	v6 =	vld [tilespmem:s17+$0x40]  }
0x2ce: {  	v11 =	vld [tilespmem:s14+$0x0];
	[tilespmem:v0+s18+$0x520 ss:$0x1] =	vst.idx.msk $0xffff, v5  }
0x2cf: {  	v10 =	vshll.u32 v10, $0x9;
	[tilespmem:v0+s26+$0x730 ss:$0x1] =	vst.idx.msk $0xffff, v8  }
0x2d0: {  	v10 =	vshra.s32 v10, $0x2;
	v5 =	vld [tilespmem:s21+$0x30];
	(v2sf) =	vpush v4, $0x4;
	[tilespmem:v0+s20+$0x480 ss:$0x1] =	vst.idx.msk $0xffff, v7  }
0x2d1: {  	(v2sf) =	vpush v10, $0x0;
	v7 =	vld [tilespmem:s4+$0x40];
	[tilespmem:v0+s0+$0x1D0 ss:$0x1] =	vst.idx.msk $0xffff, v9  }
0x2d2: {  	[tilespmem:v0+s24+$0x7C0 ss:$0x1] =	vst.idx.msk $0xffff, v6;
	(v2sf) =	vpush v10, $0x1;
	v8 =	vld [tilespmem:s8+$0x10]  }
0x2d3: {  	[tilespmem:v0+s28+$0x280 ss:$0x1] =	vst.idx.msk $0xffff, v11;
	(v2sf) =	vpush v10, $0x2;
	v9 =	vld [tilespmem:s2+$0x60]  }
0x2d4: {  	v6 =	vld [tilespmem:s17+$0x50];
	(v2sf) =	vpush v10, $0x3  }
0x2d5: {  	v11 =	vld [tilespmem:s14+$0x10];
	[tilespmem:v0+s18+$0x530 ss:$0x1] =	vst.idx.msk $0xffff, v5;
	(v2sf) =	vpush v10, $0x4  }
0x2d6: {  	(v2sf) =	vpush v10, $0x5;
	[tilespmem:v0+s26+$0x740 ss:$0x1] =	vst.idx.msk $0xffff, v7  }
0x2d7: {  	v5 =	vld [tilespmem:s21+$0x40];
	(v2sf) =	vpush v10, $0x6;
	[tilespmem:v0+s20+$0x490 ss:$0x1] =	vst.idx.msk $0xffff, v8  }
0x2d8: {  	(v2sf) =	vpush v10, $0x7;
	v7 =	vld [tilespmem:s4+$0x50];
	[tilespmem:v0+s0+$0x1E0 ss:$0x1] =	vst.idx.msk $0xffff, v9  }
0x2d9: {  	[tilespmem:v0+s24+$0x7D0 ss:$0x1] =	vst.idx.msk $0xffff, v6;
	(v2sf) =	vpush v10, $0x8;
	v8 =	vld [tilespmem:s8+$0x20]  }
0x2da: {  	[tilespmem:v0+s28+$0x290 ss:$0x1] =	vst.idx.msk $0xffff, v11;
	v9 =	vld [tilespmem:s2+$0x70]  }
0x2db: {  	v6 =	vld [tilespmem:s14+$0x20];
	(v2sf) =	vpush v3, $0xF  }
0x2dc: {  	v3 =	vmov v2;
	v2 =	vmov v4;
	v4 =	vld [tilespmem:s17+$0x60];
	[tilespmem:v0+s18+$0x540 ss:$0x1] =	vst.idx.msk $0xffff, v5;
	(v2sf) =	vpush v10, $0x9  }
0x2dd: {  	[tilespmem:v0+s26+$0x750 ss:$0x1] =	vst.idx.msk $0xffff, v7  }
0x2de: {  	v5 =	vld [tilespmem:s21+$0x50];
	[tilespmem:v0+s20+$0x4A0 ss:$0x1] =	vst.idx.msk $0xffff, v8  }
0x2df: {  	s16 =	spop (v2sf);
	v7 =	vld [tilespmem:s4+$0x60];
	[tilespmem:v0+s0+$0x1F0 ss:$0x1] =	vst.idx.msk $0xffff, v9  }
0x2e0: {  	s5 =	spop (v2sf);
	v8 =	vld [tilespmem:s8+$0x30]  }
0x2e1: {  	[tilespmem:v0+s24+$0x7E0 ss:$0x1] =	vst.idx.msk $0xffff, v4;
	s2 =	spop (v2sf);
	v9 =	vld [tilespmem:s16+$0x0]  }
0x2e2: {  	(v2sf) =	vpush v10, $0xA;
	v4 =	vld [tilespmem:s5+$0x0];
	[tilespmem:v0+s28+$0x2A0 ss:$0x1] =	vst.idx.msk $0xffff, v6;
	s19 =	spop (v2sf)  }
0x2e3: {  	(v2sf) =	vpush v10, $0xB;
	v6 =	vld [tilespmem:s14+$0x30];
	[tilespmem:v0+s18+$0x550 ss:$0x1] =	vst.idx.msk $0xffff, v5;
	s15 =	spop (v2sf)  }
0x2e4: {  	s29 =	sshll.u32 s3, $0xB;
	(v2sf) =	vpush v10, $0xC;
	s6 =	spop (v2sf);
	[tilespmem:v0+s26+$0x760 ss:$0x1] =	vst.idx.msk $0xffff, v7  }
0x2e5: {  	[dreg:$0xf] =	wrdreg s9;
	s12 =	sand.u32 $0x3FFFF800, s29;
	v5 =	vld [tilespmem:s21+$0x60];
	s29 =	spop (v2sf);
	[tilespmem:v0+s20+$0x4B0 ss:$0x1] =	vst.idx.msk $0xffff, v8  }
0x2e6: {  	[dreg:$0xb] =	wrdreg s11;
	v7 =	vld [tilespmem:s4+$0x70];
	[tilespmem:v0+s0+$0x200 ss:$0x1] =	vst.idx.msk $0xffff, v9;
	s4 =	spop (v2sf)  }
0x2e7: {  	v8 =	vld [tilespmem:s8+$0x40];
	[dreg:$0x11] =	wrdreg s4;
	s9 =	spop (v2sf)  }
0x2e8: {  	[tilespmem:v0+s12+$0x0 ss:$0x1] =	vst.idx.msk $0xffff, v4;
	v4 =	vld [tilespmem:s16+$0x10];
	[dreg:$0x10] =	wrdreg s9;
	s11 =	spop (v2sf)  }
0x2e9: {  	v9 =	vld [tilespmem:s5+$0x10];
	[tilespmem:v0+s28+$0x2B0 ss:$0x1] =	vst.idx.msk $0xffff, v6;
	[dreg:$0xd] =	wrdreg s11  }
0x2ea: {  	(v2sf) =	vpush v10, $0xD;
	v6 =	vld [tilespmem:s14+$0x40];
	[tilespmem:v0+s18+$0x560 ss:$0x1] =	vst.idx.msk $0xffff, v5;
	s11 =	smov.u32 s30;
	s30 =	smov.u32 s17;
	s17 =	spop (v2sf)  }
0x2eb: {  	(v2sf) =	vpush v10, $0xE;
	v5 =	vld [tilespmem:s21+$0x70];
	s21 =	rddreg [dreg:$0x8];
	s25 =	spop (v2sf);
	[tilespmem:v0+s26+$0x770 ss:$0x1] =	vst.idx.msk $0xffff, v7  }
0x2ec: {  	(v2sf) =	vpush v10, $0xF;
	[dreg:$0xa] =	wrdreg s25;
	[tilespmem:v0+s20+$0x4C0 ss:$0x1] =	vst.idx.msk $0xffff, v8  }
0x2ed: {  	v7 =	vld [tilespmem:s17+$0x0];
	[tilespmem:v0+s0+$0x210 ss:$0x1] =	vst.idx.msk $0xffff, v4  }
0x2ee: {  	v4 =	vld [tilespmem:s8+$0x50]  }
0x2ef: {  	[tilespmem:v0+s12+$0x10 ss:$0x1] =	vst.idx.msk $0xffff, v9;
	v8 =	vld [tilespmem:s16+$0x20]  }
0x2f0: {  	v9 =	vld [tilespmem:s5+$0x20];
	[tilespmem:v0+s28+$0x2C0 ss:$0x1] =	vst.idx.msk $0xffff, v6  }
0x2f1: {  	s4 =	spop (v2sf);
	v6 =	vld [tilespmem:s14+$0x50];
	[tilespmem:v0+s18+$0x570 ss:$0x1] =	vst.idx.msk $0xffff, v5  }
0x2f2: {  	s1 =	smov.u32 s21;
	s21 =	spop (v2sf);
	[tilespmem:v0+s26+$0x780 ss:$0x1] =	vst.idx.msk $0xffff, v7  }
0x2f3: {  	[dreg:$0x8] =	wrdreg s4;
	s4 =	spop (v2sf);
	(v2sf) =	vpush v3, $0xA;
	v5 =	vld [tilespmem:s22+$0x0];
	[tilespmem:v0+s20+$0x4D0 ss:$0x1] =	vst.idx.msk $0xffff, v4  }
0x2f4: {  	v4 =	vld [tilespmem:s17+$0x10];
	[tilespmem:v0+s0+$0x220 ss:$0x1] =	vst.idx.msk $0xffff, v8  }
0x2f5: {  	v7 =	vld [tilespmem:s8+$0x60]  }
0x2f6: {  	[tilespmem:v0+s12+$0x20 ss:$0x1] =	vst.idx.msk $0xffff, v9;
	v8 =	vld [tilespmem:s16+$0x30]  }
0x2f7: {  	v9 =	vld [tilespmem:s5+$0x30];
	[tilespmem:v0+s28+$0x2D0 ss:$0x1] =	vst.idx.msk $0xffff, v6  }
0x2f8: {  	v6 =	vld [tilespmem:s14+$0x60];
	[tilespmem:v0+s18+$0x580 ss:$0x1] =	vst.idx.msk $0xffff, v5  }
0x2f9: {  	[tilespmem:v0+s26+$0x790 ss:$0x1] =	vst.idx.msk $0xffff, v4  }
0x2fa: {  	v5 =	vld [tilespmem:s22+$0x10];
	[tilespmem:v0+s20+$0x4E0 ss:$0x1] =	vst.idx.msk $0xffff, v7  }
0x2fb: {  	v4 =	vld [tilespmem:s17+$0x20];
	[tilespmem:v0+s0+$0x230 ss:$0x1] =	vst.idx.msk $0xffff, v8  }
0x2fc: {  	v7 =	vld [tilespmem:s8+$0x70]  }
0x2fd: {  	[tilespmem:v0+s12+$0x30 ss:$0x1] =	vst.idx.msk $0xffff, v9;
	v8 =	vld [tilespmem:s16+$0x40]  }
0x2fe: {  	v9 =	vld [tilespmem:s5+$0x40];
	[tilespmem:v0+s28+$0x2E0 ss:$0x1] =	vst.idx.msk $0xffff, v6  }
0x2ff: {  	s25 =	spop (v2sf);
	v6 =	vld [tilespmem:s14+$0x70];
	[tilespmem:v0+s18+$0x590 ss:$0x1] =	vst.idx.msk $0xffff, v5  }
0x300: {  	s9 =	spop (v2sf);
	[tilespmem:v0+s26+$0x7A0 ss:$0x1] =	vst.idx.msk $0xffff, v4  }
0x301: {  	[dreg:$0xc] =	wrdreg s9;
	s9 =	spop (v2sf);
	v5 =	vld [tilespmem:s22+$0x20];
	[tilespmem:v0+s20+$0x4F0 ss:$0x1] =	vst.idx.msk $0xffff, v7  }
0x302: {  	s8 =	spop (v2sf);
	v4 =	vld [tilespmem:s17+$0x30];
	[tilespmem:v0+s0+$0x240 ss:$0x1] =	vst.idx.msk $0xffff, v8  }
0x303: {  	v7 =	vld [tilespmem:s8+$0x0]  }
0x304: {  	[tilespmem:v0+s12+$0x40 ss:$0x1] =	vst.idx.msk $0xffff, v9;
	v8 =	vld [tilespmem:s16+$0x50]  }
0x305: {  	v9 =	vld [tilespmem:s5+$0x50];
	[tilespmem:v0+s28+$0x2F0 ss:$0x1] =	vst.idx.msk $0xffff, v6  }
0x306: {  	v6 =	vld [tilespmem:s23+$0x0];
	[tilespmem:v0+s18+$0x5A0 ss:$0x1] =	vst.idx.msk $0xffff, v5  }
0x307: {  	[tilespmem:v0+s26+$0x7B0 ss:$0x1] =	vst.idx.msk $0xffff, v4  }
0x308: {  	v5 =	vld [tilespmem:s22+$0x30];
	[tilespmem:v0+s20+$0x500 ss:$0x1] =	vst.idx.msk $0xffff, v7  }
0x309: {  	(v2sf) =	vpush v2, $0x5;
	v4 =	vld [tilespmem:s17+$0x40];
	[tilespmem:v0+s0+$0x250 ss:$0x1] =	vst.idx.msk $0xffff, v8  }
0x30a: {  	v7 =	vld [tilespmem:s8+$0x10]  }
0x30b: {  	[tilespmem:v0+s12+$0x50 ss:$0x1] =	vst.idx.msk $0xffff, v9;
	v8 =	vld [tilespmem:s16+$0x60]  }
0x30c: {  	v9 =	vld [tilespmem:s5+$0x60];
	[tilespmem:v0+s28+$0x300 ss:$0x1] =	vst.idx.msk $0xffff, v6  }
0x30d: {  	v6 =	vld [tilespmem:s23+$0x10];
	[tilespmem:v0+s18+$0x5B0 ss:$0x1] =	vst.idx.msk $0xffff, v5  }
0x30e: {  	[tilespmem:v0+s26+$0x7C0 ss:$0x1] =	vst.idx.msk $0xffff, v4  }
0x30f: {  	v5 =	vld [tilespmem:s22+$0x40];
	[tilespmem:v0+s20+$0x510 ss:$0x1] =	vst.idx.msk $0xffff, v7  }
0x310: {  	v4 =	vld [tilespmem:s17+$0x50];
	[tilespmem:v0+s0+$0x260 ss:$0x1] =	vst.idx.msk $0xffff, v8  }
0x311: {  	v7 =	vld [tilespmem:s8+$0x20]  }
0x312: {  	s14 =	smov.u32 s29;
	s29 =	sor.u32 $0x1, s3;
	[tilespmem:v0+s12+$0x60 ss:$0x1] =	vst.idx.msk $0xffff, v9;
	v8 =	vld [tilespmem:s16+$0x70]  }
0x313: {  	[dreg:$0xe] =	wrdreg s25;
	s25 =	smov.u32 s23;
	s23 =	sshll.u32 s29, $0x4;
	[tilespmem:v0+s28+$0x310 ss:$0x1] =	vst.idx.msk $0xffff, v6  }
0x314: {  	s23 =	sand.u32 $0x3FFFFFF0, s23;
	v6 =	vld [tilespmem:s5+$0x70];
	[tilespmem:v0+s18+$0x5C0 ss:$0x1] =	vst.idx.msk $0xffff, v5  }
0x315: {  	v9 =	vld.idx.msk [tilespmem:v1+s23+$0x0 ss:$0x1], $0xffff;
	[tilespmem:v0+s26+$0x7D0 ss:$0x1] =	vst.idx.msk $0xffff, v4  }
0x316: {  	v5 =	vld [tilespmem:s25+$0x20];
	[tilespmem:v0+s20+$0x520 ss:$0x1] =	vst.idx.msk $0xffff, v7  }
0x317: {  	v7 =	vld [tilespmem:s17+$0x60];
	[tilespmem:v0+s0+$0x270 ss:$0x1] =	vst.idx.msk $0xffff, v8  }
0x318: {  	s5 =	spop (v2sf);
	v8 =	vld [tilespmem:s8+$0x30]  }
0x319: {  	[tilespmem:v0+s12+$0x70 ss:$0x1] =	vst.idx.msk $0xffff, v6;
	v10 =	vld [tilespmem:s5+$0x0]  }
0x31a: {  	v6 =	vld [tilespmem:s22+$0x50]  }
0x31b: {  	v4 =	vshll.u32 v9, $0x9;
	v9 =	vld [tilespmem:s2+$0x0];
	[tilespmem:v0+s28+$0x320 ss:$0x1] =	vst.idx.msk $0xffff, v5  }
0x31c: {  	[tilespmem:v0+s26+$0x7E0 ss:$0x1] =	vst.idx.msk $0xffff, v7  }
0x31d: {  	v5 =	vld [tilespmem:s25+$0x30];
	[tilespmem:v0+s20+$0x530 ss:$0x1] =	vst.idx.msk $0xffff, v8  }
0x31e: {  	v4 =	vshra.s32 v4, $0x2;
	v7 =	vld [tilespmem:s17+$0x70];
	[tilespmem:v0+s0+$0x280 ss:$0x1] =	vst.idx.msk $0xffff, v10  }
0x31f: {  	[tilespmem:v0+s18+$0x5D0 ss:$0x1] =	vst.idx.msk $0xffff, v6;
	(v2sf) =	vpush v4, $0x0;
	v8 =	vld [tilespmem:s8+$0x40]  }
0x320: {  	[tilespmem:v0+s12+$0x80 ss:$0x1] =	vst.idx.msk $0xffff, v9;
	v10 =	vld [tilespmem:s5+$0x10]  }
0x321: {  	v6 =	vld [tilespmem:s22+$0x60]  }
0x322: {  	v9 =	vld [tilespmem:s2+$0x10];
	[tilespmem:v0+s28+$0x330 ss:$0x1] =	vst.idx.msk $0xffff, v5  }
0x323: {  	[tilespmem:v0+s26+$0x7F0 ss:$0x1] =	vst.idx.msk $0xffff, v7;
	s26 =	smov.u32 s20  }
0x324: {  	v5 =	vld [tilespmem:s25+$0x40];
	s20 =	smov.u32 s0;
	[tilespmem:v0+s26+$0x540 ss:$0x1] =	vst.idx.msk $0xffff, v8  }
0x325: {  	v7 =	vld [tilespmem:s30+$0x70];
	[tilespmem:v0+s20+$0x290 ss:$0x1] =	vst.idx.msk $0xffff, v10  }
0x326: {  	v8 =	vld [tilespmem:s8+$0x50]  }
0x327: {  	[tilespmem:v0+s18+$0x5E0 ss:$0x1] =	vst.idx.msk $0xffff, v6;
	v10 =	vld [tilespmem:s5+$0x20]  }
0x328: {  	[tilespmem:v0+s12+$0x90 ss:$0x1] =	vst.idx.msk $0xffff, v9  }
0x329: {  	v6 =	vld [tilespmem:s22+$0x70]  }
0x32a: {  	v9 =	vld [tilespmem:s2+$0x20];
	[tilespmem:v0+s28+$0x340 ss:$0x1] =	vst.idx.msk $0xffff, v5  }
0x32b: {  	(v2sf) =	vpush v3, $0xB;
	[tilespmem:v0+s26+$0x550 ss:$0x1] =	vst.idx.msk $0xffff, v8  }
0x32c: {  	v5 =	vld [tilespmem:s25+$0x50];
	[tilespmem:v0+s20+$0x2A0 ss:$0x1] =	vst.idx.msk $0xffff, v10  }
0x32d: {  	s16 =	rddreg [dreg:$0x9];
	[tilespmem:v0+s24+$0x7F0 ss:$0x1] =	vst.idx.msk $0xffff, v7;
	v7 =	vld [tilespmem:s8+$0x60]  }
0x32e: {  	s17 =	smov.u32 s16;
	s16 =	spop (v2sf);
	s24 =	smov.u32 s18;
	v8 =	vld [tilespmem:s5+$0x30]  }
0x32f: {  	s18 =	smov.u32 s28;
	s28 =	smov.u32 s12;
	[tilespmem:v0+s24+$0x5F0 ss:$0x1] =	vst.idx.msk $0xffff, v6;
	v6 =	vld [tilespmem:s16+$0x0]  }
0x330: {  	s23 =	smov.u32 s11;
	s11 =	smov.u32 s21;
	[tilespmem:v0+s28+$0xA0 ss:$0x1] =	vst.idx.msk $0xffff, v9  }
0x331: {  	s21 =	smov.u32 s1;
	s30 =	smov.u32 s9;
	s9 =	rddreg [dreg:$0x7];
	v9 =	vld [tilespmem:s2+$0x30];
	[tilespmem:v0+s18+$0x350 ss:$0x1] =	vst.idx.msk $0xffff, v5  }
0x332: {  	s1 =	sshll.u32 s29, $0xB;
	s22 =	smov.u32 s9;
	s9 =	rddreg [dreg:$0x5];
	v5 =	vld [tilespmem:s25+$0x60];
	[tilespmem:v0+s26+$0x560 ss:$0x1] =	vst.idx.msk $0xffff, v7  }
0x333: {  	s0 =	sand.u32 $0x3FFFF800, s1;
	v10 =	vld [tilespmem:s9+$0x0];
	[tilespmem:v0+s20+$0x2B0 ss:$0x1] =	vst.idx.msk $0xffff, v8  }
0x334: {  	v7 =	vld [tilespmem:s8+$0x70];
	[tilespmem:v0+s0+$0x0 ss:$0x1] =	vst.idx.msk $0xffff, v6  }
0x335: {  	v6 =	vld [tilespmem:s5+$0x40]  }
0x336: {  	[tilespmem:v0+s28+$0xB0 ss:$0x1] =	vst.idx.msk $0xffff, v9;
	v8 =	vld [tilespmem:s16+$0x10]  }
0x337: {  	v9 =	vld [tilespmem:s2+$0x40];
	[tilespmem:v0+s18+$0x360 ss:$0x1] =	vst.idx.msk $0xffff, v5  }
0x338: {  	v5 =	vld [tilespmem:s25+$0x70];
	[tilespmem:v0+s24+$0x600 ss:$0x1] =	vst.idx.msk $0xffff, v10  }
0x339: {  	[tilespmem:v0+s26+$0x570 ss:$0x1] =	vst.idx.msk $0xffff, v7  }
0x33a: {  	s8 =	spop (v2sf);
	v10 =	vld [tilespmem:s9+$0x10];
	[tilespmem:v0+s20+$0x2C0 ss:$0x1] =	vst.idx.msk $0xffff, v6  }
0x33b: {  	v6 =	vld [tilespmem:s8+$0x0];
	[tilespmem:v0+s0+$0x10 ss:$0x1] =	vst.idx.msk $0xffff, v8  }
0x33c: {  	v7 =	vld [tilespmem:s5+$0x50]  }
0x33d: {  	[tilespmem:v0+s28+$0xC0 ss:$0x1] =	vst.idx.msk $0xffff, v9;
	v8 =	vld [tilespmem:s16+$0x20]  }
0x33e: {  	v9 =	vld [tilespmem:s2+$0x50];
	[tilespmem:v0+s18+$0x370 ss:$0x1] =	vst.idx.msk $0xffff, v5  }
0x33f: {  	v5 =	vld [tilespmem:s13+$0x0];
	[tilespmem:v0+s24+$0x610 ss:$0x1] =	vst.idx.msk $0xffff, v10  }
0x340: {  	[tilespmem:v0+s26+$0x580 ss:$0x1] =	vst.idx.msk $0xffff, v6  }
0x341: {  	(v2sf) =	vpush v2, $0x6;
	v10 =	vld [tilespmem:s9+$0x20];
	[tilespmem:v0+s20+$0x2D0 ss:$0x1] =	vst.idx.msk $0xffff, v7  }
0x342: {  	v6 =	vld [tilespmem:s8+$0x10];
	[tilespmem:v0+s0+$0x20 ss:$0x1] =	vst.idx.msk $0xffff, v8  }
0x343: {  	v7 =	vld [tilespmem:s5+$0x60]  }
0x344: {  	[tilespmem:v0+s28+$0xD0 ss:$0x1] =	vst.idx.msk $0xffff, v9;
	v8 =	vld [tilespmem:s16+$0x30]  }
0x345: {  	v9 =	vld [tilespmem:s2+$0x60];
	[tilespmem:v0+s18+$0x380 ss:$0x1] =	vst.idx.msk $0xffff, v5  }
0x346: {  	v5 =	vld [tilespmem:s13+$0x10];
	[tilespmem:v0+s24+$0x620 ss:$0x1] =	vst.idx.msk $0xffff, v10  }
0x347: {  	[tilespmem:v0+s26+$0x590 ss:$0x1] =	vst.idx.msk $0xffff, v6  }
0x348: {  	v10 =	vld [tilespmem:s9+$0x30];
	[tilespmem:v0+s20+$0x2E0 ss:$0x1] =	vst.idx.msk $0xffff, v7  }
0x349: {  	v6 =	vld [tilespmem:s8+$0x20];
	[tilespmem:v0+s0+$0x30 ss:$0x1] =	vst.idx.msk $0xffff, v8  }
0x34a: {  	v7 =	vld [tilespmem:s5+$0x70]  }
0x34b: {  	[tilespmem:v0+s28+$0xE0 ss:$0x1] =	vst.idx.msk $0xffff, v9;
	v8 =	vld [tilespmem:s16+$0x40]  }
0x34c: {  	v9 =	vld [tilespmem:s2+$0x70];
	[tilespmem:v0+s18+$0x390 ss:$0x1] =	vst.idx.msk $0xffff, v5  }
0x34d: {  	v5 =	vld [tilespmem:s13+$0x20];
	[tilespmem:v0+s24+$0x630 ss:$0x1] =	vst.idx.msk $0xffff, v10  }
0x34e: {  	[tilespmem:v0+s26+$0x5A0 ss:$0x1] =	vst.idx.msk $0xffff, v6  }
0x34f: {  	v10 =	vld [tilespmem:s9+$0x40];
	[tilespmem:v0+s20+$0x2F0 ss:$0x1] =	vst.idx.msk $0xffff, v7  }
0x350: {  	s1 =	spop (v2sf);
	v6 =	vld [tilespmem:s8+$0x30];
	[tilespmem:v0+s0+$0x40 ss:$0x1] =	vst.idx.msk $0xffff, v8  }
0x351: {  	v7 =	vld [tilespmem:s1+$0x0]  }
0x352: {  	[tilespmem:v0+s28+$0xF0 ss:$0x1] =	vst.idx.msk $0xffff, v9;
	v8 =	vld [tilespmem:s16+$0x50]  }
0x353: {  	v9 =	vld [tilespmem:s19+$0x0];
	[tilespmem:v0+s18+$0x3A0 ss:$0x1] =	vst.idx.msk $0xffff, v5  }
0x354: {  	v5 =	vld [tilespmem:s13+$0x30];
	[tilespmem:v0+s24+$0x640 ss:$0x1] =	vst.idx.msk $0xffff, v10  }
0x355: {  	[tilespmem:v0+s26+$0x5B0 ss:$0x1] =	vst.idx.msk $0xffff, v6  }
0x356: {  	v10 =	vld [tilespmem:s9+$0x50];
	[tilespmem:v0+s20+$0x300 ss:$0x1] =	vst.idx.msk $0xffff, v7  }
0x357: {  	(v2sf) =	vpush v4, $0x1;
	v6 =	vld [tilespmem:s8+$0x40];
	[tilespmem:v0+s0+$0x50 ss:$0x1] =	vst.idx.msk $0xffff, v8  }
0x358: {  	v7 =	vld [tilespmem:s1+$0x10]  }
0x359: {  	[tilespmem:v0+s28+$0x100 ss:$0x1] =	vst.idx.msk $0xffff, v9;
	v8 =	vld [tilespmem:s16+$0x60]  }
0x35a: {  	v9 =	vld [tilespmem:s19+$0x10];
	[tilespmem:v0+s18+$0x3B0 ss:$0x1] =	vst.idx.msk $0xffff, v5  }
0x35b: {  	v5 =	vld [tilespmem:s13+$0x40];
	[tilespmem:v0+s24+$0x650 ss:$0x1] =	vst.idx.msk $0xffff, v10  }
0x35c: {  	[tilespmem:v0+s26+$0x5C0 ss:$0x1] =	vst.idx.msk $0xffff, v6  }
0x35d: {  	v10 =	vld [tilespmem:s9+$0x60];
	[tilespmem:v0+s20+$0x310 ss:$0x1] =	vst.idx.msk $0xffff, v7  }
0x35e: {  	v6 =	vld [tilespmem:s8+$0x50];
	[tilespmem:v0+s0+$0x60 ss:$0x1] =	vst.idx.msk $0xffff, v8  }
0x35f: {  	v7 =	vld [tilespmem:s1+$0x20]  }
0x360: {  	[tilespmem:v0+s28+$0x110 ss:$0x1] =	vst.idx.msk $0xffff, v9;
	v8 =	vld [tilespmem:s16+$0x70]  }
0x361: {  	v9 =	vld [tilespmem:s19+$0x20];
	[tilespmem:v0+s18+$0x3C0 ss:$0x1] =	vst.idx.msk $0xffff, v5  }
0x362: {  	v5 =	vld [tilespmem:s13+$0x50];
	[tilespmem:v0+s24+$0x660 ss:$0x1] =	vst.idx.msk $0xffff, v10  }
0x363: {  	(v2sf) =	vpush v3, $0xC;
	[tilespmem:v0+s26+$0x5D0 ss:$0x1] =	vst.idx.msk $0xffff, v6  }
0x364: {  	v10 =	vld [tilespmem:s9+$0x70];
	[tilespmem:v0+s20+$0x320 ss:$0x1] =	vst.idx.msk $0xffff, v7  }
0x365: {  	v6 =	vld [tilespmem:s8+$0x60];
	[tilespmem:v0+s0+$0x70 ss:$0x1] =	vst.idx.msk $0xffff, v8  }
0x366: {  	s9 =	spop (v2sf);
	v7 =	vld [tilespmem:s1+$0x30]  }
0x367: {  	[dreg:$0x9] =	wrdreg s23;
	[tilespmem:v0+s28+$0x120 ss:$0x1] =	vst.idx.msk $0xffff, v9;
	v8 =	vld [tilespmem:s9+$0x0]  }
0x368: {  	[dreg:$0x7] =	wrdreg s11;
	v9 =	vld [tilespmem:s19+$0x30];
	[tilespmem:v0+s18+$0x3D0 ss:$0x1] =	vst.idx.msk $0xffff, v5  }
0x369: {  	s11 =	rddreg [dreg:$0x11];
	v5 =	vld [tilespmem:s13+$0x60];
	[tilespmem:v0+s24+$0x670 ss:$0x1] =	vst.idx.msk $0xffff, v10  }
0x36a: {  	s23 =	smov.u32 s11;
	s11 =	rddreg [dreg:$0x4];
	[tilespmem:v0+s26+$0x5E0 ss:$0x1] =	vst.idx.msk $0xffff, v6  }
0x36b: {  	v10 =	vld [tilespmem:s11+$0x0];
	[tilespmem:v0+s20+$0x330 ss:$0x1] =	vst.idx.msk $0xffff, v7  }
0x36c: {  	v6 =	vld [tilespmem:s8+$0x70];
	[tilespmem:v0+s0+$0x80 ss:$0x1] =	vst.idx.msk $0xffff, v8  }
0x36d: {  	v7 =	vld [tilespmem:s1+$0x40]  }
0x36e: {  	[tilespmem:v0+s28+$0x130 ss:$0x1] =	vst.idx.msk $0xffff, v9;
	v8 =	vld [tilespmem:s9+$0x10]  }
0x36f: {  	v9 =	vld [tilespmem:s19+$0x40];
	[tilespmem:v0+s18+$0x3E0 ss:$0x1] =	vst.idx.msk $0xffff, v5  }
0x370: {  	v5 =	vld [tilespmem:s13+$0x70];
	[tilespmem:v0+s24+$0x680 ss:$0x1] =	vst.idx.msk $0xffff, v10  }
0x371: {  	[tilespmem:v0+s26+$0x5F0 ss:$0x1] =	vst.idx.msk $0xffff, v6  }
0x372: {  	s16 =	spop (v2sf);
	v10 =	vld [tilespmem:s11+$0x10];
	[tilespmem:v0+s20+$0x340 ss:$0x1] =	vst.idx.msk $0xffff, v7  }
0x373: {  	v6 =	vld [tilespmem:s16+$0x0];
	[tilespmem:v0+s0+$0x90 ss:$0x1] =	vst.idx.msk $0xffff, v8  }
0x374: {  	v7 =	vld [tilespmem:s1+$0x50]  }
0x375: {  	[tilespmem:v0+s28+$0x140 ss:$0x1] =	vst.idx.msk $0xffff, v9;
	v8 =	vld [tilespmem:s9+$0x20]  }
0x376: {  	v9 =	vld [tilespmem:s19+$0x50];
	[tilespmem:v0+s18+$0x3F0 ss:$0x1] =	vst.idx.msk $0xffff, v5  }
0x377: {  	v5 =	vld [tilespmem:s10+$0x0];
	[tilespmem:v0+s24+$0x690 ss:$0x1] =	vst.idx.msk $0xffff, v10  }
0x378: {  	[tilespmem:v0+s26+$0x600 ss:$0x1] =	vst.idx.msk $0xffff, v6  }
0x379: {  	(v2sf) =	vpush v2, $0x7;
	v10 =	vld [tilespmem:s11+$0x20];
	[tilespmem:v0+s20+$0x350 ss:$0x1] =	vst.idx.msk $0xffff, v7  }
0x37a: {  	v6 =	vld [tilespmem:s16+$0x10];
	[tilespmem:v0+s0+$0xA0 ss:$0x1] =	vst.idx.msk $0xffff, v8  }
0x37b: {  	v7 =	vld [tilespmem:s1+$0x60]  }
0x37c: {  	[tilespmem:v0+s28+$0x150 ss:$0x1] =	vst.idx.msk $0xffff, v9;
	v8 =	vld [tilespmem:s9+$0x30]  }
0x37d: {  	v9 =	vld [tilespmem:s19+$0x60];
	[tilespmem:v0+s18+$0x400 ss:$0x1] =	vst.idx.msk $0xffff, v5  }
0x37e: {  	v5 =	vld [tilespmem:s10+$0x10];
	[tilespmem:v0+s24+$0x6A0 ss:$0x1] =	vst.idx.msk $0xffff, v10  }
0x37f: {  	[tilespmem:v0+s26+$0x610 ss:$0x1] =	vst.idx.msk $0xffff, v6  }
0x380: {  	v10 =	vld [tilespmem:s11+$0x30];
	[tilespmem:v0+s20+$0x360 ss:$0x1] =	vst.idx.msk $0xffff, v7  }
0x381: {  	v6 =	vld [tilespmem:s16+$0x20];
	[tilespmem:v0+s0+$0xB0 ss:$0x1] =	vst.idx.msk $0xffff, v8  }
0x382: {  	v7 =	vld [tilespmem:s1+$0x70]  }
0x383: {  	[tilespmem:v0+s28+$0x160 ss:$0x1] =	vst.idx.msk $0xffff, v9;
	v8 =	vld [tilespmem:s9+$0x40]  }
0x384: {  	v9 =	vld [tilespmem:s19+$0x70];
	[tilespmem:v0+s18+$0x410 ss:$0x1] =	vst.idx.msk $0xffff, v5  }
0x385: {  	v5 =	vld [tilespmem:s10+$0x20];
	[tilespmem:v0+s24+$0x6B0 ss:$0x1] =	vst.idx.msk $0xffff, v10  }
0x386: {  	[tilespmem:v0+s26+$0x620 ss:$0x1] =	vst.idx.msk $0xffff, v6  }
0x387: {  	v10 =	vld [tilespmem:s11+$0x40];
	[tilespmem:v0+s20+$0x370 ss:$0x1] =	vst.idx.msk $0xffff, v7  }
0x388: {  	s19 =	spop (v2sf);
	v6 =	vld [tilespmem:s16+$0x30];
	[tilespmem:v0+s0+$0xC0 ss:$0x1] =	vst.idx.msk $0xffff, v8  }
0x389: {  	v7 =	vld [tilespmem:s19+$0x0]  }
0x38a: {  	[tilespmem:v0+s28+$0x170 ss:$0x1] =	vst.idx.msk $0xffff, v9;
	v8 =	vld [tilespmem:s9+$0x50]  }
0x38b: {  	v9 =	vld [tilespmem:s15+$0x0];
	[tilespmem:v0+s18+$0x420 ss:$0x1] =	vst.idx.msk $0xffff, v5  }
0x38c: {  	v5 =	vld [tilespmem:s10+$0x30];
	[tilespmem:v0+s24+$0x6C0 ss:$0x1] =	vst.idx.msk $0xffff, v10  }
0x38d: {  	[tilespmem:v0+s26+$0x630 ss:$0x1] =	vst.idx.msk $0xffff, v6  }
0x38e: {  	v10 =	vld [tilespmem:s11+$0x50];
	[tilespmem:v0+s20+$0x380 ss:$0x1] =	vst.idx.msk $0xffff, v7  }
0x38f: {  	(v2sf) =	vpush v4, $0x2;
	v6 =	vld [tilespmem:s16+$0x40];
	[tilespmem:v0+s0+$0xD0 ss:$0x1] =	vst.idx.msk $0xffff, v8  }
0x390: {  	v7 =	vld [tilespmem:s19+$0x10]  }
0x391: {  	[tilespmem:v0+s28+$0x180 ss:$0x1] =	vst.idx.msk $0xffff, v9;
	v8 =	vld [tilespmem:s9+$0x60]  }
0x392: {  	v9 =	vld [tilespmem:s15+$0x10];
	[tilespmem:v0+s18+$0x430 ss:$0x1] =	vst.idx.msk $0xffff, v5  }
0x393: {  	v5 =	vld [tilespmem:s10+$0x40];
	[tilespmem:v0+s24+$0x6D0 ss:$0x1] =	vst.idx.msk $0xffff, v10  }
0x394: {  	[tilespmem:v0+s26+$0x640 ss:$0x1] =	vst.idx.msk $0xffff, v6  }
0x395: {  	v10 =	vld [tilespmem:s11+$0x60];
	[tilespmem:v0+s20+$0x390 ss:$0x1] =	vst.idx.msk $0xffff, v7  }
0x396: {  	v6 =	vld [tilespmem:s16+$0x50];
	[tilespmem:v0+s0+$0xE0 ss:$0x1] =	vst.idx.msk $0xffff, v8  }
0x397: {  	v7 =	vld [tilespmem:s19+$0x20]  }
0x398: {  	[tilespmem:v0+s28+$0x190 ss:$0x1] =	vst.idx.msk $0xffff, v9;
	v8 =	vld [tilespmem:s9+$0x70]  }
0x399: {  	v9 =	vld [tilespmem:s15+$0x20];
	[tilespmem:v0+s18+$0x440 ss:$0x1] =	vst.idx.msk $0xffff, v5  }
0x39a: {  	v5 =	vld [tilespmem:s10+$0x50];
	[tilespmem:v0+s24+$0x6E0 ss:$0x1] =	vst.idx.msk $0xffff, v10  }
0x39b: {  	(v2sf) =	vpush v3, $0xD;
	[tilespmem:v0+s26+$0x650 ss:$0x1] =	vst.idx.msk $0xffff, v6  }
0x39c: {  	v10 =	vld [tilespmem:s11+$0x70];
	[tilespmem:v0+s20+$0x3A0 ss:$0x1] =	vst.idx.msk $0xffff, v7  }
0x39d: {  	v6 =	vld [tilespmem:s16+$0x60];
	[tilespmem:v0+s0+$0xF0 ss:$0x1] =	vst.idx.msk $0xffff, v8  }
0x39e: {  	s11 =	spop (v2sf);
	v7 =	vld [tilespmem:s19+$0x30]  }
0x39f: {  	[tilespmem:v0+s28+$0x1A0 ss:$0x1] =	vst.idx.msk $0xffff, v9;
	v8 =	vld [tilespmem:s11+$0x0]  }
0x3a0: {  	v9 =	vld [tilespmem:s15+$0x30];
	[tilespmem:v0+s18+$0x450 ss:$0x1] =	vst.idx.msk $0xffff, v5  }
0x3a1: {  	v5 =	vld [tilespmem:s10+$0x60];
	[tilespmem:v0+s24+$0x6F0 ss:$0x1] =	vst.idx.msk $0xffff, v10  }
0x3a2: {  	[tilespmem:v0+s26+$0x660 ss:$0x1] =	vst.idx.msk $0xffff, v6  }
0x3a3: {  	v10 =	vld [tilespmem:s31+$0x0];
	[tilespmem:v0+s20+$0x3B0 ss:$0x1] =	vst.idx.msk $0xffff, v7  }
0x3a4: {  	v6 =	vld [tilespmem:s16+$0x70];
	[tilespmem:v0+s0+$0x100 ss:$0x1] =	vst.idx.msk $0xffff, v8  }
0x3a5: {  	v7 =	vld [tilespmem:s19+$0x40]  }
0x3a6: {  	[tilespmem:v0+s28+$0x1B0 ss:$0x1] =	vst.idx.msk $0xffff, v9;
	v8 =	vld [tilespmem:s11+$0x10]  }
0x3a7: {  	v9 =	vld [tilespmem:s15+$0x40];
	[tilespmem:v0+s18+$0x460 ss:$0x1] =	vst.idx.msk $0xffff, v5  }
0x3a8: {  	v5 =	vld [tilespmem:s10+$0x70];
	[tilespmem:v0+s24+$0x700 ss:$0x1] =	vst.idx.msk $0xffff, v10  }
0x3a9: {  	[tilespmem:v0+s26+$0x670 ss:$0x1] =	vst.idx.msk $0xffff, v6  }
0x3aa: {  	v10 =	vld [tilespmem:s31+$0x10];
	s16 =	spop (v2sf);
	[tilespmem:v0+s20+$0x3C0 ss:$0x1] =	vst.idx.msk $0xffff, v7  }
0x3ab: {  	v6 =	vld [tilespmem:s16+$0x0];
	[tilespmem:v0+s0+$0x110 ss:$0x1] =	vst.idx.msk $0xffff, v8  }
0x3ac: {  	v7 =	vld [tilespmem:s19+$0x50]  }
0x3ad: {  	[tilespmem:v0+s28+$0x1C0 ss:$0x1] =	vst.idx.msk $0xffff, v9;
	v8 =	vld [tilespmem:s11+$0x20]  }
0x3ae: {  	v9 =	vld [tilespmem:s15+$0x50];
	[tilespmem:v0+s18+$0x470 ss:$0x1] =	vst.idx.msk $0xffff, v5  }
0x3af: {  	v5 =	vld [tilespmem:s7+$0x0];
	[tilespmem:v0+s24+$0x710 ss:$0x1] =	vst.idx.msk $0xffff, v10  }
0x3b0: {  	[tilespmem:v0+s26+$0x680 ss:$0x1] =	vst.idx.msk $0xffff, v6  }
0x3b1: {  	v10 =	vld [tilespmem:s31+$0x20];
	(v2sf) =	vpush v2, $0x8;
	[tilespmem:v0+s20+$0x3D0 ss:$0x1] =	vst.idx.msk $0xffff, v7  }
0x3b2: {  	v6 =	vld [tilespmem:s16+$0x10];
	[tilespmem:v0+s0+$0x120 ss:$0x1] =	vst.idx.msk $0xffff, v8  }
0x3b3: {  	v7 =	vld [tilespmem:s19+$0x60]  }
0x3b4: {  	[tilespmem:v0+s28+$0x1D0 ss:$0x1] =	vst.idx.msk $0xffff, v9;
	v8 =	vld [tilespmem:s11+$0x30]  }
0x3b5: {  	v9 =	vld [tilespmem:s15+$0x60];
	[tilespmem:v0+s18+$0x480 ss:$0x1] =	vst.idx.msk $0xffff, v5  }
0x3b6: {  	v5 =	vld [tilespmem:s7+$0x10];
	[tilespmem:v0+s24+$0x720 ss:$0x1] =	vst.idx.msk $0xffff, v10  }
0x3b7: {  	[tilespmem:v0+s26+$0x690 ss:$0x1] =	vst.idx.msk $0xffff, v6  }
0x3b8: {  	v10 =	vld [tilespmem:s31+$0x30];
	[tilespmem:v0+s20+$0x3E0 ss:$0x1] =	vst.idx.msk $0xffff, v7  }
0x3b9: {  	v6 =	vld [tilespmem:s16+$0x20];
	[tilespmem:v0+s0+$0x130 ss:$0x1] =	vst.idx.msk $0xffff, v8  }
0x3ba: {  	v7 =	vld [tilespmem:s19+$0x70]  }
0x3bb: {  	[tilespmem:v0+s28+$0x1E0 ss:$0x1] =	vst.idx.msk $0xffff, v9;
	v8 =	vld [tilespmem:s11+$0x40]  }
0x3bc: {  	v9 =	vld [tilespmem:s15+$0x70];
	[tilespmem:v0+s18+$0x490 ss:$0x1] =	vst.idx.msk $0xffff, v5  }
0x3bd: {  	v5 =	vld [tilespmem:s7+$0x20];
	[tilespmem:v0+s24+$0x730 ss:$0x1] =	vst.idx.msk $0xffff, v10  }
0x3be: {  	[tilespmem:v0+s26+$0x6A0 ss:$0x1] =	vst.idx.msk $0xffff, v6  }
0x3bf: {  	v10 =	vld [tilespmem:s31+$0x40];
	[tilespmem:v0+s20+$0x3F0 ss:$0x1] =	vst.idx.msk $0xffff, v7  }
0x3c0: {  	s1 =	spop (v2sf);
	v6 =	vld [tilespmem:s16+$0x30];
	[tilespmem:v0+s0+$0x140 ss:$0x1] =	vst.idx.msk $0xffff, v8  }
0x3c1: {  	v7 =	vld [tilespmem:s1+$0x0]  }
0x3c2: {  	[tilespmem:v0+s28+$0x1F0 ss:$0x1] =	vst.idx.msk $0xffff, v9;
	v8 =	vld [tilespmem:s11+$0x50]  }
0x3c3: {  	v9 =	vld [tilespmem:s6+$0x0];
	[tilespmem:v0+s18+$0x4A0 ss:$0x1] =	vst.idx.msk $0xffff, v5  }
0x3c4: {  	v5 =	vld [tilespmem:s7+$0x30];
	[tilespmem:v0+s24+$0x740 ss:$0x1] =	vst.idx.msk $0xffff, v10  }
0x3c5: {  	[tilespmem:v0+s26+$0x6B0 ss:$0x1] =	vst.idx.msk $0xffff, v6  }
0x3c6: {  	v10 =	vld [tilespmem:s31+$0x50];
	[tilespmem:v0+s20+$0x400 ss:$0x1] =	vst.idx.msk $0xffff, v7  }
0x3c7: {  	(v2sf) =	vpush v4, $0x3;
	v6 =	vld [tilespmem:s16+$0x40];
	[tilespmem:v0+s0+$0x150 ss:$0x1] =	vst.idx.msk $0xffff, v8  }
0x3c8: {  	v7 =	vld [tilespmem:s1+$0x10]  }
0x3c9: {  	[tilespmem:v0+s28+$0x200 ss:$0x1] =	vst.idx.msk $0xffff, v9;
	v8 =	vld [tilespmem:s11+$0x60]  }
0x3ca: {  	v9 =	vld [tilespmem:s6+$0x10];
	[tilespmem:v0+s18+$0x4B0 ss:$0x1] =	vst.idx.msk $0xffff, v5  }
0x3cb: {  	v5 =	vld [tilespmem:s7+$0x40];
	[tilespmem:v0+s24+$0x750 ss:$0x1] =	vst.idx.msk $0xffff, v10  }
0x3cc: {  	[tilespmem:v0+s26+$0x6C0 ss:$0x1] =	vst.idx.msk $0xffff, v6  }
0x3cd: {  	v10 =	vld [tilespmem:s31+$0x60];
	[tilespmem:v0+s20+$0x410 ss:$0x1] =	vst.idx.msk $0xffff, v7  }
0x3ce: {  	v6 =	vld [tilespmem:s16+$0x50];
	[tilespmem:v0+s0+$0x160 ss:$0x1] =	vst.idx.msk $0xffff, v8  }
0x3cf: {  	v7 =	vld [tilespmem:s1+$0x20]  }
0x3d0: {  	[tilespmem:v0+s28+$0x210 ss:$0x1] =	vst.idx.msk $0xffff, v9;
	v8 =	vld [tilespmem:s11+$0x70]  }
0x3d1: {  	v9 =	vld [tilespmem:s6+$0x20];
	[tilespmem:v0+s18+$0x4C0 ss:$0x1] =	vst.idx.msk $0xffff, v5  }
0x3d2: {  	v5 =	vld [tilespmem:s7+$0x50];
	[tilespmem:v0+s24+$0x760 ss:$0x1] =	vst.idx.msk $0xffff, v10  }
0x3d3: {  	(v2sf) =	vpush v3, $0xE;
	[tilespmem:v0+s26+$0x6D0 ss:$0x1] =	vst.idx.msk $0xffff, v6  }
0x3d4: {  	v10 =	vld [tilespmem:s31+$0x70];
	[tilespmem:v0+s20+$0x420 ss:$0x1] =	vst.idx.msk $0xffff, v7  }
0x3d5: {  	v6 =	vld [tilespmem:s16+$0x60];
	[tilespmem:v0+s0+$0x170 ss:$0x1] =	vst.idx.msk $0xffff, v8  }
0x3d6: {  	s2 =	spop (v2sf);
	v7 =	vld [tilespmem:s1+$0x30]  }
0x3d7: {  	[tilespmem:v0+s28+$0x220 ss:$0x1] =	vst.idx.msk $0xffff, v9;
	v8 =	vld [tilespmem:s2+$0x0]  }
0x3d8: {  	v9 =	vld [tilespmem:s6+$0x30];
	[tilespmem:v0+s18+$0x4D0 ss:$0x1] =	vst.idx.msk $0xffff, v5  }
0x3d9: {  	v5 =	vld [tilespmem:s7+$0x60];
	[tilespmem:v0+s24+$0x770 ss:$0x1] =	vst.idx.msk $0xffff, v10  }
0x3da: {  	[tilespmem:v0+s26+$0x6E0 ss:$0x1] =	vst.idx.msk $0xffff, v6  }
0x3db: {  	v10 =	vld [tilespmem:s17+$0x0];
	[tilespmem:v0+s20+$0x430 ss:$0x1] =	vst.idx.msk $0xffff, v7  }
0x3dc: {  	v6 =	vld [tilespmem:s16+$0x70];
	[tilespmem:v0+s0+$0x180 ss:$0x1] =	vst.idx.msk $0xffff, v8  }
0x3dd: {  	v7 =	vld [tilespmem:s1+$0x40]  }
0x3de: {  	[tilespmem:v0+s28+$0x230 ss:$0x1] =	vst.idx.msk $0xffff, v9;
	v8 =	vld [tilespmem:s2+$0x10]  }
0x3df: {  	v9 =	vld [tilespmem:s6+$0x40];
	[tilespmem:v0+s18+$0x4E0 ss:$0x1] =	vst.idx.msk $0xffff, v5  }
0x3e0: {  	v5 =	vld [tilespmem:s7+$0x70];
	[tilespmem:v0+s24+$0x780 ss:$0x1] =	vst.idx.msk $0xffff, v10  }
0x3e1: {  	[tilespmem:v0+s26+$0x6F0 ss:$0x1] =	vst.idx.msk $0xffff, v6  }
0x3e2: {  	s5 =	smov.u32 s4;
	s4 =	spop (v2sf);
	v10 =	vld [tilespmem:s17+$0x10];
	[tilespmem:v0+s20+$0x440 ss:$0x1] =	vst.idx.msk $0xffff, v7  }
0x3e3: {  	v6 =	vld [tilespmem:s4+$0x0];
	[tilespmem:v0+s0+$0x190 ss:$0x1] =	vst.idx.msk $0xffff, v8  }
0x3e4: {  	v7 =	vld [tilespmem:s1+$0x50]  }
0x3e5: {  	[tilespmem:v0+s28+$0x240 ss:$0x1] =	vst.idx.msk $0xffff, v9;
	v8 =	vld [tilespmem:s2+$0x20]  }
0x3e6: {  	s12 =	rddreg [dreg:$0x10];
	v9 =	vld [tilespmem:s6+$0x50];
	[tilespmem:v0+s18+$0x4F0 ss:$0x1] =	vst.idx.msk $0xffff, v5  }
0x3e7: {  	s25 =	rddreg [dreg:$0x6];
	v5 =	vld [tilespmem:s21+$0x0];
	[tilespmem:v0+s24+$0x790 ss:$0x1] =	vst.idx.msk $0xffff, v10  }
0x3e8: {  	s29 =	smov.u32 s25;
	s25 =	rddreg [dreg:$0xf];
	[tilespmem:v0+s26+$0x700 ss:$0x1] =	vst.idx.msk $0xffff, v6  }
0x3e9: {  	[dreg:$0x5] =	wrdreg s29;
	v10 =	vld [tilespmem:s17+$0x20];
	[tilespmem:v0+s20+$0x450 ss:$0x1] =	vst.idx.msk $0xffff, v7  }
0x3ea: {  	s29 =	smov.u32 s25;
	s25 =	rddreg [dreg:$0xc];
	v11 =	vld [tilespmem:s4+$0x10];
	[tilespmem:v0+s0+$0x1A0 ss:$0x1] =	vst.idx.msk $0xffff, v8  }
0x3eb: {  	[dreg:$0x4] =	wrdreg s29;
	v12 =	vld [tilespmem:s1+$0x60]  }
0x3ec: {  	p2 =	slt.u32 s3, $0x12;
	s29 =	rddreg [dreg:$0xa];
	[tilespmem:v0+s28+$0x250 ss:$0x1] =	vst.idx.msk $0xffff, v9  }
.Ltmp0:
0x3ed: {  	[dreg:$0x6] =	wrdreg s5;
	v7 =	vld [tilespmem:s6+$0x60];
	[tilespmem:v0+s18+$0x500 ss:$0x1] =	vst.idx.msk $0xffff, v5;
	(pc) =	sbr.rel @p2 .LBB2_3-.Ltmp0, $4  }
0x3ee: {  	s13 =	smov.u32 s12;
	s12 =	rddreg [dreg:$0xd];
	v6 =	vld [tilespmem:s21+$0x10];
	[tilespmem:v0+s24+$0x7A0 ss:$0x1] =	vst.idx.msk $0xffff, v10  }
0x3ef: {  	s3 =	sadd.s32 $0x2, s3;
	s8 =	rddreg [dreg:$0xe];
	v8 =	vld [tilespmem:s2+$0x30];
	[tilespmem:v0+s26+$0x710 ss:$0x1] =	vst.idx.msk $0xffff, v11  }
0x3f0: {  	s10 =	smov.u32 s12;
	s9 =	smov.u32 s8;
	s19 =	rddreg [dreg:$0xb];
	v5 =	vld [tilespmem:s17+$0x30];
	[tilespmem:v0+s20+$0x460 ss:$0x1] =	vst.idx.msk $0xffff, v12  }
0x3f1: {  	s31 =	smov.u32 s19;
	(v2sf) =	vpush v2, $0x9;
	s7 =	smov.u32 s29;
	s11 =	smov.u32 s25;
	v9 =	vld [tilespmem:s4+$0x20]  }
0x3f2: {  	_ =	sdelay $0x4  }
0x3f3: {  	[tilespmem:v0+s0+$0x1B0 ss:$0x1] =	vst.idx.msk $0xffff, v8  }
0x3f4: {  	v8 =	vld [tilespmem:s2+$0x40];
	_ =	sdelay $0x4  }
0x3f5: {  	[tilespmem:v0+s0+$0x1C0 ss:$0x1] =	vst.idx.msk $0xffff, v8  }
0x3f6: {  	v8 =	vld [tilespmem:s2+$0x50];
	_ =	sdelay $0x1  }
0x3f7: {  	s3 =	spop (v2sf);
	(v2sf) =	vpush v4, $0x4;
	_ =	sdelay $0x2  }
0x3f8: {  	[tilespmem:v0+s0+$0x1D0 ss:$0x1] =	vst.idx.msk $0xffff, v8  }
0x3f9: {  	v46 =	vld [tilespmem:s2+$0x60];
	_ =	sdelay $0x4  }
0x3fa: {  	[tilespmem:v0+s0+$0x1E0 ss:$0x1] =	vst.idx.msk $0xffff, v46  }
0x3fb: {  	[tilespmem:v0+s18+$0x510 ss:$0x1] =	vst.idx.msk $0xffff, v6;
	v6 =	vld [tilespmem:s2+$0x70];
	_ =	sdelay $0x4  }
0x3fc: {  	[tilespmem:v0+s0+$0x1F0 ss:$0x1] =	vst.idx.msk $0xffff, v6;
	s15 =	spop (v2sf)  }
0x3fd: {  	v6 =	vld [tilespmem:s15+$0x0];
	_ =	sdelay $0x1  }
0x3fe: {  	(v2sf) =	vpush v3, $0xF;
	_ =	sdelay $0x2  }
0x3ff: {  	v1 =	vld [tilespmem:s1+$0x70];
	[tilespmem:v0+s0+$0x200 ss:$0x1] =	vst.idx.msk $0xffff, v6  }
0x400: {  	v6 =	vld [tilespmem:s15+$0x10];
	_ =	sdelay $0x2  }
0x401: {  	[tilespmem:v0+s28+$0x260 ss:$0x1] =	vst.idx.msk $0xffff, v7  }
0x402: {  	v7 =	vld [tilespmem:s6+$0x70];
	[tilespmem:v0+s20+$0x470 ss:$0x1] =	vst.idx.msk $0xffff, v1  }
0x403: {  	v1 =	vld [tilespmem:s3+$0x0];
	[tilespmem:v0+s0+$0x210 ss:$0x1] =	vst.idx.msk $0xffff, v6  }
0x404: {  	v6 =	vld [tilespmem:s15+$0x20];
	_ =	sdelay $0x1  }
0x405: {  	v45 =	vld [tilespmem:s21+$0x20];
	[tilespmem:v0+s26+$0x720 ss:$0x1] =	vst.idx.msk $0xffff, v9  }
0x406: {  	v44 =	vld [tilespmem:s4+$0x30];
	[tilespmem:v0+s28+$0x270 ss:$0x1] =	vst.idx.msk $0xffff, v7  }
0x407: {  	v7 =	vld [tilespmem:s14+$0x0];
	[tilespmem:v0+s20+$0x480 ss:$0x1] =	vst.idx.msk $0xffff, v1  }
0x408: {  	v1 =	vld [tilespmem:s3+$0x10];
	s16 =	spop (v2sf);
	(v2sf) =	vpush v2, $0xA;
	[tilespmem:v0+s0+$0x220 ss:$0x1] =	vst.idx.msk $0xffff, v6  }
0x409: {  	v6 =	vld [tilespmem:s15+$0x30]  }
0x40a: {  	[tilespmem:v0+s18+$0x520 ss:$0x1] =	vst.idx.msk $0xffff, v45  }
0x40b: {  	v9 =	vld [tilespmem:s21+$0x30];
	[tilespmem:v0+s26+$0x730 ss:$0x1] =	vst.idx.msk $0xffff, v44  }
0x40c: {  	v47 =	vld [tilespmem:s4+$0x40];
	[tilespmem:v0+s28+$0x280 ss:$0x1] =	vst.idx.msk $0xffff, v7  }
0x40d: {  	v7 =	vld [tilespmem:s14+$0x10];
	[tilespmem:v0+s20+$0x490 ss:$0x1] =	vst.idx.msk $0xffff, v1  }
0x40e: {  	v1 =	vld [tilespmem:s3+$0x20];
	[tilespmem:v0+s0+$0x230 ss:$0x1] =	vst.idx.msk $0xffff, v6  }
0x40f: {  	v6 =	vld [tilespmem:s15+$0x40]  }
0x410: {  	[tilespmem:v0+s18+$0x530 ss:$0x1] =	vst.idx.msk $0xffff, v9  }
0x411: {  	v9 =	vld [tilespmem:s21+$0x40];
	[tilespmem:v0+s26+$0x740 ss:$0x1] =	vst.idx.msk $0xffff, v47  }
0x412: {  	v8 =	vld [tilespmem:s4+$0x50];
	[tilespmem:v0+s28+$0x290 ss:$0x1] =	vst.idx.msk $0xffff, v7  }
0x413: {  	v48 =	vld [tilespmem:s14+$0x20];
	[tilespmem:v0+s20+$0x4A0 ss:$0x1] =	vst.idx.msk $0xffff, v1  }
0x414: {  	v1 =	vld [tilespmem:s3+$0x30];
	[tilespmem:v0+s0+$0x240 ss:$0x1] =	vst.idx.msk $0xffff, v6  }
0x415: {  	v6 =	vld [tilespmem:s15+$0x50]  }
0x416: {  	[tilespmem:v0+s18+$0x540 ss:$0x1] =	vst.idx.msk $0xffff, v9  }
0x417: {  	v50 =	vld [tilespmem:s21+$0x50];
	[tilespmem:v0+s26+$0x750 ss:$0x1] =	vst.idx.msk $0xffff, v8;
	s19 =	spop (v2sf);
	(v2sf) =	vpush v4, $0x5  }
0x418: {  	v49 =	vld [tilespmem:s4+$0x60];
	[tilespmem:v0+s28+$0x2A0 ss:$0x1] =	vst.idx.msk $0xffff, v48  }
0x419: {  	v3 =	vld [tilespmem:s14+$0x30];
	[tilespmem:v0+s20+$0x4B0 ss:$0x1] =	vst.idx.msk $0xffff, v1  }
0x41a: {  	v1 =	vld [tilespmem:s3+$0x40];
	[tilespmem:v0+s0+$0x250 ss:$0x1] =	vst.idx.msk $0xffff, v6  }
0x41b: {  	v6 =	vld [tilespmem:s15+$0x60]  }
0x41c: {  	[tilespmem:v0+s18+$0x550 ss:$0x1] =	vst.idx.msk $0xffff, v50  }
0x41d: {  	v8 =	vld [tilespmem:s21+$0x60];
	[tilespmem:v0+s26+$0x760 ss:$0x1] =	vst.idx.msk $0xffff, v49  }
0x41e: {  	v7 =	vld [tilespmem:s4+$0x70];
	[tilespmem:v0+s28+$0x2B0 ss:$0x1] =	vst.idx.msk $0xffff, v3  }
0x41f: {  	v3 =	vld [tilespmem:s14+$0x40];
	[tilespmem:v0+s20+$0x4C0 ss:$0x1] =	vst.idx.msk $0xffff, v1  }
0x420: {  	v1 =	vld [tilespmem:s3+$0x50];
	[tilespmem:v0+s0+$0x260 ss:$0x1] =	vst.idx.msk $0xffff, v6  }
0x421: {  	v6 =	vld [tilespmem:s15+$0x70]  }
0x422: {  	[tilespmem:v0+s18+$0x560 ss:$0x1] =	vst.idx.msk $0xffff, v8  }
0x423: {  	v8 =	vld [tilespmem:s21+$0x70];
	[tilespmem:v0+s26+$0x770 ss:$0x1] =	vst.idx.msk $0xffff, v7  }
0x424: {  	v7 =	vld [tilespmem:s16+$0x0];
	[tilespmem:v0+s28+$0x2C0 ss:$0x1] =	vst.idx.msk $0xffff, v3  }
0x425: {  	v3 =	vld [tilespmem:s14+$0x50];
	[tilespmem:v0+s20+$0x4D0 ss:$0x1] =	vst.idx.msk $0xffff, v1  }
0x426: {  	v1 =	vld [tilespmem:s3+$0x60];
	s21 =	spop (v2sf);
	[tilespmem:v0+s0+$0x270 ss:$0x1] =	vst.idx.msk $0xffff, v6  }
0x427: {  	v6 =	vld [tilespmem:s21+$0x0]  }
0x428: {  	[tilespmem:v0+s18+$0x570 ss:$0x1] =	vst.idx.msk $0xffff, v8  }
0x429: {  	v8 =	vld [tilespmem:s22+$0x0];
	[tilespmem:v0+s26+$0x780 ss:$0x1] =	vst.idx.msk $0xffff, v7  }
0x42a: {  	v7 =	vld [tilespmem:s16+$0x10];
	[tilespmem:v0+s28+$0x2D0 ss:$0x1] =	vst.idx.msk $0xffff, v3  }
0x42b: {  	v3 =	vld [tilespmem:s14+$0x60];
	[tilespmem:v0+s20+$0x4E0 ss:$0x1] =	vst.idx.msk $0xffff, v1  }
0x42c: {  	v1 =	vld [tilespmem:s3+$0x70];
	[tilespmem:v0+s0+$0x280 ss:$0x1] =	vst.idx.msk $0xffff, v6  }
0x42d: {  	v6 =	vld [tilespmem:s21+$0x10]  }
0x42e: {  	[tilespmem:v0+s18+$0x580 ss:$0x1] =	vst.idx.msk $0xffff, v8  }
0x42f: {  	v8 =	vld [tilespmem:s22+$0x10];
	[tilespmem:v0+s26+$0x790 ss:$0x1] =	vst.idx.msk $0xffff, v7  }
0x430: {  	v7 =	vld [tilespmem:s16+$0x20];
	[tilespmem:v0+s28+$0x2E0 ss:$0x1] =	vst.idx.msk $0xffff, v3  }
0x431: {  	v3 =	vld [tilespmem:s14+$0x70];
	[tilespmem:v0+s20+$0x4F0 ss:$0x1] =	vst.idx.msk $0xffff, v1  }
0x432: {  	v1 =	vld [tilespmem:s19+$0x0];
	[tilespmem:v0+s0+$0x290 ss:$0x1] =	vst.idx.msk $0xffff, v6  }
0x433: {  	v52 =	vld [tilespmem:s21+$0x20]  }
0x434: {  	[tilespmem:v0+s18+$0x590 ss:$0x1] =	vst.idx.msk $0xffff, v8  }
0x435: {  	v8 =	vld [tilespmem:s22+$0x20];
	[tilespmem:v0+s26+$0x7A0 ss:$0x1] =	vst.idx.msk $0xffff, v7  }
0x436: {  	v7 =	vld [tilespmem:s16+$0x30];
	[tilespmem:v0+s28+$0x2F0 ss:$0x1] =	vst.idx.msk $0xffff, v3  }
0x437: {  	v3 =	vld [tilespmem:s23+$0x0];
	[tilespmem:v0+s20+$0x500 ss:$0x1] =	vst.idx.msk $0xffff, v1  }
0x438: {  	v1 =	vld [tilespmem:s19+$0x10];
	[tilespmem:v0+s0+$0x2A0 ss:$0x1] =	vst.idx.msk $0xffff, v52  }
0x439: {  	[tilespmem:v0+s24+$0x7B0 ss:$0x1] =	vst.idx.msk $0xffff, v5;
	v56 =	vld [tilespmem:s21+$0x30]  }
0x43a: {  	v5 =	vld [tilespmem:s17+$0x40];
	[tilespmem:v0+s18+$0x5A0 ss:$0x1] =	vst.idx.msk $0xffff, v8  }
0x43b: {  	v8 =	vld [tilespmem:s22+$0x30];
	[tilespmem:v0+s26+$0x7B0 ss:$0x1] =	vst.idx.msk $0xffff, v7  }
0x43c: {  	v7 =	vld [tilespmem:s16+$0x40];
	[tilespmem:v0+s28+$0x300 ss:$0x1] =	vst.idx.msk $0xffff, v3  }
0x43d: {  	v3 =	vld [tilespmem:s23+$0x10];
	[tilespmem:v0+s20+$0x510 ss:$0x1] =	vst.idx.msk $0xffff, v1  }
0x43e: {  	v1 =	vld [tilespmem:s19+$0x20];
	[tilespmem:v0+s0+$0x2B0 ss:$0x1] =	vst.idx.msk $0xffff, v56  }
0x43f: {  	[tilespmem:v0+s24+$0x7C0 ss:$0x1] =	vst.idx.msk $0xffff, v5;
	v6 =	vld [tilespmem:s21+$0x40]  }
0x440: {  	v5 =	vld [tilespmem:s17+$0x50];
	[tilespmem:v0+s18+$0x5B0 ss:$0x1] =	vst.idx.msk $0xffff, v8  }
0x441: {  	v8 =	vld [tilespmem:s22+$0x40];
	[tilespmem:v0+s26+$0x7C0 ss:$0x1] =	vst.idx.msk $0xffff, v7  }
0x442: {  	v7 =	vld [tilespmem:s16+$0x50];
	[tilespmem:v0+s28+$0x310 ss:$0x1] =	vst.idx.msk $0xffff, v3  }
0x443: {  	v3 =	vld [tilespmem:s23+$0x20];
	[tilespmem:v0+s20+$0x520 ss:$0x1] =	vst.idx.msk $0xffff, v1  }
0x444: {  	v1 =	vld [tilespmem:s19+$0x30];
	[tilespmem:v0+s0+$0x2C0 ss:$0x1] =	vst.idx.msk $0xffff, v6  }
0x445: {  	[tilespmem:v0+s24+$0x7D0 ss:$0x1] =	vst.idx.msk $0xffff, v5;
	v6 =	vld [tilespmem:s21+$0x50]  }
0x446: {  	v5 =	vld [tilespmem:s17+$0x60];
	[tilespmem:v0+s18+$0x5C0 ss:$0x1] =	vst.idx.msk $0xffff, v8  }
0x447: {  	(v2sf) =	vpush v2, $0xB;
	v8 =	vld [tilespmem:s22+$0x50];
	[tilespmem:v0+s26+$0x7D0 ss:$0x1] =	vst.idx.msk $0xffff, v7  }
0x448: {  	(v2sf) =	vpush v4, $0x6;
	v7 =	vld [tilespmem:s16+$0x60];
	[tilespmem:v0+s28+$0x320 ss:$0x1] =	vst.idx.msk $0xffff, v3  }
0x449: {  	v3 =	vld [tilespmem:s23+$0x30];
	[tilespmem:v0+s20+$0x530 ss:$0x1] =	vst.idx.msk $0xffff, v1  }
0x44a: {  	v1 =	vld [tilespmem:s19+$0x40];
	[tilespmem:v0+s0+$0x2D0 ss:$0x1] =	vst.idx.msk $0xffff, v6  }
0x44b: {  	[tilespmem:v0+s24+$0x7E0 ss:$0x1] =	vst.idx.msk $0xffff, v5;
	v6 =	vld [tilespmem:s21+$0x60]  }
0x44c: {  	v5 =	vld [tilespmem:s17+$0x70];
	[tilespmem:v0+s18+$0x5D0 ss:$0x1] =	vst.idx.msk $0xffff, v8  }
0x44d: {  	v8 =	vld [tilespmem:s22+$0x60];
	[tilespmem:v0+s26+$0x7E0 ss:$0x1] =	vst.idx.msk $0xffff, v7  }
0x44e: {  	v7 =	vld [tilespmem:s16+$0x70];
	[tilespmem:v0+s28+$0x330 ss:$0x1] =	vst.idx.msk $0xffff, v3  }
0x44f: {  	v3 =	vld [tilespmem:s23+$0x40];
	[tilespmem:v0+s20+$0x540 ss:$0x1] =	vst.idx.msk $0xffff, v1  }
0x450: {  	v51 =	vld [tilespmem:s19+$0x50];
	[tilespmem:v0+s0+$0x2E0 ss:$0x1] =	vst.idx.msk $0xffff, v6  }
0x451: {  	[tilespmem:v0+s24+$0x7F0 ss:$0x1] =	vst.idx.msk $0xffff, v5;
	v6 =	vld [tilespmem:s21+$0x70]  }
0x452: {  	[tilespmem:v0+s18+$0x5E0 ss:$0x1] =	vst.idx.msk $0xffff, v8  }
0x453: {  	[tilespmem:v0+s26+$0x7F0 ss:$0x1] =	vst.idx.msk $0xffff, v7  }
0x454: {  	v53 =	vld [tilespmem:s22+$0x70];
	[tilespmem:v0+s28+$0x340 ss:$0x1] =	vst.idx.msk $0xffff, v3  }
0x455: {  	v54 =	vld [tilespmem:s23+$0x50];
	[tilespmem:v0+s20+$0x550 ss:$0x1] =	vst.idx.msk $0xffff, v51  }
0x456: {  	s24 =	spop (v2sf);
	v55 =	vld [tilespmem:s19+$0x60];
	[tilespmem:v0+s0+$0x2F0 ss:$0x1] =	vst.idx.msk $0xffff, v6  }
0x457: {  	s25 =	spop (v2sf)  }
0x458: {  	v6 =	vld [tilespmem:s25+$0x0];
	_ =	sdelay $0x4  }
0x459: {  	[tilespmem:v0+s0+$0x300 ss:$0x1] =	vst.idx.msk $0xffff, v6  }
0x45a: {  	v6 =	vld [tilespmem:s25+$0x10];
	_ =	sdelay $0x4  }
0x45b: {  	[tilespmem:v0+s0+$0x310 ss:$0x1] =	vst.idx.msk $0xffff, v6  }
0x45c: {  	v6 =	vld [tilespmem:s25+$0x20];
	_ =	sdelay $0x4  }
0x45d: {  	[tilespmem:v0+s0+$0x320 ss:$0x1] =	vst.idx.msk $0xffff, v6  }
0x45e: {  	v6 =	vld [tilespmem:s25+$0x30];
	_ =	sdelay $0x4  }
0x45f: {  	[tilespmem:v0+s0+$0x330 ss:$0x1] =	vst.idx.msk $0xffff, v6  }
0x460: {  	v6 =	vld [tilespmem:s25+$0x40];
	_ =	sdelay $0x4  }
0x461: {  	[tilespmem:v0+s0+$0x340 ss:$0x1] =	vst.idx.msk $0xffff, v6  }
0x462: {  	v6 =	vld [tilespmem:s25+$0x50]  }
0x463: {  	(v2sf) =	vpush v2, $0xC  }
0x464: {  	(v2sf) =	vpush v4, $0x7;
	_ =	sdelay $0x1  }
0x465: {  	[tilespmem:v0+s28+$0x350 ss:$0x1] =	vst.idx.msk $0xffff, v54  }
0x466: {  	v58 =	vld [tilespmem:s23+$0x60];
	[tilespmem:v0+s0+$0x350 ss:$0x1] =	vst.idx.msk $0xffff, v6  }
0x467: {  	v57 =	vld [tilespmem:s25+$0x60];
	_ =	sdelay $0x3  }
0x468: {  	[tilespmem:v0+s28+$0x360 ss:$0x1] =	vst.idx.msk $0xffff, v58  }
0x469: {  	v6 =	vld [tilespmem:s23+$0x70];
	[tilespmem:v0+s0+$0x360 ss:$0x1] =	vst.idx.msk $0xffff, v57  }
0x46a: {  	v5 =	vld [tilespmem:s25+$0x70];
	_ =	sdelay $0x3  }
0x46b: {  	s8 =	spop (v2sf);
	[tilespmem:v0+s28+$0x370 ss:$0x1] =	vst.idx.msk $0xffff, v6  }
0x46c: {  	s26 =	spop (v2sf);
	v6 =	vld [tilespmem:s13+$0x0];
	[tilespmem:v0+s0+$0x370 ss:$0x1] =	vst.idx.msk $0xffff, v5  }
0x46d: {  	v5 =	vld [tilespmem:s26+$0x0];
	_ =	sdelay $0x3  }
0x46e: {  	[tilespmem:v0+s28+$0x380 ss:$0x1] =	vst.idx.msk $0xffff, v6  }
0x46f: {  	v6 =	vld [tilespmem:s13+$0x10];
	[tilespmem:v0+s0+$0x380 ss:$0x1] =	vst.idx.msk $0xffff, v5  }
0x470: {  	v5 =	vld [tilespmem:s26+$0x10];
	_ =	sdelay $0x3  }
0x471: {  	[tilespmem:v0+s28+$0x390 ss:$0x1] =	vst.idx.msk $0xffff, v6  }
0x472: {  	v6 =	vld [tilespmem:s13+$0x20];
	[tilespmem:v0+s0+$0x390 ss:$0x1] =	vst.idx.msk $0xffff, v5  }
0x473: {  	v5 =	vld [tilespmem:s26+$0x20];
	_ =	sdelay $0x3  }
0x474: {  	[tilespmem:v0+s28+$0x3A0 ss:$0x1] =	vst.idx.msk $0xffff, v6  }
0x475: {  	v6 =	vld [tilespmem:s13+$0x30];
	[tilespmem:v0+s0+$0x3A0 ss:$0x1] =	vst.idx.msk $0xffff, v5  }
0x476: {  	v5 =	vld [tilespmem:s26+$0x30];
	_ =	sdelay $0x3  }
0x477: {  	[tilespmem:v0+s28+$0x3B0 ss:$0x1] =	vst.idx.msk $0xffff, v6  }
0x478: {  	v6 =	vld [tilespmem:s13+$0x40];
	[tilespmem:v0+s0+$0x3B0 ss:$0x1] =	vst.idx.msk $0xffff, v5  }
0x479: {  	v5 =	vld [tilespmem:s26+$0x40];
	_ =	sdelay $0x3  }
0x47a: {  	[tilespmem:v0+s28+$0x3C0 ss:$0x1] =	vst.idx.msk $0xffff, v6  }
0x47b: {  	v6 =	vld [tilespmem:s13+$0x50];
	[tilespmem:v0+s0+$0x3C0 ss:$0x1] =	vst.idx.msk $0xffff, v5  }
0x47c: {  	v5 =	vld [tilespmem:s26+$0x50]  }
0x47d: {  	(v2sf) =	vpush v2, $0xD  }
0x47e: {  	(v2sf) =	vpush v4, $0x8;
	_ =	sdelay $0x1  }
0x47f: {  	[tilespmem:v0+s28+$0x3D0 ss:$0x1] =	vst.idx.msk $0xffff, v6  }
0x480: {  	v6 =	vld [tilespmem:s13+$0x60];
	[tilespmem:v0+s0+$0x3D0 ss:$0x1] =	vst.idx.msk $0xffff, v5  }
0x481: {  	v5 =	vld [tilespmem:s26+$0x60];
	_ =	sdelay $0x3  }
0x482: {  	[tilespmem:v0+s28+$0x3E0 ss:$0x1] =	vst.idx.msk $0xffff, v6  }
0x483: {  	v6 =	vld [tilespmem:s13+$0x70];
	[tilespmem:v0+s0+$0x3E0 ss:$0x1] =	vst.idx.msk $0xffff, v5  }
0x484: {  	v5 =	vld [tilespmem:s26+$0x70];
	_ =	sdelay $0x3  }
0x485: {  	s29 =	spop (v2sf);
	[tilespmem:v0+s28+$0x3F0 ss:$0x1] =	vst.idx.msk $0xffff, v6  }
0x486: {  	s5 =	spop (v2sf);
	v6 =	vld [tilespmem:s10+$0x0];
	[tilespmem:v0+s0+$0x3F0 ss:$0x1] =	vst.idx.msk $0xffff, v5  }
0x487: {  	v5 =	vld [tilespmem:s5+$0x0];
	_ =	sdelay $0x3  }
0x488: {  	[tilespmem:v0+s28+$0x400 ss:$0x1] =	vst.idx.msk $0xffff, v6  }
0x489: {  	v6 =	vld [tilespmem:s10+$0x10];
	[tilespmem:v0+s0+$0x400 ss:$0x1] =	vst.idx.msk $0xffff, v5  }
0x48a: {  	v5 =	vld [tilespmem:s5+$0x10];
	_ =	sdelay $0x3  }
0x48b: {  	[tilespmem:v0+s28+$0x410 ss:$0x1] =	vst.idx.msk $0xffff, v6  }
0x48c: {  	v6 =	vld [tilespmem:s10+$0x20];
	[tilespmem:v0+s0+$0x410 ss:$0x1] =	vst.idx.msk $0xffff, v5  }
0x48d: {  	v5 =	vld [tilespmem:s5+$0x20];
	_ =	sdelay $0x3  }
0x48e: {  	[tilespmem:v0+s28+$0x420 ss:$0x1] =	vst.idx.msk $0xffff, v6  }
0x48f: {  	v6 =	vld [tilespmem:s10+$0x30];
	[tilespmem:v0+s0+$0x420 ss:$0x1] =	vst.idx.msk $0xffff, v5  }
0x490: {  	v5 =	vld [tilespmem:s5+$0x30];
	_ =	sdelay $0x3  }
0x491: {  	[tilespmem:v0+s28+$0x430 ss:$0x1] =	vst.idx.msk $0xffff, v6  }
0x492: {  	v6 =	vld [tilespmem:s10+$0x40];
	[tilespmem:v0+s0+$0x430 ss:$0x1] =	vst.idx.msk $0xffff, v5  }
0x493: {  	v5 =	vld [tilespmem:s5+$0x40];
	_ =	sdelay $0x3  }
0x494: {  	[tilespmem:v0+s28+$0x440 ss:$0x1] =	vst.idx.msk $0xffff, v6  }
0x495: {  	v6 =	vld [tilespmem:s10+$0x50];
	[tilespmem:v0+s0+$0x440 ss:$0x1] =	vst.idx.msk $0xffff, v5  }
0x496: {  	v5 =	vld [tilespmem:s5+$0x50]  }
0x497: {  	(v2sf) =	vpush v2, $0xE  }
0x498: {  	(v2sf) =	vpush v4, $0x9;
	_ =	sdelay $0x1  }
0x499: {  	[tilespmem:v0+s28+$0x450 ss:$0x1] =	vst.idx.msk $0xffff, v6  }
0x49a: {  	v6 =	vld [tilespmem:s10+$0x60];
	[tilespmem:v0+s0+$0x450 ss:$0x1] =	vst.idx.msk $0xffff, v5  }
0x49b: {  	v5 =	vld [tilespmem:s5+$0x60];
	_ =	sdelay $0x3  }
0x49c: {  	[tilespmem:v0+s28+$0x460 ss:$0x1] =	vst.idx.msk $0xffff, v6  }
0x49d: {  	v6 =	vld [tilespmem:s10+$0x70];
	[tilespmem:v0+s0+$0x460 ss:$0x1] =	vst.idx.msk $0xffff, v5  }
0x49e: {  	v5 =	vld [tilespmem:s5+$0x70];
	_ =	sdelay $0x3  }
0x49f: {  	s12 =	spop (v2sf);
	[tilespmem:v0+s28+$0x470 ss:$0x1] =	vst.idx.msk $0xffff, v6  }
0x4a0: {  	s13 =	spop (v2sf);
	v6 =	vld [tilespmem:s7+$0x0];
	[tilespmem:v0+s0+$0x470 ss:$0x1] =	vst.idx.msk $0xffff, v5  }
0x4a1: {  	v5 =	vld [tilespmem:s13+$0x0];
	_ =	sdelay $0x3  }
0x4a2: {  	[tilespmem:v0+s28+$0x480 ss:$0x1] =	vst.idx.msk $0xffff, v6  }
0x4a3: {  	v6 =	vld [tilespmem:s7+$0x10];
	[tilespmem:v0+s0+$0x480 ss:$0x1] =	vst.idx.msk $0xffff, v5  }
0x4a4: {  	v5 =	vld [tilespmem:s13+$0x10];
	_ =	sdelay $0x3  }
0x4a5: {  	[tilespmem:v0+s28+$0x490 ss:$0x1] =	vst.idx.msk $0xffff, v6  }
0x4a6: {  	v6 =	vld [tilespmem:s7+$0x20];
	[tilespmem:v0+s0+$0x490 ss:$0x1] =	vst.idx.msk $0xffff, v5  }
0x4a7: {  	v5 =	vld [tilespmem:s13+$0x20];
	_ =	sdelay $0x3  }
0x4a8: {  	[tilespmem:v0+s28+$0x4A0 ss:$0x1] =	vst.idx.msk $0xffff, v6  }
0x4a9: {  	v6 =	vld [tilespmem:s7+$0x30];
	[tilespmem:v0+s0+$0x4A0 ss:$0x1] =	vst.idx.msk $0xffff, v5  }
0x4aa: {  	v5 =	vld [tilespmem:s13+$0x30];
	_ =	sdelay $0x3  }
0x4ab: {  	[tilespmem:v0+s28+$0x4B0 ss:$0x1] =	vst.idx.msk $0xffff, v6  }
0x4ac: {  	v6 =	vld [tilespmem:s7+$0x40];
	[tilespmem:v0+s0+$0x4B0 ss:$0x1] =	vst.idx.msk $0xffff, v5  }
0x4ad: {  	v5 =	vld [tilespmem:s13+$0x40];
	_ =	sdelay $0x3  }
0x4ae: {  	[tilespmem:v0+s28+$0x4C0 ss:$0x1] =	vst.idx.msk $0xffff, v6  }
0x4af: {  	v6 =	vld [tilespmem:s7+$0x50];
	[tilespmem:v0+s0+$0x4C0 ss:$0x1] =	vst.idx.msk $0xffff, v5  }
0x4b0: {  	v5 =	vld [tilespmem:s13+$0x50]  }
0x4b1: {  	(v2sf) =	vpush v2, $0xF  }
0x4b2: {  	(v2sf) =	vpush v4, $0xA;
	_ =	sdelay $0x1  }
0x4b3: {  	[tilespmem:v0+s28+$0x4D0 ss:$0x1] =	vst.idx.msk $0xffff, v6  }
0x4b4: {  	v60 =	vld [tilespmem:s7+$0x60];
	[tilespmem:v0+s0+$0x4D0 ss:$0x1] =	vst.idx.msk $0xffff, v5  }
0x4b5: {  	v59 =	vld [tilespmem:s13+$0x60];
	_ =	sdelay $0x3  }
0x4b6: {  	[tilespmem:v0+s28+$0x4E0 ss:$0x1] =	vst.idx.msk $0xffff, v60  }
0x4b7: {  	v5 =	vld [tilespmem:s7+$0x70];
	[tilespmem:v0+s0+$0x4E0 ss:$0x1] =	vst.idx.msk $0xffff, v59  }
0x4b8: {  	v2 =	vld [tilespmem:s13+$0x70];
	_ =	sdelay $0x3  }
0x4b9: {  	s14 =	spop (v2sf);
	[tilespmem:v0+s28+$0x4F0 ss:$0x1] =	vst.idx.msk $0xffff, v5  }
0x4ba: {  	s5 =	spop (v2sf);
	[tilespmem:v0+s0+$0x4F0 ss:$0x1] =	vst.idx.msk $0xffff, v2  }
0x4bb: {  	v2 =	vld [tilespmem:s5+$0x0];
	s15 =	rddreg [dreg:$0x8]  }
0x4bc: {  	v5 =	vld [tilespmem:s15+$0x0];
	_ =	sdelay $0x3  }
0x4bd: {  	[tilespmem:v0+s0+$0x500 ss:$0x1] =	vst.idx.msk $0xffff, v2  }
0x4be: {  	[tilespmem:v0+s28+$0x500 ss:$0x1] =	vst.idx.msk $0xffff, v5;
	v2 =	vld [tilespmem:s5+$0x10]  }
0x4bf: {  	v5 =	vld [tilespmem:s15+$0x10];
	_ =	sdelay $0x3  }
0x4c0: {  	[tilespmem:v0+s0+$0x510 ss:$0x1] =	vst.idx.msk $0xffff, v2  }
0x4c1: {  	[tilespmem:v0+s28+$0x510 ss:$0x1] =	vst.idx.msk $0xffff, v5;
	v2 =	vld [tilespmem:s5+$0x20]  }
0x4c2: {  	v5 =	vld [tilespmem:s15+$0x20];
	_ =	sdelay $0x3  }
0x4c3: {  	[tilespmem:v0+s0+$0x520 ss:$0x1] =	vst.idx.msk $0xffff, v2  }
0x4c4: {  	[tilespmem:v0+s28+$0x520 ss:$0x1] =	vst.idx.msk $0xffff, v5;
	v2 =	vld [tilespmem:s5+$0x30]  }
0x4c5: {  	v5 =	vld [tilespmem:s15+$0x30];
	_ =	sdelay $0x3  }
0x4c6: {  	[tilespmem:v0+s0+$0x530 ss:$0x1] =	vst.idx.msk $0xffff, v2  }
0x4c7: {  	[tilespmem:v0+s28+$0x530 ss:$0x1] =	vst.idx.msk $0xffff, v5;
	v2 =	vld [tilespmem:s5+$0x40]  }
0x4c8: {  	v5 =	vld [tilespmem:s15+$0x40];
	_ =	sdelay $0x3  }
0x4c9: {  	[tilespmem:v0+s0+$0x540 ss:$0x1] =	vst.idx.msk $0xffff, v2  }
0x4ca: {  	[tilespmem:v0+s28+$0x540 ss:$0x1] =	vst.idx.msk $0xffff, v5;
	v2 =	vld [tilespmem:s5+$0x50]  }
0x4cb: {  	v5 =	vld [tilespmem:s15+$0x50];
	_ =	sdelay $0x1  }
0x4cc: {  	(v2sf) =	vpush v4, $0xB;
	_ =	sdelay $0x1  }
0x4cd: {  	[tilespmem:v0+s0+$0x550 ss:$0x1] =	vst.idx.msk $0xffff, v2  }
0x4ce: {  	[tilespmem:v0+s28+$0x550 ss:$0x1] =	vst.idx.msk $0xffff, v5;
	v2 =	vld [tilespmem:s5+$0x60]  }
0x4cf: {  	v5 =	vld [tilespmem:s15+$0x60];
	_ =	sdelay $0x1  }
0x4d0: {  	[tilespmem:v0+s20+$0x560 ss:$0x1] =	vst.idx.msk $0xffff, v55  }
0x4d1: {  	v3 =	vld [tilespmem:s19+$0x70]  }
0x4d2: {  	[tilespmem:v0+s0+$0x560 ss:$0x1] =	vst.idx.msk $0xffff, v2  }
0x4d3: {  	v2 =	vld [tilespmem:s5+$0x70];
	[tilespmem:v0+s28+$0x560 ss:$0x1] =	vst.idx.msk $0xffff, v5  }
0x4d4: {  	v5 =	vld [tilespmem:s15+$0x70];
	_ =	sdelay $0x1  }
0x4d5: {  	[tilespmem:v0+s20+$0x570 ss:$0x1] =	vst.idx.msk $0xffff, v3  }
0x4d6: {  	v3 =	vld [tilespmem:s24+$0x0]  }
0x4d7: {  	[tilespmem:v0+s0+$0x570 ss:$0x1] =	vst.idx.msk $0xffff, v2  }
0x4d8: {  	s16 =	spop (v2sf);
	[tilespmem:v0+s28+$0x570 ss:$0x1] =	vst.idx.msk $0xffff, v5  }
0x4d9: {  	v2 =	vld [tilespmem:s16+$0x0];
	s17 =	rddreg [dreg:$0x7]  }
0x4da: {  	v5 =	vld [tilespmem:s17+$0x0]  }
0x4db: {  	[tilespmem:v0+s20+$0x580 ss:$0x1] =	vst.idx.msk $0xffff, v3  }
0x4dc: {  	v3 =	vld [tilespmem:s24+$0x10];
	_ =	sdelay $0x1  }
0x4dd: {  	[tilespmem:v0+s0+$0x580 ss:$0x1] =	vst.idx.msk $0xffff, v2  }
0x4de: {  	v2 =	vld [tilespmem:s16+$0x10];
	[tilespmem:v0+s28+$0x580 ss:$0x1] =	vst.idx.msk $0xffff, v5  }
0x4df: {  	v5 =	vld [tilespmem:s17+$0x10]  }
0x4e0: {  	[tilespmem:v0+s20+$0x590 ss:$0x1] =	vst.idx.msk $0xffff, v3  }
0x4e1: {  	v3 =	vld [tilespmem:s24+$0x20];
	_ =	sdelay $0x1  }
0x4e2: {  	[tilespmem:v0+s0+$0x590 ss:$0x1] =	vst.idx.msk $0xffff, v2  }
0x4e3: {  	v2 =	vld [tilespmem:s16+$0x20];
	[tilespmem:v0+s28+$0x590 ss:$0x1] =	vst.idx.msk $0xffff, v5  }
0x4e4: {  	v5 =	vld [tilespmem:s17+$0x20]  }
0x4e5: {  	[tilespmem:v0+s20+$0x5A0 ss:$0x1] =	vst.idx.msk $0xffff, v3  }
0x4e6: {  	v3 =	vld [tilespmem:s24+$0x30];
	_ =	sdelay $0x1  }
0x4e7: {  	[tilespmem:v0+s0+$0x5A0 ss:$0x1] =	vst.idx.msk $0xffff, v2  }
0x4e8: {  	v2 =	vld [tilespmem:s16+$0x30];
	[tilespmem:v0+s28+$0x5A0 ss:$0x1] =	vst.idx.msk $0xffff, v5  }
0x4e9: {  	v5 =	vld [tilespmem:s17+$0x30]  }
0x4ea: {  	[tilespmem:v0+s20+$0x5B0 ss:$0x1] =	vst.idx.msk $0xffff, v3  }
0x4eb: {  	v3 =	vld [tilespmem:s24+$0x40];
	_ =	sdelay $0x1  }
0x4ec: {  	[tilespmem:v0+s0+$0x5B0 ss:$0x1] =	vst.idx.msk $0xffff, v2  }
0x4ed: {  	v2 =	vld [tilespmem:s16+$0x40];
	[tilespmem:v0+s28+$0x5B0 ss:$0x1] =	vst.idx.msk $0xffff, v5  }
0x4ee: {  	v5 =	vld [tilespmem:s17+$0x40]  }
0x4ef: {  	[tilespmem:v0+s20+$0x5C0 ss:$0x1] =	vst.idx.msk $0xffff, v3  }
0x4f0: {  	v3 =	vld [tilespmem:s24+$0x50];
	_ =	sdelay $0x1  }
0x4f1: {  	[tilespmem:v0+s0+$0x5C0 ss:$0x1] =	vst.idx.msk $0xffff, v2  }
0x4f2: {  	v2 =	vld [tilespmem:s16+$0x50];
	[tilespmem:v0+s28+$0x5C0 ss:$0x1] =	vst.idx.msk $0xffff, v5  }
0x4f3: {  	v5 =	vld [tilespmem:s17+$0x50]  }
0x4f4: {  	[tilespmem:v0+s20+$0x5D0 ss:$0x1] =	vst.idx.msk $0xffff, v3  }
0x4f5: {  	(v2sf) =	vpush v4, $0xC;
	v3 =	vld [tilespmem:s24+$0x60];
	_ =	sdelay $0x1  }
0x4f6: {  	[tilespmem:v0+s0+$0x5D0 ss:$0x1] =	vst.idx.msk $0xffff, v2  }
0x4f7: {  	v2 =	vld [tilespmem:s16+$0x60];
	[tilespmem:v0+s28+$0x5D0 ss:$0x1] =	vst.idx.msk $0xffff, v5  }
0x4f8: {  	v5 =	vld [tilespmem:s17+$0x60]  }
0x4f9: {  	[tilespmem:v0+s20+$0x5E0 ss:$0x1] =	vst.idx.msk $0xffff, v3  }
0x4fa: {  	v3 =	vld [tilespmem:s24+$0x70];
	_ =	sdelay $0x1  }
0x4fb: {  	[tilespmem:v0+s0+$0x5E0 ss:$0x1] =	vst.idx.msk $0xffff, v2  }
0x4fc: {  	v2 =	vld [tilespmem:s16+$0x70];
	[tilespmem:v0+s28+$0x5E0 ss:$0x1] =	vst.idx.msk $0xffff, v5  }
0x4fd: {  	[tilespmem:v0+s18+$0x5F0 ss:$0x1] =	vst.idx.msk $0xffff, v53;
	v5 =	vld [tilespmem:s17+$0x70]  }
0x4fe: {  	[tilespmem:v0+s20+$0x5F0 ss:$0x1] =	vst.idx.msk $0xffff, v3  }
0x4ff: {  	v61 =	vld [tilespmem:s8+$0x0];
	s19 =	rddreg [dreg:$0x5]  }
0x500: {  	v62 =	vld [tilespmem:s19+$0x0]  }
0x501: {  	[tilespmem:v0+s0+$0x5F0 ss:$0x1] =	vst.idx.msk $0xffff, v2  }
0x502: {  	s21 =	spop (v2sf);
	[tilespmem:v0+s28+$0x5F0 ss:$0x1] =	vst.idx.msk $0xffff, v5  }
0x503: {  	v2 =	vld [tilespmem:s21+$0x0];
	s22 =	rddreg [dreg:$0x6]  }
0x504: {  	[tilespmem:v0+s20+$0x600 ss:$0x1] =	vst.idx.msk $0xffff, v61;
	v5 =	vld [tilespmem:s22+$0x0]  }
0x505: {  	[tilespmem:v0+s18+$0x600 ss:$0x1] =	vst.idx.msk $0xffff, v62;
	v1 =	vld [tilespmem:s8+$0x10]  }
0x506: {  	v3 =	vld [tilespmem:s19+$0x10];
	_ =	sdelay $0x1  }
0x507: {  	[tilespmem:v0+s0+$0x600 ss:$0x1] =	vst.idx.msk $0xffff, v2  }
0x508: {  	v2 =	vld [tilespmem:s21+$0x10];
	[tilespmem:v0+s28+$0x600 ss:$0x1] =	vst.idx.msk $0xffff, v5  }
0x509: {  	[tilespmem:v0+s20+$0x610 ss:$0x1] =	vst.idx.msk $0xffff, v1;
	v5 =	vld [tilespmem:s22+$0x10]  }
0x50a: {  	[tilespmem:v0+s18+$0x610 ss:$0x1] =	vst.idx.msk $0xffff, v3;
	v1 =	vld [tilespmem:s8+$0x20]  }
0x50b: {  	v3 =	vld [tilespmem:s19+$0x20];
	_ =	sdelay $0x1  }
0x50c: {  	[tilespmem:v0+s0+$0x610 ss:$0x1] =	vst.idx.msk $0xffff, v2  }
0x50d: {  	v2 =	vld [tilespmem:s21+$0x20];
	[tilespmem:v0+s28+$0x610 ss:$0x1] =	vst.idx.msk $0xffff, v5  }
0x50e: {  	[tilespmem:v0+s20+$0x620 ss:$0x1] =	vst.idx.msk $0xffff, v1;
	v5 =	vld [tilespmem:s22+$0x20]  }
0x50f: {  	[tilespmem:v0+s18+$0x620 ss:$0x1] =	vst.idx.msk $0xffff, v3;
	v1 =	vld [tilespmem:s8+$0x30]  }
0x510: {  	v3 =	vld [tilespmem:s19+$0x30];
	_ =	sdelay $0x1  }
0x511: {  	[tilespmem:v0+s0+$0x620 ss:$0x1] =	vst.idx.msk $0xffff, v2  }
0x512: {  	v2 =	vld [tilespmem:s21+$0x30];
	[tilespmem:v0+s28+$0x620 ss:$0x1] =	vst.idx.msk $0xffff, v5  }
0x513: {  	[tilespmem:v0+s20+$0x630 ss:$0x1] =	vst.idx.msk $0xffff, v1;
	v5 =	vld [tilespmem:s22+$0x30]  }
0x514: {  	[tilespmem:v0+s18+$0x630 ss:$0x1] =	vst.idx.msk $0xffff, v3;
	v1 =	vld [tilespmem:s8+$0x40]  }
0x515: {  	v3 =	vld [tilespmem:s19+$0x40];
	_ =	sdelay $0x1  }
0x516: {  	[tilespmem:v0+s0+$0x630 ss:$0x1] =	vst.idx.msk $0xffff, v2  }
0x517: {  	v2 =	vld [tilespmem:s21+$0x40];
	[tilespmem:v0+s28+$0x630 ss:$0x1] =	vst.idx.msk $0xffff, v5  }
0x518: {  	[tilespmem:v0+s20+$0x640 ss:$0x1] =	vst.idx.msk $0xffff, v1;
	v5 =	vld [tilespmem:s22+$0x40]  }
0x519: {  	[tilespmem:v0+s18+$0x640 ss:$0x1] =	vst.idx.msk $0xffff, v3;
	v1 =	vld [tilespmem:s8+$0x50]  }
0x51a: {  	v3 =	vld [tilespmem:s19+$0x50];
	_ =	sdelay $0x1  }
0x51b: {  	[tilespmem:v0+s0+$0x640 ss:$0x1] =	vst.idx.msk $0xffff, v2  }
0x51c: {  	v2 =	vld [tilespmem:s21+$0x50];
	[tilespmem:v0+s28+$0x640 ss:$0x1] =	vst.idx.msk $0xffff, v5  }
0x51d: {  	[tilespmem:v0+s20+$0x650 ss:$0x1] =	vst.idx.msk $0xffff, v1;
	v5 =	vld [tilespmem:s22+$0x50]  }
0x51e: {  	(v2sf) =	vpush v4, $0xD;
	[tilespmem:v0+s18+$0x650 ss:$0x1] =	vst.idx.msk $0xffff, v3;
	v1 =	vld [tilespmem:s8+$0x60]  }
0x51f: {  	v3 =	vld [tilespmem:s19+$0x60];
	_ =	sdelay $0x1  }
0x520: {  	[tilespmem:v0+s0+$0x650 ss:$0x1] =	vst.idx.msk $0xffff, v2  }
0x521: {  	v2 =	vld [tilespmem:s21+$0x60];
	[tilespmem:v0+s28+$0x650 ss:$0x1] =	vst.idx.msk $0xffff, v5  }
0x522: {  	[tilespmem:v0+s20+$0x660 ss:$0x1] =	vst.idx.msk $0xffff, v1;
	v5 =	vld [tilespmem:s22+$0x60]  }
0x523: {  	[tilespmem:v0+s18+$0x660 ss:$0x1] =	vst.idx.msk $0xffff, v3;
	v1 =	vld [tilespmem:s8+$0x70]  }
0x524: {  	v3 =	vld [tilespmem:s19+$0x70];
	_ =	sdelay $0x1  }
0x525: {  	[tilespmem:v0+s0+$0x660 ss:$0x1] =	vst.idx.msk $0xffff, v2  }
0x526: {  	v2 =	vld [tilespmem:s21+$0x70];
	[tilespmem:v0+s28+$0x660 ss:$0x1] =	vst.idx.msk $0xffff, v5  }
0x527: {  	[tilespmem:v0+s20+$0x670 ss:$0x1] =	vst.idx.msk $0xffff, v1;
	v5 =	vld [tilespmem:s22+$0x70]  }
0x528: {  	[tilespmem:v0+s18+$0x670 ss:$0x1] =	vst.idx.msk $0xffff, v3;
	v1 =	vld [tilespmem:s29+$0x0]  }
0x529: {  	s23 =	rddreg [dreg:$0x4]  }
0x52a: {  	v3 =	vld [tilespmem:s23+$0x0]  }
0x52b: {  	s24 =	spop (v2sf);
	[tilespmem:v0+s0+$0x670 ss:$0x1] =	vst.idx.msk $0xffff, v2  }
0x52c: {  	v2 =	vld [tilespmem:s24+$0x0];
	[tilespmem:v0+s28+$0x670 ss:$0x1] =	vst.idx.msk $0xffff, v5  }
0x52d: {  	[tilespmem:v0+s20+$0x680 ss:$0x1] =	vst.idx.msk $0xffff, v1;
	v5 =	vld [tilespmem:s9+$0x0]  }
0x52e: {  	v1 =	vld [tilespmem:s29+$0x10]  }
0x52f: {  	[tilespmem:v0+s18+$0x680 ss:$0x1] =	vst.idx.msk $0xffff, v3  }
0x530: {  	v3 =	vld [tilespmem:s23+$0x10]  }
0x531: {  	[tilespmem:v0+s0+$0x680 ss:$0x1] =	vst.idx.msk $0xffff, v2  }
0x532: {  	v2 =	vld [tilespmem:s24+$0x10];
	[tilespmem:v0+s28+$0x680 ss:$0x1] =	vst.idx.msk $0xffff, v5  }
0x533: {  	[tilespmem:v0+s20+$0x690 ss:$0x1] =	vst.idx.msk $0xffff, v1;
	v5 =	vld [tilespmem:s9+$0x10]  }
0x534: {  	v1 =	vld [tilespmem:s29+$0x20]  }
0x535: {  	[tilespmem:v0+s18+$0x690 ss:$0x1] =	vst.idx.msk $0xffff, v3  }
0x536: {  	v3 =	vld [tilespmem:s23+$0x20]  }
0x537: {  	[tilespmem:v0+s0+$0x690 ss:$0x1] =	vst.idx.msk $0xffff, v2  }
0x538: {  	v2 =	vld [tilespmem:s24+$0x20];
	[tilespmem:v0+s28+$0x690 ss:$0x1] =	vst.idx.msk $0xffff, v5  }
0x539: {  	[tilespmem:v0+s20+$0x6A0 ss:$0x1] =	vst.idx.msk $0xffff, v1;
	v5 =	vld [tilespmem:s9+$0x20]  }
0x53a: {  	v1 =	vld [tilespmem:s29+$0x30]  }
0x53b: {  	[tilespmem:v0+s18+$0x6A0 ss:$0x1] =	vst.idx.msk $0xffff, v3  }
0x53c: {  	v3 =	vld [tilespmem:s23+$0x30]  }
0x53d: {  	[tilespmem:v0+s0+$0x6A0 ss:$0x1] =	vst.idx.msk $0xffff, v2  }
0x53e: {  	v2 =	vld [tilespmem:s24+$0x30];
	[tilespmem:v0+s28+$0x6A0 ss:$0x1] =	vst.idx.msk $0xffff, v5  }
0x53f: {  	[tilespmem:v0+s20+$0x6B0 ss:$0x1] =	vst.idx.msk $0xffff, v1;
	v5 =	vld [tilespmem:s9+$0x30]  }
0x540: {  	v1 =	vld [tilespmem:s29+$0x40]  }
0x541: {  	[tilespmem:v0+s18+$0x6B0 ss:$0x1] =	vst.idx.msk $0xffff, v3  }
0x542: {  	v3 =	vld [tilespmem:s23+$0x40]  }
0x543: {  	[tilespmem:v0+s0+$0x6B0 ss:$0x1] =	vst.idx.msk $0xffff, v2  }
0x544: {  	v2 =	vld [tilespmem:s24+$0x40];
	[tilespmem:v0+s28+$0x6B0 ss:$0x1] =	vst.idx.msk $0xffff, v5  }
0x545: {  	[tilespmem:v0+s20+$0x6C0 ss:$0x1] =	vst.idx.msk $0xffff, v1;
	v5 =	vld [tilespmem:s9+$0x40]  }
0x546: {  	v1 =	vld [tilespmem:s29+$0x50]  }
0x547: {  	[tilespmem:v0+s18+$0x6C0 ss:$0x1] =	vst.idx.msk $0xffff, v3  }
0x548: {  	v3 =	vld [tilespmem:s23+$0x50]  }
0x549: {  	[tilespmem:v0+s0+$0x6C0 ss:$0x1] =	vst.idx.msk $0xffff, v2  }
0x54a: {  	v2 =	vld [tilespmem:s24+$0x50];
	[tilespmem:v0+s28+$0x6C0 ss:$0x1] =	vst.idx.msk $0xffff, v5  }
0x54b: {  	[tilespmem:v0+s20+$0x6D0 ss:$0x1] =	vst.idx.msk $0xffff, v1;
	v5 =	vld [tilespmem:s9+$0x50]  }
0x54c: {  	(v2sf) =	vpush v4, $0xE;
	v1 =	vld [tilespmem:s29+$0x60]  }
0x54d: {  	[tilespmem:v0+s18+$0x6D0 ss:$0x1] =	vst.idx.msk $0xffff, v3  }
0x54e: {  	v3 =	vld [tilespmem:s23+$0x60]  }
0x54f: {  	[tilespmem:v0+s0+$0x6D0 ss:$0x1] =	vst.idx.msk $0xffff, v2  }
0x550: {  	v2 =	vld [tilespmem:s24+$0x60];
	[tilespmem:v0+s28+$0x6D0 ss:$0x1] =	vst.idx.msk $0xffff, v5  }
0x551: {  	[tilespmem:v0+s20+$0x6E0 ss:$0x1] =	vst.idx.msk $0xffff, v1;
	v5 =	vld [tilespmem:s9+$0x60]  }
0x552: {  	v1 =	vld [tilespmem:s29+$0x70]  }
0x553: {  	[tilespmem:v0+s18+$0x6E0 ss:$0x1] =	vst.idx.msk $0xffff, v3  }
0x554: {  	v3 =	vld [tilespmem:s23+$0x70]  }
0x555: {  	[tilespmem:v0+s0+$0x6E0 ss:$0x1] =	vst.idx.msk $0xffff, v2  }
0x556: {  	v2 =	vld [tilespmem:s24+$0x70];
	[tilespmem:v0+s28+$0x6E0 ss:$0x1] =	vst.idx.msk $0xffff, v5  }
0x557: {  	[tilespmem:v0+s20+$0x6F0 ss:$0x1] =	vst.idx.msk $0xffff, v1;
	v5 =	vld [tilespmem:s9+$0x70]  }
0x558: {  	v1 =	vld [tilespmem:s12+$0x0]  }
0x559: {  	[tilespmem:v0+s18+$0x6F0 ss:$0x1] =	vst.idx.msk $0xffff, v3  }
0x55a: {  	v3 =	vld [tilespmem:s31+$0x0]  }
0x55b: {  	s25 =	spop (v2sf);
	[tilespmem:v0+s0+$0x6F0 ss:$0x1] =	vst.idx.msk $0xffff, v2  }
0x55c: {  	v2 =	vld [tilespmem:s25+$0x0];
	[tilespmem:v0+s28+$0x6F0 ss:$0x1] =	vst.idx.msk $0xffff, v5  }
0x55d: {  	[tilespmem:v0+s20+$0x700 ss:$0x1] =	vst.idx.msk $0xffff, v1;
	v5 =	vld [tilespmem:s11+$0x0]  }
0x55e: {  	v1 =	vld [tilespmem:s12+$0x10]  }
0x55f: {  	[tilespmem:v0+s18+$0x700 ss:$0x1] =	vst.idx.msk $0xffff, v3  }
0x560: {  	v3 =	vld [tilespmem:s31+$0x10]  }
0x561: {  	[tilespmem:v0+s0+$0x700 ss:$0x1] =	vst.idx.msk $0xffff, v2  }
0x562: {  	v2 =	vld [tilespmem:s25+$0x10];
	[tilespmem:v0+s28+$0x700 ss:$0x1] =	vst.idx.msk $0xffff, v5  }
0x563: {  	[tilespmem:v0+s20+$0x710 ss:$0x1] =	vst.idx.msk $0xffff, v1;
	v5 =	vld [tilespmem:s11+$0x10]  }
0x564: {  	v1 =	vld [tilespmem:s12+$0x20]  }
0x565: {  	[tilespmem:v0+s18+$0x710 ss:$0x1] =	vst.idx.msk $0xffff, v3  }
0x566: {  	v3 =	vld [tilespmem:s31+$0x20]  }
0x567: {  	[tilespmem:v0+s0+$0x710 ss:$0x1] =	vst.idx.msk $0xffff, v2  }
0x568: {  	v2 =	vld [tilespmem:s25+$0x20];
	[tilespmem:v0+s28+$0x710 ss:$0x1] =	vst.idx.msk $0xffff, v5  }
0x569: {  	[tilespmem:v0+s20+$0x720 ss:$0x1] =	vst.idx.msk $0xffff, v1;
	v5 =	vld [tilespmem:s11+$0x20]  }
0x56a: {  	v1 =	vld [tilespmem:s12+$0x30]  }
0x56b: {  	[tilespmem:v0+s18+$0x720 ss:$0x1] =	vst.idx.msk $0xffff, v3  }
0x56c: {  	v3 =	vld [tilespmem:s31+$0x30]  }
0x56d: {  	[tilespmem:v0+s0+$0x720 ss:$0x1] =	vst.idx.msk $0xffff, v2  }
0x56e: {  	v2 =	vld [tilespmem:s25+$0x30];
	[tilespmem:v0+s28+$0x720 ss:$0x1] =	vst.idx.msk $0xffff, v5  }
0x56f: {  	[tilespmem:v0+s20+$0x730 ss:$0x1] =	vst.idx.msk $0xffff, v1;
	v5 =	vld [tilespmem:s11+$0x30]  }
0x570: {  	v1 =	vld [tilespmem:s12+$0x40]  }
0x571: {  	[tilespmem:v0+s18+$0x730 ss:$0x1] =	vst.idx.msk $0xffff, v3  }
0x572: {  	v3 =	vld [tilespmem:s31+$0x40]  }
0x573: {  	[tilespmem:v0+s0+$0x730 ss:$0x1] =	vst.idx.msk $0xffff, v2  }
0x574: {  	v2 =	vld [tilespmem:s25+$0x40];
	[tilespmem:v0+s28+$0x730 ss:$0x1] =	vst.idx.msk $0xffff, v5  }
0x575: {  	[tilespmem:v0+s20+$0x740 ss:$0x1] =	vst.idx.msk $0xffff, v1;
	v5 =	vld [tilespmem:s11+$0x40]  }
0x576: {  	v1 =	vld [tilespmem:s12+$0x50]  }
0x577: {  	[tilespmem:v0+s18+$0x740 ss:$0x1] =	vst.idx.msk $0xffff, v3  }
0x578: {  	v3 =	vld [tilespmem:s31+$0x50]  }
0x579: {  	[tilespmem:v0+s0+$0x740 ss:$0x1] =	vst.idx.msk $0xffff, v2  }
0x57a: {  	v2 =	vld [tilespmem:s25+$0x50];
	[tilespmem:v0+s28+$0x740 ss:$0x1] =	vst.idx.msk $0xffff, v5  }
0x57b: {  	[tilespmem:v0+s20+$0x750 ss:$0x1] =	vst.idx.msk $0xffff, v1;
	v5 =	vld [tilespmem:s11+$0x50]  }
0x57c: {  	(v2sf) =	vpush v4, $0xF;
	v1 =	vld [tilespmem:s12+$0x60]  }
0x57d: {  	[tilespmem:v0+s18+$0x750 ss:$0x1] =	vst.idx.msk $0xffff, v3  }
0x57e: {  	v3 =	vld [tilespmem:s31+$0x60]  }
0x57f: {  	[tilespmem:v0+s0+$0x750 ss:$0x1] =	vst.idx.msk $0xffff, v2  }
0x580: {  	v2 =	vld [tilespmem:s25+$0x60];
	[tilespmem:v0+s28+$0x750 ss:$0x1] =	vst.idx.msk $0xffff, v5  }
0x581: {  	[tilespmem:v0+s20+$0x760 ss:$0x1] =	vst.idx.msk $0xffff, v1;
	v63 =	vld [tilespmem:s11+$0x60]  }
0x582: {  	v1 =	vld [tilespmem:s12+$0x70]  }
0x583: {  	[tilespmem:v0+s18+$0x760 ss:$0x1] =	vst.idx.msk $0xffff, v3  }
0x584: {  	v3 =	vld [tilespmem:s31+$0x70]  }
0x585: {  	[tilespmem:v0+s0+$0x760 ss:$0x1] =	vst.idx.msk $0xffff, v2  }
0x586: {  	v2 =	vld [tilespmem:s25+$0x70];
	[tilespmem:v0+s28+$0x760 ss:$0x1] =	vst.idx.msk $0xffff, v63  }
0x587: {  	[tilespmem:v0+s20+$0x770 ss:$0x1] =	vst.idx.msk $0xffff, v1;
	v4 =	vld [tilespmem:s11+$0x70]  }
0x588: {  	v1 =	vld [tilespmem:s14+$0x0]  }
0x589: {  	[tilespmem:v0+s18+$0x770 ss:$0x1] =	vst.idx.msk $0xffff, v3  }
0x58a: {  	s26 =	rddreg [dreg:$0x9]  }
0x58b: {  	s29 =	spop (v2sf);
	v3 =	vld [tilespmem:s26+$0x0];
	[tilespmem:v0+s0+$0x770 ss:$0x1] =	vst.idx.msk $0xffff, v2  }
0x58c: {  	v2 =	vld [tilespmem:s29+$0x0];
	[tilespmem:v0+s28+$0x770 ss:$0x1] =	vst.idx.msk $0xffff, v4  }
0x58d: {  	[tilespmem:v0+s20+$0x780 ss:$0x1] =	vst.idx.msk $0xffff, v1;
	v4 =	vld [tilespmem:s30+$0x0]  }
0x58e: {  	v1 =	vld [tilespmem:s14+$0x10];
	_ =	sdelay $0x1  }
0x58f: {  	[tilespmem:v0+s18+$0x780 ss:$0x1] =	vst.idx.msk $0xffff, v3  }
0x590: {  	v3 =	vld [tilespmem:s26+$0x10];
	[tilespmem:v0+s0+$0x780 ss:$0x1] =	vst.idx.msk $0xffff, v2  }
0x591: {  	v2 =	vld [tilespmem:s29+$0x10];
	[tilespmem:v0+s28+$0x780 ss:$0x1] =	vst.idx.msk $0xffff, v4  }
0x592: {  	[tilespmem:v0+s20+$0x790 ss:$0x1] =	vst.idx.msk $0xffff, v1;
	v4 =	vld [tilespmem:s30+$0x10]  }
0x593: {  	v1 =	vld [tilespmem:s14+$0x20];
	_ =	sdelay $0x1  }
0x594: {  	[tilespmem:v0+s18+$0x790 ss:$0x1] =	vst.idx.msk $0xffff, v3  }
0x595: {  	v3 =	vld [tilespmem:s26+$0x20];
	[tilespmem:v0+s0+$0x790 ss:$0x1] =	vst.idx.msk $0xffff, v2  }
0x596: {  	v2 =	vld [tilespmem:s29+$0x20];
	[tilespmem:v0+s28+$0x790 ss:$0x1] =	vst.idx.msk $0xffff, v4  }
0x597: {  	[tilespmem:v0+s20+$0x7A0 ss:$0x1] =	vst.idx.msk $0xffff, v1;
	v4 =	vld [tilespmem:s30+$0x20]  }
0x598: {  	v1 =	vld [tilespmem:s14+$0x30];
	_ =	sdelay $0x1  }
0x599: {  	[tilespmem:v0+s18+$0x7A0 ss:$0x1] =	vst.idx.msk $0xffff, v3  }
0x59a: {  	v3 =	vld [tilespmem:s26+$0x30];
	[tilespmem:v0+s0+$0x7A0 ss:$0x1] =	vst.idx.msk $0xffff, v2  }
0x59b: {  	v2 =	vld [tilespmem:s29+$0x30];
	[tilespmem:v0+s28+$0x7A0 ss:$0x1] =	vst.idx.msk $0xffff, v4  }
0x59c: {  	[tilespmem:v0+s20+$0x7B0 ss:$0x1] =	vst.idx.msk $0xffff, v1;
	v4 =	vld [tilespmem:s30+$0x30]  }
0x59d: {  	v1 =	vld [tilespmem:s14+$0x40];
	_ =	sdelay $0x1  }
0x59e: {  	[tilespmem:v0+s18+$0x7B0 ss:$0x1] =	vst.idx.msk $0xffff, v3  }
0x59f: {  	v3 =	vld [tilespmem:s26+$0x40];
	[tilespmem:v0+s0+$0x7B0 ss:$0x1] =	vst.idx.msk $0xffff, v2  }
0x5a0: {  	v2 =	vld [tilespmem:s29+$0x40];
	[tilespmem:v0+s28+$0x7B0 ss:$0x1] =	vst.idx.msk $0xffff, v4  }
0x5a1: {  	[tilespmem:v0+s20+$0x7C0 ss:$0x1] =	vst.idx.msk $0xffff, v1;
	v4 =	vld [tilespmem:s30+$0x40]  }
0x5a2: {  	v1 =	vld [tilespmem:s14+$0x50];
	_ =	sdelay $0x1  }
0x5a3: {  	[tilespmem:v0+s18+$0x7C0 ss:$0x1] =	vst.idx.msk $0xffff, v3  }
0x5a4: {  	v3 =	vld [tilespmem:s26+$0x50];
	[tilespmem:v0+s0+$0x7C0 ss:$0x1] =	vst.idx.msk $0xffff, v2  }
0x5a5: {  	v2 =	vld [tilespmem:s29+$0x50];
	[tilespmem:v0+s28+$0x7C0 ss:$0x1] =	vst.idx.msk $0xffff, v4  }
0x5a6: {  	[tilespmem:v0+s20+$0x7D0 ss:$0x1] =	vst.idx.msk $0xffff, v1;
	v4 =	vld [tilespmem:s30+$0x50]  }
0x5a7: {  	v1 =	vld [tilespmem:s14+$0x60];
	_ =	sdelay $0x1  }
0x5a8: {  	[tilespmem:v0+s18+$0x7D0 ss:$0x1] =	vst.idx.msk $0xffff, v3  }
0x5a9: {  	v3 =	vld [tilespmem:s26+$0x60];
	[tilespmem:v0+s0+$0x7D0 ss:$0x1] =	vst.idx.msk $0xffff, v2  }
0x5aa: {  	v2 =	vld [tilespmem:s29+$0x60];
	[tilespmem:v0+s28+$0x7D0 ss:$0x1] =	vst.idx.msk $0xffff, v4  }
0x5ab: {  	[tilespmem:v0+s20+$0x7E0 ss:$0x1] =	vst.idx.msk $0xffff, v1;
	v4 =	vld [tilespmem:s30+$0x60]  }
0x5ac: {  	v1 =	vld [tilespmem:s14+$0x70];
	_ =	sdelay $0x1  }
0x5ad: {  	[tilespmem:v0+s18+$0x7E0 ss:$0x1] =	vst.idx.msk $0xffff, v3  }
0x5ae: {  	v3 =	vld [tilespmem:s26+$0x70];
	[tilespmem:v0+s0+$0x7E0 ss:$0x1] =	vst.idx.msk $0xffff, v2  }
0x5af: {  	v2 =	vld [tilespmem:s29+$0x70];
	[tilespmem:v0+s28+$0x7E0 ss:$0x1] =	vst.idx.msk $0xffff, v4  }
0x5b0: {  	v4 =	vld [tilespmem:s30+$0x70];
	s30 =	rddreg [dreg:$0x17];
	[tilespmem:v0+s20+$0x7F0 ss:$0x1] =	vst.idx.msk $0xffff, v1  }
0x5b1: {  	s31 =	smul.u32 $0x140, s30;
	s7 =	rddreg [dreg:$0x18]  }
0x5b2: {  	s5 =	rddreg [dreg:$0x12]  }
0x5b3: {  	p2 =	sne.s32 s7, $0x0;
	s1 =	sadd.s32 s5, s31  }
0x5b4: {  	[tilespmem:v0+s18+$0x7F0 ss:$0x1] =	vst.idx.msk $0xffff, v3;
	s2 =	sshll.u32 @!p2 s1, $0x4  }
0x5b5: {  	s4 =	rddreg [dreg:$0x2];
	[tilespmem:v0+s0+$0x7F0 ss:$0x1] =	vst.idx.msk $0xffff, v2;
	s0 =	sand.u32 @!p2 $0x1FFFF800, s2  }
0x5b6: {  	s3 =	simm.s32 @!p2 $0x1280;
	[tilespmem:v0+s28+$0x7F0 ss:$0x1] =	vst.idx.msk $0xffff, v4;
	s2 =	simm.s32 @!p2 $0x0;
	s0 =	sadd.s32 @!p2 s4, s0  }
0x5b7: {  	[hbm4b:s0+s2] =	stream.linear.scatter @!p2 [tilespmem:s3], [sflag:$0x3], $0xA000, $0x38;
	[tilespmem:$0x15280] =	vst v63  }
0x5b8: {  	p2 =	sgt.u32 s30, $0x13D  }
0x5b9: {  	s0 =	sshll.u32 @p0 s1, $0x4;
	p3 =	sne.s32 @!p2 s7, $0x0  }
0x5ba: {  	s1 =	sadd.s32 $0x2, s30;
	s2 =	simm.s32 @p0 $0x0;
	p3 =	por p3, p2  }
0x5bb: {  	s3 =	simm.s32 @p0 $0xB280;
	s0 =	sadd.s32 @p0 s4, s0;
	s4 =	smul.u32 @!p3 $0x140, s1  }
0x5bc: {  	[hbm4b:s0+s2] =	stream.linear.scatter @p0 [tilespmem:s3], [sflag:$0x4], $0xA000, $0x38;
	[tilespmem:$0x15280] =	vst v63  }
0x5bd: {  	p0 =	por p2, p1;
	s0 =	sadd.s32 @!p3 s5, s4  }
0x5be: {  	s2 =	simm.s32 @!p3 $0x0;
	s4 =	rddreg [dreg:$0x1];
	s0 =	sshrl.u32 @!p3 s0, $0x3  }
0x5bf: {  	s3 =	simm.s32 @!p3 $0x1000;
	s1 =	smul.u32 @!p0 $0x140, s1;
	s0 =	sadd.s32 @!p3 s4, s0  }
0x5c0: {  	[tilespmem:s3], [sflag:$0x1] =	stream.linear.gather @!p3 [hbm4b:s0+s2], $0x140, $0x38;
	[tilespmem:$0x15280] =	vst v63  }
0x5c1: {  	s0 =	sadd.s32 @!p0 s5, s1  }
0x5c2: {  	s6 =	sadd.s32 $0x1, s30;
	s0 =	sshrl.u32 @!p0 s0, $0x3  }
0x5c3: {  	s1 =	simm.s32 @!p0 $0x0;
	s2 =	simm.s32 @!p0 $0x1140;
	s0 =	sadd.s32 @!p0 s4, s0  }
0x5c4: {  	[tilespmem:s2], [sflag:$0x2] =	stream.linear.gather @!p0 [hbm4b:s0+s1], $0x140, $0x38;
	[tilespmem:$0x15280] =	vst v63  }
0x5c5: {  	p0 =	sne.s32 s6, $0x140  }
.Ltmp1:
0x5c6: {  	_ = 	snop;
	(pc) =	sbr.rel @p0 .LBB2_2-.Ltmp1, $1  }
0x5c7: {  	_ =	sdelay $0x3  }
0x5c8: {  	s0 =	simm.s32 $0x3  }
0x5c9: {  	_ =	swait.ge [sflag:s0], $0xA000  }
0x5ca: {  	[sflag:s0] =	ssyncset.done $0x0  }
0x5cb: {  	s1 =	simm.s32 $0x4;
	[sflag:s0] =	ssyncadd.s32 $0xFFFF6000  }
0x5cc: {  	_ =	swait.ge [sflag:s1], $0xA000  }
0x5cd: {  	s2 =	rddreg [dreg:$0x16]  }
0x5ce: {  	s31 =	rddreg [dreg:$0x15];
	s2 =	sadd.s32 $0x1, s2  }
0x5cf: {  	p0 =	sne.s32 s2, s31  }
.Ltmp2:
0x5d0: {  	_ = 	snop;
	(pc) =	sbr.rel @p0 .LBB2_1-.Ltmp2, $3  }
0x5d1: {  	_ =	sdelay $0x1  }
0x5d2: {  	[sflag:s1] =	ssyncset.done $0x0  }
0x5d3: {  	[sflag:s1] =	ssyncadd.s32 $0xFFFF6000  }
0x5d4: {  	_ =	sfence.sel $0x180000  }
0x5d5: {  	[bflag:$0x0] =	sbarrier.arrive $0xFFFF  }
0x5d6: {  	_ =	strace $0x90000047  }
0x5d7: {  	s0 =	stileid.u32;
	[bflag:$0x2] =	sbarrier.arrive $0xFFFF  }
0x5d8: {  	p0 =	sne.s32 s0, $0x0;
	s0 =	rddreg [dreg:$0x3]  }
0x5d9: {  	s0 =	sadd.s32 @!p0 $0x100000, s0  }
0x5da: {  	[sflag:s0] =	ssyncadd.tile.s32 @!p0 $0x1;
	_ =	shalt  }
.Lfunc_end2:
_tile_overlayer_lowered:
.L_overlay_start_2:
0x5db: {  	(tag) =	ssettag $0x2  }
0x5dc: {  	s0 =	rddreg [dreg:$0x0];
	s2 =	stileid.u32  }
0x5dd: {  	s1 =	rddreg [dreg:$0x1];
	p0 =	sne.s32 s2, $0x0  }
0x5de: {  	s3 =	rddreg [dreg:$0x2];
	[bflag:$0x3] =	sbarrier.arrive $0xFFFF;
	s2 =	simm.s32 @!p0 $0x1C05  }
0x5df: {  	[timem:s3], [sflag:s2] =	dma.local @!p0 [hbm:s0], s1  }
0x5e0: {  	s0 =	simm.s32 @!p0 $0x5  }
0x5e1: {  	_ =	swait.ge @!p0 [sflag:s0], s1  }
0x5e2: {  	s1 =	ssub.s32 @!p0 $0x0, s1;
	[sflag:s0] =	ssyncset.done @!p0 $0x0  }
0x5e3: {  	[sflag:s0] =	ssyncadd.s32 @!p0 s1  }
0x5e4: {  	[bflag:$0x3] =	sbarrier.arrive $0xFFFF  }
0x5e5: {  	_ =	shalt  }

</sc_bundles>
